<compile_context>
chip_gen: v7x
topology: tpu7x:2x2x1
jax: 0.10.2.dev20260603
libtpu: 0.0.44.dev20260713+nightly
codegen_flags: <defaults>
</compile_context>

<pallas_src>
import functools

import jax
import jax.numpy as jnp
from jax import lax
from jax.experimental import pallas as pl
from jax.experimental.pallas import tpu as pltpu
from jax.experimental.pallas import tpu_sc as plsc

N = 10000
NPAD = 10240
E = 320000
NG = 64

_NC = 2
_NS = 16
_NW = _NC * _NS
_ECH = 128
_EROWS = 2560
_EPAD = _ECH * _EROWS
_RPW = _EROWS // _NW
_RPS = NPAD // _NS

_mesh = plsc.VectorSubcoreMesh(core_axis_name="c", subcore_axis_name="s")
_sc_params = pltpu.CompilerParams(use_tc_tiling_on_sc=False)

_NB = 8
_EC2 = 2 * _ECH
_NPP = _EROWS // 2 // _NS


def _zero_fill(buf, rows, width):
    zero16 = jnp.zeros((16,), jnp.float32)

    def _z(r, _):
        for j in range(width // 16):
            buf[r, pl.ds(j * 16, 16)] = zero16
        return 0

    lax.fori_loop(0, rows, _z, 0)


def _edge_pipeline(hs_hbm, srcv, dstv, bufs, gsems, ssems, acc_sh, nrows):
    for j in range(_NB):
        pltpu.async_copy(hs_hbm.at[srcv.at[j]], bufs[j], gsems[j])

    def _grp(i, _):
        k0 = _NB * i
        for j in range(_NB):
            pltpu.make_async_copy(hs_hbm.at[srcv.at[k0 + j]], bufs[j],
                                  gsems[j]).wait()
            pltpu.async_copy(bufs[j], acc_sh.at[dstv.at[k0 + j]], ssems[j],
                             add=True)
        for j in range(_NB):
            nxt = k0 + _NB + j
            pltpu.make_async_copy(bufs[j], acc_sh.at[dstv.at[k0 + j]],
                                  ssems[j]).wait()

            @pl.when(nxt < nrows)
            def _():
                pltpu.async_copy(hs_hbm.at[srcv.at[nxt]], bufs[j], gsems[j])

        return 0

    lax.fori_loop(0, nrows // _NB, _grp, 0)



@functools.partial(
    pl.kernel,
    out_type=jax.ShapeDtypeStruct((_NC, NPAD), jnp.float32),
    mesh=_mesh,
    scratch_types=[
        pltpu.VMEM((_RPW, _ECH), jnp.int32),
        pltpu.VMEM((_ECH,), jnp.float32),
        pltpu.VMEM((_RPS,), jnp.float32),
        pltpu.VMEM_SHARED((NPAD,), jnp.float32),
        pltpu.SemaphoreType.DMA,
    ],
    compiler_params=_sc_params,
)
def _sc_degree(dstm_hbm, out_hbm, dstv, ones_v, zrow_v, acc_sh, sem):
    c = lax.axis_index("c")
    s = lax.axis_index("s")
    w = s * _NC + c
    one16 = jnp.ones((16,), jnp.float32)
    zero16 = jnp.zeros((16,), jnp.float32)
    for i in range(_ECH // 16):
        ones_v[pl.ds(i * 16, 16)] = one16

    def _z(i, _):
        zrow_v[pl.ds(i * 16, 16)] = zero16
        return 0

    lax.fori_loop(0, _RPS // 16, _z, 0)
    pltpu.sync_copy(zrow_v, acc_sh.at[pl.ds(s * _RPS, _RPS)])
    pltpu.sync_copy(dstm_hbm.at[pl.ds(w * _RPW, _RPW)], dstv)
    plsc.subcore_barrier()

    def _body(i, _):
        for j in range(8):
            pltpu.async_copy(ones_v, acc_sh.at[dstv.at[8 * i + j]],
                             sem, add=True)
        for j in range(8):
            pltpu.make_async_copy(ones_v, acc_sh.at[dstv.at[8 * i + j]],
                                  sem).wait()
        return 0

    lax.fori_loop(0, _RPW // 8, _body, 0)
    plsc.subcore_barrier()
    pltpu.sync_copy(acc_sh.at[pl.ds(s * _RPS, _RPS)],
                    out_hbm.at[c, pl.ds(s * _RPS, _RPS)])


_RPC = _EROWS // _NS


def _make_spmm(FH):
    @functools.partial(
        pl.kernel,
        out_type=jax.ShapeDtypeStruct((_NC, NPAD, FH), jnp.float32),
        mesh=_mesh,
        scratch_types=[
            pltpu.VMEM((_RPC, _ECH), jnp.int32),
            pltpu.VMEM((_RPC, _ECH), jnp.int32),
            [pltpu.VMEM((_ECH, FH), jnp.float32)] * _NB,
            pltpu.VMEM_SHARED((NPAD, FH), jnp.float32),
            [pltpu.SemaphoreType.DMA] * _NB,
            [pltpu.SemaphoreType.DMA] * _NB,
        ],
        compiler_params=_sc_params,
    )
    def _spmm(srcm_hbm, dstm_hbm, hsa_hbm, hsb_hbm, out_hbm, srcv, dstv,
              bufs, acc_sh, gsems, ssems):
        c = lax.axis_index("c")
        s = lax.axis_index("s")
        _zero_fill(bufs[0], _ECH, FH)
        for t in range(_RPS // _ECH):
            pltpu.sync_copy(bufs[0], acc_sh.at[pl.ds(s * _RPS + t * _ECH, _ECH)])
        pltpu.sync_copy(srcm_hbm.at[pl.ds(s * _RPC, _RPC)], srcv)
        pltpu.sync_copy(dstm_hbm.at[pl.ds(s * _RPC, _RPC)], dstv)
        plsc.subcore_barrier()

        @pl.when(c == 0)
        def _():
            _edge_pipeline(hsa_hbm, srcv, dstv, bufs, gsems, ssems, acc_sh, _RPC)

        @pl.when(c == 1)
        def _():
            _edge_pipeline(hsb_hbm, srcv, dstv, bufs, gsems, ssems, acc_sh, _RPC)

        plsc.subcore_barrier()
        pltpu.sync_copy(acc_sh.at[pl.ds(s * _RPS, _RPS)],
                        out_hbm.at[c, pl.ds(s * _RPS, _RPS)])

    return _spmm


_spmm16 = _make_spmm(16)
_spmm32 = _make_spmm(32)



def _tc_xw(xp, w1):
    def body(x_ref, w1_ref, out_ref):
        out_ref[...] = jnp.dot(x_ref[...], w1_ref[...],
                               preferred_element_type=jnp.float32)

    return pl.pallas_call(
        body,
        out_shape=jax.ShapeDtypeStruct((NPAD, w1.shape[1]), jnp.float32),
    )(xp, w1)


def _tc_scale(hpre, degp):
    def body(hpre_ref, degp_ref, dinv_ref, hs_ref):
        deg = degp_ref[0] + degp_ref[1] + 1.0
        dinv = lax.rsqrt(deg)
        dinv_ref[...] = dinv
        hs_ref[...] = dinv * hpre_ref[...]

    return pl.pallas_call(
        body,
        out_shape=(
            jax.ShapeDtypeStruct((NPAD, 1), jnp.float32),
            jax.ShapeDtypeStruct((NPAD, hpre.shape[1]), jnp.float32),
        ),
    )(hpre, degp)


def _tc_elem(accp, hs, dinv, b2d):
    def body(accp_ref, hs_ref, dinv_ref, b_ref, out_ref):
        acc = jnp.concatenate([accp_ref[0], accp_ref[1]], axis=1)
        h = jnp.maximum(dinv_ref[...] * (acc + hs_ref[...]) + b_ref[...], 0.0)
        out_ref[...] = dinv_ref[...] * h

    return pl.pallas_call(
        body,
        out_shape=jax.ShapeDtypeStruct((NPAD, hs.shape[1]), jnp.float32),
    )(accp, hs, dinv, b2d)


def _tc_matmul(accp, p, dinv, b2d, w):
    def body(accp_ref, p_ref, dinv_ref, b_ref, w_ref, out_ref):
        acc = jnp.concatenate([accp_ref[0], accp_ref[1]], axis=1)
        t = dinv_ref[...] * (acc + p_ref[...])
        h = jnp.maximum(jnp.dot(t, w_ref[...],
                                preferred_element_type=jnp.float32) + b_ref[...],
                        0.0)
        out_ref[...] = dinv_ref[...] * h

    return pl.pallas_call(
        body,
        out_shape=jax.ShapeDtypeStruct((NPAD, w.shape[1]), jnp.float32),
    )(accp, p, dinv, b2d, w)


_RB = 1024
_GRID = NPAD // _RB


def _tc_head(accp, p3, dinv, w3, b3_2d, batch2d, wl1, bl1, wl2, bl2, wl3, bl3):
    def body(accp_ref, p_ref, dinv_ref, w3_ref, b3_ref, batch_ref, wl1_ref,
             bl1_ref, wl2_ref, bl2_ref, wl3_ref, bl3_ref, out_ref, sums, cnts):
        i = pl.program_id(0)
        acc = jnp.concatenate([accp_ref[0], accp_ref[1]], axis=1)
        t3 = dinv_ref[...] * (acc + p_ref[...])
        h3 = jnp.dot(t3, w3_ref[...],
                     preferred_element_type=jnp.float32) + b3_ref[...]
        z = jnp.maximum(
            jnp.dot(h3.astype(jnp.bfloat16), wl1_ref[...].astype(jnp.bfloat16),
                    preferred_element_type=jnp.float32) + bl1_ref[...], 0.0)
        z = jnp.maximum(
            jnp.dot(z.astype(jnp.bfloat16), wl2_ref[...].astype(jnp.bfloat16),
                    preferred_element_type=jnp.float32) + bl2_ref[...], 0.0)
        gids = lax.broadcasted_iota(jnp.int32, (NG, _RB), 0)
        onehot = (gids == jnp.broadcast_to(batch_ref[...], (NG, _RB))).astype(jnp.float32)
        psum = jnp.dot(onehot, z, preferred_element_type=jnp.float32)
        pcnt = jnp.sum(onehot, axis=1, keepdims=True)

        @pl.when(i == 0)
        def _():
            sums[...] = jnp.zeros_like(sums)
            cnts[...] = jnp.zeros_like(cnts)

        sums[...] += psum
        cnts[...] += pcnt

        @pl.when(i == _GRID - 1)
        def _():
            mean = sums[...] / jnp.maximum(cnts[...], 1.0)
            out_ref[...] = jnp.dot(mean, wl3_ref[...],
                                   preferred_element_type=jnp.float32) + bl3_ref[...]

    h2 = wl2.shape[0]
    h3w = wl2.shape[1]
    return pl.pallas_call(
        body,
        grid=(_GRID,),
        in_specs=[
            pl.BlockSpec((2, _RB, 32), lambda i: (0, i, 0)),
            pl.BlockSpec((_RB, 64), lambda i: (i, 0)),
            pl.BlockSpec((_RB, 1), lambda i: (i, 0)),
            pl.BlockSpec((64, 128), lambda i: (0, 0)),
            pl.BlockSpec((1, 128), lambda i: (0, 0)),
            pl.BlockSpec((1, _RB), lambda i: (0, i)),
            pl.BlockSpec((128, h2), lambda i: (0, 0)),
            pl.BlockSpec((1, h2), lambda i: (0, 0)),
            pl.BlockSpec((h2, h3w), lambda i: (0, 0)),
            pl.BlockSpec((1, h3w), lambda i: (0, 0)),
            pl.BlockSpec((h3w, 4), lambda i: (0, 0)),
            pl.BlockSpec((1, 4), lambda i: (0, 0)),
        ],
        out_specs=pl.BlockSpec((NG, 4), lambda i: (0, 0)),
        out_shape=jax.ShapeDtypeStruct((NG, 4), jnp.float32),
        scratch_shapes=[
            pltpu.VMEM((NG, h3w), jnp.float32),
            pltpu.VMEM((NG, 1), jnp.float32),
        ],
    )(accp, p3, dinv, w3, b3_2d, batch2d, wl1, bl1, wl2, bl2, wl3, bl3)



def kernel(x, edge_index, batch, W1, b1, W2, b2, W3, b3,
           Wl1, bl1, Wl2, bl2, Wl3, bl3):
    epad = jnp.full((2, _EPAD - E), NPAD - 1, jnp.int32)
    em = jnp.concatenate([edge_index.astype(jnp.int32), epad], axis=1)
    srcm = em[0].reshape(_EROWS, _ECH)
    dstm = em[1].reshape(_EROWS, _ECH)
    xp = jnp.pad(x, ((0, NPAD - N), (0, 0)))
    batch2d = jnp.pad(batch.astype(jnp.int32), (0, NPAD - N),
                      constant_values=NG).reshape(1, NPAD)

    hpre1 = _tc_xw(xp, W1)
    degp = _sc_degree(dstm).reshape(_NC, NPAD, 1)
    dinv, hs1 = _tc_scale(hpre1, degp)
    acc1 = _spmm16(srcm, dstm, hs1[:, :16], hs1[:, 16:])
    p2 = _tc_elem(acc1, hs1, dinv, b1.reshape(1, -1))
    acc2 = _spmm16(srcm, dstm, p2[:, :16], p2[:, 16:])
    p3 = _tc_matmul(acc2, p2, dinv, b2.reshape(1, -1), W2)
    acc3 = _spmm32(srcm, dstm, p3[:, :32], p3[:, 32:])
    return _tc_head(acc3, p3, dinv, W3, b3.reshape(1, -1), batch2d,
                    Wl1, bl1.reshape(1, -1), Wl2, bl2.reshape(1, -1),
                    Wl3, bl3.reshape(1, -1))

# --- scband reference (transcript-rebuilt; emitter-appended) ---
"""Pipeline reference for scband-gcn-56478819943012 (READ-ONLY COPY).

The authoritative reference and input builder live on the scoring server;
editing this copy changes nothing except your own understanding.
"""

import jax, jax.numpy as jnp
import numpy as np

N_NODES = 10000
N_EDGES = 320000
D_FEAT = 128
HID = 32
NUM_GRAPHS = 64


def glorot(key, shape):
    fan_in, fan_out = shape[0], shape[1]
    lim = np.sqrt(6.0 / (fan_in + fan_out))
    return jax.random.uniform(key, shape, jnp.float32, -lim, lim)


def setup_inputs(seed: int = 0) -> dict:
    key = jax.random.key(seed)
    ks = jax.random.split(key, 16)
    x = jax.random.normal(ks[0], (N_NODES, D_FEAT), jnp.float32)
    edge_index = jax.random.randint(ks[1], (2, N_EDGES), 0, N_NODES, jnp.int64)
    batch = jnp.sort(jax.random.randint(ks[2], (N_NODES,), 0, NUM_GRAPHS, jnp.int64))
    inp = {
        'x': x,
        'edge_index': edge_index,
        'batch': batch,
        'W1': glorot(ks[3], (D_FEAT, HID)),
        'b1': jnp.zeros((HID,), jnp.float32),
        'W2': glorot(ks[4], (HID, HID * 2)),
        'b2': jnp.zeros((HID * 2,), jnp.float32),
        'W3': glorot(ks[5], (HID * 2, HID * 4)),
        'b3': jnp.zeros((HID * 4,), jnp.float32),
        'Wl1': glorot(ks[6], (HID * 4, 1024)),
        'bl1': jnp.zeros((1024,), jnp.float32),
        'Wl2': glorot(ks[7], (1024, 512)),
        'bl2': jnp.zeros((512,), jnp.float32),
        'Wl3': glorot(ks[8], (512, 4)),
        'bl3': jnp.zeros((4,), jnp.float32),
    }
    return inp


def gcn_conv(x, edge_index, W, b):
    # PyG GCNConv: add self-loops, symmetric normalization D^-1/2 A_hat D^-1/2 X W + b
    n = x.shape[0]
    loop = jnp.arange(n, dtype=edge_index.dtype)
    src = jnp.concatenate([edge_index[0], loop])
    dst = jnp.concatenate([edge_index[1], loop])
    h = x @ W
    deg = jnp.zeros((n,), jnp.float32).at[dst].add(1.0)
    deg_inv_sqrt = jnp.where(deg > 0, jax.lax.rsqrt(jnp.maximum(deg, 1e-12)), 0.0)
    norm = deg_inv_sqrt[src] * deg_inv_sqrt[dst]
    msg = h[src] * norm[:, None]
    out = jnp.zeros((n, h.shape[1]), jnp.float32).at[dst].add(msg)
    return out + b


def global_mean_pool(x, batch, num_graphs):
    sums = jax.ops.segment_sum(x, batch, num_segments=num_graphs)
    cnts = jax.ops.segment_sum(jnp.ones((x.shape[0],), jnp.float32), batch, num_segments=num_graphs)
    return sums / jnp.maximum(cnts, 1.0)[:, None]


def reference(x, edge_index, batch, W1, b1, W2, b2, W3, b3, Wl1, bl1, Wl2, bl2, Wl3, bl3):
    h = gcn_conv(x, edge_index, W1, b1)
    h = jax.nn.relu(h)
    h = gcn_conv(h, edge_index, W2, b2)
    h = jax.nn.relu(h)
    h = gcn_conv(h, edge_index, W3, b3)
    # dropout is identity in eval mode
    h = h @ Wl1 + bl1
    h = jax.nn.relu(h)
    h = h @ Wl2 + bl2
    h = jax.nn.relu(h)
    h = h @ Wl3 + bl3
    return global_mean_pool(h, batch, NUM_GRAPHS)

if __name__ == "__main__":
    import jax
    _d = setup_inputs()
    print(jax.jit(kernel)(*tuple(_d.values())))

</pallas_src>

<mosaic_0001>
#map = affine_map<(d0, d1) -> (0, 0)>
module attributes {stable_mosaic.version = 14 : i64} {
  func.func @_sc_degree(%arg0: i32, %arg1: i32, %arg2: memref<2560x128xi32, #tpu.memory_space<hbm>>, %arg3: memref<2x10240xf32, #tpu.memory_space<hbm>>, %arg4: memref<80x128xi32, #tpu.memory_space<vmem>>, %arg5: memref<128xf32, #tpu.memory_space<vmem>>, %arg6: memref<640xf32, #tpu.memory_space<vmem>>, %arg7: memref<10240xf32, #tpu.memory_space<vmem_shared>>, %arg8: memref<!tpu.dma_semaphore, #tpu.memory_space<semaphore_mem>>) attributes {dimension_semantics = [#tpu.dimension_semantics<core_parallel>, #tpu.dimension_semantics<subcore_parallel>], iteration_bounds = array<i64: 2, 16>, scalar_prefetch = 0 : i64, scratch_operands = 5 : i64, tpu.core_type = #tpu.core_type<sc_vector_subcore>, window_params = [{transform_indices = #map}, {transform_indices = #map}]} {
    %mul3A = arith.constant 2 : i32
    %mul3A_0 = arith.muli %arg1, %mul3A : i32
    %add3A = arith.addi %mul3A_0, %arg0 : i32
    %broadcast_in_dim3A = arith.constant 1.000000e+00 : f32
    %broadcast_in_dim3A_1 = vector.broadcast %broadcast_in_dim3A : f32 to vector<16xf32>
    %broadcast_in_dim3A_2 = arith.constant 0.000000e+00 : f32
    %broadcast_in_dim3A_3 = vector.broadcast %broadcast_in_dim3A_2 : f32 to vector<16xf32>
    %swap3A = arith.constant 0 : index
    %swap3A_4 = tpu.vector_load %arg5[%swap3A] {strides = array<i32>} : memref<128xf32, #tpu.memory_space<vmem>>, vector<16xf32>,
    %swap3A_5 = vector.shape_cast %swap3A_4 : vector<16xf32> to vector<16xf32>
    %swap3A_6 = vector.shape_cast %broadcast_in_dim3A_1 : vector<16xf32> to vector<16xf32>
    tpu.vector_store %arg5[%swap3A], %swap3A_6 {strides = array<i32>} : memref<128xf32, #tpu.memory_space<vmem>>, vector<16xf32>,
    %swap3A_7 = arith.constant 16 : index
    %swap3A_8 = tpu.vector_load %arg5[%swap3A_7] {strides = array<i32>} : memref<128xf32, #tpu.memory_space<vmem>>, vector<16xf32>,
    %swap3A_9 = vector.shape_cast %swap3A_8 : vector<16xf32> to vector<16xf32>
    %swap3A_10 = vector.shape_cast %broadcast_in_dim3A_1 : vector<16xf32> to vector<16xf32>
    tpu.vector_store %arg5[%swap3A_7], %swap3A_10 {strides = array<i32>} : memref<128xf32, #tpu.memory_space<vmem>>, vector<16xf32>,
    %swap3A_11 = arith.constant 32 : index
    %swap3A_12 = tpu.vector_load %arg5[%swap3A_11] {strides = array<i32>} : memref<128xf32, #tpu.memory_space<vmem>>, vector<16xf32>,
    %swap3A_13 = vector.shape_cast %swap3A_12 : vector<16xf32> to vector<16xf32>
    %swap3A_14 = vector.shape_cast %broadcast_in_dim3A_1 : vector<16xf32> to vector<16xf32>
    tpu.vector_store %arg5[%swap3A_11], %swap3A_14 {strides = array<i32>} : memref<128xf32, #tpu.memory_space<vmem>>, vector<16xf32>,
    %swap3A_15 = arith.constant 48 : index
    %swap3A_16 = tpu.vector_load %arg5[%swap3A_15] {strides = array<i32>} : memref<128xf32, #tpu.memory_space<vmem>>, vector<16xf32>,
    %swap3A_17 = vector.shape_cast %swap3A_16 : vector<16xf32> to vector<16xf32>
    %swap3A_18 = vector.shape_cast %broadcast_in_dim3A_1 : vector<16xf32> to vector<16xf32>
    tpu.vector_store %arg5[%swap3A_15], %swap3A_18 {strides = array<i32>} : memref<128xf32, #tpu.memory_space<vmem>>, vector<16xf32>,
    %swap3A_19 = arith.constant 64 : index
    %swap3A_20 = tpu.vector_load %arg5[%swap3A_19] {strides = array<i32>} : memref<128xf32, #tpu.memory_space<vmem>>, vector<16xf32>,
    %swap3A_21 = vector.shape_cast %swap3A_20 : vector<16xf32> to vector<16xf32>
    %swap3A_22 = vector.shape_cast %broadcast_in_dim3A_1 : vector<16xf32> to vector<16xf32>
    tpu.vector_store %arg5[%swap3A_19], %swap3A_22 {strides = array<i32>} : memref<128xf32, #tpu.memory_space<vmem>>, vector<16xf32>,
    %swap3A_23 = arith.constant 80 : index
    %swap3A_24 = tpu.vector_load %arg5[%swap3A_23] {strides = array<i32>} : memref<128xf32, #tpu.memory_space<vmem>>, vector<16xf32>,
    %swap3A_25 = vector.shape_cast %swap3A_24 : vector<16xf32> to vector<16xf32>
    %swap3A_26 = vector.shape_cast %broadcast_in_dim3A_1 : vector<16xf32> to vector<16xf32>
    tpu.vector_store %arg5[%swap3A_23], %swap3A_26 {strides = array<i32>} : memref<128xf32, #tpu.memory_space<vmem>>, vector<16xf32>,
    %swap3A_27 = arith.constant 96 : index
    %swap3A_28 = tpu.vector_load %arg5[%swap3A_27] {strides = array<i32>} : memref<128xf32, #tpu.memory_space<vmem>>, vector<16xf32>,
    %swap3A_29 = vector.shape_cast %swap3A_28 : vector<16xf32> to vector<16xf32>
    %swap3A_30 = vector.shape_cast %broadcast_in_dim3A_1 : vector<16xf32> to vector<16xf32>
    tpu.vector_store %arg5[%swap3A_27], %swap3A_30 {strides = array<i32>} : memref<128xf32, #tpu.memory_space<vmem>>, vector<16xf32>,
    %swap3A_31 = arith.constant 112 : index
    %swap3A_32 = tpu.vector_load %arg5[%swap3A_31] {strides = array<i32>} : memref<128xf32, #tpu.memory_space<vmem>>, vector<16xf32>,
    %swap3A_33 = vector.shape_cast %swap3A_32 : vector<16xf32> to vector<16xf32>
    %swap3A_34 = vector.shape_cast %broadcast_in_dim3A_1 : vector<16xf32> to vector<16xf32>
    tpu.vector_store %arg5[%swap3A_31], %swap3A_34 {strides = array<i32>} : memref<128xf32, #tpu.memory_space<vmem>>, vector<16xf32>,
    %scan3A = arith.constant 0 : i32
    %scan3A_35 = arith.constant 0 : i32
    %scan3A_36 = arith.constant 40 : i32
    %scan3A_37 = arith.addi %scan3A_35, %scan3A_36 : i32
    %scan3A_38 = arith.constant 1 : i32
    %scan3A_39 = scf.for %scan3A_57 = %scan3A_35 to %scan3A_37 step %scan3A_38 iter_args(%scan3A_58 = %scan3A) -> (i32)  : i32 {
      %mul3A_59 = arith.constant 16 : i32
      %mul3A_60 = arith.muli %scan3A_57, %mul3A_59 : i32
      %swap3A_61 = arith.index_cast %mul3A_60 : i32 to index
      %swap3A_62 = tpu.vector_load %arg6[%swap3A_61] {strides = array<i32>} : memref<640xf32, #tpu.memory_space<vmem>>, vector<16xf32>,
      %swap3A_63 = vector.shape_cast %swap3A_62 : vector<16xf32> to vector<16xf32>
      %swap3A_64 = vector.shape_cast %broadcast_in_dim3A_3 : vector<16xf32> to vector<16xf32>
      tpu.vector_store %arg6[%swap3A_61], %swap3A_64 {strides = array<i32>} : memref<640xf32, #tpu.memory_space<vmem>>, vector<16xf32>,
      %scan3A_65 = arith.constant 0 : i32
      scf.yield %scan3A_65 : i32
    }
    %scan3A_40 = arith.constant 40 : i32
    %mul3A_41 = arith.constant 640 : i32
    %mul3A_42 = arith.muli %arg1, %mul3A_41 : i32
    "tpu.region"() ({
      %run_scoped3A = tpu.sem_alloc : memref<!tpu.dma_semaphore, #tpu.memory_space<semaphore_mem>>
      %dma_start3A = tpu.memref_slice %arg7[%mul3A_42] : memref<10240xf32, #tpu.memory_space<vmem_shared>> -> memref<640xf32, #tpu.memory_space<vmem_shared>>
      %dma_start3A_57 = tpu.memref_slice %arg7[%mul3A_42] : memref<10240xf32, #tpu.memory_space<vmem_shared>> -> memref<640xf32, #tpu.memory_space<vmem_shared>>
      tpu.enqueue_dma source(%arg6 : memref<640xf32, #tpu.memory_space<vmem>>) target(%dma_start3A_57 : memref<640xf32, #tpu.memory_space<vmem_shared>>) target_semaphore(%run_scoped3A : memref<!tpu.dma_semaphore, #tpu.memory_space<semaphore_mem>>)
      %dma_wait3A = tpu.memref_slice %arg7[%mul3A_42] : memref<10240xf32, #tpu.memory_space<vmem_shared>> -> memref<640xf32, #tpu.memory_space<vmem_shared>>
      %dma_wait3A_58 = tpu.memref_slice %arg7[%mul3A_42] : memref<10240xf32, #tpu.memory_space<vmem_shared>> -> memref<640xf32, #tpu.memory_space<vmem_shared>>
      tpu.wait_dma2 semaphore(%run_scoped3A : memref<!tpu.dma_semaphore, #tpu.memory_space<semaphore_mem>>) src(%arg6 : memref<640xf32, #tpu.memory_space<vmem>>) dst(%dma_wait3A_58 : memref<640xf32, #tpu.memory_space<vmem_shared>>)
      tpu.yield
    }) : () -> ()
    %mul3A_43 = arith.constant 80 : i32
    %mul3A_44 = arith.muli %add3A, %mul3A_43 : i32
    "tpu.region"() ({
      %run_scoped3A = tpu.sem_alloc : memref<!tpu.dma_semaphore, #tpu.memory_space<semaphore_mem>>
      %dma_start3A = arith.constant 0 : i32
      %dma_start3A_57 = tpu.memref_slice %arg2[%mul3A_44, %dma_start3A] : memref<2560x128xi32, #tpu.memory_space<hbm>> -> memref<80x128xi32, #tpu.memory_space<hbm>>
      %dma_start3A_58 = arith.constant 0 : i32
      %dma_start3A_59 = tpu.memref_slice %arg2[%mul3A_44, %dma_start3A_58] : memref<2560x128xi32, #tpu.memory_space<hbm>> -> memref<80x128xi32, #tpu.memory_space<hbm>>
      tpu.enqueue_dma source(%dma_start3A_59 : memref<80x128xi32, #tpu.memory_space<hbm>>) target(%arg4 : memref<80x128xi32, #tpu.memory_space<vmem>>) target_semaphore(%run_scoped3A : memref<!tpu.dma_semaphore, #tpu.memory_space<semaphore_mem>>)
      %dma_wait3A = arith.constant 0 : i32
      %dma_wait3A_60 = tpu.memref_slice %arg2[%mul3A_44, %dma_wait3A] : memref<2560x128xi32, #tpu.memory_space<hbm>> -> memref<80x128xi32, #tpu.memory_space<hbm>>
      %dma_wait3A_61 = arith.constant 0 : i32
      %dma_wait3A_62 = tpu.memref_slice %arg2[%mul3A_44, %dma_wait3A_61] : memref<2560x128xi32, #tpu.memory_space<hbm>> -> memref<80x128xi32, #tpu.memory_space<hbm>>
      tpu.wait_dma2 semaphore(%run_scoped3A : memref<!tpu.dma_semaphore, #tpu.memory_space<semaphore_mem>>) src(%dma_wait3A_62 : memref<80x128xi32, #tpu.memory_space<hbm>>) dst(%arg4 : memref<80x128xi32, #tpu.memory_space<vmem>>)
      tpu.yield
    }) : () -> ()
    %barrier3A = arith.constant 0 : index
    tpu.barrier barrier_id(%barrier3A)
    %scan3A_45 = arith.constant 0 : i32
    %scan3A_46 = arith.constant 0 : i32
    %scan3A_47 = arith.constant 10 : i32
    %scan3A_48 = arith.addi %scan3A_46, %scan3A_47 : i32
    %scan3A_49 = arith.constant 1 : i32
    %scan3A_50 = scf.for %scan3A_57 = %scan3A_46 to %scan3A_48 step %scan3A_49 iter_args(%scan3A_58 = %scan3A_45) -> (i32)  : i32 {
      %mul3A_59 = arith.constant 8 : i32
      %mul3A_60 = arith.muli %mul3A_59, %scan3A_57 : i32
      %add3A_61 = arith.constant 0 : i32
      %add3A_62 = arith.addi %mul3A_60, %add3A_61 : i32
      %dma_start3A = arith.constant 0 : i32
      %dma_start3A_63 = tpu.memref_slice %arg4[%add3A_62, %dma_start3A] : memref<80x128xi32, #tpu.memory_space<vmem>> -> memref<1x128xi32, #tpu.memory_space<vmem>>
      %dma_start3A_64 = tpu.memref_squeeze %dma_start3A_63 : memref<1x128xi32, #tpu.memory_space<vmem>> -> memref<128xi32, #tpu.memory_space<vmem>>
      %dma_start3A_65 = arith.constant 0 : i32
      %dma_start3A_66 = tpu.memref_slice %arg7[%dma_start3A_65] : memref<10240xf32, #tpu.memory_space<vmem_shared>> -> memref<10240xf32, #tpu.memory_space<vmem_shared>>
      tpu.enqueue_indirect_dma source(%arg5 : memref<128xf32, #tpu.memory_space<vmem>>) target(%dma_start3A_66 : memref<10240xf32, #tpu.memory_space<vmem_shared>>) offsets(%dma_start3A_64 : memref<128xi32, #tpu.memory_space<vmem>>) semaphore(%arg8 : memref<!tpu.dma_semaphore, #tpu.memory_space<semaphore_mem>>) {add = true}
      %mul3A_67 = arith.constant 8 : i32
      %mul3A_68 = arith.muli %mul3A_67, %scan3A_57 : i32
      %add3A_69 = arith.constant 1 : i32
      %add3A_70 = arith.addi %mul3A_68, %add3A_69 : i32
      %dma_start3A_71 = arith.constant 0 : i32
      %dma_start3A_72 = tpu.memref_slice %arg4[%add3A_70, %dma_start3A_71] : memref<80x128xi32, #tpu.memory_space<vmem>> -> memref<1x128xi32, #tpu.memory_space<vmem>>
      %dma_start3A_73 = tpu.memref_squeeze %dma_start3A_72 : memref<1x128xi32, #tpu.memory_space<vmem>> -> memref<128xi32, #tpu.memory_space<vmem>>
      %dma_start3A_74 = arith.constant 0 : i32
      %dma_start3A_75 = tpu.memref_slice %arg7[%dma_start3A_74] : memref<10240xf32, #tpu.memory_space<vmem_shared>> -> memref<10240xf32, #tpu.memory_space<vmem_shared>>
      tpu.enqueue_indirect_dma source(%arg5 : memref<128xf32, #tpu.memory_space<vmem>>) target(%dma_start3A_75 : memref<10240xf32, #tpu.memory_space<vmem_shared>>) offsets(%dma_start3A_73 : memref<128xi32, #tpu.memory_space<vmem>>) semaphore(%arg8 : memref<!tpu.dma_semaphore, #tpu.memory_space<semaphore_mem>>) {add = true}
      %mul3A_76 = arith.constant 8 : i32
      %mul3A_77 = arith.muli %mul3A_76, %scan3A_57 : i32
      %add3A_78 = arith.constant 2 : i32
      %add3A_79 = arith.addi %mul3A_77, %add3A_78 : i32
      %dma_start3A_80 = arith.constant 0 : i32
      %dma_start3A_81 = tpu.memref_slice %arg4[%add3A_79, %dma_start3A_80] : memref<80x128xi32, #tpu.memory_space<vmem>> -> memref<1x128xi32, #tpu.memory_space<vmem>>
      %dma_start3A_82 = tpu.memref_squeeze %dma_start3A_81 : memref<1x128xi32, #tpu.memory_space<vmem>> -> memref<128xi32, #tpu.memory_space<vmem>>
      %dma_start3A_83 = arith.constant 0 : i32
      %dma_start3A_84 = tpu.memref_slice %arg7[%dma_start3A_83] : memref<10240xf32, #tpu.memory_space<vmem_shared>> -> memref<10240xf32, #tpu.memory_space<vmem_shared>>
      tpu.enqueue_indirect_dma source(%arg5 : memref<128xf32, #tpu.memory_space<vmem>>) target(%dma_start3A_84 : memref<10240xf32, #tpu.memory_space<vmem_shared>>) offsets(%dma_start3A_82 : memref<128xi32, #tpu.memory_space<vmem>>) semaphore(%arg8 : memref<!tpu.dma_semaphore, #tpu.memory_space<semaphore_mem>>) {add = true}
      %mul3A_85 = arith.constant 8 : i32
      %mul3A_86 = arith.muli %mul3A_85, %scan3A_57 : i32
      %add3A_87 = arith.constant 3 : i32
      %add3A_88 = arith.addi %mul3A_86, %add3A_87 : i32
      %dma_start3A_89 = arith.constant 0 : i32
      %dma_start3A_90 = tpu.memref_slice %arg4[%add3A_88, %dma_start3A_89] : memref<80x128xi32, #tpu.memory_space<vmem>> -> memref<1x128xi32, #tpu.memory_space<vmem>>
      %dma_start3A_91 = tpu.memref_squeeze %dma_start3A_90 : memref<1x128xi32, #tpu.memory_space<vmem>> -> memref<128xi32, #tpu.memory_space<vmem>>
      %dma_start3A_92 = arith.constant 0 : i32
      %dma_start3A_93 = tpu.memref_slice %arg7[%dma_start3A_92] : memref<10240xf32, #tpu.memory_space<vmem_shared>> -> memref<10240xf32, #tpu.memory_space<vmem_shared>>
      tpu.enqueue_indirect_dma source(%arg5 : memref<128xf32, #tpu.memory_space<vmem>>) target(%dma_start3A_93 : memref<10240xf32, #tpu.memory_space<vmem_shared>>) offsets(%dma_start3A_91 : memref<128xi32, #tpu.memory_space<vmem>>) semaphore(%arg8 : memref<!tpu.dma_semaphore, #tpu.memory_space<semaphore_mem>>) {add = true}
      %mul3A_94 = arith.constant 8 : i32
      %mul3A_95 = arith.muli %mul3A_94, %scan3A_57 : i32
      %add3A_96 = arith.constant 4 : i32
      %add3A_97 = arith.addi %mul3A_95, %add3A_96 : i32
      %dma_start3A_98 = arith.constant 0 : i32
      %dma_start3A_99 = tpu.memref_slice %arg4[%add3A_97, %dma_start3A_98] : memref<80x128xi32, #tpu.memory_space<vmem>> -> memref<1x128xi32, #tpu.memory_space<vmem>>
      %dma_start3A_100 = tpu.memref_squeeze %dma_start3A_99 : memref<1x128xi32, #tpu.memory_space<vmem>> -> memref<128xi32, #tpu.memory_space<vmem>>
      %dma_start3A_101 = arith.constant 0 : i32
      %dma_start3A_102 = tpu.memref_slice %arg7[%dma_start3A_101] : memref<10240xf32, #tpu.memory_space<vmem_shared>> -> memref<10240xf32, #tpu.memory_space<vmem_shared>>
      tpu.enqueue_indirect_dma source(%arg5 : memref<128xf32, #tpu.memory_space<vmem>>) target(%dma_start3A_102 : memref<10240xf32, #tpu.memory_space<vmem_shared>>) offsets(%dma_start3A_100 : memref<128xi32, #tpu.memory_space<vmem>>) semaphore(%arg8 : memref<!tpu.dma_semaphore, #tpu.memory_space<semaphore_mem>>) {add = true}
      %mul3A_103 = arith.constant 8 : i32
      %mul3A_104 = arith.muli %mul3A_103, %scan3A_57 : i32
      %add3A_105 = arith.constant 5 : i32
      %add3A_106 = arith.addi %mul3A_104, %add3A_105 : i32
      %dma_start3A_107 = arith.constant 0 : i32
      %dma_start3A_108 = tpu.memref_slice %arg4[%add3A_106, %dma_start3A_107] : memref<80x128xi32, #tpu.memory_space<vmem>> -> memref<1x128xi32, #tpu.memory_space<vmem>>
      %dma_start3A_109 = tpu.memref_squeeze %dma_start3A_108 : memref<1x128xi32, #tpu.memory_space<vmem>> -> memref<128xi32, #tpu.memory_space<vmem>>
      %dma_start3A_110 = arith.constant 0 : i32
      %dma_start3A_111 = tpu.memref_slice %arg7[%dma_start3A_110] : memref<10240xf32, #tpu.memory_space<vmem_shared>> -> memref<10240xf32, #tpu.memory_space<vmem_shared>>
      tpu.enqueue_indirect_dma source(%arg5 : memref<128xf32, #tpu.memory_space<vmem>>) target(%dma_start3A_111 : memref<10240xf32, #tpu.memory_space<vmem_shared>>) offsets(%dma_start3A_109 : memref<128xi32, #tpu.memory_space<vmem>>) semaphore(%arg8 : memref<!tpu.dma_semaphore, #tpu.memory_space<semaphore_mem>>) {add = true}
      %mul3A_112 = arith.constant 8 : i32
      %mul3A_113 = arith.muli %mul3A_112, %scan3A_57 : i32
      %add3A_114 = arith.constant 6 : i32
      %add3A_115 = arith.addi %mul3A_113, %add3A_114 : i32
      %dma_start3A_116 = arith.constant 0 : i32
      %dma_start3A_117 = tpu.memref_slice %arg4[%add3A_115, %dma_start3A_116] : memref<80x128xi32, #tpu.memory_space<vmem>> -> memref<1x128xi32, #tpu.memory_space<vmem>>
      %dma_start3A_118 = tpu.memref_squeeze %dma_start3A_117 : memref<1x128xi32, #tpu.memory_space<vmem>> -> memref<128xi32, #tpu.memory_space<vmem>>
      %dma_start3A_119 = arith.constant 0 : i32
      %dma_start3A_120 = tpu.memref_slice %arg7[%dma_start3A_119] : memref<10240xf32, #tpu.memory_space<vmem_shared>> -> memref<10240xf32, #tpu.memory_space<vmem_shared>>
      tpu.enqueue_indirect_dma source(%arg5 : memref<128xf32, #tpu.memory_space<vmem>>) target(%dma_start3A_120 : memref<10240xf32, #tpu.memory_space<vmem_shared>>) offsets(%dma_start3A_118 : memref<128xi32, #tpu.memory_space<vmem>>) semaphore(%arg8 : memref<!tpu.dma_semaphore, #tpu.memory_space<semaphore_mem>>) {add = true}
      %mul3A_121 = arith.constant 8 : i32
      %mul3A_122 = arith.muli %mul3A_121, %scan3A_57 : i32
      %add3A_123 = arith.constant 7 : i32
      %add3A_124 = arith.addi %mul3A_122, %add3A_123 : i32
      %dma_start3A_125 = arith.constant 0 : i32
      %dma_start3A_126 = tpu.memref_slice %arg4[%add3A_124, %dma_start3A_125] : memref<80x128xi32, #tpu.memory_space<vmem>> -> memref<1x128xi32, #tpu.memory_space<vmem>>
      %dma_start3A_127 = tpu.memref_squeeze %dma_start3A_126 : memref<1x128xi32, #tpu.memory_space<vmem>> -> memref<128xi32, #tpu.memory_space<vmem>>
      %dma_start3A_128 = arith.constant 0 : i32
      %dma_start3A_129 = tpu.memref_slice %arg7[%dma_start3A_128] : memref<10240xf32, #tpu.memory_space<vmem_shared>> -> memref<10240xf32, #tpu.memory_space<vmem_shared>>
      tpu.enqueue_indirect_dma source(%arg5 : memref<128xf32, #tpu.memory_space<vmem>>) target(%dma_start3A_129 : memref<10240xf32, #tpu.memory_space<vmem_shared>>) offsets(%dma_start3A_127 : memref<128xi32, #tpu.memory_space<vmem>>) semaphore(%arg8 : memref<!tpu.dma_semaphore, #tpu.memory_space<semaphore_mem>>) {add = true}
      %mul3A_130 = arith.constant 8 : i32
      %mul3A_131 = arith.muli %mul3A_130, %scan3A_57 : i32
      %add3A_132 = arith.constant 0 : i32
      %add3A_133 = arith.addi %mul3A_131, %add3A_132 : i32
      %dma_wait3A = arith.constant 0 : i32
      %dma_wait3A_134 = tpu.memref_slice %arg4[%add3A_133, %dma_wait3A] : memref<80x128xi32, #tpu.memory_space<vmem>> -> memref<1x128xi32, #tpu.memory_space<vmem>>
      %dma_wait3A_135 = tpu.memref_squeeze %dma_wait3A_134 : memref<1x128xi32, #tpu.memory_space<vmem>> -> memref<128xi32, #tpu.memory_space<vmem>>
      %dma_wait3A_136 = arith.constant 0 : i32
      %dma_wait3A_137 = tpu.memref_slice %arg7[%dma_wait3A_136] : memref<10240xf32, #tpu.memory_space<vmem_shared>> -> memref<10240xf32, #tpu.memory_space<vmem_shared>>
      tpu.wait_indirect_dma semaphore(%arg8 : memref<!tpu.dma_semaphore, #tpu.memory_space<semaphore_mem>>) src(%arg5 : memref<128xf32, #tpu.memory_space<vmem>>) dst(%dma_wait3A_137 : memref<10240xf32, #tpu.memory_space<vmem_shared>>)
      %mul3A_138 = arith.constant 8 : i32
      %mul3A_139 = arith.muli %mul3A_138, %scan3A_57 : i32
      %add3A_140 = arith.constant 1 : i32
      %add3A_141 = arith.addi %mul3A_139, %add3A_140 : i32
      %dma_wait3A_142 = arith.constant 0 : i32
      %dma_wait3A_143 = tpu.memref_slice %arg4[%add3A_141, %dma_wait3A_142] : memref<80x128xi32, #tpu.memory_space<vmem>> -> memref<1x128xi32, #tpu.memory_space<vmem>>
      %dma_wait3A_144 = tpu.memref_squeeze %dma_wait3A_143 : memref<1x128xi32, #tpu.memory_space<vmem>> -> memref<128xi32, #tpu.memory_space<vmem>>
      %dma_wait3A_145 = arith.constant 0 : i32
      %dma_wait3A_146 = tpu.memref_slice %arg7[%dma_wait3A_145] : memref<10240xf32, #tpu.memory_space<vmem_shared>> -> memref<10240xf32, #tpu.memory_space<vmem_shared>>
      tpu.wait_indirect_dma semaphore(%arg8 : memref<!tpu.dma_semaphore, #tpu.memory_space<semaphore_mem>>) src(%arg5 : memref<128xf32, #tpu.memory_space<vmem>>) dst(%dma_wait3A_146 : memref<10240xf32, #tpu.memory_space<vmem_shared>>)
      %mul3A_147 = arith.constant 8 : i32
      %mul3A_148 = arith.muli %mul3A_147, %scan3A_57 : i32
      %add3A_149 = arith.constant 2 : i32
      %add3A_150 = arith.addi %mul3A_148, %add3A_149 : i32
      %dma_wait3A_151 = arith.constant 0 : i32
      %dma_wait3A_152 = tpu.memref_slice %arg4[%add3A_150, %dma_wait3A_151] : memref<80x128xi32, #tpu.memory_space<vmem>> -> memref<1x128xi32, #tpu.memory_space<vmem>>
      %dma_wait3A_153 = tpu.memref_squeeze %dma_wait3A_152 : memref<1x128xi32, #tpu.memory_space<vmem>> -> memref<128xi32, #tpu.memory_space<vmem>>
      %dma_wait3A_154 = arith.constant 0 : i32
      %dma_wait3A_155 = tpu.memref_slice %arg7[%dma_wait3A_154] : memref<10240xf32, #tpu.memory_space<vmem_shared>> -> memref<10240xf32, #tpu.memory_space<vmem_shared>>
      tpu.wait_indirect_dma semaphore(%arg8 : memref<!tpu.dma_semaphore, #tpu.memory_space<semaphore_mem>>) src(%arg5 : memref<128xf32, #tpu.memory_space<vmem>>) dst(%dma_wait3A_155 : memref<10240xf32, #tpu.memory_space<vmem_shared>>)
      %mul3A_156 = arith.constant 8 : i32
      %mul3A_157 = arith.muli %mul3A_156, %scan3A_57 : i32
      %add3A_158 = arith.constant 3 : i32
      %add3A_159 = arith.addi %mul3A_157, %add3A_158 : i32
      %dma_wait3A_160 = arith.constant 0 : i32
      %dma_wait3A_161 = tpu.memref_slice %arg4[%add3A_159, %dma_wait3A_160] : memref<80x128xi32, #tpu.memory_space<vmem>> -> memref<1x128xi32, #tpu.memory_space<vmem>>
      %dma_wait3A_162 = tpu.memref_squeeze %dma_wait3A_161 : memref<1x128xi32, #tpu.memory_space<vmem>> -> memref<128xi32, #tpu.memory_space<vmem>>
      %dma_wait3A_163 = arith.constant 0 : i32
      %dma_wait3A_164 = tpu.memref_slice %arg7[%dma_wait3A_163] : memref<10240xf32, #tpu.memory_space<vmem_shared>> -> memref<10240xf32, #tpu.memory_space<vmem_shared>>
      tpu.wait_indirect_dma semaphore(%arg8 : memref<!tpu.dma_semaphore, #tpu.memory_space<semaphore_mem>>) src(%arg5 : memref<128xf32, #tpu.memory_space<vmem>>) dst(%dma_wait3A_164 : memref<10240xf32, #tpu.memory_space<vmem_shared>>)
      %mul3A_165 = arith.constant 8 : i32
      %mul3A_166 = arith.muli %mul3A_165, %scan3A_57 : i32
      %add3A_167 = arith.constant 4 : i32
      %add3A_168 = arith.addi %mul3A_166, %add3A_167 : i32
      %dma_wait3A_169 = arith.constant 0 : i32
      %dma_wait3A_170 = tpu.memref_slice %arg4[%add3A_168, %dma_wait3A_169] : memref<80x128xi32, #tpu.memory_space<vmem>> -> memref<1x128xi32, #tpu.memory_space<vmem>>
      %dma_wait3A_171 = tpu.memref_squeeze %dma_wait3A_170 : memref<1x128xi32, #tpu.memory_space<vmem>> -> memref<128xi32, #tpu.memory_space<vmem>>
      %dma_wait3A_172 = arith.constant 0 : i32
      %dma_wait3A_173 = tpu.memref_slice %arg7[%dma_wait3A_172] : memref<10240xf32, #tpu.memory_space<vmem_shared>> -> memref<10240xf32, #tpu.memory_space<vmem_shared>>
      tpu.wait_indirect_dma semaphore(%arg8 : memref<!tpu.dma_semaphore, #tpu.memory_space<semaphore_mem>>) src(%arg5 : memref<128xf32, #tpu.memory_space<vmem>>) dst(%dma_wait3A_173 : memref<10240xf32, #tpu.memory_space<vmem_shared>>)
      %mul3A_174 = arith.constant 8 : i32
      %mul3A_175 = arith.muli %mul3A_174, %scan3A_57 : i32
      %add3A_176 = arith.constant 5 : i32
      %add3A_177 = arith.addi %mul3A_175, %add3A_176 : i32
      %dma_wait3A_178 = arith.constant 0 : i32
      %dma_wait3A_179 = tpu.memref_slice %arg4[%add3A_177, %dma_wait3A_178] : memref<80x128xi32, #tpu.memory_space<vmem>> -> memref<1x128xi32, #tpu.memory_space<vmem>>
      %dma_wait3A_180 = tpu.memref_squeeze %dma_wait3A_179 : memref<1x128xi32, #tpu.memory_space<vmem>> -> memref<128xi32, #tpu.memory_space<vmem>>
      %dma_wait3A_181 = arith.constant 0 : i32
      %dma_wait3A_182 = tpu.memref_slice %arg7[%dma_wait3A_181] : memref<10240xf32, #tpu.memory_space<vmem_shared>> -> memref<10240xf32, #tpu.memory_space<vmem_shared>>
      tpu.wait_indirect_dma semaphore(%arg8 : memref<!tpu.dma_semaphore, #tpu.memory_space<semaphore_mem>>) src(%arg5 : memref<128xf32, #tpu.memory_space<vmem>>) dst(%dma_wait3A_182 : memref<10240xf32, #tpu.memory_space<vmem_shared>>)
      %mul3A_183 = arith.constant 8 : i32
      %mul3A_184 = arith.muli %mul3A_183, %scan3A_57 : i32
      %add3A_185 = arith.constant 6 : i32
      %add3A_186 = arith.addi %mul3A_184, %add3A_185 : i32
      %dma_wait3A_187 = arith.constant 0 : i32
      %dma_wait3A_188 = tpu.memref_slice %arg4[%add3A_186, %dma_wait3A_187] : memref<80x128xi32, #tpu.memory_space<vmem>> -> memref<1x128xi32, #tpu.memory_space<vmem>>
      %dma_wait3A_189 = tpu.memref_squeeze %dma_wait3A_188 : memref<1x128xi32, #tpu.memory_space<vmem>> -> memref<128xi32, #tpu.memory_space<vmem>>
      %dma_wait3A_190 = arith.constant 0 : i32
      %dma_wait3A_191 = tpu.memref_slice %arg7[%dma_wait3A_190] : memref<10240xf32, #tpu.memory_space<vmem_shared>> -> memref<10240xf32, #tpu.memory_space<vmem_shared>>
      tpu.wait_indirect_dma semaphore(%arg8 : memref<!tpu.dma_semaphore, #tpu.memory_space<semaphore_mem>>) src(%arg5 : memref<128xf32, #tpu.memory_space<vmem>>) dst(%dma_wait3A_191 : memref<10240xf32, #tpu.memory_space<vmem_shared>>)
      %mul3A_192 = arith.constant 8 : i32
      %mul3A_193 = arith.muli %mul3A_192, %scan3A_57 : i32
      %add3A_194 = arith.constant 7 : i32
      %add3A_195 = arith.addi %mul3A_193, %add3A_194 : i32
      %dma_wait3A_196 = arith.constant 0 : i32
      %dma_wait3A_197 = tpu.memref_slice %arg4[%add3A_195, %dma_wait3A_196] : memref<80x128xi32, #tpu.memory_space<vmem>> -> memref<1x128xi32, #tpu.memory_space<vmem>>
      %dma_wait3A_198 = tpu.memref_squeeze %dma_wait3A_197 : memref<1x128xi32, #tpu.memory_space<vmem>> -> memref<128xi32, #tpu.memory_space<vmem>>
      %dma_wait3A_199 = arith.constant 0 : i32
      %dma_wait3A_200 = tpu.memref_slice %arg7[%dma_wait3A_199] : memref<10240xf32, #tpu.memory_space<vmem_shared>> -> memref<10240xf32, #tpu.memory_space<vmem_shared>>
      tpu.wait_indirect_dma semaphore(%arg8 : memref<!tpu.dma_semaphore, #tpu.memory_space<semaphore_mem>>) src(%arg5 : memref<128xf32, #tpu.memory_space<vmem>>) dst(%dma_wait3A_200 : memref<10240xf32, #tpu.memory_space<vmem_shared>>)
      %scan3A_201 = arith.constant 0 : i32
      scf.yield %scan3A_201 : i32
    }
    %scan3A_51 = arith.constant 10 : i32
    %barrier3A_52 = arith.constant 0 : index
    tpu.barrier barrier_id(%barrier3A_52)
    %mul3A_53 = arith.constant 640 : i32
    %mul3A_54 = arith.muli %arg1, %mul3A_53 : i32
    %mul3A_55 = arith.constant 640 : i32
    %mul3A_56 = arith.muli %arg1, %mul3A_55 : i32
    "tpu.region"() ({
      %run_scoped3A = tpu.sem_alloc : memref<!tpu.dma_semaphore, #tpu.memory_space<semaphore_mem>>
      %dma_start3A = tpu.memref_slice %arg3[%arg0, %mul3A_56] : memref<2x10240xf32, #tpu.memory_space<hbm>> -> memref<1x640xf32, #tpu.memory_space<hbm>>
      %dma_start3A_57 = tpu.memref_squeeze %dma_start3A : memref<1x640xf32, #tpu.memory_space<hbm>> -> memref<640xf32, #tpu.memory_space<hbm>>
      %dma_start3A_58 = tpu.memref_slice %arg7[%mul3A_54] : memref<10240xf32, #tpu.memory_space<vmem_shared>> -> memref<640xf32, #tpu.memory_space<vmem_shared>>
      tpu.enqueue_dma source(%dma_start3A_58 : memref<640xf32, #tpu.memory_space<vmem_shared>>) target(%dma_start3A_57 : memref<640xf32, #tpu.memory_space<hbm>>) target_semaphore(%run_scoped3A : memref<!tpu.dma_semaphore, #tpu.memory_space<semaphore_mem>>)
      %dma_wait3A = tpu.memref_slice %arg3[%arg0, %mul3A_56] : memref<2x10240xf32, #tpu.memory_space<hbm>> -> memref<1x640xf32, #tpu.memory_space<hbm>>
      %dma_wait3A_59 = tpu.memref_squeeze %dma_wait3A : memref<1x640xf32, #tpu.memory_space<hbm>> -> memref<640xf32, #tpu.memory_space<hbm>>
      %dma_wait3A_60 = tpu.memref_slice %arg7[%mul3A_54] : memref<10240xf32, #tpu.memory_space<vmem_shared>> -> memref<640xf32, #tpu.memory_space<vmem_shared>>
      tpu.wait_dma2 semaphore(%run_scoped3A : memref<!tpu.dma_semaphore, #tpu.memory_space<semaphore_mem>>) src(%dma_wait3A_60 : memref<640xf32, #tpu.memory_space<vmem_shared>>) dst(%dma_wait3A_59 : memref<640xf32, #tpu.memory_space<hbm>>)
      tpu.yield
    }) : () -> ()
    return
  }
}

#map = affine_map<(d0, d1) -> (0, 0)>
#map1 = affine_map<(d0, d1) -> (0, 0, 0)>
module attributes {stable_mosaic.version = 14 : i64} {
  func.func @_spmm(%arg0: i32, %arg1: i32, %arg2: memref<2560x128xi32, #tpu.memory_space<hbm>>, %arg3: memref<2560x128xi32, #tpu.memory_space<hbm>>, %arg4: memref<10240x16xf32, #tpu.memory_space<hbm>>, %arg5: memref<10240x16xf32, #tpu.memory_space<hbm>>, %arg6: memref<2x10240x16xf32, #tpu.memory_space<hbm>>, %arg7: memref<160x128xi32, #tpu.memory_space<vmem>>, %arg8: memref<160x128xi32, #tpu.memory_space<vmem>>, %arg9: memref<128x16xf32, #tpu.memory_space<vmem>>, %arg10: memref<128x16xf32, #tpu.memory_space<vmem>>, %arg11: memref<128x16xf32, #tpu.memory_space<vmem>>, %arg12: memref<128x16xf32, #tpu.memory_space<vmem>>, %arg13: memref<128x16xf32, #tpu.memory_space<vmem>>, %arg14: memref<128x16xf32, #tpu.memory_space<vmem>>, %arg15: memref<128x16xf32, #tpu.memory_space<vmem>>, %arg16: memref<128x16xf32, #tpu.memory_space<vmem>>, %arg17: memref<10240x16xf32, #tpu.memory_space<vmem_shared>>, %arg18: memref<!tpu.dma_semaphore, #tpu.memory_space<semaphore_mem>>, %arg19: memref<!tpu.dma_semaphore, #tpu.memory_space<semaphore_mem>>, %arg20: memref<!tpu.dma_semaphore, #tpu.memory_space<semaphore_mem>>, %arg21: memref<!tpu.dma_semaphore, #tpu.memory_space<semaphore_mem>>, %arg22: memref<!tpu.dma_semaphore, #tpu.memory_space<semaphore_mem>>, %arg23: memref<!tpu.dma_semaphore, #tpu.memory_space<semaphore_mem>>, %arg24: memref<!tpu.dma_semaphore, #tpu.memory_space<semaphore_mem>>, %arg25: memref<!tpu.dma_semaphore, #tpu.memory_space<semaphore_mem>>, %arg26: memref<!tpu.dma_semaphore, #tpu.memory_space<semaphore_mem>>, %arg27: memref<!tpu.dma_semaphore, #tpu.memory_space<semaphore_mem>>, %arg28: memref<!tpu.dma_semaphore, #tpu.memory_space<semaphore_mem>>, %arg29: memref<!tpu.dma_semaphore, #tpu.memory_space<semaphore_mem>>, %arg30: memref<!tpu.dma_semaphore, #tpu.memory_space<semaphore_mem>>, %arg31: memref<!tpu.dma_semaphore, #tpu.memory_space<semaphore_mem>>, %arg32: memref<!tpu.dma_semaphore, #tpu.memory_space<semaphore_mem>>, %arg33: memref<!tpu.dma_semaphore, #tpu.memory_space<semaphore_mem>>) attributes {dimension_semantics = [#tpu.dimension_semantics<core_parallel>, #tpu.dimension_semantics<subcore_parallel>], iteration_bounds = array<i64: 2, 16>, scalar_prefetch = 0 : i64, scratch_operands = 27 : i64, tpu.core_type = #tpu.core_type<sc_vector_subcore>, window_params = [{transform_indices = #map}, {transform_indices = #map}, {transform_indices = #map}, {transform_indices = #map}, {transform_indices = #map1}]} {
    %broadcast_in_dim3A = arith.constant 0.000000e+00 : f32
    %broadcast_in_dim3A_0 = vector.broadcast %broadcast_in_dim3A : f32 to vector<16xf32>
    %scan3A = arith.constant 0 : i32
    %scan3A_1 = arith.constant 0 : i32
    %scan3A_2 = arith.constant 128 : i32
    %scan3A_3 = arith.addi %scan3A_1, %scan3A_2 : i32
    %scan3A_4 = arith.constant 1 : i32
    %scan3A_5 = scf.for %scan3A_41 = %scan3A_1 to %scan3A_3 step %scan3A_4 iter_args(%scan3A_42 = %scan3A) -> (i32)  : i32 {
      %swap3A = arith.index_cast %scan3A_41 : i32 to index
      %swap3A_43 = arith.constant 0 : index
      %swap3A_44 = tpu.vector_load %arg9[%swap3A, %swap3A_43] {strides = array<i32>} : memref<128x16xf32, #tpu.memory_space<vmem>>, vector<1x16xf32>,
      %swap3A_45 = vector.shape_cast %swap3A_44 : vector<1x16xf32> to vector<16xf32>
      %swap3A_46 = vector.shape_cast %broadcast_in_dim3A_0 : vector<16xf32> to vector<1x16xf32>
      tpu.vector_store %arg9[%swap3A, %swap3A_43], %swap3A_46 {strides = array<i32>} : memref<128x16xf32, #tpu.memory_space<vmem>>, vector<1x16xf32>,
      %scan3A_47 = arith.constant 0 : i32
      scf.yield %scan3A_47 : i32
    }
    %scan3A_6 = arith.constant 128 : i32
    %mul3A = arith.constant 640 : i32
    %mul3A_7 = arith.muli %arg1, %mul3A : i32
    %add3A = arith.constant 0 : i32
    %add3A_8 = arith.addi %mul3A_7, %add3A : i32
    "tpu.region"() ({
      %run_scoped3A = tpu.sem_alloc : memref<!tpu.dma_semaphore, #tpu.memory_space<semaphore_mem>>
      %dma_start3A = arith.constant 0 : i32
      %dma_start3A_41 = tpu.memref_slice %arg17[%add3A_8, %dma_start3A] : memref<10240x16xf32, #tpu.memory_space<vmem_shared>> -> memref<128x16xf32, #tpu.memory_space<vmem_shared>>
      %dma_start3A_42 = arith.constant 0 : i32
      %dma_start3A_43 = tpu.memref_slice %arg17[%add3A_8, %dma_start3A_42] : memref<10240x16xf32, #tpu.memory_space<vmem_shared>> -> memref<128x16xf32, #tpu.memory_space<vmem_shared>>
      tpu.enqueue_dma source(%arg9 : memref<128x16xf32, #tpu.memory_space<vmem>>) target(%dma_start3A_43 : memref<128x16xf32, #tpu.memory_space<vmem_shared>>) target_semaphore(%run_scoped3A : memref<!tpu.dma_semaphore, #tpu.memory_space<semaphore_mem>>)
      %dma_wait3A = arith.constant 0 : i32
      %dma_wait3A_44 = tpu.memref_slice %arg17[%add3A_8, %dma_wait3A] : memref<10240x16xf32, #tpu.memory_space<vmem_shared>> -> memref<128x16xf32, #tpu.memory_space<vmem_shared>>
      %dma_wait3A_45 = arith.constant 0 : i32
      %dma_wait3A_46 = tpu.memref_slice %arg17[%add3A_8, %dma_wait3A_45] : memref<10240x16xf32, #tpu.memory_space<vmem_shared>> -> memref<128x16xf32, #tpu.memory_space<vmem_shared>>
      tpu.wait_dma2 semaphore(%run_scoped3A : memref<!tpu.dma_semaphore, #tpu.memory_space<semaphore_mem>>) src(%arg9 : memref<128x16xf32, #tpu.memory_space<vmem>>) dst(%dma_wait3A_46 : memref<128x16xf32, #tpu.memory_space<vmem_shared>>)
      tpu.yield
    }) : () -> ()
    %mul3A_9 = arith.constant 640 : i32
    %mul3A_10 = arith.muli %arg1, %mul3A_9 : i32
    %add3A_11 = arith.constant 128 : i32
    %add3A_12 = arith.addi %mul3A_10, %add3A_11 : i32
    "tpu.region"() ({
      %run_scoped3A = tpu.sem_alloc : memref<!tpu.dma_semaphore, #tpu.memory_space<semaphore_mem>>
      %dma_start3A = arith.constant 0 : i32
      %dma_start3A_41 = tpu.memref_slice %arg17[%add3A_12, %dma_start3A] : memref<10240x16xf32, #tpu.memory_space<vmem_shared>> -> memref<128x16xf32, #tpu.memory_space<vmem_shared>>
      %dma_start3A_42 = arith.constant 0 : i32
      %dma_start3A_43 = tpu.memref_slice %arg17[%add3A_12, %dma_start3A_42] : memref<10240x16xf32, #tpu.memory_space<vmem_shared>> -> memref<128x16xf32, #tpu.memory_space<vmem_shared>>
      tpu.enqueue_dma source(%arg9 : memref<128x16xf32, #tpu.memory_space<vmem>>) target(%dma_start3A_43 : memref<128x16xf32, #tpu.memory_space<vmem_shared>>) target_semaphore(%run_scoped3A : memref<!tpu.dma_semaphore, #tpu.memory_space<semaphore_mem>>)
      %dma_wait3A = arith.constant 0 : i32
      %dma_wait3A_44 = tpu.memref_slice %arg17[%add3A_12, %dma_wait3A] : memref<10240x16xf32, #tpu.memory_space<vmem_shared>> -> memref<128x16xf32, #tpu.memory_space<vmem_shared>>
      %dma_wait3A_45 = arith.constant 0 : i32
      %dma_wait3A_46 = tpu.memref_slice %arg17[%add3A_12, %dma_wait3A_45] : memref<10240x16xf32, #tpu.memory_space<vmem_shared>> -> memref<128x16xf32, #tpu.memory_space<vmem_shared>>
      tpu.wait_dma2 semaphore(%run_scoped3A : memref<!tpu.dma_semaphore, #tpu.memory_space<semaphore_mem>>) src(%arg9 : memref<128x16xf32, #tpu.memory_space<vmem>>) dst(%dma_wait3A_46 : memref<128x16xf32, #tpu.memory_space<vmem_shared>>)
      tpu.yield
    }) : () -> ()
    %mul3A_13 = arith.constant 640 : i32
    %mul3A_14 = arith.muli %arg1, %mul3A_13 : i32
    %add3A_15 = arith.constant 256 : i32
    %add3A_16 = arith.addi %mul3A_14, %add3A_15 : i32
    "tpu.region"() ({
      %run_scoped3A = tpu.sem_alloc : memref<!tpu.dma_semaphore, #tpu.memory_space<semaphore_mem>>
      %dma_start3A = arith.constant 0 : i32
      %dma_start3A_41 = tpu.memref_slice %arg17[%add3A_16, %dma_start3A] : memref<10240x16xf32, #tpu.memory_space<vmem_shared>> -> memref<128x16xf32, #tpu.memory_space<vmem_shared>>
      %dma_start3A_42 = arith.constant 0 : i32
      %dma_start3A_43 = tpu.memref_slice %arg17[%add3A_16, %dma_start3A_42] : memref<10240x16xf32, #tpu.memory_space<vmem_shared>> -> memref<128x16xf32, #tpu.memory_space<vmem_shared>>
      tpu.enqueue_dma source(%arg9 : memref<128x16xf32, #tpu.memory_space<vmem>>) target(%dma_start3A_43 : memref<128x16xf32, #tpu.memory_space<vmem_shared>>) target_semaphore(%run_scoped3A : memref<!tpu.dma_semaphore, #tpu.memory_space<semaphore_mem>>)
      %dma_wait3A = arith.constant 0 : i32
      %dma_wait3A_44 = tpu.memref_slice %arg17[%add3A_16, %dma_wait3A] : memref<10240x16xf32, #tpu.memory_space<vmem_shared>> -> memref<128x16xf32, #tpu.memory_space<vmem_shared>>
      %dma_wait3A_45 = arith.constant 0 : i32
      %dma_wait3A_46 = tpu.memref_slice %arg17[%add3A_16, %dma_wait3A_45] : memref<10240x16xf32, #tpu.memory_space<vmem_shared>> -> memref<128x16xf32, #tpu.memory_space<vmem_shared>>
      tpu.wait_dma2 semaphore(%run_scoped3A : memref<!tpu.dma_semaphore, #tpu.memory_space<semaphore_mem>>) src(%arg9 : memref<128x16xf32, #tpu.memory_space<vmem>>) dst(%dma_wait3A_46 : memref<128x16xf32, #tpu.memory_space<vmem_shared>>)
      tpu.yield
    }) : () -> ()
    %mul3A_17 = arith.constant 640 : i32
    %mul3A_18 = arith.muli %arg1, %mul3A_17 : i32
    %add3A_19 = arith.constant 384 : i32
    %add3A_20 = arith.addi %mul3A_18, %add3A_19 : i32
    "tpu.region"() ({
      %run_scoped3A = tpu.sem_alloc : memref<!tpu.dma_semaphore, #tpu.memory_space<semaphore_mem>>
      %dma_start3A = arith.constant 0 : i32
      %dma_start3A_41 = tpu.memref_slice %arg17[%add3A_20, %dma_start3A] : memref<10240x16xf32, #tpu.memory_space<vmem_shared>> -> memref<128x16xf32, #tpu.memory_space<vmem_shared>>
      %dma_start3A_42 = arith.constant 0 : i32
      %dma_start3A_43 = tpu.memref_slice %arg17[%add3A_20, %dma_start3A_42] : memref<10240x16xf32, #tpu.memory_space<vmem_shared>> -> memref<128x16xf32, #tpu.memory_space<vmem_shared>>
      tpu.enqueue_dma source(%arg9 : memref<128x16xf32, #tpu.memory_space<vmem>>) target(%dma_start3A_43 : memref<128x16xf32, #tpu.memory_space<vmem_shared>>) target_semaphore(%run_scoped3A : memref<!tpu.dma_semaphore, #tpu.memory_space<semaphore_mem>>)
      %dma_wait3A = arith.constant 0 : i32
      %dma_wait3A_44 = tpu.memref_slice %arg17[%add3A_20, %dma_wait3A] : memref<10240x16xf32, #tpu.memory_space<vmem_shared>> -> memref<128x16xf32, #tpu.memory_space<vmem_shared>>
      %dma_wait3A_45 = arith.constant 0 : i32
      %dma_wait3A_46 = tpu.memref_slice %arg17[%add3A_20, %dma_wait3A_45] : memref<10240x16xf32, #tpu.memory_space<vmem_shared>> -> memref<128x16xf32, #tpu.memory_space<vmem_shared>>
      tpu.wait_dma2 semaphore(%run_scoped3A : memref<!tpu.dma_semaphore, #tpu.memory_space<semaphore_mem>>) src(%arg9 : memref<128x16xf32, #tpu.memory_space<vmem>>) dst(%dma_wait3A_46 : memref<128x16xf32, #tpu.memory_space<vmem_shared>>)
      tpu.yield
    }) : () -> ()
    %mul3A_21 = arith.constant 640 : i32
    %mul3A_22 = arith.muli %arg1, %mul3A_21 : i32
    %add3A_23 = arith.constant 512 : i32
    %add3A_24 = arith.addi %mul3A_22, %add3A_23 : i32
    "tpu.region"() ({
      %run_scoped3A = tpu.sem_alloc : memref<!tpu.dma_semaphore, #tpu.memory_space<semaphore_mem>>
      %dma_start3A = arith.constant 0 : i32
      %dma_start3A_41 = tpu.memref_slice %arg17[%add3A_24, %dma_start3A] : memref<10240x16xf32, #tpu.memory_space<vmem_shared>> -> memref<128x16xf32, #tpu.memory_space<vmem_shared>>
      %dma_start3A_42 = arith.constant 0 : i32
      %dma_start3A_43 = tpu.memref_slice %arg17[%add3A_24, %dma_start3A_42] : memref<10240x16xf32, #tpu.memory_space<vmem_shared>> -> memref<128x16xf32, #tpu.memory_space<vmem_shared>>
      tpu.enqueue_dma source(%arg9 : memref<128x16xf32, #tpu.memory_space<vmem>>) target(%dma_start3A_43 : memref<128x16xf32, #tpu.memory_space<vmem_shared>>) target_semaphore(%run_scoped3A : memref<!tpu.dma_semaphore, #tpu.memory_space<semaphore_mem>>)
      %dma_wait3A = arith.constant 0 : i32
      %dma_wait3A_44 = tpu.memref_slice %arg17[%add3A_24, %dma_wait3A] : memref<10240x16xf32, #tpu.memory_space<vmem_shared>> -> memref<128x16xf32, #tpu.memory_space<vmem_shared>>
      %dma_wait3A_45 = arith.constant 0 : i32
      %dma_wait3A_46 = tpu.memref_slice %arg17[%add3A_24, %dma_wait3A_45] : memref<10240x16xf32, #tpu.memory_space<vmem_shared>> -> memref<128x16xf32, #tpu.memory_space<vmem_shared>>
      tpu.wait_dma2 semaphore(%run_scoped3A : memref<!tpu.dma_semaphore, #tpu.memory_space<semaphore_mem>>) src(%arg9 : memref<128x16xf32, #tpu.memory_space<vmem>>) dst(%dma_wait3A_46 : memref<128x16xf32, #tpu.memory_space<vmem_shared>>)
      tpu.yield
    }) : () -> ()
    %mul3A_25 = arith.constant 160 : i32
    %mul3A_26 = arith.muli %arg1, %mul3A_25 : i32
    "tpu.region"() ({
      %run_scoped3A = tpu.sem_alloc : memref<!tpu.dma_semaphore, #tpu.memory_space<semaphore_mem>>
      %dma_start3A = arith.constant 0 : i32
      %dma_start3A_41 = tpu.memref_slice %arg2[%mul3A_26, %dma_start3A] : memref<2560x128xi32, #tpu.memory_space<hbm>> -> memref<160x128xi32, #tpu.memory_space<hbm>>
      %dma_start3A_42 = arith.constant 0 : i32
      %dma_start3A_43 = tpu.memref_slice %arg2[%mul3A_26, %dma_start3A_42] : memref<2560x128xi32, #tpu.memory_space<hbm>> -> memref<160x128xi32, #tpu.memory_space<hbm>>
      tpu.enqueue_dma source(%dma_start3A_43 : memref<160x128xi32, #tpu.memory_space<hbm>>) target(%arg7 : memref<160x128xi32, #tpu.memory_space<vmem>>) target_semaphore(%run_scoped3A : memref<!tpu.dma_semaphore, #tpu.memory_space<semaphore_mem>>)
      %dma_wait3A = arith.constant 0 : i32
      %dma_wait3A_44 = tpu.memref_slice %arg2[%mul3A_26, %dma_wait3A] : memref<2560x128xi32, #tpu.memory_space<hbm>> -> memref<160x128xi32, #tpu.memory_space<hbm>>
      %dma_wait3A_45 = arith.constant 0 : i32
      %dma_wait3A_46 = tpu.memref_slice %arg2[%mul3A_26, %dma_wait3A_45] : memref<2560x128xi32, #tpu.memory_space<hbm>> -> memref<160x128xi32, #tpu.memory_space<hbm>>
      tpu.wait_dma2 semaphore(%run_scoped3A : memref<!tpu.dma_semaphore, #tpu.memory_space<semaphore_mem>>) src(%dma_wait3A_46 : memref<160x128xi32, #tpu.memory_space<hbm>>) dst(%arg7 : memref<160x128xi32, #tpu.memory_space<vmem>>)
      tpu.yield
    }) : () -> ()
    %mul3A_27 = arith.constant 160 : i32
    %mul3A_28 = arith.muli %arg1, %mul3A_27 : i32
    "tpu.region"() ({
      %run_scoped3A = tpu.sem_alloc : memref<!tpu.dma_semaphore, #tpu.memory_space<semaphore_mem>>
      %dma_start3A = arith.constant 0 : i32
      %dma_start3A_41 = tpu.memref_slice %arg3[%mul3A_28, %dma_start3A] : memref<2560x128xi32, #tpu.memory_space<hbm>> -> memref<160x128xi32, #tpu.memory_space<hbm>>
      %dma_start3A_42 = arith.constant 0 : i32
      %dma_start3A_43 = tpu.memref_slice %arg3[%mul3A_28, %dma_start3A_42] : memref<2560x128xi32, #tpu.memory_space<hbm>> -> memref<160x128xi32, #tpu.memory_space<hbm>>
      tpu.enqueue_dma source(%dma_start3A_43 : memref<160x128xi32, #tpu.memory_space<hbm>>) target(%arg8 : memref<160x128xi32, #tpu.memory_space<vmem>>) target_semaphore(%run_scoped3A : memref<!tpu.dma_semaphore, #tpu.memory_space<semaphore_mem>>)
      %dma_wait3A = arith.constant 0 : i32
      %dma_wait3A_44 = tpu.memref_slice %arg3[%mul3A_28, %dma_wait3A] : memref<2560x128xi32, #tpu.memory_space<hbm>> -> memref<160x128xi32, #tpu.memory_space<hbm>>
      %dma_wait3A_45 = arith.constant 0 : i32
      %dma_wait3A_46 = tpu.memref_slice %arg3[%mul3A_28, %dma_wait3A_45] : memref<2560x128xi32, #tpu.memory_space<hbm>> -> memref<160x128xi32, #tpu.memory_space<hbm>>
      tpu.wait_dma2 semaphore(%run_scoped3A : memref<!tpu.dma_semaphore, #tpu.memory_space<semaphore_mem>>) src(%dma_wait3A_46 : memref<160x128xi32, #tpu.memory_space<hbm>>) dst(%arg8 : memref<160x128xi32, #tpu.memory_space<vmem>>)
      tpu.yield
    }) : () -> ()
    %barrier3A = arith.constant 0 : index
    tpu.barrier barrier_id(%barrier3A)
    %eq3A = arith.constant 0 : i32
    %eq3A_29 = arith.cmpi eq, %arg0, %eq3A : i32
    %convert_element_type3A = arith.extui %eq3A_29 : i1 to i32
    %cond3A = arith.constant 0 : i32
    %cond3A_30 = arith.cmpi ne, %convert_element_type3A, %cond3A : i32
    scf.if %cond3A_30 {
      %dma_start3A = arith.constant 0 : i32
      %dma_start3A_41 = arith.constant 0 : i32
      %dma_start3A_42 = tpu.memref_slice %arg7[%dma_start3A, %dma_start3A_41] : memref<160x128xi32, #tpu.memory_space<vmem>> -> memref<1x128xi32, #tpu.memory_space<vmem>>
      %dma_start3A_43 = tpu.memref_squeeze %dma_start3A_42 : memref<1x128xi32, #tpu.memory_space<vmem>> -> memref<128xi32, #tpu.memory_space<vmem>>
      %dma_start3A_44 = arith.constant 0 : i32
      %dma_start3A_45 = arith.constant 0 : i32
      %dma_start3A_46 = tpu.memref_slice %arg4[%dma_start3A_44, %dma_start3A_45] : memref<10240x16xf32, #tpu.memory_space<hbm>> -> memref<10240x16xf32, #tpu.memory_space<hbm>>
      tpu.enqueue_indirect_dma source(%dma_start3A_46 : memref<10240x16xf32, #tpu.memory_space<hbm>>) target(%arg9 : memref<128x16xf32, #tpu.memory_space<vmem>>) offsets(%dma_start3A_43 : memref<128xi32, #tpu.memory_space<vmem>>) semaphore(%arg18 : memref<!tpu.dma_semaphore, #tpu.memory_space<semaphore_mem>>)
      %dma_start3A_47 = arith.constant 1 : i32
      %dma_start3A_48 = arith.constant 0 : i32
      %dma_start3A_49 = tpu.memref_slice %arg7[%dma_start3A_47, %dma_start3A_48] : memref<160x128xi32, #tpu.memory_space<vmem>> -> memref<1x128xi32, #tpu.memory_space<vmem>>
      %dma_start3A_50 = tpu.memref_squeeze %dma_start3A_49 : memref<1x128xi32, #tpu.memory_space<vmem>> -> memref<128xi32, #tpu.memory_space<vmem>>
      %dma_start3A_51 = arith.constant 0 : i32
      %dma_start3A_52 = arith.constant 0 : i32
      %dma_start3A_53 = tpu.memref_slice %arg4[%dma_start3A_51, %dma_start3A_52] : memref<10240x16xf32, #tpu.memory_space<hbm>> -> memref<10240x16xf32, #tpu.memory_space<hbm>>
      tpu.enqueue_indirect_dma source(%dma_start3A_53 : memref<10240x16xf32, #tpu.memory_space<hbm>>) target(%arg10 : memref<128x16xf32, #tpu.memory_space<vmem>>) offsets(%dma_start3A_50 : memref<128xi32, #tpu.memory_space<vmem>>) semaphore(%arg19 : memref<!tpu.dma_semaphore, #tpu.memory_space<semaphore_mem>>)
      %dma_start3A_54 = arith.constant 2 : i32
      %dma_start3A_55 = arith.constant 0 : i32
      %dma_start3A_56 = tpu.memref_slice %arg7[%dma_start3A_54, %dma_start3A_55] : memref<160x128xi32, #tpu.memory_space<vmem>> -> memref<1x128xi32, #tpu.memory_space<vmem>>
      %dma_start3A_57 = tpu.memref_squeeze %dma_start3A_56 : memref<1x128xi32, #tpu.memory_space<vmem>> -> memref<128xi32, #tpu.memory_space<vmem>>
      %dma_start3A_58 = arith.constant 0 : i32
      %dma_start3A_59 = arith.constant 0 : i32
      %dma_start3A_60 = tpu.memref_slice %arg4[%dma_start3A_58, %dma_start3A_59] : memref<10240x16xf32, #tpu.memory_space<hbm>> -> memref<10240x16xf32, #tpu.memory_space<hbm>>
      tpu.enqueue_indirect_dma source(%dma_start3A_60 : memref<10240x16xf32, #tpu.memory_space<hbm>>) target(%arg11 : memref<128x16xf32, #tpu.memory_space<vmem>>) offsets(%dma_start3A_57 : memref<128xi32, #tpu.memory_space<vmem>>) semaphore(%arg20 : memref<!tpu.dma_semaphore, #tpu.memory_space<semaphore_mem>>)
      %dma_start3A_61 = arith.constant 3 : i32
      %dma_start3A_62 = arith.constant 0 : i32
      %dma_start3A_63 = tpu.memref_slice %arg7[%dma_start3A_61, %dma_start3A_62] : memref<160x128xi32, #tpu.memory_space<vmem>> -> memref<1x128xi32, #tpu.memory_space<vmem>>
      %dma_start3A_64 = tpu.memref_squeeze %dma_start3A_63 : memref<1x128xi32, #tpu.memory_space<vmem>> -> memref<128xi32, #tpu.memory_space<vmem>>
      %dma_start3A_65 = arith.constant 0 : i32
      %dma_start3A_66 = arith.constant 0 : i32
      %dma_start3A_67 = tpu.memref_slice %arg4[%dma_start3A_65, %dma_start3A_66] : memref<10240x16xf32, #tpu.memory_space<hbm>> -> memref<10240x16xf32, #tpu.memory_space<hbm>>
      tpu.enqueue_indirect_dma source(%dma_start3A_67 : memref<10240x16xf32, #tpu.memory_space<hbm>>) target(%arg12 : memref<128x16xf32, #tpu.memory_space<vmem>>) offsets(%dma_start3A_64 : memref<128xi32, #tpu.memory_space<vmem>>) semaphore(%arg21 : memref<!tpu.dma_semaphore, #tpu.memory_space<semaphore_mem>>)
      %dma_start3A_68 = arith.constant 4 : i32
      %dma_start3A_69 = arith.constant 0 : i32
      %dma_start3A_70 = tpu.memref_slice %arg7[%dma_start3A_68, %dma_start3A_69] : memref<160x128xi32, #tpu.memory_space<vmem>> -> memref<1x128xi32, #tpu.memory_space<vmem>>
      %dma_start3A_71 = tpu.memref_squeeze %dma_start3A_70 : memref<1x128xi32, #tpu.memory_space<vmem>> -> memref<128xi32, #tpu.memory_space<vmem>>
      %dma_start3A_72 = arith.constant 0 : i32
      %dma_start3A_73 = arith.constant 0 : i32
      %dma_start3A_74 = tpu.memref_slice %arg4[%dma_start3A_72, %dma_start3A_73] : memref<10240x16xf32, #tpu.memory_space<hbm>> -> memref<10240x16xf32, #tpu.memory_space<hbm>>
      tpu.enqueue_indirect_dma source(%dma_start3A_74 : memref<10240x16xf32, #tpu.memory_space<hbm>>) target(%arg13 : memref<128x16xf32, #tpu.memory_space<vmem>>) offsets(%dma_start3A_71 : memref<128xi32, #tpu.memory_space<vmem>>) semaphore(%arg22 : memref<!tpu.dma_semaphore, #tpu.memory_space<semaphore_mem>>)
      %dma_start3A_75 = arith.constant 5 : i32
      %dma_start3A_76 = arith.constant 0 : i32
      %dma_start3A_77 = tpu.memref_slice %arg7[%dma_start3A_75, %dma_start3A_76] : memref<160x128xi32, #tpu.memory_space<vmem>> -> memref<1x128xi32, #tpu.memory_space<vmem>>
      %dma_start3A_78 = tpu.memref_squeeze %dma_start3A_77 : memref<1x128xi32, #tpu.memory_space<vmem>> -> memref<128xi32, #tpu.memory_space<vmem>>
      %dma_start3A_79 = arith.constant 0 : i32
      %dma_start3A_80 = arith.constant 0 : i32
      %dma_start3A_81 = tpu.memref_slice %arg4[%dma_start3A_79, %dma_start3A_80] : memref<10240x16xf32, #tpu.memory_space<hbm>> -> memref<10240x16xf32, #tpu.memory_space<hbm>>
      tpu.enqueue_indirect_dma source(%dma_start3A_81 : memref<10240x16xf32, #tpu.memory_space<hbm>>) target(%arg14 : memref<128x16xf32, #tpu.memory_space<vmem>>) offsets(%dma_start3A_78 : memref<128xi32, #tpu.memory_space<vmem>>) semaphore(%arg23 : memref<!tpu.dma_semaphore, #tpu.memory_space<semaphore_mem>>)
      %dma_start3A_82 = arith.constant 6 : i32
      %dma_start3A_83 = arith.constant 0 : i32
      %dma_start3A_84 = tpu.memref_slice %arg7[%dma_start3A_82, %dma_start3A_83] : memref<160x128xi32, #tpu.memory_space<vmem>> -> memref<1x128xi32, #tpu.memory_space<vmem>>
      %dma_start3A_85 = tpu.memref_squeeze %dma_start3A_84 : memref<1x128xi32, #tpu.memory_space<vmem>> -> memref<128xi32, #tpu.memory_space<vmem>>
      %dma_start3A_86 = arith.constant 0 : i32
      %dma_start3A_87 = arith.constant 0 : i32
      %dma_start3A_88 = tpu.memref_slice %arg4[%dma_start3A_86, %dma_start3A_87] : memref<10240x16xf32, #tpu.memory_space<hbm>> -> memref<10240x16xf32, #tpu.memory_space<hbm>>
      tpu.enqueue_indirect_dma source(%dma_start3A_88 : memref<10240x16xf32, #tpu.memory_space<hbm>>) target(%arg15 : memref<128x16xf32, #tpu.memory_space<vmem>>) offsets(%dma_start3A_85 : memref<128xi32, #tpu.memory_space<vmem>>) semaphore(%arg24 : memref<!tpu.dma_semaphore, #tpu.memory_space<semaphore_mem>>)
      %dma_start3A_89 = arith.constant 7 : i32
      %dma_start3A_90 = arith.constant 0 : i32
      %dma_start3A_91 = tpu.memref_slice %arg7[%dma_start3A_89, %dma_start3A_90] : memref<160x128xi32, #tpu.memory_space<vmem>> -> memref<1x128xi32, #tpu.memory_space<vmem>>
      %dma_start3A_92 = tpu.memref_squeeze %dma_start3A_91 : memref<1x128xi32, #tpu.memory_space<vmem>> -> memref<128xi32, #tpu.memory_space<vmem>>
      %dma_start3A_93 = arith.constant 0 : i32
      %dma_start3A_94 = arith.constant 0 : i32
      %dma_start3A_95 = tpu.memref_slice %arg4[%dma_start3A_93, %dma_start3A_94] : memref<10240x16xf32, #tpu.memory_space<hbm>> -> memref<10240x16xf32, #tpu.memory_space<hbm>>
      tpu.enqueue_indirect_dma source(%dma_start3A_95 : memref<10240x16xf32, #tpu.memory_space<hbm>>) target(%arg16 : memref<128x16xf32, #tpu.memory_space<vmem>>) offsets(%dma_start3A_92 : memref<128xi32, #tpu.memory_space<vmem>>) semaphore(%arg25 : memref<!tpu.dma_semaphore, #tpu.memory_space<semaphore_mem>>)
      %scan3A_96 = arith.constant 0 : i32
      %scan3A_97 = arith.constant 0 : i32
      %scan3A_98 = arith.constant 20 : i32
      %scan3A_99 = arith.addi %scan3A_97, %scan3A_98 : i32
      %scan3A_100 = arith.constant 1 : i32
      %scan3A_101 = scf.for %scan3A_103 = %scan3A_97 to %scan3A_99 step %scan3A_100 iter_args(%scan3A_104 = %scan3A_96) -> (i32)  : i32 {
        %mul3A_105 = arith.constant 8 : i32
        %mul3A_106 = arith.muli %mul3A_105, %scan3A_103 : i32
        %add3A_107 = arith.constant 0 : i32
        %add3A_108 = arith.addi %mul3A_106, %add3A_107 : i32
        %dma_wait3A = arith.constant 0 : i32
        %dma_wait3A_109 = tpu.memref_slice %arg7[%add3A_108, %dma_wait3A] : memref<160x128xi32, #tpu.memory_space<vmem>> -> memref<1x128xi32, #tpu.memory_space<vmem>>
        %dma_wait3A_110 = tpu.memref_squeeze %dma_wait3A_109 : memref<1x128xi32, #tpu.memory_space<vmem>> -> memref<128xi32, #tpu.memory_space<vmem>>
        %dma_wait3A_111 = arith.constant 0 : i32
        %dma_wait3A_112 = arith.constant 0 : i32
        %dma_wait3A_113 = tpu.memref_slice %arg4[%dma_wait3A_111, %dma_wait3A_112] : memref<10240x16xf32, #tpu.memory_space<hbm>> -> memref<10240x16xf32, #tpu.memory_space<hbm>>
        tpu.wait_indirect_dma semaphore(%arg18 : memref<!tpu.dma_semaphore, #tpu.memory_space<semaphore_mem>>) src(%dma_wait3A_113 : memref<10240x16xf32, #tpu.memory_space<hbm>>) dst(%arg9 : memref<128x16xf32, #tpu.memory_space<vmem>>)
        %add3A_114 = arith.constant 0 : i32
        %add3A_115 = arith.addi %mul3A_106, %add3A_114 : i32
        %dma_start3A_116 = arith.constant 0 : i32
        %dma_start3A_117 = tpu.memref_slice %arg8[%add3A_115, %dma_start3A_116] : memref<160x128xi32, #tpu.memory_space<vmem>> -> memref<1x128xi32, #tpu.memory_space<vmem>>
        %dma_start3A_118 = tpu.memref_squeeze %dma_start3A_117 : memref<1x128xi32, #tpu.memory_space<vmem>> -> memref<128xi32, #tpu.memory_space<vmem>>
        %dma_start3A_119 = arith.constant 0 : i32
        %dma_start3A_120 = arith.constant 0 : i32
        %dma_start3A_121 = tpu.memref_slice %arg17[%dma_start3A_119, %dma_start3A_120] : memref<10240x16xf32, #tpu.memory_space<vmem_shared>> -> memref<10240x16xf32, #tpu.memory_space<vmem_shared>>
        tpu.enqueue_indirect_dma source(%arg9 : memref<128x16xf32, #tpu.memory_space<vmem>>) target(%dma_start3A_121 : memref<10240x16xf32, #tpu.memory_space<vmem_shared>>) offsets(%dma_start3A_118 : memref<128xi32, #tpu.memory_space<vmem>>) semaphore(%arg26 : memref<!tpu.dma_semaphore, #tpu.memory_space<semaphore_mem>>) {add = true}
        %add3A_122 = arith.constant 1 : i32
        %add3A_123 = arith.addi %mul3A_106, %add3A_122 : i32
        %dma_wait3A_124 = arith.constant 0 : i32
        %dma_wait3A_125 = tpu.memref_slice %arg7[%add3A_123, %dma_wait3A_124] : memref<160x128xi32, #tpu.memory_space<vmem>> -> memref<1x128xi32, #tpu.memory_space<vmem>>
        %dma_wait3A_126 = tpu.memref_squeeze %dma_wait3A_125 : memref<1x128xi32, #tpu.memory_space<vmem>> -> memref<128xi32, #tpu.memory_space<vmem>>
        %dma_wait3A_127 = arith.constant 0 : i32
        %dma_wait3A_128 = arith.constant 0 : i32
        %dma_wait3A_129 = tpu.memref_slice %arg4[%dma_wait3A_127, %dma_wait3A_128] : memref<10240x16xf32, #tpu.memory_space<hbm>> -> memref<10240x16xf32, #tpu.memory_space<hbm>>
        tpu.wait_indirect_dma semaphore(%arg19 : memref<!tpu.dma_semaphore, #tpu.memory_space<semaphore_mem>>) src(%dma_wait3A_129 : memref<10240x16xf32, #tpu.memory_space<hbm>>) dst(%arg10 : memref<128x16xf32, #tpu.memory_space<vmem>>)
        %add3A_130 = arith.constant 1 : i32
        %add3A_131 = arith.addi %mul3A_106, %add3A_130 : i32
        %dma_start3A_132 = arith.constant 0 : i32
        %dma_start3A_133 = tpu.memref_slice %arg8[%add3A_131, %dma_start3A_132] : memref<160x128xi32, #tpu.memory_space<vmem>> -> memref<1x128xi32, #tpu.memory_space<vmem>>
        %dma_start3A_134 = tpu.memref_squeeze %dma_start3A_133 : memref<1x128xi32, #tpu.memory_space<vmem>> -> memref<128xi32, #tpu.memory_space<vmem>>
        %dma_start3A_135 = arith.constant 0 : i32
        %dma_start3A_136 = arith.constant 0 : i32
        %dma_start3A_137 = tpu.memref_slice %arg17[%dma_start3A_135, %dma_start3A_136] : memref<10240x16xf32, #tpu.memory_space<vmem_shared>> -> memref<10240x16xf32, #tpu.memory_space<vmem_shared>>
        tpu.enqueue_indirect_dma source(%arg10 : memref<128x16xf32, #tpu.memory_space<vmem>>) target(%dma_start3A_137 : memref<10240x16xf32, #tpu.memory_space<vmem_shared>>) offsets(%dma_start3A_134 : memref<128xi32, #tpu.memory_space<vmem>>) semaphore(%arg27 : memref<!tpu.dma_semaphore, #tpu.memory_space<semaphore_mem>>) {add = true}
        %add3A_138 = arith.constant 2 : i32
        %add3A_139 = arith.addi %mul3A_106, %add3A_138 : i32
        %dma_wait3A_140 = arith.constant 0 : i32
        %dma_wait3A_141 = tpu.memref_slice %arg7[%add3A_139, %dma_wait3A_140] : memref<160x128xi32, #tpu.memory_space<vmem>> -> memref<1x128xi32, #tpu.memory_space<vmem>>
        %dma_wait3A_142 = tpu.memref_squeeze %dma_wait3A_141 : memref<1x128xi32, #tpu.memory_space<vmem>> -> memref<128xi32, #tpu.memory_space<vmem>>
        %dma_wait3A_143 = arith.constant 0 : i32
        %dma_wait3A_144 = arith.constant 0 : i32
        %dma_wait3A_145 = tpu.memref_slice %arg4[%dma_wait3A_143, %dma_wait3A_144] : memref<10240x16xf32, #tpu.memory_space<hbm>> -> memref<10240x16xf32, #tpu.memory_space<hbm>>
        tpu.wait_indirect_dma semaphore(%arg20 : memref<!tpu.dma_semaphore, #tpu.memory_space<semaphore_mem>>) src(%dma_wait3A_145 : memref<10240x16xf32, #tpu.memory_space<hbm>>) dst(%arg11 : memref<128x16xf32, #tpu.memory_space<vmem>>)
        %add3A_146 = arith.constant 2 : i32
        %add3A_147 = arith.addi %mul3A_106, %add3A_146 : i32
        %dma_start3A_148 = arith.constant 0 : i32
        %dma_start3A_149 = tpu.memref_slice %arg8[%add3A_147, %dma_start3A_148] : memref<160x128xi32, #tpu.memory_space<vmem>> -> memref<1x128xi32, #tpu.memory_space<vmem>>
        %dma_start3A_150 = tpu.memref_squeeze %dma_start3A_149 : memref<1x128xi32, #tpu.memory_space<vmem>> -> memref<128xi32, #tpu.memory_space<vmem>>
        %dma_start3A_151 = arith.constant 0 : i32
        %dma_start3A_152 = arith.constant 0 : i32
        %dma_start3A_153 = tpu.memref_slice %arg17[%dma_start3A_151, %dma_start3A_152] : memref<10240x16xf32, #tpu.memory_space<vmem_shared>> -> memref<10240x16xf32, #tpu.memory_space<vmem_shared>>
        tpu.enqueue_indirect_dma source(%arg11 : memref<128x16xf32, #tpu.memory_space<vmem>>) target(%dma_start3A_153 : memref<10240x16xf32, #tpu.memory_space<vmem_shared>>) offsets(%dma_start3A_150 : memref<128xi32, #tpu.memory_space<vmem>>) semaphore(%arg28 : memref<!tpu.dma_semaphore, #tpu.memory_space<semaphore_mem>>) {add = true}
        %add3A_154 = arith.constant 3 : i32
        %add3A_155 = arith.addi %mul3A_106, %add3A_154 : i32
        %dma_wait3A_156 = arith.constant 0 : i32
        %dma_wait3A_157 = tpu.memref_slice %arg7[%add3A_155, %dma_wait3A_156] : memref<160x128xi32, #tpu.memory_space<vmem>> -> memref<1x128xi32, #tpu.memory_space<vmem>>
        %dma_wait3A_158 = tpu.memref_squeeze %dma_wait3A_157 : memref<1x128xi32, #tpu.memory_space<vmem>> -> memref<128xi32, #tpu.memory_space<vmem>>
        %dma_wait3A_159 = arith.constant 0 : i32
        %dma_wait3A_160 = arith.constant 0 : i32
        %dma_wait3A_161 = tpu.memref_slice %arg4[%dma_wait3A_159, %dma_wait3A_160] : memref<10240x16xf32, #tpu.memory_space<hbm>> -> memref<10240x16xf32, #tpu.memory_space<hbm>>
        tpu.wait_indirect_dma semaphore(%arg21 : memref<!tpu.dma_semaphore, #tpu.memory_space<semaphore_mem>>) src(%dma_wait3A_161 : memref<10240x16xf32, #tpu.memory_space<hbm>>) dst(%arg12 : memref<128x16xf32, #tpu.memory_space<vmem>>)
        %add3A_162 = arith.constant 3 : i32
        %add3A_163 = arith.addi %mul3A_106, %add3A_162 : i32
        %dma_start3A_164 = arith.constant 0 : i32
        %dma_start3A_165 = tpu.memref_slice %arg8[%add3A_163, %dma_start3A_164] : memref<160x128xi32, #tpu.memory_space<vmem>> -> memref<1x128xi32, #tpu.memory_space<vmem>>
        %dma_start3A_166 = tpu.memref_squeeze %dma_start3A_165 : memref<1x128xi32, #tpu.memory_space<vmem>> -> memref<128xi32, #tpu.memory_space<vmem>>
        %dma_start3A_167 = arith.constant 0 : i32
        %dma_start3A_168 = arith.constant 0 : i32
        %dma_start3A_169 = tpu.memref_slice %arg17[%dma_start3A_167, %dma_start3A_168] : memref<10240x16xf32, #tpu.memory_space<vmem_shared>> -> memref<10240x16xf32, #tpu.memory_space<vmem_shared>>
        tpu.enqueue_indirect_dma source(%arg12 : memref<128x16xf32, #tpu.memory_space<vmem>>) target(%dma_start3A_169 : memref<10240x16xf32, #tpu.memory_space<vmem_shared>>) offsets(%dma_start3A_166 : memref<128xi32, #tpu.memory_space<vmem>>) semaphore(%arg29 : memref<!tpu.dma_semaphore, #tpu.memory_space<semaphore_mem>>) {add = true}
        %add3A_170 = arith.constant 4 : i32
        %add3A_171 = arith.addi %mul3A_106, %add3A_170 : i32
        %dma_wait3A_172 = arith.constant 0 : i32
        %dma_wait3A_173 = tpu.memref_slice %arg7[%add3A_171, %dma_wait3A_172] : memref<160x128xi32, #tpu.memory_space<vmem>> -> memref<1x128xi32, #tpu.memory_space<vmem>>
        %dma_wait3A_174 = tpu.memref_squeeze %dma_wait3A_173 : memref<1x128xi32, #tpu.memory_space<vmem>> -> memref<128xi32, #tpu.memory_space<vmem>>
        %dma_wait3A_175 = arith.constant 0 : i32
        %dma_wait3A_176 = arith.constant 0 : i32
        %dma_wait3A_177 = tpu.memref_slice %arg4[%dma_wait3A_175, %dma_wait3A_176] : memref<10240x16xf32, #tpu.memory_space<hbm>> -> memref<10240x16xf32, #tpu.memory_space<hbm>>
        tpu.wait_indirect_dma semaphore(%arg22 : memref<!tpu.dma_semaphore, #tpu.memory_space<semaphore_mem>>) src(%dma_wait3A_177 : memref<10240x16xf32, #tpu.memory_space<hbm>>) dst(%arg13 : memref<128x16xf32, #tpu.memory_space<vmem>>)
        %add3A_178 = arith.constant 4 : i32
        %add3A_179 = arith.addi %mul3A_106, %add3A_178 : i32
        %dma_start3A_180 = arith.constant 0 : i32
        %dma_start3A_181 = tpu.memref_slice %arg8[%add3A_179, %dma_start3A_180] : memref<160x128xi32, #tpu.memory_space<vmem>> -> memref<1x128xi32, #tpu.memory_space<vmem>>
        %dma_start3A_182 = tpu.memref_squeeze %dma_start3A_181 : memref<1x128xi32, #tpu.memory_space<vmem>> -> memref<128xi32, #tpu.memory_space<vmem>>
        %dma_start3A_183 = arith.constant 0 : i32
        %dma_start3A_184 = arith.constant 0 : i32
        %dma_start3A_185 = tpu.memref_slice %arg17[%dma_start3A_183, %dma_start3A_184] : memref<10240x16xf32, #tpu.memory_space<vmem_shared>> -> memref<10240x16xf32, #tpu.memory_space<vmem_shared>>
        tpu.enqueue_indirect_dma source(%arg13 : memref<128x16xf32, #tpu.memory_space<vmem>>) target(%dma_start3A_185 : memref<10240x16xf32, #tpu.memory_space<vmem_shared>>) offsets(%dma_start3A_182 : memref<128xi32, #tpu.memory_space<vmem>>) semaphore(%arg30 : memref<!tpu.dma_semaphore, #tpu.memory_space<semaphore_mem>>) {add = true}
        %add3A_186 = arith.constant 5 : i32
        %add3A_187 = arith.addi %mul3A_106, %add3A_186 : i32
        %dma_wait3A_188 = arith.constant 0 : i32
        %dma_wait3A_189 = tpu.memref_slice %arg7[%add3A_187, %dma_wait3A_188] : memref<160x128xi32, #tpu.memory_space<vmem>> -> memref<1x128xi32, #tpu.memory_space<vmem>>
        %dma_wait3A_190 = tpu.memref_squeeze %dma_wait3A_189 : memref<1x128xi32, #tpu.memory_space<vmem>> -> memref<128xi32, #tpu.memory_space<vmem>>
        %dma_wait3A_191 = arith.constant 0 : i32
        %dma_wait3A_192 = arith.constant 0 : i32
        %dma_wait3A_193 = tpu.memref_slice %arg4[%dma_wait3A_191, %dma_wait3A_192] : memref<10240x16xf32, #tpu.memory_space<hbm>> -> memref<10240x16xf32, #tpu.memory_space<hbm>>
        tpu.wait_indirect_dma semaphore(%arg23 : memref<!tpu.dma_semaphore, #tpu.memory_space<semaphore_mem>>) src(%dma_wait3A_193 : memref<10240x16xf32, #tpu.memory_space<hbm>>) dst(%arg14 : memref<128x16xf32, #tpu.memory_space<vmem>>)
        %add3A_194 = arith.constant 5 : i32
        %add3A_195 = arith.addi %mul3A_106, %add3A_194 : i32
        %dma_start3A_196 = arith.constant 0 : i32
        %dma_start3A_197 = tpu.memref_slice %arg8[%add3A_195, %dma_start3A_196] : memref<160x128xi32, #tpu.memory_space<vmem>> -> memref<1x128xi32, #tpu.memory_space<vmem>>
        %dma_start3A_198 = tpu.memref_squeeze %dma_start3A_197 : memref<1x128xi32, #tpu.memory_space<vmem>> -> memref<128xi32, #tpu.memory_space<vmem>>
        %dma_start3A_199 = arith.constant 0 : i32
        %dma_start3A_200 = arith.constant 0 : i32
        %dma_start3A_201 = tpu.memref_slice %arg17[%dma_start3A_199, %dma_start3A_200] : memref<10240x16xf32, #tpu.memory_space<vmem_shared>> -> memref<10240x16xf32, #tpu.memory_space<vmem_shared>>
        tpu.enqueue_indirect_dma source(%arg14 : memref<128x16xf32, #tpu.memory_space<vmem>>) target(%dma_start3A_201 : memref<10240x16xf32, #tpu.memory_space<vmem_shared>>) offsets(%dma_start3A_198 : memref<128xi32, #tpu.memory_space<vmem>>) semaphore(%arg31 : memref<!tpu.dma_semaphore, #tpu.memory_space<semaphore_mem>>) {add = true}
        %add3A_202 = arith.constant 6 : i32
        %add3A_203 = arith.addi %mul3A_106, %add3A_202 : i32
        %dma_wait3A_204 = arith.constant 0 : i32
        %dma_wait3A_205 = tpu.memref_slice %arg7[%add3A_203, %dma_wait3A_204] : memref<160x128xi32, #tpu.memory_space<vmem>> -> memref<1x128xi32, #tpu.memory_space<vmem>>
        %dma_wait3A_206 = tpu.memref_squeeze %dma_wait3A_205 : memref<1x128xi32, #tpu.memory_space<vmem>> -> memref<128xi32, #tpu.memory_space<vmem>>
        %dma_wait3A_207 = arith.constant 0 : i32
        %dma_wait3A_208 = arith.constant 0 : i32
        %dma_wait3A_209 = tpu.memref_slice %arg4[%dma_wait3A_207, %dma_wait3A_208] : memref<10240x16xf32, #tpu.memory_space<hbm>> -> memref<10240x16xf32, #tpu.memory_space<hbm>>
        tpu.wait_indirect_dma semaphore(%arg24 : memref<!tpu.dma_semaphore, #tpu.memory_space<semaphore_mem>>) src(%dma_wait3A_209 : memref<10240x16xf32, #tpu.memory_space<hbm>>) dst(%arg15 : memref<128x16xf32, #tpu.memory_space<vmem>>)
        %add3A_210 = arith.constant 6 : i32
        %add3A_211 = arith.addi %mul3A_106, %add3A_210 : i32
        %dma_start3A_212 = arith.constant 0 : i32
        %dma_start3A_213 = tpu.memref_slice %arg8[%add3A_211, %dma_start3A_212] : memref<160x128xi32, #tpu.memory_space<vmem>> -> memref<1x128xi32, #tpu.memory_space<vmem>>
        %dma_start3A_214 = tpu.memref_squeeze %dma_start3A_213 : memref<1x128xi32, #tpu.memory_space<vmem>> -> memref<128xi32, #tpu.memory_space<vmem>>
        %dma_start3A_215 = arith.constant 0 : i32
        %dma_start3A_216 = arith.constant 0 : i32
        %dma_start3A_217 = tpu.memref_slice %arg17[%dma_start3A_215, %dma_start3A_216] : memref<10240x16xf32, #tpu.memory_space<vmem_shared>> -> memref<10240x16xf32, #tpu.memory_space<vmem_shared>>
        tpu.enqueue_indirect_dma source(%arg15 : memref<128x16xf32, #tpu.memory_space<vmem>>) target(%dma_start3A_217 : memref<10240x16xf32, #tpu.memory_space<vmem_shared>>) offsets(%dma_start3A_214 : memref<128xi32, #tpu.memory_space<vmem>>) semaphore(%arg32 : memref<!tpu.dma_semaphore, #tpu.memory_space<semaphore_mem>>) {add = true}
        %add3A_218 = arith.constant 7 : i32
        %add3A_219 = arith.addi %mul3A_106, %add3A_218 : i32
        %dma_wait3A_220 = arith.constant 0 : i32
        %dma_wait3A_221 = tpu.memref_slice %arg7[%add3A_219, %dma_wait3A_220] : memref<160x128xi32, #tpu.memory_space<vmem>> -> memref<1x128xi32, #tpu.memory_space<vmem>>
        %dma_wait3A_222 = tpu.memref_squeeze %dma_wait3A_221 : memref<1x128xi32, #tpu.memory_space<vmem>> -> memref<128xi32, #tpu.memory_space<vmem>>
        %dma_wait3A_223 = arith.constant 0 : i32
        %dma_wait3A_224 = arith.constant 0 : i32
        %dma_wait3A_225 = tpu.memref_slice %arg4[%dma_wait3A_223, %dma_wait3A_224] : memref<10240x16xf32, #tpu.memory_space<hbm>> -> memref<10240x16xf32, #tpu.memory_space<hbm>>
        tpu.wait_indirect_dma semaphore(%arg25 : memref<!tpu.dma_semaphore, #tpu.memory_space<semaphore_mem>>) src(%dma_wait3A_225 : memref<10240x16xf32, #tpu.memory_space<hbm>>) dst(%arg16 : memref<128x16xf32, #tpu.memory_space<vmem>>)
        %add3A_226 = arith.constant 7 : i32
        %add3A_227 = arith.addi %mul3A_106, %add3A_226 : i32
        %dma_start3A_228 = arith.constant 0 : i32
        %dma_start3A_229 = tpu.memref_slice %arg8[%add3A_227, %dma_start3A_228] : memref<160x128xi32, #tpu.memory_space<vmem>> -> memref<1x128xi32, #tpu.memory_space<vmem>>
        %dma_start3A_230 = tpu.memref_squeeze %dma_start3A_229 : memref<1x128xi32, #tpu.memory_space<vmem>> -> memref<128xi32, #tpu.memory_space<vmem>>
        %dma_start3A_231 = arith.constant 0 : i32
        %dma_start3A_232 = arith.constant 0 : i32
        %dma_start3A_233 = tpu.memref_slice %arg17[%dma_start3A_231, %dma_start3A_232] : memref<10240x16xf32, #tpu.memory_space<vmem_shared>> -> memref<10240x16xf32, #tpu.memory_space<vmem_shared>>
        tpu.enqueue_indirect_dma source(%arg16 : memref<128x16xf32, #tpu.memory_space<vmem>>) target(%dma_start3A_233 : memref<10240x16xf32, #tpu.memory_space<vmem_shared>>) offsets(%dma_start3A_230 : memref<128xi32, #tpu.memory_space<vmem>>) semaphore(%arg33 : memref<!tpu.dma_semaphore, #tpu.memory_space<semaphore_mem>>) {add = true}
        %add3A_234 = arith.constant 8 : i32
        %add3A_235 = arith.addi %mul3A_106, %add3A_234 : i32
        %add3A_236 = arith.constant 0 : i32
        %add3A_237 = arith.addi %add3A_235, %add3A_236 : i32
        %add3A_238 = arith.constant 0 : i32
        %add3A_239 = arith.addi %mul3A_106, %add3A_238 : i32
        %dma_wait3A_240 = arith.constant 0 : i32
        %dma_wait3A_241 = tpu.memref_slice %arg8[%add3A_239, %dma_wait3A_240] : memref<160x128xi32, #tpu.memory_space<vmem>> -> memref<1x128xi32, #tpu.memory_space<vmem>>
        %dma_wait3A_242 = tpu.memref_squeeze %dma_wait3A_241 : memref<1x128xi32, #tpu.memory_space<vmem>> -> memref<128xi32, #tpu.memory_space<vmem>>
        %dma_wait3A_243 = arith.constant 0 : i32
        %dma_wait3A_244 = arith.constant 0 : i32
        %dma_wait3A_245 = tpu.memref_slice %arg17[%dma_wait3A_243, %dma_wait3A_244] : memref<10240x16xf32, #tpu.memory_space<vmem_shared>> -> memref<10240x16xf32, #tpu.memory_space<vmem_shared>>
        tpu.wait_indirect_dma semaphore(%arg26 : memref<!tpu.dma_semaphore, #tpu.memory_space<semaphore_mem>>) src(%arg9 : memref<128x16xf32, #tpu.memory_space<vmem>>) dst(%dma_wait3A_245 : memref<10240x16xf32, #tpu.memory_space<vmem_shared>>)
        %lt3A = arith.constant 160 : i32
        %lt3A_246 = arith.cmpi slt, %add3A_237, %lt3A : i32
        %convert_element_type3A_247 = arith.extui %lt3A_246 : i1 to i32
        %cond3A_248 = arith.constant 0 : i32
        %cond3A_249 = arith.cmpi ne, %convert_element_type3A_247, %cond3A_248 : i32
        scf.if %cond3A_249 {
          %dma_start3A_370 = arith.constant 0 : i32
          %dma_start3A_371 = tpu.memref_slice %arg7[%add3A_237, %dma_start3A_370] : memref<160x128xi32, #tpu.memory_space<vmem>> -> memref<1x128xi32, #tpu.memory_space<vmem>>
          %dma_start3A_372 = tpu.memref_squeeze %dma_start3A_371 : memref<1x128xi32, #tpu.memory_space<vmem>> -> memref<128xi32, #tpu.memory_space<vmem>>
          %dma_start3A_373 = arith.constant 0 : i32
          %dma_start3A_374 = arith.constant 0 : i32
          %dma_start3A_375 = tpu.memref_slice %arg4[%dma_start3A_373, %dma_start3A_374] : memref<10240x16xf32, #tpu.memory_space<hbm>> -> memref<10240x16xf32, #tpu.memory_space<hbm>>
          tpu.enqueue_indirect_dma source(%dma_start3A_375 : memref<10240x16xf32, #tpu.memory_space<hbm>>) target(%arg9 : memref<128x16xf32, #tpu.memory_space<vmem>>) offsets(%dma_start3A_372 : memref<128xi32, #tpu.memory_space<vmem>>) semaphore(%arg18 : memref<!tpu.dma_semaphore, #tpu.memory_space<semaphore_mem>>)
        } else {
        }
        %add3A_250 = arith.constant 8 : i32
        %add3A_251 = arith.addi %mul3A_106, %add3A_250 : i32
        %add3A_252 = arith.constant 1 : i32
        %add3A_253 = arith.addi %add3A_251, %add3A_252 : i32
        %add3A_254 = arith.constant 1 : i32
        %add3A_255 = arith.addi %mul3A_106, %add3A_254 : i32
        %dma_wait3A_256 = arith.constant 0 : i32
        %dma_wait3A_257 = tpu.memref_slice %arg8[%add3A_255, %dma_wait3A_256] : memref<160x128xi32, #tpu.memory_space<vmem>> -> memref<1x128xi32, #tpu.memory_space<vmem>>
        %dma_wait3A_258 = tpu.memref_squeeze %dma_wait3A_257 : memref<1x128xi32, #tpu.memory_space<vmem>> -> memref<128xi32, #tpu.memory_space<vmem>>
        %dma_wait3A_259 = arith.constant 0 : i32
        %dma_wait3A_260 = arith.constant 0 : i32
        %dma_wait3A_261 = tpu.memref_slice %arg17[%dma_wait3A_259, %dma_wait3A_260] : memref<10240x16xf32, #tpu.memory_space<vmem_shared>> -> memref<10240x16xf32, #tpu.memory_space<vmem_shared>>
        tpu.wait_indirect_dma semaphore(%arg27 : memref<!tpu.dma_semaphore, #tpu.memory_space<semaphore_mem>>) src(%arg10 : memref<128x16xf32, #tpu.memory_space<vmem>>) dst(%dma_wait3A_261 : memref<10240x16xf32, #tpu.memory_space<vmem_shared>>)
        %lt3A_262 = arith.constant 160 : i32
        %lt3A_263 = arith.cmpi slt, %add3A_253, %lt3A_262 : i32
        %convert_element_type3A_264 = arith.extui %lt3A_263 : i1 to i32
        %cond3A_265 = arith.constant 0 : i32
        %cond3A_266 = arith.cmpi ne, %convert_element_type3A_264, %cond3A_265 : i32
        scf.if %cond3A_266 {
          %dma_start3A_370 = arith.constant 0 : i32
          %dma_start3A_371 = tpu.memref_slice %arg7[%add3A_253, %dma_start3A_370] : memref<160x128xi32, #tpu.memory_space<vmem>> -> memref<1x128xi32, #tpu.memory_space<vmem>>
          %dma_start3A_372 = tpu.memref_squeeze %dma_start3A_371 : memref<1x128xi32, #tpu.memory_space<vmem>> -> memref<128xi32, #tpu.memory_space<vmem>>
          %dma_start3A_373 = arith.constant 0 : i32
          %dma_start3A_374 = arith.constant 0 : i32
          %dma_start3A_375 = tpu.memref_slice %arg4[%dma_start3A_373, %dma_start3A_374] : memref<10240x16xf32, #tpu.memory_space<hbm>> -> memref<10240x16xf32, #tpu.memory_space<hbm>>
          tpu.enqueue_indirect_dma source(%dma_start3A_375 : memref<10240x16xf32, #tpu.memory_space<hbm>>) target(%arg10 : memref<128x16xf32, #tpu.memory_space<vmem>>) offsets(%dma_start3A_372 : memref<128xi32, #tpu.memory_space<vmem>>) semaphore(%arg19 : memref<!tpu.dma_semaphore, #tpu.memory_space<semaphore_mem>>)
        } else {
        }
        %add3A_267 = arith.constant 8 : i32
        %add3A_268 = arith.addi %mul3A_106, %add3A_267 : i32
        %add3A_269 = arith.constant 2 : i32
        %add3A_270 = arith.addi %add3A_268, %add3A_269 : i32
        %add3A_271 = arith.constant 2 : i32
        %add3A_272 = arith.addi %mul3A_106, %add3A_271 : i32
        %dma_wait3A_273 = arith.constant 0 : i32
        %dma_wait3A_274 = tpu.memref_slice %arg8[%add3A_272, %dma_wait3A_273] : memref<160x128xi32, #tpu.memory_space<vmem>> -> memref<1x128xi32, #tpu.memory_space<vmem>>
        %dma_wait3A_275 = tpu.memref_squeeze %dma_wait3A_274 : memref<1x128xi32, #tpu.memory_space<vmem>> -> memref<128xi32, #tpu.memory_space<vmem>>
        %dma_wait3A_276 = arith.constant 0 : i32
        %dma_wait3A_277 = arith.constant 0 : i32
        %dma_wait3A_278 = tpu.memref_slice %arg17[%dma_wait3A_276, %dma_wait3A_277] : memref<10240x16xf32, #tpu.memory_space<vmem_shared>> -> memref<10240x16xf32, #tpu.memory_space<vmem_shared>>
        tpu.wait_indirect_dma semaphore(%arg28 : memref<!tpu.dma_semaphore, #tpu.memory_space<semaphore_mem>>) src(%arg11 : memref<128x16xf32, #tpu.memory_space<vmem>>) dst(%dma_wait3A_278 : memref<10240x16xf32, #tpu.memory_space<vmem_shared>>)
        %lt3A_279 = arith.constant 160 : i32
        %lt3A_280 = arith.cmpi slt, %add3A_270, %lt3A_279 : i32
        %convert_element_type3A_281 = arith.extui %lt3A_280 : i1 to i32
        %cond3A_282 = arith.constant 0 : i32
        %cond3A_283 = arith.cmpi ne, %convert_element_type3A_281, %cond3A_282 : i32
        scf.if %cond3A_283 {
          %dma_start3A_370 = arith.constant 0 : i32
          %dma_start3A_371 = tpu.memref_slice %arg7[%add3A_270, %dma_start3A_370] : memref<160x128xi32, #tpu.memory_space<vmem>> -> memref<1x128xi32, #tpu.memory_space<vmem>>
          %dma_start3A_372 = tpu.memref_squeeze %dma_start3A_371 : memref<1x128xi32, #tpu.memory_space<vmem>> -> memref<128xi32, #tpu.memory_space<vmem>>
          %dma_start3A_373 = arith.constant 0 : i32
          %dma_start3A_374 = arith.constant 0 : i32
          %dma_start3A_375 = tpu.memref_slice %arg4[%dma_start3A_373, %dma_start3A_374] : memref<10240x16xf32, #tpu.memory_space<hbm>> -> memref<10240x16xf32, #tpu.memory_space<hbm>>
          tpu.enqueue_indirect_dma source(%dma_start3A_375 : memref<10240x16xf32, #tpu.memory_space<hbm>>) target(%arg11 : memref<128x16xf32, #tpu.memory_space<vmem>>) offsets(%dma_start3A_372 : memref<128xi32, #tpu.memory_space<vmem>>) semaphore(%arg20 : memref<!tpu.dma_semaphore, #tpu.memory_space<semaphore_mem>>)
        } else {
        }
        %add3A_284 = arith.constant 8 : i32
        %add3A_285 = arith.addi %mul3A_106, %add3A_284 : i32
        %add3A_286 = arith.constant 3 : i32
        %add3A_287 = arith.addi %add3A_285, %add3A_286 : i32
        %add3A_288 = arith.constant 3 : i32
        %add3A_289 = arith.addi %mul3A_106, %add3A_288 : i32
        %dma_wait3A_290 = arith.constant 0 : i32
        %dma_wait3A_291 = tpu.memref_slice %arg8[%add3A_289, %dma_wait3A_290] : memref<160x128xi32, #tpu.memory_space<vmem>> -> memref<1x128xi32, #tpu.memory_space<vmem>>
        %dma_wait3A_292 = tpu.memref_squeeze %dma_wait3A_291 : memref<1x128xi32, #tpu.memory_space<vmem>> -> memref<128xi32, #tpu.memory_space<vmem>>
        %dma_wait3A_293 = arith.constant 0 : i32
        %dma_wait3A_294 = arith.constant 0 : i32
        %dma_wait3A_295 = tpu.memref_slice %arg17[%dma_wait3A_293, %dma_wait3A_294] : memref<10240x16xf32, #tpu.memory_space<vmem_shared>> -> memref<10240x16xf32, #tpu.memory_space<vmem_shared>>
        tpu.wait_indirect_dma semaphore(%arg29 : memref<!tpu.dma_semaphore, #tpu.memory_space<semaphore_mem>>) src(%arg12 : memref<128x16xf32, #tpu.memory_space<vmem>>) dst(%dma_wait3A_295 : memref<10240x16xf32, #tpu.memory_space<vmem_shared>>)
        %lt3A_296 = arith.constant 160 : i32
        %lt3A_297 = arith.cmpi slt, %add3A_287, %lt3A_296 : i32
        %convert_element_type3A_298 = arith.extui %lt3A_297 : i1 to i32
        %cond3A_299 = arith.constant 0 : i32
        %cond3A_300 = arith.cmpi ne, %convert_element_type3A_298, %cond3A_299 : i32
        scf.if %cond3A_300 {
          %dma_start3A_370 = arith.constant 0 : i32
          %dma_start3A_371 = tpu.memref_slice %arg7[%add3A_287, %dma_start3A_370] : memref<160x128xi32, #tpu.memory_space<vmem>> -> memref<1x128xi32, #tpu.memory_space<vmem>>
          %dma_start3A_372 = tpu.memref_squeeze %dma_start3A_371 : memref<1x128xi32, #tpu.memory_space<vmem>> -> memref<128xi32, #tpu.memory_space<vmem>>
          %dma_start3A_373 = arith.constant 0 : i32
          %dma_start3A_374 = arith.constant 0 : i32
          %dma_start3A_375 = tpu.memref_slice %arg4[%dma_start3A_373, %dma_start3A_374] : memref<10240x16xf32, #tpu.memory_space<hbm>> -> memref<10240x16xf32, #tpu.memory_space<hbm>>
          tpu.enqueue_indirect_dma source(%dma_start3A_375 : memref<10240x16xf32, #tpu.memory_space<hbm>>) target(%arg12 : memref<128x16xf32, #tpu.memory_space<vmem>>) offsets(%dma_start3A_372 : memref<128xi32, #tpu.memory_space<vmem>>) semaphore(%arg21 : memref<!tpu.dma_semaphore, #tpu.memory_space<semaphore_mem>>)
        } else {
        }
        %add3A_301 = arith.constant 8 : i32
        %add3A_302 = arith.addi %mul3A_106, %add3A_301 : i32
        %add3A_303 = arith.constant 4 : i32
        %add3A_304 = arith.addi %add3A_302, %add3A_303 : i32
        %add3A_305 = arith.constant 4 : i32
        %add3A_306 = arith.addi %mul3A_106, %add3A_305 : i32
        %dma_wait3A_307 = arith.constant 0 : i32
        %dma_wait3A_308 = tpu.memref_slice %arg8[%add3A_306, %dma_wait3A_307] : memref<160x128xi32, #tpu.memory_space<vmem>> -> memref<1x128xi32, #tpu.memory_space<vmem>>
        %dma_wait3A_309 = tpu.memref_squeeze %dma_wait3A_308 : memref<1x128xi32, #tpu.memory_space<vmem>> -> memref<128xi32, #tpu.memory_space<vmem>>
        %dma_wait3A_310 = arith.constant 0 : i32
        %dma_wait3A_311 = arith.constant 0 : i32
        %dma_wait3A_312 = tpu.memref_slice %arg17[%dma_wait3A_310, %dma_wait3A_311] : memref<10240x16xf32, #tpu.memory_space<vmem_shared>> -> memref<10240x16xf32, #tpu.memory_space<vmem_shared>>
        tpu.wait_indirect_dma semaphore(%arg30 : memref<!tpu.dma_semaphore, #tpu.memory_space<semaphore_mem>>) src(%arg13 : memref<128x16xf32, #tpu.memory_space<vmem>>) dst(%dma_wait3A_312 : memref<10240x16xf32, #tpu.memory_space<vmem_shared>>)
        %lt3A_313 = arith.constant 160 : i32
        %lt3A_314 = arith.cmpi slt, %add3A_304, %lt3A_313 : i32
        %convert_element_type3A_315 = arith.extui %lt3A_314 : i1 to i32
        %cond3A_316 = arith.constant 0 : i32
        %cond3A_317 = arith.cmpi ne, %convert_element_type3A_315, %cond3A_316 : i32
        scf.if %cond3A_317 {
          %dma_start3A_370 = arith.constant 0 : i32
          %dma_start3A_371 = tpu.memref_slice %arg7[%add3A_304, %dma_start3A_370] : memref<160x128xi32, #tpu.memory_space<vmem>> -> memref<1x128xi32, #tpu.memory_space<vmem>>
          %dma_start3A_372 = tpu.memref_squeeze %dma_start3A_371 : memref<1x128xi32, #tpu.memory_space<vmem>> -> memref<128xi32, #tpu.memory_space<vmem>>
          %dma_start3A_373 = arith.constant 0 : i32
          %dma_start3A_374 = arith.constant 0 : i32
          %dma_start3A_375 = tpu.memref_slice %arg4[%dma_start3A_373, %dma_start3A_374] : memref<10240x16xf32, #tpu.memory_space<hbm>> -> memref<10240x16xf32, #tpu.memory_space<hbm>>
          tpu.enqueue_indirect_dma source(%dma_start3A_375 : memref<10240x16xf32, #tpu.memory_space<hbm>>) target(%arg13 : memref<128x16xf32, #tpu.memory_space<vmem>>) offsets(%dma_start3A_372 : memref<128xi32, #tpu.memory_space<vmem>>) semaphore(%arg22 : memref<!tpu.dma_semaphore, #tpu.memory_space<semaphore_mem>>)
        } else {
        }
        %add3A_318 = arith.constant 8 : i32
        %add3A_319 = arith.addi %mul3A_106, %add3A_318 : i32
        %add3A_320 = arith.constant 5 : i32
        %add3A_321 = arith.addi %add3A_319, %add3A_320 : i32
        %add3A_322 = arith.constant 5 : i32
        %add3A_323 = arith.addi %mul3A_106, %add3A_322 : i32
        %dma_wait3A_324 = arith.constant 0 : i32
        %dma_wait3A_325 = tpu.memref_slice %arg8[%add3A_323, %dma_wait3A_324] : memref<160x128xi32, #tpu.memory_space<vmem>> -> memref<1x128xi32, #tpu.memory_space<vmem>>
        %dma_wait3A_326 = tpu.memref_squeeze %dma_wait3A_325 : memref<1x128xi32, #tpu.memory_space<vmem>> -> memref<128xi32, #tpu.memory_space<vmem>>
        %dma_wait3A_327 = arith.constant 0 : i32
        %dma_wait3A_328 = arith.constant 0 : i32
        %dma_wait3A_329 = tpu.memref_slice %arg17[%dma_wait3A_327, %dma_wait3A_328] : memref<10240x16xf32, #tpu.memory_space<vmem_shared>> -> memref<10240x16xf32, #tpu.memory_space<vmem_shared>>
        tpu.wait_indirect_dma semaphore(%arg31 : memref<!tpu.dma_semaphore, #tpu.memory_space<semaphore_mem>>) src(%arg14 : memref<128x16xf32, #tpu.memory_space<vmem>>) dst(%dma_wait3A_329 : memref<10240x16xf32, #tpu.memory_space<vmem_shared>>)
        %lt3A_330 = arith.constant 160 : i32
        %lt3A_331 = arith.cmpi slt, %add3A_321, %lt3A_330 : i32
        %convert_element_type3A_332 = arith.extui %lt3A_331 : i1 to i32
        %cond3A_333 = arith.constant 0 : i32
        %cond3A_334 = arith.cmpi ne, %convert_element_type3A_332, %cond3A_333 : i32
        scf.if %cond3A_334 {
          %dma_start3A_370 = arith.constant 0 : i32
          %dma_start3A_371 = tpu.memref_slice %arg7[%add3A_321, %dma_start3A_370] : memref<160x128xi32, #tpu.memory_space<vmem>> -> memref<1x128xi32, #tpu.memory_space<vmem>>
          %dma_start3A_372 = tpu.memref_squeeze %dma_start3A_371 : memref<1x128xi32, #tpu.memory_space<vmem>> -> memref<128xi32, #tpu.memory_space<vmem>>
          %dma_start3A_373 = arith.constant 0 : i32
          %dma_start3A_374 = arith.constant 0 : i32
          %dma_start3A_375 = tpu.memref_slice %arg4[%dma_start3A_373, %dma_start3A_374] : memref<10240x16xf32, #tpu.memory_space<hbm>> -> memref<10240x16xf32, #tpu.memory_space<hbm>>
          tpu.enqueue_indirect_dma source(%dma_start3A_375 : memref<10240x16xf32, #tpu.memory_space<hbm>>) target(%arg14 : memref<128x16xf32, #tpu.memory_space<vmem>>) offsets(%dma_start3A_372 : memref<128xi32, #tpu.memory_space<vmem>>) semaphore(%arg23 : memref<!tpu.dma_semaphore, #tpu.memory_space<semaphore_mem>>)
        } else {
        }
        %add3A_335 = arith.constant 8 : i32
        %add3A_336 = arith.addi %mul3A_106, %add3A_335 : i32
        %add3A_337 = arith.constant 6 : i32
        %add3A_338 = arith.addi %add3A_336, %add3A_337 : i32
        %add3A_339 = arith.constant 6 : i32
        %add3A_340 = arith.addi %mul3A_106, %add3A_339 : i32
        %dma_wait3A_341 = arith.constant 0 : i32
        %dma_wait3A_342 = tpu.memref_slice %arg8[%add3A_340, %dma_wait3A_341] : memref<160x128xi32, #tpu.memory_space<vmem>> -> memref<1x128xi32, #tpu.memory_space<vmem>>
        %dma_wait3A_343 = tpu.memref_squeeze %dma_wait3A_342 : memref<1x128xi32, #tpu.memory_space<vmem>> -> memref<128xi32, #tpu.memory_space<vmem>>
        %dma_wait3A_344 = arith.constant 0 : i32
        %dma_wait3A_345 = arith.constant 0 : i32
        %dma_wait3A_346 = tpu.memref_slice %arg17[%dma_wait3A_344, %dma_wait3A_345] : memref<10240x16xf32, #tpu.memory_space<vmem_shared>> -> memref<10240x16xf32, #tpu.memory_space<vmem_shared>>
        tpu.wait_indirect_dma semaphore(%arg32 : memref<!tpu.dma_semaphore, #tpu.memory_space<semaphore_mem>>) src(%arg15 : memref<128x16xf32, #tpu.memory_space<vmem>>) dst(%dma_wait3A_346 : memref<10240x16xf32, #tpu.memory_space<vmem_shared>>)
        %lt3A_347 = arith.constant 160 : i32
        %lt3A_348 = arith.cmpi slt, %add3A_338, %lt3A_347 : i32
        %convert_element_type3A_349 = arith.extui %lt3A_348 : i1 to i32
        %cond3A_350 = arith.constant 0 : i32
        %cond3A_351 = arith.cmpi ne, %convert_element_type3A_349, %cond3A_350 : i32
        scf.if %cond3A_351 {
          %dma_start3A_370 = arith.constant 0 : i32
          %dma_start3A_371 = tpu.memref_slice %arg7[%add3A_338, %dma_start3A_370] : memref<160x128xi32, #tpu.memory_space<vmem>> -> memref<1x128xi32, #tpu.memory_space<vmem>>
          %dma_start3A_372 = tpu.memref_squeeze %dma_start3A_371 : memref<1x128xi32, #tpu.memory_space<vmem>> -> memref<128xi32, #tpu.memory_space<vmem>>
          %dma_start3A_373 = arith.constant 0 : i32
          %dma_start3A_374 = arith.constant 0 : i32
          %dma_start3A_375 = tpu.memref_slice %arg4[%dma_start3A_373, %dma_start3A_374] : memref<10240x16xf32, #tpu.memory_space<hbm>> -> memref<10240x16xf32, #tpu.memory_space<hbm>>
          tpu.enqueue_indirect_dma source(%dma_start3A_375 : memref<10240x16xf32, #tpu.memory_space<hbm>>) target(%arg15 : memref<128x16xf32, #tpu.memory_space<vmem>>) offsets(%dma_start3A_372 : memref<128xi32, #tpu.memory_space<vmem>>) semaphore(%arg24 : memref<!tpu.dma_semaphore, #tpu.memory_space<semaphore_mem>>)
        } else {
        }
        %add3A_352 = arith.constant 8 : i32
        %add3A_353 = arith.addi %mul3A_106, %add3A_352 : i32
        %add3A_354 = arith.constant 7 : i32
        %add3A_355 = arith.addi %add3A_353, %add3A_354 : i32
        %add3A_356 = arith.constant 7 : i32
        %add3A_357 = arith.addi %mul3A_106, %add3A_356 : i32
        %dma_wait3A_358 = arith.constant 0 : i32
        %dma_wait3A_359 = tpu.memref_slice %arg8[%add3A_357, %dma_wait3A_358] : memref<160x128xi32, #tpu.memory_space<vmem>> -> memref<1x128xi32, #tpu.memory_space<vmem>>
        %dma_wait3A_360 = tpu.memref_squeeze %dma_wait3A_359 : memref<1x128xi32, #tpu.memory_space<vmem>> -> memref<128xi32, #tpu.memory_space<vmem>>
        %dma_wait3A_361 = arith.constant 0 : i32
        %dma_wait3A_362 = arith.constant 0 : i32
        %dma_wait3A_363 = tpu.memref_slice %arg17[%dma_wait3A_361, %dma_wait3A_362] : memref<10240x16xf32, #tpu.memory_space<vmem_shared>> -> memref<10240x16xf32, #tpu.memory_space<vmem_shared>>
        tpu.wait_indirect_dma semaphore(%arg33 : memref<!tpu.dma_semaphore, #tpu.memory_space<semaphore_mem>>) src(%arg16 : memref<128x16xf32, #tpu.memory_space<vmem>>) dst(%dma_wait3A_363 : memref<10240x16xf32, #tpu.memory_space<vmem_shared>>)
        %lt3A_364 = arith.constant 160 : i32
        %lt3A_365 = arith.cmpi slt, %add3A_355, %lt3A_364 : i32
        %convert_element_type3A_366 = arith.extui %lt3A_365 : i1 to i32
        %cond3A_367 = arith.constant 0 : i32
        %cond3A_368 = arith.cmpi ne, %convert_element_type3A_366, %cond3A_367 : i32
        scf.if %cond3A_368 {
          %dma_start3A_370 = arith.constant 0 : i32
          %dma_start3A_371 = tpu.memref_slice %arg7[%add3A_355, %dma_start3A_370] : memref<160x128xi32, #tpu.memory_space<vmem>> -> memref<1x128xi32, #tpu.memory_space<vmem>>
          %dma_start3A_372 = tpu.memref_squeeze %dma_start3A_371 : memref<1x128xi32, #tpu.memory_space<vmem>> -> memref<128xi32, #tpu.memory_space<vmem>>
          %dma_start3A_373 = arith.constant 0 : i32
          %dma_start3A_374 = arith.constant 0 : i32
          %dma_start3A_375 = tpu.memref_slice %arg4[%dma_start3A_373, %dma_start3A_374] : memref<10240x16xf32, #tpu.memory_space<hbm>> -> memref<10240x16xf32, #tpu.memory_space<hbm>>
          tpu.enqueue_indirect_dma source(%dma_start3A_375 : memref<10240x16xf32, #tpu.memory_space<hbm>>) target(%arg16 : memref<128x16xf32, #tpu.memory_space<vmem>>) offsets(%dma_start3A_372 : memref<128xi32, #tpu.memory_space<vmem>>) semaphore(%arg25 : memref<!tpu.dma_semaphore, #tpu.memory_space<semaphore_mem>>)
        } else {
        }
        %scan3A_369 = arith.constant 0 : i32
        scf.yield %scan3A_369 : i32
      }
      %scan3A_102 = arith.constant 20 : i32
    } else {
    }
    %eq3A_31 = arith.constant 1 : i32
    %eq3A_32 = arith.cmpi eq, %arg0, %eq3A_31 : i32
    %convert_element_type3A_33 = arith.extui %eq3A_32 : i1 to i32
    %cond3A_34 = arith.constant 0 : i32
    %cond3A_35 = arith.cmpi ne, %convert_element_type3A_33, %cond3A_34 : i32
    scf.if %cond3A_35 {
      %dma_start3A = arith.constant 0 : i32
      %dma_start3A_41 = arith.constant 0 : i32
      %dma_start3A_42 = tpu.memref_slice %arg7[%dma_start3A, %dma_start3A_41] : memref<160x128xi32, #tpu.memory_space<vmem>> -> memref<1x128xi32, #tpu.memory_space<vmem>>
      %dma_start3A_43 = tpu.memref_squeeze %dma_start3A_42 : memref<1x128xi32, #tpu.memory_space<vmem>> -> memref<128xi32, #tpu.memory_space<vmem>>
      %dma_start3A_44 = arith.constant 0 : i32
      %dma_start3A_45 = arith.constant 0 : i32
      %dma_start3A_46 = tpu.memref_slice %arg5[%dma_start3A_44, %dma_start3A_45] : memref<10240x16xf32, #tpu.memory_space<hbm>> -> memref<10240x16xf32, #tpu.memory_space<hbm>>
      tpu.enqueue_indirect_dma source(%dma_start3A_46 : memref<10240x16xf32, #tpu.memory_space<hbm>>) target(%arg9 : memref<128x16xf32, #tpu.memory_space<vmem>>) offsets(%dma_start3A_43 : memref<128xi32, #tpu.memory_space<vmem>>) semaphore(%arg18 : memref<!tpu.dma_semaphore, #tpu.memory_space<semaphore_mem>>)
      %dma_start3A_47 = arith.constant 1 : i32
      %dma_start3A_48 = arith.constant 0 : i32
      %dma_start3A_49 = tpu.memref_slice %arg7[%dma_start3A_47, %dma_start3A_48] : memref<160x128xi32, #tpu.memory_space<vmem>> -> memref<1x128xi32, #tpu.memory_space<vmem>>
      %dma_start3A_50 = tpu.memref_squeeze %dma_start3A_49 : memref<1x128xi32, #tpu.memory_space<vmem>> -> memref<128xi32, #tpu.memory_space<vmem>>
      %dma_start3A_51 = arith.constant 0 : i32
      %dma_start3A_52 = arith.constant 0 : i32
      %dma_start3A_53 = tpu.memref_slice %arg5[%dma_start3A_51, %dma_start3A_52] : memref<10240x16xf32, #tpu.memory_space<hbm>> -> memref<10240x16xf32, #tpu.memory_space<hbm>>
      tpu.enqueue_indirect_dma source(%dma_start3A_53 : memref<10240x16xf32, #tpu.memory_space<hbm>>) target(%arg10 : memref<128x16xf32, #tpu.memory_space<vmem>>) offsets(%dma_start3A_50 : memref<128xi32, #tpu.memory_space<vmem>>) semaphore(%arg19 : memref<!tpu.dma_semaphore, #tpu.memory_space<semaphore_mem>>)
      %dma_start3A_54 = arith.constant 2 : i32
      %dma_start3A_55 = arith.constant 0 : i32
      %dma_start3A_56 = tpu.memref_slice %arg7[%dma_start3A_54, %dma_start3A_55] : memref<160x128xi32, #tpu.memory_space<vmem>> -> memref<1x128xi32, #tpu.memory_space<vmem>>
      %dma_start3A_57 = tpu.memref_squeeze %dma_start3A_56 : memref<1x128xi32, #tpu.memory_space<vmem>> -> memref<128xi32, #tpu.memory_space<vmem>>
      %dma_start3A_58 = arith.constant 0 : i32
      %dma_start3A_59 = arith.constant 0 : i32
      %dma_start3A_60 = tpu.memref_slice %arg5[%dma_start3A_58, %dma_start3A_59] : memref<10240x16xf32, #tpu.memory_space<hbm>> -> memref<10240x16xf32, #tpu.memory_space<hbm>>
      tpu.enqueue_indirect_dma source(%dma_start3A_60 : memref<10240x16xf32, #tpu.memory_space<hbm>>) target(%arg11 : memref<128x16xf32, #tpu.memory_space<vmem>>) offsets(%dma_start3A_57 : memref<128xi32, #tpu.memory_space<vmem>>) semaphore(%arg20 : memref<!tpu.dma_semaphore, #tpu.memory_space<semaphore_mem>>)
      %dma_start3A_61 = arith.constant 3 : i32
      %dma_start3A_62 = arith.constant 0 : i32
      %dma_start3A_63 = tpu.memref_slice %arg7[%dma_start3A_61, %dma_start3A_62] : memref<160x128xi32, #tpu.memory_space<vmem>> -> memref<1x128xi32, #tpu.memory_space<vmem>>
      %dma_start3A_64 = tpu.memref_squeeze %dma_start3A_63 : memref<1x128xi32, #tpu.memory_space<vmem>> -> memref<128xi32, #tpu.memory_space<vmem>>
      %dma_start3A_65 = arith.constant 0 : i32
      %dma_start3A_66 = arith.constant 0 : i32
      %dma_start3A_67 = tpu.memref_slice %arg5[%dma_start3A_65, %dma_start3A_66] : memref<10240x16xf32, #tpu.memory_space<hbm>> -> memref<10240x16xf32, #tpu.memory_space<hbm>>
      tpu.enqueue_indirect_dma source(%dma_start3A_67 : memref<10240x16xf32, #tpu.memory_space<hbm>>) target(%arg12 : memref<128x16xf32, #tpu.memory_space<vmem>>) offsets(%dma_start3A_64 : memref<128xi32, #tpu.memory_space<vmem>>) semaphore(%arg21 : memref<!tpu.dma_semaphore, #tpu.memory_space<semaphore_mem>>)
      %dma_start3A_68 = arith.constant 4 : i32
      %dma_start3A_69 = arith.constant 0 : i32
      %dma_start3A_70 = tpu.memref_slice %arg7[%dma_start3A_68, %dma_start3A_69] : memref<160x128xi32, #tpu.memory_space<vmem>> -> memref<1x128xi32, #tpu.memory_space<vmem>>
      %dma_start3A_71 = tpu.memref_squeeze %dma_start3A_70 : memref<1x128xi32, #tpu.memory_space<vmem>> -> memref<128xi32, #tpu.memory_space<vmem>>
      %dma_start3A_72 = arith.constant 0 : i32
      %dma_start3A_73 = arith.constant 0 : i32
      %dma_start3A_74 = tpu.memref_slice %arg5[%dma_start3A_72, %dma_start3A_73] : memref<10240x16xf32, #tpu.memory_space<hbm>> -> memref<10240x16xf32, #tpu.memory_space<hbm>>
      tpu.enqueue_indirect_dma source(%dma_start3A_74 : memref<10240x16xf32, #tpu.memory_space<hbm>>) target(%arg13 : memref<128x16xf32, #tpu.memory_space<vmem>>) offsets(%dma_start3A_71 : memref<128xi32, #tpu.memory_space<vmem>>) semaphore(%arg22 : memref<!tpu.dma_semaphore, #tpu.memory_space<semaphore_mem>>)
      %dma_start3A_75 = arith.constant 5 : i32
      %dma_start3A_76 = arith.constant 0 : i32
      %dma_start3A_77 = tpu.memref_slice %arg7[%dma_start3A_75, %dma_start3A_76] : memref<160x128xi32, #tpu.memory_space<vmem>> -> memref<1x128xi32, #tpu.memory_space<vmem>>
      %dma_start3A_78 = tpu.memref_squeeze %dma_start3A_77 : memref<1x128xi32, #tpu.memory_space<vmem>> -> memref<128xi32, #tpu.memory_space<vmem>>
      %dma_start3A_79 = arith.constant 0 : i32
      %dma_start3A_80 = arith.constant 0 : i32
      %dma_start3A_81 = tpu.memref_slice %arg5[%dma_start3A_79, %dma_start3A_80] : memref<10240x16xf32, #tpu.memory_space<hbm>> -> memref<10240x16xf32, #tpu.memory_space<hbm>>
      tpu.enqueue_indirect_dma source(%dma_start3A_81 : memref<10240x16xf32, #tpu.memory_space<hbm>>) target(%arg14 : memref<128x16xf32, #tpu.memory_space<vmem>>) offsets(%dma_start3A_78 : memref<128xi32, #tpu.memory_space<vmem>>) semaphore(%arg23 : memref<!tpu.dma_semaphore, #tpu.memory_space<semaphore_mem>>)
      %dma_start3A_82 = arith.constant 6 : i32
      %dma_start3A_83 = arith.constant 0 : i32
      %dma_start3A_84 = tpu.memref_slice %arg7[%dma_start3A_82, %dma_start3A_83] : memref<160x128xi32, #tpu.memory_space<vmem>> -> memref<1x128xi32, #tpu.memory_space<vmem>>
      %dma_start3A_85 = tpu.memref_squeeze %dma_start3A_84 : memref<1x128xi32, #tpu.memory_space<vmem>> -> memref<128xi32, #tpu.memory_space<vmem>>
      %dma_start3A_86 = arith.constant 0 : i32
      %dma_start3A_87 = arith.constant 0 : i32
      %dma_start3A_88 = tpu.memref_slice %arg5[%dma_start3A_86, %dma_start3A_87] : memref<10240x16xf32, #tpu.memory_space<hbm>> -> memref<10240x16xf32, #tpu.memory_space<hbm>>
      tpu.enqueue_indirect_dma source(%dma_start3A_88 : memref<10240x16xf32, #tpu.memory_space<hbm>>) target(%arg15 : memref<128x16xf32, #tpu.memory_space<vmem>>) offsets(%dma_start3A_85 : memref<128xi32, #tpu.memory_space<vmem>>) semaphore(%arg24 : memref<!tpu.dma_semaphore, #tpu.memory_space<semaphore_mem>>)
      %dma_start3A_89 = arith.constant 7 : i32
      %dma_start3A_90 = arith.constant 0 : i32
      %dma_start3A_91 = tpu.memref_slice %arg7[%dma_start3A_89, %dma_start3A_90] : memref<160x128xi32, #tpu.memory_space<vmem>> -> memref<1x128xi32, #tpu.memory_space<vmem>>
      %dma_start3A_92 = tpu.memref_squeeze %dma_start3A_91 : memref<1x128xi32, #tpu.memory_space<vmem>> -> memref<128xi32, #tpu.memory_space<vmem>>
      %dma_start3A_93 = arith.constant 0 : i32
      %dma_start3A_94 = arith.constant 0 : i32
      %dma_start3A_95 = tpu.memref_slice %arg5[%dma_start3A_93, %dma_start3A_94] : memref<10240x16xf32, #tpu.memory_space<hbm>> -> memref<10240x16xf32, #tpu.memory_space<hbm>>
      tpu.enqueue_indirect_dma source(%dma_start3A_95 : memref<10240x16xf32, #tpu.memory_space<hbm>>) target(%arg16 : memref<128x16xf32, #tpu.memory_space<vmem>>) offsets(%dma_start3A_92 : memref<128xi32, #tpu.memory_space<vmem>>) semaphore(%arg25 : memref<!tpu.dma_semaphore, #tpu.memory_space<semaphore_mem>>)
      %scan3A_96 = arith.constant 0 : i32
      %scan3A_97 = arith.constant 0 : i32
      %scan3A_98 = arith.constant 20 : i32
      %scan3A_99 = arith.addi %scan3A_97, %scan3A_98 : i32
      %scan3A_100 = arith.constant 1 : i32
      %scan3A_101 = scf.for %scan3A_103 = %scan3A_97 to %scan3A_99 step %scan3A_100 iter_args(%scan3A_104 = %scan3A_96) -> (i32)  : i32 {
        %mul3A_105 = arith.constant 8 : i32
        %mul3A_106 = arith.muli %mul3A_105, %scan3A_103 : i32
        %add3A_107 = arith.constant 0 : i32
        %add3A_108 = arith.addi %mul3A_106, %add3A_107 : i32
        %dma_wait3A = arith.constant 0 : i32
        %dma_wait3A_109 = tpu.memref_slice %arg7[%add3A_108, %dma_wait3A] : memref<160x128xi32, #tpu.memory_space<vmem>> -> memref<1x128xi32, #tpu.memory_space<vmem>>
        %dma_wait3A_110 = tpu.memref_squeeze %dma_wait3A_109 : memref<1x128xi32, #tpu.memory_space<vmem>> -> memref<128xi32, #tpu.memory_space<vmem>>
        %dma_wait3A_111 = arith.constant 0 : i32
        %dma_wait3A_112 = arith.constant 0 : i32
        %dma_wait3A_113 = tpu.memref_slice %arg5[%dma_wait3A_111, %dma_wait3A_112] : memref<10240x16xf32, #tpu.memory_space<hbm>> -> memref<10240x16xf32, #tpu.memory_space<hbm>>
        tpu.wait_indirect_dma semaphore(%arg18 : memref<!tpu.dma_semaphore, #tpu.memory_space<semaphore_mem>>) src(%dma_wait3A_113 : memref<10240x16xf32, #tpu.memory_space<hbm>>) dst(%arg9 : memref<128x16xf32, #tpu.memory_space<vmem>>)
        %add3A_114 = arith.constant 0 : i32
        %add3A_115 = arith.addi %mul3A_106, %add3A_114 : i32
        %dma_start3A_116 = arith.constant 0 : i32
        %dma_start3A_117 = tpu.memref_slice %arg8[%add3A_115, %dma_start3A_116] : memref<160x128xi32, #tpu.memory_space<vmem>> -> memref<1x128xi32, #tpu.memory_space<vmem>>
        %dma_start3A_118 = tpu.memref_squeeze %dma_start3A_117 : memref<1x128xi32, #tpu.memory_space<vmem>> -> memref<128xi32, #tpu.memory_space<vmem>>
        %dma_start3A_119 = arith.constant 0 : i32
        %dma_start3A_120 = arith.constant 0 : i32
        %dma_start3A_121 = tpu.memref_slice %arg17[%dma_start3A_119, %dma_start3A_120] : memref<10240x16xf32, #tpu.memory_space<vmem_shared>> -> memref<10240x16xf32, #tpu.memory_space<vmem_shared>>
        tpu.enqueue_indirect_dma source(%arg9 : memref<128x16xf32, #tpu.memory_space<vmem>>) target(%dma_start3A_121 : memref<10240x16xf32, #tpu.memory_space<vmem_shared>>) offsets(%dma_start3A_118 : memref<128xi32, #tpu.memory_space<vmem>>) semaphore(%arg26 : memref<!tpu.dma_semaphore, #tpu.memory_space<semaphore_mem>>) {add = true}
        %add3A_122 = arith.constant 1 : i32
        %add3A_123 = arith.addi %mul3A_106, %add3A_122 : i32
        %dma_wait3A_124 = arith.constant 0 : i32
        %dma_wait3A_125 = tpu.memref_slice %arg7[%add3A_123, %dma_wait3A_124] : memref<160x128xi32, #tpu.memory_space<vmem>> -> memref<1x128xi32, #tpu.memory_space<vmem>>
        %dma_wait3A_126 = tpu.memref_squeeze %dma_wait3A_125 : memref<1x128xi32, #tpu.memory_space<vmem>> -> memref<128xi32, #tpu.memory_space<vmem>>
        %dma_wait3A_127 = arith.constant 0 : i32
        %dma_wait3A_128 = arith.constant 0 : i32
        %dma_wait3A_129 = tpu.memref_slice %arg5[%dma_wait3A_127, %dma_wait3A_128] : memref<10240x16xf32, #tpu.memory_space<hbm>> -> memref<10240x16xf32, #tpu.memory_space<hbm>>
        tpu.wait_indirect_dma semaphore(%arg19 : memref<!tpu.dma_semaphore, #tpu.memory_space<semaphore_mem>>) src(%dma_wait3A_129 : memref<10240x16xf32, #tpu.memory_space<hbm>>) dst(%arg10 : memref<128x16xf32, #tpu.memory_space<vmem>>)
        %add3A_130 = arith.constant 1 : i32
        %add3A_131 = arith.addi %mul3A_106, %add3A_130 : i32
        %dma_start3A_132 = arith.constant 0 : i32
        %dma_start3A_133 = tpu.memref_slice %arg8[%add3A_131, %dma_start3A_132] : memref<160x128xi32, #tpu.memory_space<vmem>> -> memref<1x128xi32, #tpu.memory_space<vmem>>
        %dma_start3A_134 = tpu.memref_squeeze %dma_start3A_133 : memref<1x128xi32, #tpu.memory_space<vmem>> -> memref<128xi32, #tpu.memory_space<vmem>>
        %dma_start3A_135 = arith.constant 0 : i32
        %dma_start3A_136 = arith.constant 0 : i32
        %dma_start3A_137 = tpu.memref_slice %arg17[%dma_start3A_135, %dma_start3A_136] : memref<10240x16xf32, #tpu.memory_space<vmem_shared>> -> memref<10240x16xf32, #tpu.memory_space<vmem_shared>>
        tpu.enqueue_indirect_dma source(%arg10 : memref<128x16xf32, #tpu.memory_space<vmem>>) target(%dma_start3A_137 : memref<10240x16xf32, #tpu.memory_space<vmem_shared>>) offsets(%dma_start3A_134 : memref<128xi32, #tpu.memory_space<vmem>>) semaphore(%arg27 : memref<!tpu.dma_semaphore, #tpu.memory_space<semaphore_mem>>) {add = true}
        %add3A_138 = arith.constant 2 : i32
        %add3A_139 = arith.addi %mul3A_106, %add3A_138 : i32
        %dma_wait3A_140 = arith.constant 0 : i32
        %dma_wait3A_141 = tpu.memref_slice %arg7[%add3A_139, %dma_wait3A_140] : memref<160x128xi32, #tpu.memory_space<vmem>> -> memref<1x128xi32, #tpu.memory_space<vmem>>
        %dma_wait3A_142 = tpu.memref_squeeze %dma_wait3A_141 : memref<1x128xi32, #tpu.memory_space<vmem>> -> memref<128xi32, #tpu.memory_space<vmem>>
        %dma_wait3A_143 = arith.constant 0 : i32
        %dma_wait3A_144 = arith.constant 0 : i32
        %dma_wait3A_145 = tpu.memref_slice %arg5[%dma_wait3A_143, %dma_wait3A_144] : memref<10240x16xf32, #tpu.memory_space<hbm>> -> memref<10240x16xf32, #tpu.memory_space<hbm>>
        tpu.wait_indirect_dma semaphore(%arg20 : memref<!tpu.dma_semaphore, #tpu.memory_space<semaphore_mem>>) src(%dma_wait3A_145 : memref<10240x16xf32, #tpu.memory_space<hbm>>) dst(%arg11 : memref<128x16xf32, #tpu.memory_space<vmem>>)
        %add3A_146 = arith.constant 2 : i32
        %add3A_147 = arith.addi %mul3A_106, %add3A_146 : i32
        %dma_start3A_148 = arith.constant 0 : i32
        %dma_start3A_149 = tpu.memref_slice %arg8[%add3A_147, %dma_start3A_148] : memref<160x128xi32, #tpu.memory_space<vmem>> -> memref<1x128xi32, #tpu.memory_space<vmem>>
        %dma_start3A_150 = tpu.memref_squeeze %dma_start3A_149 : memref<1x128xi32, #tpu.memory_space<vmem>> -> memref<128xi32, #tpu.memory_space<vmem>>
        %dma_start3A_151 = arith.constant 0 : i32
        %dma_start3A_152 = arith.constant 0 : i32
        %dma_start3A_153 = tpu.memref_slice %arg17[%dma_start3A_151, %dma_start3A_152] : memref<10240x16xf32, #tpu.memory_space<vmem_shared>> -> memref<10240x16xf32, #tpu.memory_space<vmem_shared>>
        tpu.enqueue_indirect_dma source(%arg11 : memref<128x16xf32, #tpu.memory_space<vmem>>) target(%dma_start3A_153 : memref<10240x16xf32, #tpu.memory_space<vmem_shared>>) offsets(%dma_start3A_150 : memref<128xi32, #tpu.memory_space<vmem>>) semaphore(%arg28 : memref<!tpu.dma_semaphore, #tpu.memory_space<semaphore_mem>>) {add = true}
        %add3A_154 = arith.constant 3 : i32
        %add3A_155 = arith.addi %mul3A_106, %add3A_154 : i32
        %dma_wait3A_156 = arith.constant 0 : i32
        %dma_wait3A_157 = tpu.memref_slice %arg7[%add3A_155, %dma_wait3A_156] : memref<160x128xi32, #tpu.memory_space<vmem>> -> memref<1x128xi32, #tpu.memory_space<vmem>>
        %dma_wait3A_158 = tpu.memref_squeeze %dma_wait3A_157 : memref<1x128xi32, #tpu.memory_space<vmem>> -> memref<128xi32, #tpu.memory_space<vmem>>
        %dma_wait3A_159 = arith.constant 0 : i32
        %dma_wait3A_160 = arith.constant 0 : i32
        %dma_wait3A_161 = tpu.memref_slice %arg5[%dma_wait3A_159, %dma_wait3A_160] : memref<10240x16xf32, #tpu.memory_space<hbm>> -> memref<10240x16xf32, #tpu.memory_space<hbm>>
        tpu.wait_indirect_dma semaphore(%arg21 : memref<!tpu.dma_semaphore, #tpu.memory_space<semaphore_mem>>) src(%dma_wait3A_161 : memref<10240x16xf32, #tpu.memory_space<hbm>>) dst(%arg12 : memref<128x16xf32, #tpu.memory_space<vmem>>)
        %add3A_162 = arith.constant 3 : i32
        %add3A_163 = arith.addi %mul3A_106, %add3A_162 : i32
        %dma_start3A_164 = arith.constant 0 : i32
        %dma_start3A_165 = tpu.memref_slice %arg8[%add3A_163, %dma_start3A_164] : memref<160x128xi32, #tpu.memory_space<vmem>> -> memref<1x128xi32, #tpu.memory_space<vmem>>
        %dma_start3A_166 = tpu.memref_squeeze %dma_start3A_165 : memref<1x128xi32, #tpu.memory_space<vmem>> -> memref<128xi32, #tpu.memory_space<vmem>>
        %dma_start3A_167 = arith.constant 0 : i32
        %dma_start3A_168 = arith.constant 0 : i32
        %dma_start3A_169 = tpu.memref_slice %arg17[%dma_start3A_167, %dma_start3A_168] : memref<10240x16xf32, #tpu.memory_space<vmem_shared>> -> memref<10240x16xf32, #tpu.memory_space<vmem_shared>>
        tpu.enqueue_indirect_dma source(%arg12 : memref<128x16xf32, #tpu.memory_space<vmem>>) target(%dma_start3A_169 : memref<10240x16xf32, #tpu.memory_space<vmem_shared>>) offsets(%dma_start3A_166 : memref<128xi32, #tpu.memory_space<vmem>>) semaphore(%arg29 : memref<!tpu.dma_semaphore, #tpu.memory_space<semaphore_mem>>) {add = true}
        %add3A_170 = arith.constant 4 : i32
        %add3A_171 = arith.addi %mul3A_106, %add3A_170 : i32
        %dma_wait3A_172 = arith.constant 0 : i32
        %dma_wait3A_173 = tpu.memref_slice %arg7[%add3A_171, %dma_wait3A_172] : memref<160x128xi32, #tpu.memory_space<vmem>> -> memref<1x128xi32, #tpu.memory_space<vmem>>
        %dma_wait3A_174 = tpu.memref_squeeze %dma_wait3A_173 : memref<1x128xi32, #tpu.memory_space<vmem>> -> memref<128xi32, #tpu.memory_space<vmem>>
        %dma_wait3A_175 = arith.constant 0 : i32
        %dma_wait3A_176 = arith.constant 0 : i32
        %dma_wait3A_177 = tpu.memref_slice %arg5[%dma_wait3A_175, %dma_wait3A_176] : memref<10240x16xf32, #tpu.memory_space<hbm>> -> memref<10240x16xf32, #tpu.memory_space<hbm>>
        tpu.wait_indirect_dma semaphore(%arg22 : memref<!tpu.dma_semaphore, #tpu.memory_space<semaphore_mem>>) src(%dma_wait3A_177 : memref<10240x16xf32, #tpu.memory_space<hbm>>) dst(%arg13 : memref<128x16xf32, #tpu.memory_space<vmem>>)
        %add3A_178 = arith.constant 4 : i32
        %add3A_179 = arith.addi %mul3A_106, %add3A_178 : i32
        %dma_start3A_180 = arith.constant 0 : i32
        %dma_start3A_181 = tpu.memref_slice %arg8[%add3A_179, %dma_start3A_180] : memref<160x128xi32, #tpu.memory_space<vmem>> -> memref<1x128xi32, #tpu.memory_space<vmem>>
        %dma_start3A_182 = tpu.memref_squeeze %dma_start3A_181 : memref<1x128xi32, #tpu.memory_space<vmem>> -> memref<128xi32, #tpu.memory_space<vmem>>
        %dma_start3A_183 = arith.constant 0 : i32
        %dma_start3A_184 = arith.constant 0 : i32
        %dma_start3A_185 = tpu.memref_slice %arg17[%dma_start3A_183, %dma_start3A_184] : memref<10240x16xf32, #tpu.memory_space<vmem_shared>> -> memref<10240x16xf32, #tpu.memory_space<vmem_shared>>
        tpu.enqueue_indirect_dma source(%arg13 : memref<128x16xf32, #tpu.memory_space<vmem>>) target(%dma_start3A_185 : memref<10240x16xf32, #tpu.memory_space<vmem_shared>>) offsets(%dma_start3A_182 : memref<128xi32, #tpu.memory_space<vmem>>) semaphore(%arg30 : memref<!tpu.dma_semaphore, #tpu.memory_space<semaphore_mem>>) {add = true}
        %add3A_186 = arith.constant 5 : i32
        %add3A_187 = arith.addi %mul3A_106, %add3A_186 : i32
        %dma_wait3A_188 = arith.constant 0 : i32
        %dma_wait3A_189 = tpu.memref_slice %arg7[%add3A_187, %dma_wait3A_188] : memref<160x128xi32, #tpu.memory_space<vmem>> -> memref<1x128xi32, #tpu.memory_space<vmem>>
        %dma_wait3A_190 = tpu.memref_squeeze %dma_wait3A_189 : memref<1x128xi32, #tpu.memory_space<vmem>> -> memref<128xi32, #tpu.memory_space<vmem>>
        %dma_wait3A_191 = arith.constant 0 : i32
        %dma_wait3A_192 = arith.constant 0 : i32
        %dma_wait3A_193 = tpu.memref_slice %arg5[%dma_wait3A_191, %dma_wait3A_192] : memref<10240x16xf32, #tpu.memory_space<hbm>> -> memref<10240x16xf32, #tpu.memory_space<hbm>>
        tpu.wait_indirect_dma semaphore(%arg23 : memref<!tpu.dma_semaphore, #tpu.memory_space<semaphore_mem>>) src(%dma_wait3A_193 : memref<10240x16xf32, #tpu.memory_space<hbm>>) dst(%arg14 : memref<128x16xf32, #tpu.memory_space<vmem>>)
        %add3A_194 = arith.constant 5 : i32
        %add3A_195 = arith.addi %mul3A_106, %add3A_194 : i32
        %dma_start3A_196 = arith.constant 0 : i32
        %dma_start3A_197 = tpu.memref_slice %arg8[%add3A_195, %dma_start3A_196] : memref<160x128xi32, #tpu.memory_space<vmem>> -> memref<1x128xi32, #tpu.memory_space<vmem>>
        %dma_start3A_198 = tpu.memref_squeeze %dma_start3A_197 : memref<1x128xi32, #tpu.memory_space<vmem>> -> memref<128xi32, #tpu.memory_space<vmem>>
        %dma_start3A_199 = arith.constant 0 : i32
        %dma_start3A_200 = arith.constant 0 : i32
        %dma_start3A_201 = tpu.memref_slice %arg17[%dma_start3A_199, %dma_start3A_200] : memref<10240x16xf32, #tpu.memory_space<vmem_shared>> -> memref<10240x16xf32, #tpu.memory_space<vmem_shared>>
        tpu.enqueue_indirect_dma source(%arg14 : memref<128x16xf32, #tpu.memory_space<vmem>>) target(%dma_start3A_201 : memref<10240x16xf32, #tpu.memory_space<vmem_shared>>) offsets(%dma_start3A_198 : memref<128xi32, #tpu.memory_space<vmem>>) semaphore(%arg31 : memref<!tpu.dma_semaphore, #tpu.memory_space<semaphore_mem>>) {add = true}
        %add3A_202 = arith.constant 6 : i32
        %add3A_203 = arith.addi %mul3A_106, %add3A_202 : i32
        %dma_wait3A_204 = arith.constant 0 : i32
        %dma_wait3A_205 = tpu.memref_slice %arg7[%add3A_203, %dma_wait3A_204] : memref<160x128xi32, #tpu.memory_space<vmem>> -> memref<1x128xi32, #tpu.memory_space<vmem>>
        %dma_wait3A_206 = tpu.memref_squeeze %dma_wait3A_205 : memref<1x128xi32, #tpu.memory_space<vmem>> -> memref<128xi32, #tpu.memory_space<vmem>>
        %dma_wait3A_207 = arith.constant 0 : i32
        %dma_wait3A_208 = arith.constant 0 : i32
        %dma_wait3A_209 = tpu.memref_slice %arg5[%dma_wait3A_207, %dma_wait3A_208] : memref<10240x16xf32, #tpu.memory_space<hbm>> -> memref<10240x16xf32, #tpu.memory_space<hbm>>
        tpu.wait_indirect_dma semaphore(%arg24 : memref<!tpu.dma_semaphore, #tpu.memory_space<semaphore_mem>>) src(%dma_wait3A_209 : memref<10240x16xf32, #tpu.memory_space<hbm>>) dst(%arg15 : memref<128x16xf32, #tpu.memory_space<vmem>>)
        %add3A_210 = arith.constant 6 : i32
        %add3A_211 = arith.addi %mul3A_106, %add3A_210 : i32
        %dma_start3A_212 = arith.constant 0 : i32
        %dma_start3A_213 = tpu.memref_slice %arg8[%add3A_211, %dma_start3A_212] : memref<160x128xi32, #tpu.memory_space<vmem>> -> memref<1x128xi32, #tpu.memory_space<vmem>>
        %dma_start3A_214 = tpu.memref_squeeze %dma_start3A_213 : memref<1x128xi32, #tpu.memory_space<vmem>> -> memref<128xi32, #tpu.memory_space<vmem>>
        %dma_start3A_215 = arith.constant 0 : i32
        %dma_start3A_216 = arith.constant 0 : i32
        %dma_start3A_217 = tpu.memref_slice %arg17[%dma_start3A_215, %dma_start3A_216] : memref<10240x16xf32, #tpu.memory_space<vmem_shared>> -> memref<10240x16xf32, #tpu.memory_space<vmem_shared>>
        tpu.enqueue_indirect_dma source(%arg15 : memref<128x16xf32, #tpu.memory_space<vmem>>) target(%dma_start3A_217 : memref<10240x16xf32, #tpu.memory_space<vmem_shared>>) offsets(%dma_start3A_214 : memref<128xi32, #tpu.memory_space<vmem>>) semaphore(%arg32 : memref<!tpu.dma_semaphore, #tpu.memory_space<semaphore_mem>>) {add = true}
        %add3A_218 = arith.constant 7 : i32
        %add3A_219 = arith.addi %mul3A_106, %add3A_218 : i32
        %dma_wait3A_220 = arith.constant 0 : i32
        %dma_wait3A_221 = tpu.memref_slice %arg7[%add3A_219, %dma_wait3A_220] : memref<160x128xi32, #tpu.memory_space<vmem>> -> memref<1x128xi32, #tpu.memory_space<vmem>>
        %dma_wait3A_222 = tpu.memref_squeeze %dma_wait3A_221 : memref<1x128xi32, #tpu.memory_space<vmem>> -> memref<128xi32, #tpu.memory_space<vmem>>
        %dma_wait3A_223 = arith.constant 0 : i32
        %dma_wait3A_224 = arith.constant 0 : i32
        %dma_wait3A_225 = tpu.memref_slice %arg5[%dma_wait3A_223, %dma_wait3A_224] : memref<10240x16xf32, #tpu.memory_space<hbm>> -> memref<10240x16xf32, #tpu.memory_space<hbm>>
        tpu.wait_indirect_dma semaphore(%arg25 : memref<!tpu.dma_semaphore, #tpu.memory_space<semaphore_mem>>) src(%dma_wait3A_225 : memref<10240x16xf32, #tpu.memory_space<hbm>>) dst(%arg16 : memref<128x16xf32, #tpu.memory_space<vmem>>)
        %add3A_226 = arith.constant 7 : i32
        %add3A_227 = arith.addi %mul3A_106, %add3A_226 : i32
        %dma_start3A_228 = arith.constant 0 : i32
        %dma_start3A_229 = tpu.memref_slice %arg8[%add3A_227, %dma_start3A_228] : memref<160x128xi32, #tpu.memory_space<vmem>> -> memref<1x128xi32, #tpu.memory_space<vmem>>
        %dma_start3A_230 = tpu.memref_squeeze %dma_start3A_229 : memref<1x128xi32, #tpu.memory_space<vmem>> -> memref<128xi32, #tpu.memory_space<vmem>>
        %dma_start3A_231 = arith.constant 0 : i32
        %dma_start3A_232 = arith.constant 0 : i32
        %dma_start3A_233 = tpu.memref_slice %arg17[%dma_start3A_231, %dma_start3A_232] : memref<10240x16xf32, #tpu.memory_space<vmem_shared>> -> memref<10240x16xf32, #tpu.memory_space<vmem_shared>>
        tpu.enqueue_indirect_dma source(%arg16 : memref<128x16xf32, #tpu.memory_space<vmem>>) target(%dma_start3A_233 : memref<10240x16xf32, #tpu.memory_space<vmem_shared>>) offsets(%dma_start3A_230 : memref<128xi32, #tpu.memory_space<vmem>>) semaphore(%arg33 : memref<!tpu.dma_semaphore, #tpu.memory_space<semaphore_mem>>) {add = true}
        %add3A_234 = arith.constant 8 : i32
        %add3A_235 = arith.addi %mul3A_106, %add3A_234 : i32
        %add3A_236 = arith.constant 0 : i32
        %add3A_237 = arith.addi %add3A_235, %add3A_236 : i32
        %add3A_238 = arith.constant 0 : i32
        %add3A_239 = arith.addi %mul3A_106, %add3A_238 : i32
        %dma_wait3A_240 = arith.constant 0 : i32
        %dma_wait3A_241 = tpu.memref_slice %arg8[%add3A_239, %dma_wait3A_240] : memref<160x128xi32, #tpu.memory_space<vmem>> -> memref<1x128xi32, #tpu.memory_space<vmem>>
        %dma_wait3A_242 = tpu.memref_squeeze %dma_wait3A_241 : memref<1x128xi32, #tpu.memory_space<vmem>> -> memref<128xi32, #tpu.memory_space<vmem>>
        %dma_wait3A_243 = arith.constant 0 : i32
        %dma_wait3A_244 = arith.constant 0 : i32
        %dma_wait3A_245 = tpu.memref_slice %arg17[%dma_wait3A_243, %dma_wait3A_244] : memref<10240x16xf32, #tpu.memory_space<vmem_shared>> -> memref<10240x16xf32, #tpu.memory_space<vmem_shared>>
        tpu.wait_indirect_dma semaphore(%arg26 : memref<!tpu.dma_semaphore, #tpu.memory_space<semaphore_mem>>) src(%arg9 : memref<128x16xf32, #tpu.memory_space<vmem>>) dst(%dma_wait3A_245 : memref<10240x16xf32, #tpu.memory_space<vmem_shared>>)
        %lt3A = arith.constant 160 : i32
        %lt3A_246 = arith.cmpi slt, %add3A_237, %lt3A : i32
        %convert_element_type3A_247 = arith.extui %lt3A_246 : i1 to i32
        %cond3A_248 = arith.constant 0 : i32
        %cond3A_249 = arith.cmpi ne, %convert_element_type3A_247, %cond3A_248 : i32
        scf.if %cond3A_249 {
          %dma_start3A_370 = arith.constant 0 : i32
          %dma_start3A_371 = tpu.memref_slice %arg7[%add3A_237, %dma_start3A_370] : memref<160x128xi32, #tpu.memory_space<vmem>> -> memref<1x128xi32, #tpu.memory_space<vmem>>
          %dma_start3A_372 = tpu.memref_squeeze %dma_start3A_371 : memref<1x128xi32, #tpu.memory_space<vmem>> -> memref<128xi32, #tpu.memory_space<vmem>>
          %dma_start3A_373 = arith.constant 0 : i32
          %dma_start3A_374 = arith.constant 0 : i32
          %dma_start3A_375 = tpu.memref_slice %arg5[%dma_start3A_373, %dma_start3A_374] : memref<10240x16xf32, #tpu.memory_space<hbm>> -> memref<10240x16xf32, #tpu.memory_space<hbm>>
          tpu.enqueue_indirect_dma source(%dma_start3A_375 : memref<10240x16xf32, #tpu.memory_space<hbm>>) target(%arg9 : memref<128x16xf32, #tpu.memory_space<vmem>>) offsets(%dma_start3A_372 : memref<128xi32, #tpu.memory_space<vmem>>) semaphore(%arg18 : memref<!tpu.dma_semaphore, #tpu.memory_space<semaphore_mem>>)
        } else {
        }
        %add3A_250 = arith.constant 8 : i32
        %add3A_251 = arith.addi %mul3A_106, %add3A_250 : i32
        %add3A_252 = arith.constant 1 : i32
        %add3A_253 = arith.addi %add3A_251, %add3A_252 : i32
        %add3A_254 = arith.constant 1 : i32
        %add3A_255 = arith.addi %mul3A_106, %add3A_254 : i32
        %dma_wait3A_256 = arith.constant 0 : i32
        %dma_wait3A_257 = tpu.memref_slice %arg8[%add3A_255, %dma_wait3A_256] : memref<160x128xi32, #tpu.memory_space<vmem>> -> memref<1x128xi32, #tpu.memory_space<vmem>>
        %dma_wait3A_258 = tpu.memref_squeeze %dma_wait3A_257 : memref<1x128xi32, #tpu.memory_space<vmem>> -> memref<128xi32, #tpu.memory_space<vmem>>
        %dma_wait3A_259 = arith.constant 0 : i32
        %dma_wait3A_260 = arith.constant 0 : i32
        %dma_wait3A_261 = tpu.memref_slice %arg17[%dma_wait3A_259, %dma_wait3A_260] : memref<10240x16xf32, #tpu.memory_space<vmem_shared>> -> memref<10240x16xf32, #tpu.memory_space<vmem_shared>>
        tpu.wait_indirect_dma semaphore(%arg27 : memref<!tpu.dma_semaphore, #tpu.memory_space<semaphore_mem>>) src(%arg10 : memref<128x16xf32, #tpu.memory_space<vmem>>) dst(%dma_wait3A_261 : memref<10240x16xf32, #tpu.memory_space<vmem_shared>>)
        %lt3A_262 = arith.constant 160 : i32
        %lt3A_263 = arith.cmpi slt, %add3A_253, %lt3A_262 : i32
        %convert_element_type3A_264 = arith.extui %lt3A_263 : i1 to i32
        %cond3A_265 = arith.constant 0 : i32
        %cond3A_266 = arith.cmpi ne, %convert_element_type3A_264, %cond3A_265 : i32
        scf.if %cond3A_266 {
          %dma_start3A_370 = arith.constant 0 : i32
          %dma_start3A_371 = tpu.memref_slice %arg7[%add3A_253, %dma_start3A_370] : memref<160x128xi32, #tpu.memory_space<vmem>> -> memref<1x128xi32, #tpu.memory_space<vmem>>
          %dma_start3A_372 = tpu.memref_squeeze %dma_start3A_371 : memref<1x128xi32, #tpu.memory_space<vmem>> -> memref<128xi32, #tpu.memory_space<vmem>>
          %dma_start3A_373 = arith.constant 0 : i32
          %dma_start3A_374 = arith.constant 0 : i32
          %dma_start3A_375 = tpu.memref_slice %arg5[%dma_start3A_373, %dma_start3A_374] : memref<10240x16xf32, #tpu.memory_space<hbm>> -> memref<10240x16xf32, #tpu.memory_space<hbm>>
          tpu.enqueue_indirect_dma source(%dma_start3A_375 : memref<10240x16xf32, #tpu.memory_space<hbm>>) target(%arg10 : memref<128x16xf32, #tpu.memory_space<vmem>>) offsets(%dma_start3A_372 : memref<128xi32, #tpu.memory_space<vmem>>) semaphore(%arg19 : memref<!tpu.dma_semaphore, #tpu.memory_space<semaphore_mem>>)
        } else {
        }
        %add3A_267 = arith.constant 8 : i32
        %add3A_268 = arith.addi %mul3A_106, %add3A_267 : i32
        %add3A_269 = arith.constant 2 : i32
        %add3A_270 = arith.addi %add3A_268, %add3A_269 : i32
        %add3A_271 = arith.constant 2 : i32
        %add3A_272 = arith.addi %mul3A_106, %add3A_271 : i32
        %dma_wait3A_273 = arith.constant 0 : i32
        %dma_wait3A_274 = tpu.memref_slice %arg8[%add3A_272, %dma_wait3A_273] : memref<160x128xi32, #tpu.memory_space<vmem>> -> memref<1x128xi32, #tpu.memory_space<vmem>>
        %dma_wait3A_275 = tpu.memref_squeeze %dma_wait3A_274 : memref<1x128xi32, #tpu.memory_space<vmem>> -> memref<128xi32, #tpu.memory_space<vmem>>
        %dma_wait3A_276 = arith.constant 0 : i32
        %dma_wait3A_277 = arith.constant 0 : i32
        %dma_wait3A_278 = tpu.memref_slice %arg17[%dma_wait3A_276, %dma_wait3A_277] : memref<10240x16xf32, #tpu.memory_space<vmem_shared>> -> memref<10240x16xf32, #tpu.memory_space<vmem_shared>>
        tpu.wait_indirect_dma semaphore(%arg28 : memref<!tpu.dma_semaphore, #tpu.memory_space<semaphore_mem>>) src(%arg11 : memref<128x16xf32, #tpu.memory_space<vmem>>) dst(%dma_wait3A_278 : memref<10240x16xf32, #tpu.memory_space<vmem_shared>>)
        %lt3A_279 = arith.constant 160 : i32
        %lt3A_280 = arith.cmpi slt, %add3A_270, %lt3A_279 : i32
        %convert_element_type3A_281 = arith.extui %lt3A_280 : i1 to i32
        %cond3A_282 = arith.constant 0 : i32
        %cond3A_283 = arith.cmpi ne, %convert_element_type3A_281, %cond3A_282 : i32
        scf.if %cond3A_283 {
          %dma_start3A_370 = arith.constant 0 : i32
          %dma_start3A_371 = tpu.memref_slice %arg7[%add3A_270, %dma_start3A_370] : memref<160x128xi32, #tpu.memory_space<vmem>> -> memref<1x128xi32, #tpu.memory_space<vmem>>
          %dma_start3A_372 = tpu.memref_squeeze %dma_start3A_371 : memref<1x128xi32, #tpu.memory_space<vmem>> -> memref<128xi32, #tpu.memory_space<vmem>>
          %dma_start3A_373 = arith.constant 0 : i32
          %dma_start3A_374 = arith.constant 0 : i32
          %dma_start3A_375 = tpu.memref_slice %arg5[%dma_start3A_373, %dma_start3A_374] : memref<10240x16xf32, #tpu.memory_space<hbm>> -> memref<10240x16xf32, #tpu.memory_space<hbm>>
          tpu.enqueue_indirect_dma source(%dma_start3A_375 : memref<10240x16xf32, #tpu.memory_space<hbm>>) target(%arg11 : memref<128x16xf32, #tpu.memory_space<vmem>>) offsets(%dma_start3A_372 : memref<128xi32, #tpu.memory_space<vmem>>) semaphore(%arg20 : memref<!tpu.dma_semaphore, #tpu.memory_space<semaphore_mem>>)
        } else {
        }
        %add3A_284 = arith.constant 8 : i32
        %add3A_285 = arith.addi %mul3A_106, %add3A_284 : i32
        %add3A_286 = arith.constant 3 : i32
        %add3A_287 = arith.addi %add3A_285, %add3A_286 : i32
        %add3A_288 = arith.constant 3 : i32
        %add3A_289 = arith.addi %mul3A_106, %add3A_288 : i32
        %dma_wait3A_290 = arith.constant 0 : i32
        %dma_wait3A_291 = tpu.memref_slice %arg8[%add3A_289, %dma_wait3A_290] : memref<160x128xi32, #tpu.memory_space<vmem>> -> memref<1x128xi32, #tpu.memory_space<vmem>>
        %dma_wait3A_292 = tpu.memref_squeeze %dma_wait3A_291 : memref<1x128xi32, #tpu.memory_space<vmem>> -> memref<128xi32, #tpu.memory_space<vmem>>
        %dma_wait3A_293 = arith.constant 0 : i32
        %dma_wait3A_294 = arith.constant 0 : i32
        %dma_wait3A_295 = tpu.memref_slice %arg17[%dma_wait3A_293, %dma_wait3A_294] : memref<10240x16xf32, #tpu.memory_space<vmem_shared>> -> memref<10240x16xf32, #tpu.memory_space<vmem_shared>>
        tpu.wait_indirect_dma semaphore(%arg29 : memref<!tpu.dma_semaphore, #tpu.memory_space<semaphore_mem>>) src(%arg12 : memref<128x16xf32, #tpu.memory_space<vmem>>) dst(%dma_wait3A_295 : memref<10240x16xf32, #tpu.memory_space<vmem_shared>>)
        %lt3A_296 = arith.constant 160 : i32
        %lt3A_297 = arith.cmpi slt, %add3A_287, %lt3A_296 : i32
        %convert_element_type3A_298 = arith.extui %lt3A_297 : i1 to i32
        %cond3A_299 = arith.constant 0 : i32
        %cond3A_300 = arith.cmpi ne, %convert_element_type3A_298, %cond3A_299 : i32
        scf.if %cond3A_300 {
          %dma_start3A_370 = arith.constant 0 : i32
          %dma_start3A_371 = tpu.memref_slice %arg7[%add3A_287, %dma_start3A_370] : memref<160x128xi32, #tpu.memory_space<vmem>> -> memref<1x128xi32, #tpu.memory_space<vmem>>
          %dma_start3A_372 = tpu.memref_squeeze %dma_start3A_371 : memref<1x128xi32, #tpu.memory_space<vmem>> -> memref<128xi32, #tpu.memory_space<vmem>>
          %dma_start3A_373 = arith.constant 0 : i32
          %dma_start3A_374 = arith.constant 0 : i32
          %dma_start3A_375 = tpu.memref_slice %arg5[%dma_start3A_373, %dma_start3A_374] : memref<10240x16xf32, #tpu.memory_space<hbm>> -> memref<10240x16xf32, #tpu.memory_space<hbm>>
          tpu.enqueue_indirect_dma source(%dma_start3A_375 : memref<10240x16xf32, #tpu.memory_space<hbm>>) target(%arg12 : memref<128x16xf32, #tpu.memory_space<vmem>>) offsets(%dma_start3A_372 : memref<128xi32, #tpu.memory_space<vmem>>) semaphore(%arg21 : memref<!tpu.dma_semaphore, #tpu.memory_space<semaphore_mem>>)
        } else {
        }
        %add3A_301 = arith.constant 8 : i32
        %add3A_302 = arith.addi %mul3A_106, %add3A_301 : i32
        %add3A_303 = arith.constant 4 : i32
        %add3A_304 = arith.addi %add3A_302, %add3A_303 : i32
        %add3A_305 = arith.constant 4 : i32
        %add3A_306 = arith.addi %mul3A_106, %add3A_305 : i32
        %dma_wait3A_307 = arith.constant 0 : i32
        %dma_wait3A_308 = tpu.memref_slice %arg8[%add3A_306, %dma_wait3A_307] : memref<160x128xi32, #tpu.memory_space<vmem>> -> memref<1x128xi32, #tpu.memory_space<vmem>>
        %dma_wait3A_309 = tpu.memref_squeeze %dma_wait3A_308 : memref<1x128xi32, #tpu.memory_space<vmem>> -> memref<128xi32, #tpu.memory_space<vmem>>
        %dma_wait3A_310 = arith.constant 0 : i32
        %dma_wait3A_311 = arith.constant 0 : i32
        %dma_wait3A_312 = tpu.memref_slice %arg17[%dma_wait3A_310, %dma_wait3A_311] : memref<10240x16xf32, #tpu.memory_space<vmem_shared>> -> memref<10240x16xf32, #tpu.memory_space<vmem_shared>>
        tpu.wait_indirect_dma semaphore(%arg30 : memref<!tpu.dma_semaphore, #tpu.memory_space<semaphore_mem>>) src(%arg13 : memref<128x16xf32, #tpu.memory_space<vmem>>) dst(%dma_wait3A_312 : memref<10240x16xf32, #tpu.memory_space<vmem_shared>>)
        %lt3A_313 = arith.constant 160 : i32
        %lt3A_314 = arith.cmpi slt, %add3A_304, %lt3A_313 : i32
        %convert_element_type3A_315 = arith.extui %lt3A_314 : i1 to i32
        %cond3A_316 = arith.constant 0 : i32
        %cond3A_317 = arith.cmpi ne, %convert_element_type3A_315, %cond3A_316 : i32
        scf.if %cond3A_317 {
          %dma_start3A_370 = arith.constant 0 : i32
          %dma_start3A_371 = tpu.memref_slice %arg7[%add3A_304, %dma_start3A_370] : memref<160x128xi32, #tpu.memory_space<vmem>> -> memref<1x128xi32, #tpu.memory_space<vmem>>
          %dma_start3A_372 = tpu.memref_squeeze %dma_start3A_371 : memref<1x128xi32, #tpu.memory_space<vmem>> -> memref<128xi32, #tpu.memory_space<vmem>>
          %dma_start3A_373 = arith.constant 0 : i32
          %dma_start3A_374 = arith.constant 0 : i32
          %dma_start3A_375 = tpu.memref_slice %arg5[%dma_start3A_373, %dma_start3A_374] : memref<10240x16xf32, #tpu.memory_space<hbm>> -> memref<10240x16xf32, #tpu.memory_space<hbm>>
          tpu.enqueue_indirect_dma source(%dma_start3A_375 : memref<10240x16xf32, #tpu.memory_space<hbm>>) target(%arg13 : memref<128x16xf32, #tpu.memory_space<vmem>>) offsets(%dma_start3A_372 : memref<128xi32, #tpu.memory_space<vmem>>) semaphore(%arg22 : memref<!tpu.dma_semaphore, #tpu.memory_space<semaphore_mem>>)
        } else {
        }
        %add3A_318 = arith.constant 8 : i32
        %add3A_319 = arith.addi %mul3A_106, %add3A_318 : i32
        %add3A_320 = arith.constant 5 : i32
        %add3A_321 = arith.addi %add3A_319, %add3A_320 : i32
        %add3A_322 = arith.constant 5 : i32
        %add3A_323 = arith.addi %mul3A_106, %add3A_322 : i32
        %dma_wait3A_324 = arith.constant 0 : i32
        %dma_wait3A_325 = tpu.memref_slice %arg8[%add3A_323, %dma_wait3A_324] : memref<160x128xi32, #tpu.memory_space<vmem>> -> memref<1x128xi32, #tpu.memory_space<vmem>>
        %dma_wait3A_326 = tpu.memref_squeeze %dma_wait3A_325 : memref<1x128xi32, #tpu.memory_space<vmem>> -> memref<128xi32, #tpu.memory_space<vmem>>
        %dma_wait3A_327 = arith.constant 0 : i32
        %dma_wait3A_328 = arith.constant 0 : i32
        %dma_wait3A_329 = tpu.memref_slice %arg17[%dma_wait3A_327, %dma_wait3A_328] : memref<10240x16xf32, #tpu.memory_space<vmem_shared>> -> memref<10240x16xf32, #tpu.memory_space<vmem_shared>>
        tpu.wait_indirect_dma semaphore(%arg31 : memref<!tpu.dma_semaphore, #tpu.memory_space<semaphore_mem>>) src(%arg14 : memref<128x16xf32, #tpu.memory_space<vmem>>) dst(%dma_wait3A_329 : memref<10240x16xf32, #tpu.memory_space<vmem_shared>>)
        %lt3A_330 = arith.constant 160 : i32
        %lt3A_331 = arith.cmpi slt, %add3A_321, %lt3A_330 : i32
        %convert_element_type3A_332 = arith.extui %lt3A_331 : i1 to i32
        %cond3A_333 = arith.constant 0 : i32
        %cond3A_334 = arith.cmpi ne, %convert_element_type3A_332, %cond3A_333 : i32
        scf.if %cond3A_334 {
          %dma_start3A_370 = arith.constant 0 : i32
          %dma_start3A_371 = tpu.memref_slice %arg7[%add3A_321, %dma_start3A_370] : memref<160x128xi32, #tpu.memory_space<vmem>> -> memref<1x128xi32, #tpu.memory_space<vmem>>
          %dma_start3A_372 = tpu.memref_squeeze %dma_start3A_371 : memref<1x128xi32, #tpu.memory_space<vmem>> -> memref<128xi32, #tpu.memory_space<vmem>>
          %dma_start3A_373 = arith.constant 0 : i32
          %dma_start3A_374 = arith.constant 0 : i32
          %dma_start3A_375 = tpu.memref_slice %arg5[%dma_start3A_373, %dma_start3A_374] : memref<10240x16xf32, #tpu.memory_space<hbm>> -> memref<10240x16xf32, #tpu.memory_space<hbm>>
          tpu.enqueue_indirect_dma source(%dma_start3A_375 : memref<10240x16xf32, #tpu.memory_space<hbm>>) target(%arg14 : memref<128x16xf32, #tpu.memory_space<vmem>>) offsets(%dma_start3A_372 : memref<128xi32, #tpu.memory_space<vmem>>) semaphore(%arg23 : memref<!tpu.dma_semaphore, #tpu.memory_space<semaphore_mem>>)
        } else {
        }
        %add3A_335 = arith.constant 8 : i32
        %add3A_336 = arith.addi %mul3A_106, %add3A_335 : i32
        %add3A_337 = arith.constant 6 : i32
        %add3A_338 = arith.addi %add3A_336, %add3A_337 : i32
        %add3A_339 = arith.constant 6 : i32
        %add3A_340 = arith.addi %mul3A_106, %add3A_339 : i32
        %dma_wait3A_341 = arith.constant 0 : i32
        %dma_wait3A_342 = tpu.memref_slice %arg8[%add3A_340, %dma_wait3A_341] : memref<160x128xi32, #tpu.memory_space<vmem>> -> memref<1x128xi32, #tpu.memory_space<vmem>>
        %dma_wait3A_343 = tpu.memref_squeeze %dma_wait3A_342 : memref<1x128xi32, #tpu.memory_space<vmem>> -> memref<128xi32, #tpu.memory_space<vmem>>
        %dma_wait3A_344 = arith.constant 0 : i32
        %dma_wait3A_345 = arith.constant 0 : i32
        %dma_wait3A_346 = tpu.memref_slice %arg17[%dma_wait3A_344, %dma_wait3A_345] : memref<10240x16xf32, #tpu.memory_space<vmem_shared>> -> memref<10240x16xf32, #tpu.memory_space<vmem_shared>>
        tpu.wait_indirect_dma semaphore(%arg32 : memref<!tpu.dma_semaphore, #tpu.memory_space<semaphore_mem>>) src(%arg15 : memref<128x16xf32, #tpu.memory_space<vmem>>) dst(%dma_wait3A_346 : memref<10240x16xf32, #tpu.memory_space<vmem_shared>>)
        %lt3A_347 = arith.constant 160 : i32
        %lt3A_348 = arith.cmpi slt, %add3A_338, %lt3A_347 : i32
        %convert_element_type3A_349 = arith.extui %lt3A_348 : i1 to i32
        %cond3A_350 = arith.constant 0 : i32
        %cond3A_351 = arith.cmpi ne, %convert_element_type3A_349, %cond3A_350 : i32
        scf.if %cond3A_351 {
          %dma_start3A_370 = arith.constant 0 : i32
          %dma_start3A_371 = tpu.memref_slice %arg7[%add3A_338, %dma_start3A_370] : memref<160x128xi32, #tpu.memory_space<vmem>> -> memref<1x128xi32, #tpu.memory_space<vmem>>
          %dma_start3A_372 = tpu.memref_squeeze %dma_start3A_371 : memref<1x128xi32, #tpu.memory_space<vmem>> -> memref<128xi32, #tpu.memory_space<vmem>>
          %dma_start3A_373 = arith.constant 0 : i32
          %dma_start3A_374 = arith.constant 0 : i32
          %dma_start3A_375 = tpu.memref_slice %arg5[%dma_start3A_373, %dma_start3A_374] : memref<10240x16xf32, #tpu.memory_space<hbm>> -> memref<10240x16xf32, #tpu.memory_space<hbm>>
          tpu.enqueue_indirect_dma source(%dma_start3A_375 : memref<10240x16xf32, #tpu.memory_space<hbm>>) target(%arg15 : memref<128x16xf32, #tpu.memory_space<vmem>>) offsets(%dma_start3A_372 : memref<128xi32, #tpu.memory_space<vmem>>) semaphore(%arg24 : memref<!tpu.dma_semaphore, #tpu.memory_space<semaphore_mem>>)
        } else {
        }
        %add3A_352 = arith.constant 8 : i32
        %add3A_353 = arith.addi %mul3A_106, %add3A_352 : i32
        %add3A_354 = arith.constant 7 : i32
        %add3A_355 = arith.addi %add3A_353, %add3A_354 : i32
        %add3A_356 = arith.constant 7 : i32
        %add3A_357 = arith.addi %mul3A_106, %add3A_356 : i32
        %dma_wait3A_358 = arith.constant 0 : i32
        %dma_wait3A_359 = tpu.memref_slice %arg8[%add3A_357, %dma_wait3A_358] : memref<160x128xi32, #tpu.memory_space<vmem>> -> memref<1x128xi32, #tpu.memory_space<vmem>>
        %dma_wait3A_360 = tpu.memref_squeeze %dma_wait3A_359 : memref<1x128xi32, #tpu.memory_space<vmem>> -> memref<128xi32, #tpu.memory_space<vmem>>
        %dma_wait3A_361 = arith.constant 0 : i32
        %dma_wait3A_362 = arith.constant 0 : i32
        %dma_wait3A_363 = tpu.memref_slice %arg17[%dma_wait3A_361, %dma_wait3A_362] : memref<10240x16xf32, #tpu.memory_space<vmem_shared>> -> memref<10240x16xf32, #tpu.memory_space<vmem_shared>>
        tpu.wait_indirect_dma semaphore(%arg33 : memref<!tpu.dma_semaphore, #tpu.memory_space<semaphore_mem>>) src(%arg16 : memref<128x16xf32, #tpu.memory_space<vmem>>) dst(%dma_wait3A_363 : memref<10240x16xf32, #tpu.memory_space<vmem_shared>>)
        %lt3A_364 = arith.constant 160 : i32
        %lt3A_365 = arith.cmpi slt, %add3A_355, %lt3A_364 : i32
        %convert_element_type3A_366 = arith.extui %lt3A_365 : i1 to i32
        %cond3A_367 = arith.constant 0 : i32
        %cond3A_368 = arith.cmpi ne, %convert_element_type3A_366, %cond3A_367 : i32
        scf.if %cond3A_368 {
          %dma_start3A_370 = arith.constant 0 : i32
          %dma_start3A_371 = tpu.memref_slice %arg7[%add3A_355, %dma_start3A_370] : memref<160x128xi32, #tpu.memory_space<vmem>> -> memref<1x128xi32, #tpu.memory_space<vmem>>
          %dma_start3A_372 = tpu.memref_squeeze %dma_start3A_371 : memref<1x128xi32, #tpu.memory_space<vmem>> -> memref<128xi32, #tpu.memory_space<vmem>>
          %dma_start3A_373 = arith.constant 0 : i32
          %dma_start3A_374 = arith.constant 0 : i32
          %dma_start3A_375 = tpu.memref_slice %arg5[%dma_start3A_373, %dma_start3A_374] : memref<10240x16xf32, #tpu.memory_space<hbm>> -> memref<10240x16xf32, #tpu.memory_space<hbm>>
          tpu.enqueue_indirect_dma source(%dma_start3A_375 : memref<10240x16xf32, #tpu.memory_space<hbm>>) target(%arg16 : memref<128x16xf32, #tpu.memory_space<vmem>>) offsets(%dma_start3A_372 : memref<128xi32, #tpu.memory_space<vmem>>) semaphore(%arg25 : memref<!tpu.dma_semaphore, #tpu.memory_space<semaphore_mem>>)
        } else {
        }
        %scan3A_369 = arith.constant 0 : i32
        scf.yield %scan3A_369 : i32
      }
      %scan3A_102 = arith.constant 20 : i32
    } else {
    }
    %barrier3A_36 = arith.constant 0 : index
    tpu.barrier barrier_id(%barrier3A_36)
    %mul3A_37 = arith.constant 640 : i32
    %mul3A_38 = arith.muli %arg1, %mul3A_37 : i32
    %mul3A_39 = arith.constant 640 : i32
    %mul3A_40 = arith.muli %arg1, %mul3A_39 : i32
    "tpu.region"() ({
      %run_scoped3A = tpu.sem_alloc : memref<!tpu.dma_semaphore, #tpu.memory_space<semaphore_mem>>
      %dma_start3A = arith.constant 0 : i32
      %dma_start3A_41 = tpu.memref_slice %arg6[%arg0, %mul3A_40, %dma_start3A] : memref<2x10240x16xf32, #tpu.memory_space<hbm>> -> memref<1x640x16xf32, #tpu.memory_space<hbm>>
      %dma_start3A_42 = tpu.memref_squeeze %dma_start3A_41 : memref<1x640x16xf32, #tpu.memory_space<hbm>> -> memref<640x16xf32, #tpu.memory_space<hbm>>
      %dma_start3A_43 = arith.constant 0 : i32
      %dma_start3A_44 = tpu.memref_slice %arg17[%mul3A_38, %dma_start3A_43] : memref<10240x16xf32, #tpu.memory_space<vmem_shared>> -> memref<640x16xf32, #tpu.memory_space<vmem_shared>>
      tpu.enqueue_dma source(%dma_start3A_44 : memref<640x16xf32, #tpu.memory_space<vmem_shared>>) target(%dma_start3A_42 : memref<640x16xf32, #tpu.memory_space<hbm>>) target_semaphore(%run_scoped3A : memref<!tpu.dma_semaphore, #tpu.memory_space<semaphore_mem>>)
      %dma_wait3A = arith.constant 0 : i32
      %dma_wait3A_45 = tpu.memref_slice %arg6[%arg0, %mul3A_40, %dma_wait3A] : memref<2x10240x16xf32, #tpu.memory_space<hbm>> -> memref<1x640x16xf32, #tpu.memory_space<hbm>>
      %dma_wait3A_46 = tpu.memref_squeeze %dma_wait3A_45 : memref<1x640x16xf32, #tpu.memory_space<hbm>> -> memref<640x16xf32, #tpu.memory_space<hbm>>
      %dma_wait3A_47 = arith.constant 0 : i32
      %dma_wait3A_48 = tpu.memref_slice %arg17[%mul3A_38, %dma_wait3A_47] : memref<10240x16xf32, #tpu.memory_space<vmem_shared>> -> memref<640x16xf32, #tpu.memory_space<vmem_shared>>
      tpu.wait_dma2 semaphore(%run_scoped3A : memref<!tpu.dma_semaphore, #tpu.memory_space<semaphore_mem>>) src(%dma_wait3A_48 : memref<640x16xf32, #tpu.memory_space<vmem_shared>>) dst(%dma_wait3A_46 : memref<640x16xf32, #tpu.memory_space<hbm>>)
      tpu.yield
    }) : () -> ()
    return
  }
}

#map = affine_map<(d0, d1) -> (0, 0)>
#map1 = affine_map<(d0, d1) -> (0, 0, 0)>
module attributes {stable_mosaic.version = 14 : i64} {
  func.func @_spmm(%arg0: i32, %arg1: i32, %arg2: memref<2560x128xi32, #tpu.memory_space<hbm>>, %arg3: memref<2560x128xi32, #tpu.memory_space<hbm>>, %arg4: memref<10240x16xf32, #tpu.memory_space<hbm>>, %arg5: memref<10240x16xf32, #tpu.memory_space<hbm>>, %arg6: memref<2x10240x16xf32, #tpu.memory_space<hbm>>, %arg7: memref<160x128xi32, #tpu.memory_space<vmem>>, %arg8: memref<160x128xi32, #tpu.memory_space<vmem>>, %arg9: memref<128x16xf32, #tpu.memory_space<vmem>>, %arg10: memref<128x16xf32, #tpu.memory_space<vmem>>, %arg11: memref<128x16xf32, #tpu.memory_space<vmem>>, %arg12: memref<128x16xf32, #tpu.memory_space<vmem>>, %arg13: memref<128x16xf32, #tpu.memory_space<vmem>>, %arg14: memref<128x16xf32, #tpu.memory_space<vmem>>, %arg15: memref<128x16xf32, #tpu.memory_space<vmem>>, %arg16: memref<128x16xf32, #tpu.memory_space<vmem>>, %arg17: memref<10240x16xf32, #tpu.memory_space<vmem_shared>>, %arg18: memref<!tpu.dma_semaphore, #tpu.memory_space<semaphore_mem>>, %arg19: memref<!tpu.dma_semaphore, #tpu.memory_space<semaphore_mem>>, %arg20: memref<!tpu.dma_semaphore, #tpu.memory_space<semaphore_mem>>, %arg21: memref<!tpu.dma_semaphore, #tpu.memory_space<semaphore_mem>>, %arg22: memref<!tpu.dma_semaphore, #tpu.memory_space<semaphore_mem>>, %arg23: memref<!tpu.dma_semaphore, #tpu.memory_space<semaphore_mem>>, %arg24: memref<!tpu.dma_semaphore, #tpu.memory_space<semaphore_mem>>, %arg25: memref<!tpu.dma_semaphore, #tpu.memory_space<semaphore_mem>>, %arg26: memref<!tpu.dma_semaphore, #tpu.memory_space<semaphore_mem>>, %arg27: memref<!tpu.dma_semaphore, #tpu.memory_space<semaphore_mem>>, %arg28: memref<!tpu.dma_semaphore, #tpu.memory_space<semaphore_mem>>, %arg29: memref<!tpu.dma_semaphore, #tpu.memory_space<semaphore_mem>>, %arg30: memref<!tpu.dma_semaphore, #tpu.memory_space<semaphore_mem>>, %arg31: memref<!tpu.dma_semaphore, #tpu.memory_space<semaphore_mem>>, %arg32: memref<!tpu.dma_semaphore, #tpu.memory_space<semaphore_mem>>, %arg33: memref<!tpu.dma_semaphore, #tpu.memory_space<semaphore_mem>>) attributes {dimension_semantics = [#tpu.dimension_semantics<core_parallel>, #tpu.dimension_semantics<subcore_parallel>], iteration_bounds = array<i64: 2, 16>, scalar_prefetch = 0 : i64, scratch_operands = 27 : i64, tpu.core_type = #tpu.core_type<sc_vector_subcore>, window_params = [{transform_indices = #map}, {transform_indices = #map}, {transform_indices = #map}, {transform_indices = #map}, {transform_indices = #map1}]} {
    %broadcast_in_dim3A = arith.constant 0.000000e+00 : f32
    %broadcast_in_dim3A_0 = vector.broadcast %broadcast_in_dim3A : f32 to vector<16xf32>
    %scan3A = arith.constant 0 : i32
    %scan3A_1 = arith.constant 0 : i32
    %scan3A_2 = arith.constant 128 : i32
    %scan3A_3 = arith.addi %scan3A_1, %scan3A_2 : i32
    %scan3A_4 = arith.constant 1 : i32
    %scan3A_5 = scf.for %scan3A_41 = %scan3A_1 to %scan3A_3 step %scan3A_4 iter_args(%scan3A_42 = %scan3A) -> (i32)  : i32 {
      %swap3A = arith.index_cast %scan3A_41 : i32 to index
      %swap3A_43 = arith.constant 0 : index
      %swap3A_44 = tpu.vector_load %arg9[%swap3A, %swap3A_43] {strides = array<i32>} : memref<128x16xf32, #tpu.memory_space<vmem>>, vector<1x16xf32>,
      %swap3A_45 = vector.shape_cast %swap3A_44 : vector<1x16xf32> to vector<16xf32>
      %swap3A_46 = vector.shape_cast %broadcast_in_dim3A_0 : vector<16xf32> to vector<1x16xf32>
      tpu.vector_store %arg9[%swap3A, %swap3A_43], %swap3A_46 {strides = array<i32>} : memref<128x16xf32, #tpu.memory_space<vmem>>, vector<1x16xf32>,
      %scan3A_47 = arith.constant 0 : i32
      scf.yield %scan3A_47 : i32
    }
    %scan3A_6 = arith.constant 128 : i32
    %mul3A = arith.constant 640 : i32
    %mul3A_7 = arith.muli %arg1, %mul3A : i32
    %add3A = arith.constant 0 : i32
    %add3A_8 = arith.addi %mul3A_7, %add3A : i32
    "tpu.region"() ({
      %run_scoped3A = tpu.sem_alloc : memref<!tpu.dma_semaphore, #tpu.memory_space<semaphore_mem>>
      %dma_start3A = arith.constant 0 : i32
      %dma_start3A_41 = tpu.memref_slice %arg17[%add3A_8, %dma_start3A] : memref<10240x16xf32, #tpu.memory_space<vmem_shared>> -> memref<128x16xf32, #tpu.memory_space<vmem_shared>>
      %dma_start3A_42 = arith.constant 0 : i32
      %dma_start3A_43 = tpu.memref_slice %arg17[%add3A_8, %dma_start3A_42] : memref<10240x16xf32, #tpu.memory_space<vmem_shared>> -> memref<128x16xf32, #tpu.memory_space<vmem_shared>>
      tpu.enqueue_dma source(%arg9 : memref<128x16xf32, #tpu.memory_space<vmem>>) target(%dma_start3A_43 : memref<128x16xf32, #tpu.memory_space<vmem_shared>>) target_semaphore(%run_scoped3A : memref<!tpu.dma_semaphore, #tpu.memory_space<semaphore_mem>>)
      %dma_wait3A = arith.constant 0 : i32
      %dma_wait3A_44 = tpu.memref_slice %arg17[%add3A_8, %dma_wait3A] : memref<10240x16xf32, #tpu.memory_space<vmem_shared>> -> memref<128x16xf32, #tpu.memory_space<vmem_shared>>
      %dma_wait3A_45 = arith.constant 0 : i32
      %dma_wait3A_46 = tpu.memref_slice %arg17[%add3A_8, %dma_wait3A_45] : memref<10240x16xf32, #tpu.memory_space<vmem_shared>> -> memref<128x16xf32, #tpu.memory_space<vmem_shared>>
      tpu.wait_dma2 semaphore(%run_scoped3A : memref<!tpu.dma_semaphore, #tpu.memory_space<semaphore_mem>>) src(%arg9 : memref<128x16xf32, #tpu.memory_space<vmem>>) dst(%dma_wait3A_46 : memref<128x16xf32, #tpu.memory_space<vmem_shared>>)
      tpu.yield
    }) : () -> ()
    %mul3A_9 = arith.constant 640 : i32
    %mul3A_10 = arith.muli %arg1, %mul3A_9 : i32
    %add3A_11 = arith.constant 128 : i32
    %add3A_12 = arith.addi %mul3A_10, %add3A_11 : i32
    "tpu.region"() ({
      %run_scoped3A = tpu.sem_alloc : memref<!tpu.dma_semaphore, #tpu.memory_space<semaphore_mem>>
      %dma_start3A = arith.constant 0 : i32
      %dma_start3A_41 = tpu.memref_slice %arg17[%add3A_12, %dma_start3A] : memref<10240x16xf32, #tpu.memory_space<vmem_shared>> -> memref<128x16xf32, #tpu.memory_space<vmem_shared>>
      %dma_start3A_42 = arith.constant 0 : i32
      %dma_start3A_43 = tpu.memref_slice %arg17[%add3A_12, %dma_start3A_42] : memref<10240x16xf32, #tpu.memory_space<vmem_shared>> -> memref<128x16xf32, #tpu.memory_space<vmem_shared>>
      tpu.enqueue_dma source(%arg9 : memref<128x16xf32, #tpu.memory_space<vmem>>) target(%dma_start3A_43 : memref<128x16xf32, #tpu.memory_space<vmem_shared>>) target_semaphore(%run_scoped3A : memref<!tpu.dma_semaphore, #tpu.memory_space<semaphore_mem>>)
      %dma_wait3A = arith.constant 0 : i32
      %dma_wait3A_44 = tpu.memref_slice %arg17[%add3A_12, %dma_wait3A] : memref<10240x16xf32, #tpu.memory_space<vmem_shared>> -> memref<128x16xf32, #tpu.memory_space<vmem_shared>>
      %dma_wait3A_45 = arith.constant 0 : i32
      %dma_wait3A_46 = tpu.memref_slice %arg17[%add3A_12, %dma_wait3A_45] : memref<10240x16xf32, #tpu.memory_space<vmem_shared>> -> memref<128x16xf32, #tpu.memory_space<vmem_shared>>
      tpu.wait_dma2 semaphore(%run_scoped3A : memref<!tpu.dma_semaphore, #tpu.memory_space<semaphore_mem>>) src(%arg9 : memref<128x16xf32, #tpu.memory_space<vmem>>) dst(%dma_wait3A_46 : memref<128x16xf32, #tpu.memory_space<vmem_shared>>)
      tpu.yield
    }) : () -> ()
    %mul3A_13 = arith.constant 640 : i32
    %mul3A_14 = arith.muli %arg1, %mul3A_13 : i32
    %add3A_15 = arith.constant 256 : i32
    %add3A_16 = arith.addi %mul3A_14, %add3A_15 : i32
    "tpu.region"() ({
      %run_scoped3A = tpu.sem_alloc : memref<!tpu.dma_semaphore, #tpu.memory_space<semaphore_mem>>
      %dma_start3A = arith.constant 0 : i32
      %dma_start3A_41 = tpu.memref_slice %arg17[%add3A_16, %dma_start3A] : memref<10240x16xf32, #tpu.memory_space<vmem_shared>> -> memref<128x16xf32, #tpu.memory_space<vmem_shared>>
      %dma_start3A_42 = arith.constant 0 : i32
      %dma_start3A_43 = tpu.memref_slice %arg17[%add3A_16, %dma_start3A_42] : memref<10240x16xf32, #tpu.memory_space<vmem_shared>> -> memref<128x16xf32, #tpu.memory_space<vmem_shared>>
      tpu.enqueue_dma source(%arg9 : memref<128x16xf32, #tpu.memory_space<vmem>>) target(%dma_start3A_43 : memref<128x16xf32, #tpu.memory_space<vmem_shared>>) target_semaphore(%run_scoped3A : memref<!tpu.dma_semaphore, #tpu.memory_space<semaphore_mem>>)
      %dma_wait3A = arith.constant 0 : i32
      %dma_wait3A_44 = tpu.memref_slice %arg17[%add3A_16, %dma_wait3A] : memref<10240x16xf32, #tpu.memory_space<vmem_shared>> -> memref<128x16xf32, #tpu.memory_space<vmem_shared>>
      %dma_wait3A_45 = arith.constant 0 : i32
      %dma_wait3A_46 = tpu.memref_slice %arg17[%add3A_16, %dma_wait3A_45] : memref<10240x16xf32, #tpu.memory_space<vmem_shared>> -> memref<128x16xf32, #tpu.memory_space<vmem_shared>>
      tpu.wait_dma2 semaphore(%run_scoped3A : memref<!tpu.dma_semaphore, #tpu.memory_space<semaphore_mem>>) src(%arg9 : memref<128x16xf32, #tpu.memory_space<vmem>>) dst(%dma_wait3A_46 : memref<128x16xf32, #tpu.memory_space<vmem_shared>>)
      tpu.yield
    }) : () -> ()
    %mul3A_17 = arith.constant 640 : i32
    %mul3A_18 = arith.muli %arg1, %mul3A_17 : i32
    %add3A_19 = arith.constant 384 : i32
    %add3A_20 = arith.addi %mul3A_18, %add3A_19 : i32
    "tpu.region"() ({
      %run_scoped3A = tpu.sem_alloc : memref<!tpu.dma_semaphore, #tpu.memory_space<semaphore_mem>>
      %dma_start3A = arith.constant 0 : i32
      %dma_start3A_41 = tpu.memref_slice %arg17[%add3A_20, %dma_start3A] : memref<10240x16xf32, #tpu.memory_space<vmem_shared>> -> memref<128x16xf32, #tpu.memory_space<vmem_shared>>
      %dma_start3A_42 = arith.constant 0 : i32
      %dma_start3A_43 = tpu.memref_slice %arg17[%add3A_20, %dma_start3A_42] : memref<10240x16xf32, #tpu.memory_space<vmem_shared>> -> memref<128x16xf32, #tpu.memory_space<vmem_shared>>
      tpu.enqueue_dma source(%arg9 : memref<128x16xf32, #tpu.memory_space<vmem>>) target(%dma_start3A_43 : memref<128x16xf32, #tpu.memory_space<vmem_shared>>) target_semaphore(%run_scoped3A : memref<!tpu.dma_semaphore, #tpu.memory_space<semaphore_mem>>)
      %dma_wait3A = arith.constant 0 : i32
      %dma_wait3A_44 = tpu.memref_slice %arg17[%add3A_20, %dma_wait3A] : memref<10240x16xf32, #tpu.memory_space<vmem_shared>> -> memref<128x16xf32, #tpu.memory_space<vmem_shared>>
      %dma_wait3A_45 = arith.constant 0 : i32
      %dma_wait3A_46 = tpu.memref_slice %arg17[%add3A_20, %dma_wait3A_45] : memref<10240x16xf32, #tpu.memory_space<vmem_shared>> -> memref<128x16xf32, #tpu.memory_space<vmem_shared>>
      tpu.wait_dma2 semaphore(%run_scoped3A : memref<!tpu.dma_semaphore, #tpu.memory_space<semaphore_mem>>) src(%arg9 : memref<128x16xf32, #tpu.memory_space<vmem>>) dst(%dma_wait3A_46 : memref<128x16xf32, #tpu.memory_space<vmem_shared>>)
      tpu.yield
    }) : () -> ()
    %mul3A_21 = arith.constant 640 : i32
    %mul3A_22 = arith.muli %arg1, %mul3A_21 : i32
    %add3A_23 = arith.constant 512 : i32
    %add3A_24 = arith.addi %mul3A_22, %add3A_23 : i32
    "tpu.region"() ({
      %run_scoped3A = tpu.sem_alloc : memref<!tpu.dma_semaphore, #tpu.memory_space<semaphore_mem>>
      %dma_start3A = arith.constant 0 : i32
      %dma_start3A_41 = tpu.memref_slice %arg17[%add3A_24, %dma_start3A] : memref<10240x16xf32, #tpu.memory_space<vmem_shared>> -> memref<128x16xf32, #tpu.memory_space<vmem_shared>>
      %dma_start3A_42 = arith.constant 0 : i32
      %dma_start3A_43 = tpu.memref_slice %arg17[%add3A_24, %dma_start3A_42] : memref<10240x16xf32, #tpu.memory_space<vmem_shared>> -> memref<128x16xf32, #tpu.memory_space<vmem_shared>>
      tpu.enqueue_dma source(%arg9 : memref<128x16xf32, #tpu.memory_space<vmem>>) target(%dma_start3A_43 : memref<128x16xf32, #tpu.memory_space<vmem_shared>>) target_semaphore(%run_scoped3A : memref<!tpu.dma_semaphore, #tpu.memory_space<semaphore_mem>>)
      %dma_wait3A = arith.constant 0 : i32
      %dma_wait3A_44 = tpu.memref_slice %arg17[%add3A_24, %dma_wait3A] : memref<10240x16xf32, #tpu.memory_space<vmem_shared>> -> memref<128x16xf32, #tpu.memory_space<vmem_shared>>
      %dma_wait3A_45 = arith.constant 0 : i32
      %dma_wait3A_46 = tpu.memref_slice %arg17[%add3A_24, %dma_wait3A_45] : memref<10240x16xf32, #tpu.memory_space<vmem_shared>> -> memref<128x16xf32, #tpu.memory_space<vmem_shared>>
      tpu.wait_dma2 semaphore(%run_scoped3A : memref<!tpu.dma_semaphore, #tpu.memory_space<semaphore_mem>>) src(%arg9 : memref<128x16xf32, #tpu.memory_space<vmem>>) dst(%dma_wait3A_46 : memref<128x16xf32, #tpu.memory_space<vmem_shared>>)
      tpu.yield
    }) : () -> ()
    %mul3A_25 = arith.constant 160 : i32
    %mul3A_26 = arith.muli %arg1, %mul3A_25 : i32
    "tpu.region"() ({
      %run_scoped3A = tpu.sem_alloc : memref<!tpu.dma_semaphore, #tpu.memory_space<semaphore_mem>>
      %dma_start3A = arith.constant 0 : i32
      %dma_start3A_41 = tpu.memref_slice %arg2[%mul3A_26, %dma_start3A] : memref<2560x128xi32, #tpu.memory_space<hbm>> -> memref<160x128xi32, #tpu.memory_space<hbm>>
      %dma_start3A_42 = arith.constant 0 : i32
      %dma_start3A_43 = tpu.memref_slice %arg2[%mul3A_26, %dma_start3A_42] : memref<2560x128xi32, #tpu.memory_space<hbm>> -> memref<160x128xi32, #tpu.memory_space<hbm>>
      tpu.enqueue_dma source(%dma_start3A_43 : memref<160x128xi32, #tpu.memory_space<hbm>>) target(%arg7 : memref<160x128xi32, #tpu.memory_space<vmem>>) target_semaphore(%run_scoped3A : memref<!tpu.dma_semaphore, #tpu.memory_space<semaphore_mem>>)
      %dma_wait3A = arith.constant 0 : i32
      %dma_wait3A_44 = tpu.memref_slice %arg2[%mul3A_26, %dma_wait3A] : memref<2560x128xi32, #tpu.memory_space<hbm>> -> memref<160x128xi32, #tpu.memory_space<hbm>>
      %dma_wait3A_45 = arith.constant 0 : i32
      %dma_wait3A_46 = tpu.memref_slice %arg2[%mul3A_26, %dma_wait3A_45] : memref<2560x128xi32, #tpu.memory_space<hbm>> -> memref<160x128xi32, #tpu.memory_space<hbm>>
      tpu.wait_dma2 semaphore(%run_scoped3A : memref<!tpu.dma_semaphore, #tpu.memory_space<semaphore_mem>>) src(%dma_wait3A_46 : memref<160x128xi32, #tpu.memory_space<hbm>>) dst(%arg7 : memref<160x128xi32, #tpu.memory_space<vmem>>)
      tpu.yield
    }) : () -> ()
    %mul3A_27 = arith.constant 160 : i32
    %mul3A_28 = arith.muli %arg1, %mul3A_27 : i32
    "tpu.region"() ({
      %run_scoped3A = tpu.sem_alloc : memref<!tpu.dma_semaphore, #tpu.memory_space<semaphore_mem>>
      %dma_start3A = arith.constant 0 : i32
      %dma_start3A_41 = tpu.memref_slice %arg3[%mul3A_28, %dma_start3A] : memref<2560x128xi32, #tpu.memory_space<hbm>> -> memref<160x128xi32, #tpu.memory_space<hbm>>
      %dma_start3A_42 = arith.constant 0 : i32
      %dma_start3A_43 = tpu.memref_slice %arg3[%mul3A_28, %dma_start3A_42] : memref<2560x128xi32, #tpu.memory_space<hbm>> -> memref<160x128xi32, #tpu.memory_space<hbm>>
      tpu.enqueue_dma source(%dma_start3A_43 : memref<160x128xi32, #tpu.memory_space<hbm>>) target(%arg8 : memref<160x128xi32, #tpu.memory_space<vmem>>) target_semaphore(%run_scoped3A : memref<!tpu.dma_semaphore, #tpu.memory_space<semaphore_mem>>)
      %dma_wait3A = arith.constant 0 : i32
      %dma_wait3A_44 = tpu.memref_slice %arg3[%mul3A_28, %dma_wait3A] : memref<2560x128xi32, #tpu.memory_space<hbm>> -> memref<160x128xi32, #tpu.memory_space<hbm>>
      %dma_wait3A_45 = arith.constant 0 : i32
      %dma_wait3A_46 = tpu.memref_slice %arg3[%mul3A_28, %dma_wait3A_45] : memref<2560x128xi32, #tpu.memory_space<hbm>> -> memref<160x128xi32, #tpu.memory_space<hbm>>
      tpu.wait_dma2 semaphore(%run_scoped3A : memref<!tpu.dma_semaphore, #tpu.memory_space<semaphore_mem>>) src(%dma_wait3A_46 : memref<160x128xi32, #tpu.memory_space<hbm>>) dst(%arg8 : memref<160x128xi32, #tpu.memory_space<vmem>>)
      tpu.yield
    }) : () -> ()
    %barrier3A = arith.constant 0 : index
    tpu.barrier barrier_id(%barrier3A)
    %eq3A = arith.constant 0 : i32
    %eq3A_29 = arith.cmpi eq, %arg0, %eq3A : i32
    %convert_element_type3A = arith.extui %eq3A_29 : i1 to i32
    %cond3A = arith.constant 0 : i32
    %cond3A_30 = arith.cmpi ne, %convert_element_type3A, %cond3A : i32
    scf.if %cond3A_30 {
      %dma_start3A = arith.constant 0 : i32
      %dma_start3A_41 = arith.constant 0 : i32
      %dma_start3A_42 = tpu.memref_slice %arg7[%dma_start3A, %dma_start3A_41] : memref<160x128xi32, #tpu.memory_space<vmem>> -> memref<1x128xi32, #tpu.memory_space<vmem>>
      %dma_start3A_43 = tpu.memref_squeeze %dma_start3A_42 : memref<1x128xi32, #tpu.memory_space<vmem>> -> memref<128xi32, #tpu.memory_space<vmem>>
      %dma_start3A_44 = arith.constant 0 : i32
      %dma_start3A_45 = arith.constant 0 : i32
      %dma_start3A_46 = tpu.memref_slice %arg4[%dma_start3A_44, %dma_start3A_45] : memref<10240x16xf32, #tpu.memory_space<hbm>> -> memref<10240x16xf32, #tpu.memory_space<hbm>>
      tpu.enqueue_indirect_dma source(%dma_start3A_46 : memref<10240x16xf32, #tpu.memory_space<hbm>>) target(%arg9 : memref<128x16xf32, #tpu.memory_space<vmem>>) offsets(%dma_start3A_43 : memref<128xi32, #tpu.memory_space<vmem>>) semaphore(%arg18 : memref<!tpu.dma_semaphore, #tpu.memory_space<semaphore_mem>>)
      %dma_start3A_47 = arith.constant 1 : i32
      %dma_start3A_48 = arith.constant 0 : i32
      %dma_start3A_49 = tpu.memref_slice %arg7[%dma_start3A_47, %dma_start3A_48] : memref<160x128xi32, #tpu.memory_space<vmem>> -> memref<1x128xi32, #tpu.memory_space<vmem>>
      %dma_start3A_50 = tpu.memref_squeeze %dma_start3A_49 : memref<1x128xi32, #tpu.memory_space<vmem>> -> memref<128xi32, #tpu.memory_space<vmem>>
      %dma_start3A_51 = arith.constant 0 : i32
      %dma_start3A_52 = arith.constant 0 : i32
      %dma_start3A_53 = tpu.memref_slice %arg4[%dma_start3A_51, %dma_start3A_52] : memref<10240x16xf32, #tpu.memory_space<hbm>> -> memref<10240x16xf32, #tpu.memory_space<hbm>>
      tpu.enqueue_indirect_dma source(%dma_start3A_53 : memref<10240x16xf32, #tpu.memory_space<hbm>>) target(%arg10 : memref<128x16xf32, #tpu.memory_space<vmem>>) offsets(%dma_start3A_50 : memref<128xi32, #tpu.memory_space<vmem>>) semaphore(%arg19 : memref<!tpu.dma_semaphore, #tpu.memory_space<semaphore_mem>>)
      %dma_start3A_54 = arith.constant 2 : i32
      %dma_start3A_55 = arith.constant 0 : i32
      %dma_start3A_56 = tpu.memref_slice %arg7[%dma_start3A_54, %dma_start3A_55] : memref<160x128xi32, #tpu.memory_space<vmem>> -> memref<1x128xi32, #tpu.memory_space<vmem>>
      %dma_start3A_57 = tpu.memref_squeeze %dma_start3A_56 : memref<1x128xi32, #tpu.memory_space<vmem>> -> memref<128xi32, #tpu.memory_space<vmem>>
      %dma_start3A_58 = arith.constant 0 : i32
      %dma_start3A_59 = arith.constant 0 : i32
      %dma_start3A_60 = tpu.memref_slice %arg4[%dma_start3A_58, %dma_start3A_59] : memref<10240x16xf32, #tpu.memory_space<hbm>> -> memref<10240x16xf32, #tpu.memory_space<hbm>>
      tpu.enqueue_indirect_dma source(%dma_start3A_60 : memref<10240x16xf32, #tpu.memory_space<hbm>>) target(%arg11 : memref<128x16xf32, #tpu.memory_space<vmem>>) offsets(%dma_start3A_57 : memref<128xi32, #tpu.memory_space<vmem>>) semaphore(%arg20 : memref<!tpu.dma_semaphore, #tpu.memory_space<semaphore_mem>>)
      %dma_start3A_61 = arith.constant 3 : i32
      %dma_start3A_62 = arith.constant 0 : i32
      %dma_start3A_63 = tpu.memref_slice %arg7[%dma_start3A_61, %dma_start3A_62] : memref<160x128xi32, #tpu.memory_space<vmem>> -> memref<1x128xi32, #tpu.memory_space<vmem>>
      %dma_start3A_64 = tpu.memref_squeeze %dma_start3A_63 : memref<1x128xi32, #tpu.memory_space<vmem>> -> memref<128xi32, #tpu.memory_space<vmem>>
      %dma_start3A_65 = arith.constant 0 : i32
      %dma_start3A_66 = arith.constant 0 : i32
      %dma_start3A_67 = tpu.memref_slice %arg4[%dma_start3A_65, %dma_start3A_66] : memref<10240x16xf32, #tpu.memory_space<hbm>> -> memref<10240x16xf32, #tpu.memory_space<hbm>>
      tpu.enqueue_indirect_dma source(%dma_start3A_67 : memref<10240x16xf32, #tpu.memory_space<hbm>>) target(%arg12 : memref<128x16xf32, #tpu.memory_space<vmem>>) offsets(%dma_start3A_64 : memref<128xi32, #tpu.memory_space<vmem>>) semaphore(%arg21 : memref<!tpu.dma_semaphore, #tpu.memory_space<semaphore_mem>>)
      %dma_start3A_68 = arith.constant 4 : i32
      %dma_start3A_69 = arith.constant 0 : i32
      %dma_start3A_70 = tpu.memref_slice %arg7[%dma_start3A_68, %dma_start3A_69] : memref<160x128xi32, #tpu.memory_space<vmem>> -> memref<1x128xi32, #tpu.memory_space<vmem>>
      %dma_start3A_71 = tpu.memref_squeeze %dma_start3A_70 : memref<1x128xi32, #tpu.memory_space<vmem>> -> memref<128xi32, #tpu.memory_space<vmem>>
      %dma_start3A_72 = arith.constant 0 : i32
      %dma_start3A_73 = arith.constant 0 : i32
      %dma_start3A_74 = tpu.memref_slice %arg4[%dma_start3A_72, %dma_start3A_73] : memref<10240x16xf32, #tpu.memory_space<hbm>> -> memref<10240x16xf32, #tpu.memory_space<hbm>>
      tpu.enqueue_indirect_dma source(%dma_start3A_74 : memref<10240x16xf32, #tpu.memory_space<hbm>>) target(%arg13 : memref<128x16xf32, #tpu.memory_space<vmem>>) offsets(%dma_start3A_71 : memref<128xi32, #tpu.memory_space<vmem>>) semaphore(%arg22 : memref<!tpu.dma_semaphore, #tpu.memory_space<semaphore_mem>>)
      %dma_start3A_75 = arith.constant 5 : i32
      %dma_start3A_76 = arith.constant 0 : i32
      %dma_start3A_77 = tpu.memref_slice %arg7[%dma_start3A_75, %dma_start3A_76] : memref<160x128xi32, #tpu.memory_space<vmem>> -> memref<1x128xi32, #tpu.memory_space<vmem>>
      %dma_start3A_78 = tpu.memref_squeeze %dma_start3A_77 : memref<1x128xi32, #tpu.memory_space<vmem>> -> memref<128xi32, #tpu.memory_space<vmem>>
      %dma_start3A_79 = arith.constant 0 : i32
      %dma_start3A_80 = arith.constant 0 : i32
      %dma_start3A_81 = tpu.memref_slice %arg4[%dma_start3A_79, %dma_start3A_80] : memref<10240x16xf32, #tpu.memory_space<hbm>> -> memref<10240x16xf32, #tpu.memory_space<hbm>>
      tpu.enqueue_indirect_dma source(%dma_start3A_81 : memref<10240x16xf32, #tpu.memory_space<hbm>>) target(%arg14 : memref<128x16xf32, #tpu.memory_space<vmem>>) offsets(%dma_start3A_78 : memref<128xi32, #tpu.memory_space<vmem>>) semaphore(%arg23 : memref<!tpu.dma_semaphore, #tpu.memory_space<semaphore_mem>>)
      %dma_start3A_82 = arith.constant 6 : i32
      %dma_start3A_83 = arith.constant 0 : i32
      %dma_start3A_84 = tpu.memref_slice %arg7[%dma_start3A_82, %dma_start3A_83] : memref<160x128xi32, #tpu.memory_space<vmem>> -> memref<1x128xi32, #tpu.memory_space<vmem>>
      %dma_start3A_85 = tpu.memref_squeeze %dma_start3A_84 : memref<1x128xi32, #tpu.memory_space<vmem>> -> memref<128xi32, #tpu.memory_space<vmem>>
      %dma_start3A_86 = arith.constant 0 : i32
      %dma_start3A_87 = arith.constant 0 : i32
      %dma_start3A_88 = tpu.memref_slice %arg4[%dma_start3A_86, %dma_start3A_87] : memref<10240x16xf32, #tpu.memory_space<hbm>> -> memref<10240x16xf32, #tpu.memory_space<hbm>>
      tpu.enqueue_indirect_dma source(%dma_start3A_88 : memref<10240x16xf32, #tpu.memory_space<hbm>>) target(%arg15 : memref<128x16xf32, #tpu.memory_space<vmem>>) offsets(%dma_start3A_85 : memref<128xi32, #tpu.memory_space<vmem>>) semaphore(%arg24 : memref<!tpu.dma_semaphore, #tpu.memory_space<semaphore_mem>>)
      %dma_start3A_89 = arith.constant 7 : i32
      %dma_start3A_90 = arith.constant 0 : i32
      %dma_start3A_91 = tpu.memref_slice %arg7[%dma_start3A_89, %dma_start3A_90] : memref<160x128xi32, #tpu.memory_space<vmem>> -> memref<1x128xi32, #tpu.memory_space<vmem>>
      %dma_start3A_92 = tpu.memref_squeeze %dma_start3A_91 : memref<1x128xi32, #tpu.memory_space<vmem>> -> memref<128xi32, #tpu.memory_space<vmem>>
      %dma_start3A_93 = arith.constant 0 : i32
      %dma_start3A_94 = arith.constant 0 : i32
      %dma_start3A_95 = tpu.memref_slice %arg4[%dma_start3A_93, %dma_start3A_94] : memref<10240x16xf32, #tpu.memory_space<hbm>> -> memref<10240x16xf32, #tpu.memory_space<hbm>>
      tpu.enqueue_indirect_dma source(%dma_start3A_95 : memref<10240x16xf32, #tpu.memory_space<hbm>>) target(%arg16 : memref<128x16xf32, #tpu.memory_space<vmem>>) offsets(%dma_start3A_92 : memref<128xi32, #tpu.memory_space<vmem>>) semaphore(%arg25 : memref<!tpu.dma_semaphore, #tpu.memory_space<semaphore_mem>>)
      %scan3A_96 = arith.constant 0 : i32
      %scan3A_97 = arith.constant 0 : i32
      %scan3A_98 = arith.constant 20 : i32
      %scan3A_99 = arith.addi %scan3A_97, %scan3A_98 : i32
      %scan3A_100 = arith.constant 1 : i32
      %scan3A_101 = scf.for %scan3A_103 = %scan3A_97 to %scan3A_99 step %scan3A_100 iter_args(%scan3A_104 = %scan3A_96) -> (i32)  : i32 {
        %mul3A_105 = arith.constant 8 : i32
        %mul3A_106 = arith.muli %mul3A_105, %scan3A_103 : i32
        %add3A_107 = arith.constant 0 : i32
        %add3A_108 = arith.addi %mul3A_106, %add3A_107 : i32
        %dma_wait3A = arith.constant 0 : i32
        %dma_wait3A_109 = tpu.memref_slice %arg7[%add3A_108, %dma_wait3A] : memref<160x128xi32, #tpu.memory_space<vmem>> -> memref<1x128xi32, #tpu.memory_space<vmem>>
        %dma_wait3A_110 = tpu.memref_squeeze %dma_wait3A_109 : memref<1x128xi32, #tpu.memory_space<vmem>> -> memref<128xi32, #tpu.memory_space<vmem>>
        %dma_wait3A_111 = arith.constant 0 : i32
        %dma_wait3A_112 = arith.constant 0 : i32
        %dma_wait3A_113 = tpu.memref_slice %arg4[%dma_wait3A_111, %dma_wait3A_112] : memref<10240x16xf32, #tpu.memory_space<hbm>> -> memref<10240x16xf32, #tpu.memory_space<hbm>>
        tpu.wait_indirect_dma semaphore(%arg18 : memref<!tpu.dma_semaphore, #tpu.memory_space<semaphore_mem>>) src(%dma_wait3A_113 : memref<10240x16xf32, #tpu.memory_space<hbm>>) dst(%arg9 : memref<128x16xf32, #tpu.memory_space<vmem>>)
        %add3A_114 = arith.constant 0 : i32
        %add3A_115 = arith.addi %mul3A_106, %add3A_114 : i32
        %dma_start3A_116 = arith.constant 0 : i32
        %dma_start3A_117 = tpu.memref_slice %arg8[%add3A_115, %dma_start3A_116] : memref<160x128xi32, #tpu.memory_space<vmem>> -> memref<1x128xi32, #tpu.memory_space<vmem>>
        %dma_start3A_118 = tpu.memref_squeeze %dma_start3A_117 : memref<1x128xi32, #tpu.memory_space<vmem>> -> memref<128xi32, #tpu.memory_space<vmem>>
        %dma_start3A_119 = arith.constant 0 : i32
        %dma_start3A_120 = arith.constant 0 : i32
        %dma_start3A_121 = tpu.memref_slice %arg17[%dma_start3A_119, %dma_start3A_120] : memref<10240x16xf32, #tpu.memory_space<vmem_shared>> -> memref<10240x16xf32, #tpu.memory_space<vmem_shared>>
        tpu.enqueue_indirect_dma source(%arg9 : memref<128x16xf32, #tpu.memory_space<vmem>>) target(%dma_start3A_121 : memref<10240x16xf32, #tpu.memory_space<vmem_shared>>) offsets(%dma_start3A_118 : memref<128xi32, #tpu.memory_space<vmem>>) semaphore(%arg26 : memref<!tpu.dma_semaphore, #tpu.memory_space<semaphore_mem>>) {add = true}
        %add3A_122 = arith.constant 1 : i32
        %add3A_123 = arith.addi %mul3A_106, %add3A_122 : i32
        %dma_wait3A_124 = arith.constant 0 : i32
        %dma_wait3A_125 = tpu.memref_slice %arg7[%add3A_123, %dma_wait3A_124] : memref<160x128xi32, #tpu.memory_space<vmem>> -> memref<1x128xi32, #tpu.memory_space<vmem>>
        %dma_wait3A_126 = tpu.memref_squeeze %dma_wait3A_125 : memref<1x128xi32, #tpu.memory_space<vmem>> -> memref<128xi32, #tpu.memory_space<vmem>>
        %dma_wait3A_127 = arith.constant 0 : i32
        %dma_wait3A_128 = arith.constant 0 : i32
        %dma_wait3A_129 = tpu.memref_slice %arg4[%dma_wait3A_127, %dma_wait3A_128] : memref<10240x16xf32, #tpu.memory_space<hbm>> -> memref<10240x16xf32, #tpu.memory_space<hbm>>
        tpu.wait_indirect_dma semaphore(%arg19 : memref<!tpu.dma_semaphore, #tpu.memory_space<semaphore_mem>>) src(%dma_wait3A_129 : memref<10240x16xf32, #tpu.memory_space<hbm>>) dst(%arg10 : memref<128x16xf32, #tpu.memory_space<vmem>>)
        %add3A_130 = arith.constant 1 : i32
        %add3A_131 = arith.addi %mul3A_106, %add3A_130 : i32
        %dma_start3A_132 = arith.constant 0 : i32
        %dma_start3A_133 = tpu.memref_slice %arg8[%add3A_131, %dma_start3A_132] : memref<160x128xi32, #tpu.memory_space<vmem>> -> memref<1x128xi32, #tpu.memory_space<vmem>>
        %dma_start3A_134 = tpu.memref_squeeze %dma_start3A_133 : memref<1x128xi32, #tpu.memory_space<vmem>> -> memref<128xi32, #tpu.memory_space<vmem>>
        %dma_start3A_135 = arith.constant 0 : i32
        %dma_start3A_136 = arith.constant 0 : i32
        %dma_start3A_137 = tpu.memref_slice %arg17[%dma_start3A_135, %dma_start3A_136] : memref<10240x16xf32, #tpu.memory_space<vmem_shared>> -> memref<10240x16xf32, #tpu.memory_space<vmem_shared>>
        tpu.enqueue_indirect_dma source(%arg10 : memref<128x16xf32, #tpu.memory_space<vmem>>) target(%dma_start3A_137 : memref<10240x16xf32, #tpu.memory_space<vmem_shared>>) offsets(%dma_start3A_134 : memref<128xi32, #tpu.memory_space<vmem>>) semaphore(%arg27 : memref<!tpu.dma_semaphore, #tpu.memory_space<semaphore_mem>>) {add = true}
        %add3A_138 = arith.constant 2 : i32
        %add3A_139 = arith.addi %mul3A_106, %add3A_138 : i32
        %dma_wait3A_140 = arith.constant 0 : i32
        %dma_wait3A_141 = tpu.memref_slice %arg7[%add3A_139, %dma_wait3A_140] : memref<160x128xi32, #tpu.memory_space<vmem>> -> memref<1x128xi32, #tpu.memory_space<vmem>>
        %dma_wait3A_142 = tpu.memref_squeeze %dma_wait3A_141 : memref<1x128xi32, #tpu.memory_space<vmem>> -> memref<128xi32, #tpu.memory_space<vmem>>
        %dma_wait3A_143 = arith.constant 0 : i32
        %dma_wait3A_144 = arith.constant 0 : i32
        %dma_wait3A_145 = tpu.memref_slice %arg4[%dma_wait3A_143, %dma_wait3A_144] : memref<10240x16xf32, #tpu.memory_space<hbm>> -> memref<10240x16xf32, #tpu.memory_space<hbm>>
        tpu.wait_indirect_dma semaphore(%arg20 : memref<!tpu.dma_semaphore, #tpu.memory_space<semaphore_mem>>) src(%dma_wait3A_145 : memref<10240x16xf32, #tpu.memory_space<hbm>>) dst(%arg11 : memref<128x16xf32, #tpu.memory_space<vmem>>)
        %add3A_146 = arith.constant 2 : i32
        %add3A_147 = arith.addi %mul3A_106, %add3A_146 : i32
        %dma_start3A_148 = arith.constant 0 : i32
        %dma_start3A_149 = tpu.memref_slice %arg8[%add3A_147, %dma_start3A_148] : memref<160x128xi32, #tpu.memory_space<vmem>> -> memref<1x128xi32, #tpu.memory_space<vmem>>
        %dma_start3A_150 = tpu.memref_squeeze %dma_start3A_149 : memref<1x128xi32, #tpu.memory_space<vmem>> -> memref<128xi32, #tpu.memory_space<vmem>>
        %dma_start3A_151 = arith.constant 0 : i32
        %dma_start3A_152 = arith.constant 0 : i32
        %dma_start3A_153 = tpu.memref_slice %arg17[%dma_start3A_151, %dma_start3A_152] : memref<10240x16xf32, #tpu.memory_space<vmem_shared>> -> memref<10240x16xf32, #tpu.memory_space<vmem_shared>>
        tpu.enqueue_indirect_dma source(%arg11 : memref<128x16xf32, #tpu.memory_space<vmem>>) target(%dma_start3A_153 : memref<10240x16xf32, #tpu.memory_space<vmem_shared>>) offsets(%dma_start3A_150 : memref<128xi32, #tpu.memory_space<vmem>>) semaphore(%arg28 : memref<!tpu.dma_semaphore, #tpu.memory_space<semaphore_mem>>) {add = true}
        %add3A_154 = arith.constant 3 : i32
        %add3A_155 = arith.addi %mul3A_106, %add3A_154 : i32
        %dma_wait3A_156 = arith.constant 0 : i32
        %dma_wait3A_157 = tpu.memref_slice %arg7[%add3A_155, %dma_wait3A_156] : memref<160x128xi32, #tpu.memory_space<vmem>> -> memref<1x128xi32, #tpu.memory_space<vmem>>
        %dma_wait3A_158 = tpu.memref_squeeze %dma_wait3A_157 : memref<1x128xi32, #tpu.memory_space<vmem>> -> memref<128xi32, #tpu.memory_space<vmem>>
        %dma_wait3A_159 = arith.constant 0 : i32
        %dma_wait3A_160 = arith.constant 0 : i32
        %dma_wait3A_161 = tpu.memref_slice %arg4[%dma_wait3A_159, %dma_wait3A_160] : memref<10240x16xf32, #tpu.memory_space<hbm>> -> memref<10240x16xf32, #tpu.memory_space<hbm>>
        tpu.wait_indirect_dma semaphore(%arg21 : memref<!tpu.dma_semaphore, #tpu.memory_space<semaphore_mem>>) src(%dma_wait3A_161 : memref<10240x16xf32, #tpu.memory_space<hbm>>) dst(%arg12 : memref<128x16xf32, #tpu.memory_space<vmem>>)
        %add3A_162 = arith.constant 3 : i32
        %add3A_163 = arith.addi %mul3A_106, %add3A_162 : i32
        %dma_start3A_164 = arith.constant 0 : i32
        %dma_start3A_165 = tpu.memref_slice %arg8[%add3A_163, %dma_start3A_164] : memref<160x128xi32, #tpu.memory_space<vmem>> -> memref<1x128xi32, #tpu.memory_space<vmem>>
        %dma_start3A_166 = tpu.memref_squeeze %dma_start3A_165 : memref<1x128xi32, #tpu.memory_space<vmem>> -> memref<128xi32, #tpu.memory_space<vmem>>
        %dma_start3A_167 = arith.constant 0 : i32
        %dma_start3A_168 = arith.constant 0 : i32
        %dma_start3A_169 = tpu.memref_slice %arg17[%dma_start3A_167, %dma_start3A_168] : memref<10240x16xf32, #tpu.memory_space<vmem_shared>> -> memref<10240x16xf32, #tpu.memory_space<vmem_shared>>
        tpu.enqueue_indirect_dma source(%arg12 : memref<128x16xf32, #tpu.memory_space<vmem>>) target(%dma_start3A_169 : memref<10240x16xf32, #tpu.memory_space<vmem_shared>>) offsets(%dma_start3A_166 : memref<128xi32, #tpu.memory_space<vmem>>) semaphore(%arg29 : memref<!tpu.dma_semaphore, #tpu.memory_space<semaphore_mem>>) {add = true}
        %add3A_170 = arith.constant 4 : i32
        %add3A_171 = arith.addi %mul3A_106, %add3A_170 : i32
        %dma_wait3A_172 = arith.constant 0 : i32
        %dma_wait3A_173 = tpu.memref_slice %arg7[%add3A_171, %dma_wait3A_172] : memref<160x128xi32, #tpu.memory_space<vmem>> -> memref<1x128xi32, #tpu.memory_space<vmem>>
        %dma_wait3A_174 = tpu.memref_squeeze %dma_wait3A_173 : memref<1x128xi32, #tpu.memory_space<vmem>> -> memref<128xi32, #tpu.memory_space<vmem>>
        %dma_wait3A_175 = arith.constant 0 : i32
        %dma_wait3A_176 = arith.constant 0 : i32
        %dma_wait3A_177 = tpu.memref_slice %arg4[%dma_wait3A_175, %dma_wait3A_176] : memref<10240x16xf32, #tpu.memory_space<hbm>> -> memref<10240x16xf32, #tpu.memory_space<hbm>>
        tpu.wait_indirect_dma semaphore(%arg22 : memref<!tpu.dma_semaphore, #tpu.memory_space<semaphore_mem>>) src(%dma_wait3A_177 : memref<10240x16xf32, #tpu.memory_space<hbm>>) dst(%arg13 : memref<128x16xf32, #tpu.memory_space<vmem>>)
        %add3A_178 = arith.constant 4 : i32
        %add3A_179 = arith.addi %mul3A_106, %add3A_178 : i32
        %dma_start3A_180 = arith.constant 0 : i32
        %dma_start3A_181 = tpu.memref_slice %arg8[%add3A_179, %dma_start3A_180] : memref<160x128xi32, #tpu.memory_space<vmem>> -> memref<1x128xi32, #tpu.memory_space<vmem>>
        %dma_start3A_182 = tpu.memref_squeeze %dma_start3A_181 : memref<1x128xi32, #tpu.memory_space<vmem>> -> memref<128xi32, #tpu.memory_space<vmem>>
        %dma_start3A_183 = arith.constant 0 : i32
        %dma_start3A_184 = arith.constant 0 : i32
        %dma_start3A_185 = tpu.memref_slice %arg17[%dma_start3A_183, %dma_start3A_184] : memref<10240x16xf32, #tpu.memory_space<vmem_shared>> -> memref<10240x16xf32, #tpu.memory_space<vmem_shared>>
        tpu.enqueue_indirect_dma source(%arg13 : memref<128x16xf32, #tpu.memory_space<vmem>>) target(%dma_start3A_185 : memref<10240x16xf32, #tpu.memory_space<vmem_shared>>) offsets(%dma_start3A_182 : memref<128xi32, #tpu.memory_space<vmem>>) semaphore(%arg30 : memref<!tpu.dma_semaphore, #tpu.memory_space<semaphore_mem>>) {add = true}
        %add3A_186 = arith.constant 5 : i32
        %add3A_187 = arith.addi %mul3A_106, %add3A_186 : i32
        %dma_wait3A_188 = arith.constant 0 : i32
        %dma_wait3A_189 = tpu.memref_slice %arg7[%add3A_187, %dma_wait3A_188] : memref<160x128xi32, #tpu.memory_space<vmem>> -> memref<1x128xi32, #tpu.memory_space<vmem>>
        %dma_wait3A_190 = tpu.memref_squeeze %dma_wait3A_189 : memref<1x128xi32, #tpu.memory_space<vmem>> -> memref<128xi32, #tpu.memory_space<vmem>>
        %dma_wait3A_191 = arith.constant 0 : i32
        %dma_wait3A_192 = arith.constant 0 : i32
        %dma_wait3A_193 = tpu.memref_slice %arg4[%dma_wait3A_191, %dma_wait3A_192] : memref<10240x16xf32, #tpu.memory_space<hbm>> -> memref<10240x16xf32, #tpu.memory_space<hbm>>
        tpu.wait_indirect_dma semaphore(%arg23 : memref<!tpu.dma_semaphore, #tpu.memory_space<semaphore_mem>>) src(%dma_wait3A_193 : memref<10240x16xf32, #tpu.memory_space<hbm>>) dst(%arg14 : memref<128x16xf32, #tpu.memory_space<vmem>>)
        %add3A_194 = arith.constant 5 : i32
        %add3A_195 = arith.addi %mul3A_106, %add3A_194 : i32
        %dma_start3A_196 = arith.constant 0 : i32
        %dma_start3A_197 = tpu.memref_slice %arg8[%add3A_195, %dma_start3A_196] : memref<160x128xi32, #tpu.memory_space<vmem>> -> memref<1x128xi32, #tpu.memory_space<vmem>>
        %dma_start3A_198 = tpu.memref_squeeze %dma_start3A_197 : memref<1x128xi32, #tpu.memory_space<vmem>> -> memref<128xi32, #tpu.memory_space<vmem>>
        %dma_start3A_199 = arith.constant 0 : i32
        %dma_start3A_200 = arith.constant 0 : i32
        %dma_start3A_201 = tpu.memref_slice %arg17[%dma_start3A_199, %dma_start3A_200] : memref<10240x16xf32, #tpu.memory_space<vmem_shared>> -> memref<10240x16xf32, #tpu.memory_space<vmem_shared>>
        tpu.enqueue_indirect_dma source(%arg14 : memref<128x16xf32, #tpu.memory_space<vmem>>) target(%dma_start3A_201 : memref<10240x16xf32, #tpu.memory_space<vmem_shared>>) offsets(%dma_start3A_198 : memref<128xi32, #tpu.memory_space<vmem>>) semaphore(%arg31 : memref<!tpu.dma_semaphore, #tpu.memory_space<semaphore_mem>>) {add = true}
        %add3A_202 = arith.constant 6 : i32
        %add3A_203 = arith.addi %mul3A_106, %add3A_202 : i32
        %dma_wait3A_204 = arith.constant 0 : i32
        %dma_wait3A_205 = tpu.memref_slice %arg7[%add3A_203, %dma_wait3A_204] : memref<160x128xi32, #tpu.memory_space<vmem>> -> memref<1x128xi32, #tpu.memory_space<vmem>>
        %dma_wait3A_206 = tpu.memref_squeeze %dma_wait3A_205 : memref<1x128xi32, #tpu.memory_space<vmem>> -> memref<128xi32, #tpu.memory_space<vmem>>
        %dma_wait3A_207 = arith.constant 0 : i32
        %dma_wait3A_208 = arith.constant 0 : i32
        %dma_wait3A_209 = tpu.memref_slice %arg4[%dma_wait3A_207, %dma_wait3A_208] : memref<10240x16xf32, #tpu.memory_space<hbm>> -> memref<10240x16xf32, #tpu.memory_space<hbm>>
        tpu.wait_indirect_dma semaphore(%arg24 : memref<!tpu.dma_semaphore, #tpu.memory_space<semaphore_mem>>) src(%dma_wait3A_209 : memref<10240x16xf32, #tpu.memory_space<hbm>>) dst(%arg15 : memref<128x16xf32, #tpu.memory_space<vmem>>)
        %add3A_210 = arith.constant 6 : i32
        %add3A_211 = arith.addi %mul3A_106, %add3A_210 : i32
        %dma_start3A_212 = arith.constant 0 : i32
        %dma_start3A_213 = tpu.memref_slice %arg8[%add3A_211, %dma_start3A_212] : memref<160x128xi32, #tpu.memory_space<vmem>> -> memref<1x128xi32, #tpu.memory_space<vmem>>
        %dma_start3A_214 = tpu.memref_squeeze %dma_start3A_213 : memref<1x128xi32, #tpu.memory_space<vmem>> -> memref<128xi32, #tpu.memory_space<vmem>>
        %dma_start3A_215 = arith.constant 0 : i32
        %dma_start3A_216 = arith.constant 0 : i32
        %dma_start3A_217 = tpu.memref_slice %arg17[%dma_start3A_215, %dma_start3A_216] : memref<10240x16xf32, #tpu.memory_space<vmem_shared>> -> memref<10240x16xf32, #tpu.memory_space<vmem_shared>>
        tpu.enqueue_indirect_dma source(%arg15 : memref<128x16xf32, #tpu.memory_space<vmem>>) target(%dma_start3A_217 : memref<10240x16xf32, #tpu.memory_space<vmem_shared>>) offsets(%dma_start3A_214 : memref<128xi32, #tpu.memory_space<vmem>>) semaphore(%arg32 : memref<!tpu.dma_semaphore, #tpu.memory_space<semaphore_mem>>) {add = true}
        %add3A_218 = arith.constant 7 : i32
        %add3A_219 = arith.addi %mul3A_106, %add3A_218 : i32
        %dma_wait3A_220 = arith.constant 0 : i32
        %dma_wait3A_221 = tpu.memref_slice %arg7[%add3A_219, %dma_wait3A_220] : memref<160x128xi32, #tpu.memory_space<vmem>> -> memref<1x128xi32, #tpu.memory_space<vmem>>
        %dma_wait3A_222 = tpu.memref_squeeze %dma_wait3A_221 : memref<1x128xi32, #tpu.memory_space<vmem>> -> memref<128xi32, #tpu.memory_space<vmem>>
        %dma_wait3A_223 = arith.constant 0 : i32
        %dma_wait3A_224 = arith.constant 0 : i32
        %dma_wait3A_225 = tpu.memref_slice %arg4[%dma_wait3A_223, %dma_wait3A_224] : memref<10240x16xf32, #tpu.memory_space<hbm>> -> memref<10240x16xf32, #tpu.memory_space<hbm>>
        tpu.wait_indirect_dma semaphore(%arg25 : memref<!tpu.dma_semaphore, #tpu.memory_space<semaphore_mem>>) src(%dma_wait3A_225 : memref<10240x16xf32, #tpu.memory_space<hbm>>) dst(%arg16 : memref<128x16xf32, #tpu.memory_space<vmem>>)
        %add3A_226 = arith.constant 7 : i32
        %add3A_227 = arith.addi %mul3A_106, %add3A_226 : i32
        %dma_start3A_228 = arith.constant 0 : i32
        %dma_start3A_229 = tpu.memref_slice %arg8[%add3A_227, %dma_start3A_228] : memref<160x128xi32, #tpu.memory_space<vmem>> -> memref<1x128xi32, #tpu.memory_space<vmem>>
        %dma_start3A_230 = tpu.memref_squeeze %dma_start3A_229 : memref<1x128xi32, #tpu.memory_space<vmem>> -> memref<128xi32, #tpu.memory_space<vmem>>
        %dma_start3A_231 = arith.constant 0 : i32
        %dma_start3A_232 = arith.constant 0 : i32
        %dma_start3A_233 = tpu.memref_slice %arg17[%dma_start3A_231, %dma_start3A_232] : memref<10240x16xf32, #tpu.memory_space<vmem_shared>> -> memref<10240x16xf32, #tpu.memory_space<vmem_shared>>
        tpu.enqueue_indirect_dma source(%arg16 : memref<128x16xf32, #tpu.memory_space<vmem>>) target(%dma_start3A_233 : memref<10240x16xf32, #tpu.memory_space<vmem_shared>>) offsets(%dma_start3A_230 : memref<128xi32, #tpu.memory_space<vmem>>) semaphore(%arg33 : memref<!tpu.dma_semaphore, #tpu.memory_space<semaphore_mem>>) {add = true}
        %add3A_234 = arith.constant 8 : i32
        %add3A_235 = arith.addi %mul3A_106, %add3A_234 : i32
        %add3A_236 = arith.constant 0 : i32
        %add3A_237 = arith.addi %add3A_235, %add3A_236 : i32
        %add3A_238 = arith.constant 0 : i32
        %add3A_239 = arith.addi %mul3A_106, %add3A_238 : i32
        %dma_wait3A_240 = arith.constant 0 : i32
        %dma_wait3A_241 = tpu.memref_slice %arg8[%add3A_239, %dma_wait3A_240] : memref<160x128xi32, #tpu.memory_space<vmem>> -> memref<1x128xi32, #tpu.memory_space<vmem>>
        %dma_wait3A_242 = tpu.memref_squeeze %dma_wait3A_241 : memref<1x128xi32, #tpu.memory_space<vmem>> -> memref<128xi32, #tpu.memory_space<vmem>>
        %dma_wait3A_243 = arith.constant 0 : i32
        %dma_wait3A_244 = arith.constant 0 : i32
        %dma_wait3A_245 = tpu.memref_slice %arg17[%dma_wait3A_243, %dma_wait3A_244] : memref<10240x16xf32, #tpu.memory_space<vmem_shared>> -> memref<10240x16xf32, #tpu.memory_space<vmem_shared>>
        tpu.wait_indirect_dma semaphore(%arg26 : memref<!tpu.dma_semaphore, #tpu.memory_space<semaphore_mem>>) src(%arg9 : memref<128x16xf32, #tpu.memory_space<vmem>>) dst(%dma_wait3A_245 : memref<10240x16xf32, #tpu.memory_space<vmem_shared>>)
        %lt3A = arith.constant 160 : i32
        %lt3A_246 = arith.cmpi slt, %add3A_237, %lt3A : i32
        %convert_element_type3A_247 = arith.extui %lt3A_246 : i1 to i32
        %cond3A_248 = arith.constant 0 : i32
        %cond3A_249 = arith.cmpi ne, %convert_element_type3A_247, %cond3A_248 : i32
        scf.if %cond3A_249 {
          %dma_start3A_370 = arith.constant 0 : i32
          %dma_start3A_371 = tpu.memref_slice %arg7[%add3A_237, %dma_start3A_370] : memref<160x128xi32, #tpu.memory_space<vmem>> -> memref<1x128xi32, #tpu.memory_space<vmem>>
          %dma_start3A_372 = tpu.memref_squeeze %dma_start3A_371 : memref<1x128xi32, #tpu.memory_space<vmem>> -> memref<128xi32, #tpu.memory_space<vmem>>
          %dma_start3A_373 = arith.constant 0 : i32
          %dma_start3A_374 = arith.constant 0 : i32
          %dma_start3A_375 = tpu.memref_slice %arg4[%dma_start3A_373, %dma_start3A_374] : memref<10240x16xf32, #tpu.memory_space<hbm>> -> memref<10240x16xf32, #tpu.memory_space<hbm>>
          tpu.enqueue_indirect_dma source(%dma_start3A_375 : memref<10240x16xf32, #tpu.memory_space<hbm>>) target(%arg9 : memref<128x16xf32, #tpu.memory_space<vmem>>) offsets(%dma_start3A_372 : memref<128xi32, #tpu.memory_space<vmem>>) semaphore(%arg18 : memref<!tpu.dma_semaphore, #tpu.memory_space<semaphore_mem>>)
        } else {
        }
        %add3A_250 = arith.constant 8 : i32
        %add3A_251 = arith.addi %mul3A_106, %add3A_250 : i32
        %add3A_252 = arith.constant 1 : i32
        %add3A_253 = arith.addi %add3A_251, %add3A_252 : i32
        %add3A_254 = arith.constant 1 : i32
        %add3A_255 = arith.addi %mul3A_106, %add3A_254 : i32
        %dma_wait3A_256 = arith.constant 0 : i32
        %dma_wait3A_257 = tpu.memref_slice %arg8[%add3A_255, %dma_wait3A_256] : memref<160x128xi32, #tpu.memory_space<vmem>> -> memref<1x128xi32, #tpu.memory_space<vmem>>
        %dma_wait3A_258 = tpu.memref_squeeze %dma_wait3A_257 : memref<1x128xi32, #tpu.memory_space<vmem>> -> memref<128xi32, #tpu.memory_space<vmem>>
        %dma_wait3A_259 = arith.constant 0 : i32
        %dma_wait3A_260 = arith.constant 0 : i32
        %dma_wait3A_261 = tpu.memref_slice %arg17[%dma_wait3A_259, %dma_wait3A_260] : memref<10240x16xf32, #tpu.memory_space<vmem_shared>> -> memref<10240x16xf32, #tpu.memory_space<vmem_shared>>
        tpu.wait_indirect_dma semaphore(%arg27 : memref<!tpu.dma_semaphore, #tpu.memory_space<semaphore_mem>>) src(%arg10 : memref<128x16xf32, #tpu.memory_space<vmem>>) dst(%dma_wait3A_261 : memref<10240x16xf32, #tpu.memory_space<vmem_shared>>)
        %lt3A_262 = arith.constant 160 : i32
        %lt3A_263 = arith.cmpi slt, %add3A_253, %lt3A_262 : i32
        %convert_element_type3A_264 = arith.extui %lt3A_263 : i1 to i32
        %cond3A_265 = arith.constant 0 : i32
        %cond3A_266 = arith.cmpi ne, %convert_element_type3A_264, %cond3A_265 : i32
        scf.if %cond3A_266 {
          %dma_start3A_370 = arith.constant 0 : i32
          %dma_start3A_371 = tpu.memref_slice %arg7[%add3A_253, %dma_start3A_370] : memref<160x128xi32, #tpu.memory_space<vmem>> -> memref<1x128xi32, #tpu.memory_space<vmem>>
          %dma_start3A_372 = tpu.memref_squeeze %dma_start3A_371 : memref<1x128xi32, #tpu.memory_space<vmem>> -> memref<128xi32, #tpu.memory_space<vmem>>
          %dma_start3A_373 = arith.constant 0 : i32
          %dma_start3A_374 = arith.constant 0 : i32
          %dma_start3A_375 = tpu.memref_slice %arg4[%dma_start3A_373, %dma_start3A_374] : memref<10240x16xf32, #tpu.memory_space<hbm>> -> memref<10240x16xf32, #tpu.memory_space<hbm>>
          tpu.enqueue_indirect_dma source(%dma_start3A_375 : memref<10240x16xf32, #tpu.memory_space<hbm>>) target(%arg10 : memref<128x16xf32, #tpu.memory_space<vmem>>) offsets(%dma_start3A_372 : memref<128xi32, #tpu.memory_space<vmem>>) semaphore(%arg19 : memref<!tpu.dma_semaphore, #tpu.memory_space<semaphore_mem>>)
        } else {
        }
        %add3A_267 = arith.constant 8 : i32
        %add3A_268 = arith.addi %mul3A_106, %add3A_267 : i32
        %add3A_269 = arith.constant 2 : i32
        %add3A_270 = arith.addi %add3A_268, %add3A_269 : i32
        %add3A_271 = arith.constant 2 : i32
        %add3A_272 = arith.addi %mul3A_106, %add3A_271 : i32
        %dma_wait3A_273 = arith.constant 0 : i32
        %dma_wait3A_274 = tpu.memref_slice %arg8[%add3A_272, %dma_wait3A_273] : memref<160x128xi32, #tpu.memory_space<vmem>> -> memref<1x128xi32, #tpu.memory_space<vmem>>
        %dma_wait3A_275 = tpu.memref_squeeze %dma_wait3A_274 : memref<1x128xi32, #tpu.memory_space<vmem>> -> memref<128xi32, #tpu.memory_space<vmem>>
        %dma_wait3A_276 = arith.constant 0 : i32
        %dma_wait3A_277 = arith.constant 0 : i32
        %dma_wait3A_278 = tpu.memref_slice %arg17[%dma_wait3A_276, %dma_wait3A_277] : memref<10240x16xf32, #tpu.memory_space<vmem_shared>> -> memref<10240x16xf32, #tpu.memory_space<vmem_shared>>
        tpu.wait_indirect_dma semaphore(%arg28 : memref<!tpu.dma_semaphore, #tpu.memory_space<semaphore_mem>>) src(%arg11 : memref<128x16xf32, #tpu.memory_space<vmem>>) dst(%dma_wait3A_278 : memref<10240x16xf32, #tpu.memory_space<vmem_shared>>)
        %lt3A_279 = arith.constant 160 : i32
        %lt3A_280 = arith.cmpi slt, %add3A_270, %lt3A_279 : i32
        %convert_element_type3A_281 = arith.extui %lt3A_280 : i1 to i32
        %cond3A_282 = arith.constant 0 : i32
        %cond3A_283 = arith.cmpi ne, %convert_element_type3A_281, %cond3A_282 : i32
        scf.if %cond3A_283 {
          %dma_start3A_370 = arith.constant 0 : i32
          %dma_start3A_371 = tpu.memref_slice %arg7[%add3A_270, %dma_start3A_370] : memref<160x128xi32, #tpu.memory_space<vmem>> -> memref<1x128xi32, #tpu.memory_space<vmem>>
          %dma_start3A_372 = tpu.memref_squeeze %dma_start3A_371 : memref<1x128xi32, #tpu.memory_space<vmem>> -> memref<128xi32, #tpu.memory_space<vmem>>
          %dma_start3A_373 = arith.constant 0 : i32
          %dma_start3A_374 = arith.constant 0 : i32
          %dma_start3A_375 = tpu.memref_slice %arg4[%dma_start3A_373, %dma_start3A_374] : memref<10240x16xf32, #tpu.memory_space<hbm>> -> memref<10240x16xf32, #tpu.memory_space<hbm>>
          tpu.enqueue_indirect_dma source(%dma_start3A_375 : memref<10240x16xf32, #tpu.memory_space<hbm>>) target(%arg11 : memref<128x16xf32, #tpu.memory_space<vmem>>) offsets(%dma_start3A_372 : memref<128xi32, #tpu.memory_space<vmem>>) semaphore(%arg20 : memref<!tpu.dma_semaphore, #tpu.memory_space<semaphore_mem>>)
        } else {
        }
        %add3A_284 = arith.constant 8 : i32
        %add3A_285 = arith.addi %mul3A_106, %add3A_284 : i32
        %add3A_286 = arith.constant 3 : i32
        %add3A_287 = arith.addi %add3A_285, %add3A_286 : i32
        %add3A_288 = arith.constant 3 : i32
        %add3A_289 = arith.addi %mul3A_106, %add3A_288 : i32
        %dma_wait3A_290 = arith.constant 0 : i32
        %dma_wait3A_291 = tpu.memref_slice %arg8[%add3A_289, %dma_wait3A_290] : memref<160x128xi32, #tpu.memory_space<vmem>> -> memref<1x128xi32, #tpu.memory_space<vmem>>
        %dma_wait3A_292 = tpu.memref_squeeze %dma_wait3A_291 : memref<1x128xi32, #tpu.memory_space<vmem>> -> memref<128xi32, #tpu.memory_space<vmem>>
        %dma_wait3A_293 = arith.constant 0 : i32
        %dma_wait3A_294 = arith.constant 0 : i32
        %dma_wait3A_295 = tpu.memref_slice %arg17[%dma_wait3A_293, %dma_wait3A_294] : memref<10240x16xf32, #tpu.memory_space<vmem_shared>> -> memref<10240x16xf32, #tpu.memory_space<vmem_shared>>
        tpu.wait_indirect_dma semaphore(%arg29 : memref<!tpu.dma_semaphore, #tpu.memory_space<semaphore_mem>>) src(%arg12 : memref<128x16xf32, #tpu.memory_space<vmem>>) dst(%dma_wait3A_295 : memref<10240x16xf32, #tpu.memory_space<vmem_shared>>)
        %lt3A_296 = arith.constant 160 : i32
        %lt3A_297 = arith.cmpi slt, %add3A_287, %lt3A_296 : i32
        %convert_element_type3A_298 = arith.extui %lt3A_297 : i1 to i32
        %cond3A_299 = arith.constant 0 : i32
        %cond3A_300 = arith.cmpi ne, %convert_element_type3A_298, %cond3A_299 : i32
        scf.if %cond3A_300 {
          %dma_start3A_370 = arith.constant 0 : i32
          %dma_start3A_371 = tpu.memref_slice %arg7[%add3A_287, %dma_start3A_370] : memref<160x128xi32, #tpu.memory_space<vmem>> -> memref<1x128xi32, #tpu.memory_space<vmem>>
          %dma_start3A_372 = tpu.memref_squeeze %dma_start3A_371 : memref<1x128xi32, #tpu.memory_space<vmem>> -> memref<128xi32, #tpu.memory_space<vmem>>
          %dma_start3A_373 = arith.constant 0 : i32
          %dma_start3A_374 = arith.constant 0 : i32
          %dma_start3A_375 = tpu.memref_slice %arg4[%dma_start3A_373, %dma_start3A_374] : memref<10240x16xf32, #tpu.memory_space<hbm>> -> memref<10240x16xf32, #tpu.memory_space<hbm>>
          tpu.enqueue_indirect_dma source(%dma_start3A_375 : memref<10240x16xf32, #tpu.memory_space<hbm>>) target(%arg12 : memref<128x16xf32, #tpu.memory_space<vmem>>) offsets(%dma_start3A_372 : memref<128xi32, #tpu.memory_space<vmem>>) semaphore(%arg21 : memref<!tpu.dma_semaphore, #tpu.memory_space<semaphore_mem>>)
        } else {
        }
        %add3A_301 = arith.constant 8 : i32
        %add3A_302 = arith.addi %mul3A_106, %add3A_301 : i32
        %add3A_303 = arith.constant 4 : i32
        %add3A_304 = arith.addi %add3A_302, %add3A_303 : i32
        %add3A_305 = arith.constant 4 : i32
        %add3A_306 = arith.addi %mul3A_106, %add3A_305 : i32
        %dma_wait3A_307 = arith.constant 0 : i32
        %dma_wait3A_308 = tpu.memref_slice %arg8[%add3A_306, %dma_wait3A_307] : memref<160x128xi32, #tpu.memory_space<vmem>> -> memref<1x128xi32, #tpu.memory_space<vmem>>
        %dma_wait3A_309 = tpu.memref_squeeze %dma_wait3A_308 : memref<1x128xi32, #tpu.memory_space<vmem>> -> memref<128xi32, #tpu.memory_space<vmem>>
        %dma_wait3A_310 = arith.constant 0 : i32
        %dma_wait3A_311 = arith.constant 0 : i32
        %dma_wait3A_312 = tpu.memref_slice %arg17[%dma_wait3A_310, %dma_wait3A_311] : memref<10240x16xf32, #tpu.memory_space<vmem_shared>> -> memref<10240x16xf32, #tpu.memory_space<vmem_shared>>
        tpu.wait_indirect_dma semaphore(%arg30 : memref<!tpu.dma_semaphore, #tpu.memory_space<semaphore_mem>>) src(%arg13 : memref<128x16xf32, #tpu.memory_space<vmem>>) dst(%dma_wait3A_312 : memref<10240x16xf32, #tpu.memory_space<vmem_shared>>)
        %lt3A_313 = arith.constant 160 : i32
        %lt3A_314 = arith.cmpi slt, %add3A_304, %lt3A_313 : i32
        %convert_element_type3A_315 = arith.extui %lt3A_314 : i1 to i32
        %cond3A_316 = arith.constant 0 : i32
        %cond3A_317 = arith.cmpi ne, %convert_element_type3A_315, %cond3A_316 : i32
        scf.if %cond3A_317 {
          %dma_start3A_370 = arith.constant 0 : i32
          %dma_start3A_371 = tpu.memref_slice %arg7[%add3A_304, %dma_start3A_370] : memref<160x128xi32, #tpu.memory_space<vmem>> -> memref<1x128xi32, #tpu.memory_space<vmem>>
          %dma_start3A_372 = tpu.memref_squeeze %dma_start3A_371 : memref<1x128xi32, #tpu.memory_space<vmem>> -> memref<128xi32, #tpu.memory_space<vmem>>
          %dma_start3A_373 = arith.constant 0 : i32
          %dma_start3A_374 = arith.constant 0 : i32
          %dma_start3A_375 = tpu.memref_slice %arg4[%dma_start3A_373, %dma_start3A_374] : memref<10240x16xf32, #tpu.memory_space<hbm>> -> memref<10240x16xf32, #tpu.memory_space<hbm>>
          tpu.enqueue_indirect_dma source(%dma_start3A_375 : memref<10240x16xf32, #tpu.memory_space<hbm>>) target(%arg13 : memref<128x16xf32, #tpu.memory_space<vmem>>) offsets(%dma_start3A_372 : memref<128xi32, #tpu.memory_space<vmem>>) semaphore(%arg22 : memref<!tpu.dma_semaphore, #tpu.memory_space<semaphore_mem>>)
        } else {
        }
        %add3A_318 = arith.constant 8 : i32
        %add3A_319 = arith.addi %mul3A_106, %add3A_318 : i32
        %add3A_320 = arith.constant 5 : i32
        %add3A_321 = arith.addi %add3A_319, %add3A_320 : i32
        %add3A_322 = arith.constant 5 : i32
        %add3A_323 = arith.addi %mul3A_106, %add3A_322 : i32
        %dma_wait3A_324 = arith.constant 0 : i32
        %dma_wait3A_325 = tpu.memref_slice %arg8[%add3A_323, %dma_wait3A_324] : memref<160x128xi32, #tpu.memory_space<vmem>> -> memref<1x128xi32, #tpu.memory_space<vmem>>
        %dma_wait3A_326 = tpu.memref_squeeze %dma_wait3A_325 : memref<1x128xi32, #tpu.memory_space<vmem>> -> memref<128xi32, #tpu.memory_space<vmem>>
        %dma_wait3A_327 = arith.constant 0 : i32
        %dma_wait3A_328 = arith.constant 0 : i32
        %dma_wait3A_329 = tpu.memref_slice %arg17[%dma_wait3A_327, %dma_wait3A_328] : memref<10240x16xf32, #tpu.memory_space<vmem_shared>> -> memref<10240x16xf32, #tpu.memory_space<vmem_shared>>
        tpu.wait_indirect_dma semaphore(%arg31 : memref<!tpu.dma_semaphore, #tpu.memory_space<semaphore_mem>>) src(%arg14 : memref<128x16xf32, #tpu.memory_space<vmem>>) dst(%dma_wait3A_329 : memref<10240x16xf32, #tpu.memory_space<vmem_shared>>)
        %lt3A_330 = arith.constant 160 : i32
        %lt3A_331 = arith.cmpi slt, %add3A_321, %lt3A_330 : i32
        %convert_element_type3A_332 = arith.extui %lt3A_331 : i1 to i32
        %cond3A_333 = arith.constant 0 : i32
        %cond3A_334 = arith.cmpi ne, %convert_element_type3A_332, %cond3A_333 : i32
        scf.if %cond3A_334 {
          %dma_start3A_370 = arith.constant 0 : i32
          %dma_start3A_371 = tpu.memref_slice %arg7[%add3A_321, %dma_start3A_370] : memref<160x128xi32, #tpu.memory_space<vmem>> -> memref<1x128xi32, #tpu.memory_space<vmem>>
          %dma_start3A_372 = tpu.memref_squeeze %dma_start3A_371 : memref<1x128xi32, #tpu.memory_space<vmem>> -> memref<128xi32, #tpu.memory_space<vmem>>
          %dma_start3A_373 = arith.constant 0 : i32
          %dma_start3A_374 = arith.constant 0 : i32
          %dma_start3A_375 = tpu.memref_slice %arg4[%dma_start3A_373, %dma_start3A_374] : memref<10240x16xf32, #tpu.memory_space<hbm>> -> memref<10240x16xf32, #tpu.memory_space<hbm>>
          tpu.enqueue_indirect_dma source(%dma_start3A_375 : memref<10240x16xf32, #tpu.memory_space<hbm>>) target(%arg14 : memref<128x16xf32, #tpu.memory_space<vmem>>) offsets(%dma_start3A_372 : memref<128xi32, #tpu.memory_space<vmem>>) semaphore(%arg23 : memref<!tpu.dma_semaphore, #tpu.memory_space<semaphore_mem>>)
        } else {
        }
        %add3A_335 = arith.constant 8 : i32
        %add3A_336 = arith.addi %mul3A_106, %add3A_335 : i32
        %add3A_337 = arith.constant 6 : i32
        %add3A_338 = arith.addi %add3A_336, %add3A_337 : i32
        %add3A_339 = arith.constant 6 : i32
        %add3A_340 = arith.addi %mul3A_106, %add3A_339 : i32
        %dma_wait3A_341 = arith.constant 0 : i32
        %dma_wait3A_342 = tpu.memref_slice %arg8[%add3A_340, %dma_wait3A_341] : memref<160x128xi32, #tpu.memory_space<vmem>> -> memref<1x128xi32, #tpu.memory_space<vmem>>
        %dma_wait3A_343 = tpu.memref_squeeze %dma_wait3A_342 : memref<1x128xi32, #tpu.memory_space<vmem>> -> memref<128xi32, #tpu.memory_space<vmem>>
        %dma_wait3A_344 = arith.constant 0 : i32
        %dma_wait3A_345 = arith.constant 0 : i32
        %dma_wait3A_346 = tpu.memref_slice %arg17[%dma_wait3A_344, %dma_wait3A_345] : memref<10240x16xf32, #tpu.memory_space<vmem_shared>> -> memref<10240x16xf32, #tpu.memory_space<vmem_shared>>
        tpu.wait_indirect_dma semaphore(%arg32 : memref<!tpu.dma_semaphore, #tpu.memory_space<semaphore_mem>>) src(%arg15 : memref<128x16xf32, #tpu.memory_space<vmem>>) dst(%dma_wait3A_346 : memref<10240x16xf32, #tpu.memory_space<vmem_shared>>)
        %lt3A_347 = arith.constant 160 : i32
        %lt3A_348 = arith.cmpi slt, %add3A_338, %lt3A_347 : i32
        %convert_element_type3A_349 = arith.extui %lt3A_348 : i1 to i32
        %cond3A_350 = arith.constant 0 : i32
        %cond3A_351 = arith.cmpi ne, %convert_element_type3A_349, %cond3A_350 : i32
        scf.if %cond3A_351 {
          %dma_start3A_370 = arith.constant 0 : i32
          %dma_start3A_371 = tpu.memref_slice %arg7[%add3A_338, %dma_start3A_370] : memref<160x128xi32, #tpu.memory_space<vmem>> -> memref<1x128xi32, #tpu.memory_space<vmem>>
          %dma_start3A_372 = tpu.memref_squeeze %dma_start3A_371 : memref<1x128xi32, #tpu.memory_space<vmem>> -> memref<128xi32, #tpu.memory_space<vmem>>
          %dma_start3A_373 = arith.constant 0 : i32
          %dma_start3A_374 = arith.constant 0 : i32
          %dma_start3A_375 = tpu.memref_slice %arg4[%dma_start3A_373, %dma_start3A_374] : memref<10240x16xf32, #tpu.memory_space<hbm>> -> memref<10240x16xf32, #tpu.memory_space<hbm>>
          tpu.enqueue_indirect_dma source(%dma_start3A_375 : memref<10240x16xf32, #tpu.memory_space<hbm>>) target(%arg15 : memref<128x16xf32, #tpu.memory_space<vmem>>) offsets(%dma_start3A_372 : memref<128xi32, #tpu.memory_space<vmem>>) semaphore(%arg24 : memref<!tpu.dma_semaphore, #tpu.memory_space<semaphore_mem>>)
        } else {
        }
        %add3A_352 = arith.constant 8 : i32
        %add3A_353 = arith.addi %mul3A_106, %add3A_352 : i32
        %add3A_354 = arith.constant 7 : i32
        %add3A_355 = arith.addi %add3A_353, %add3A_354 : i32
        %add3A_356 = arith.constant 7 : i32
        %add3A_357 = arith.addi %mul3A_106, %add3A_356 : i32
        %dma_wait3A_358 = arith.constant 0 : i32
        %dma_wait3A_359 = tpu.memref_slice %arg8[%add3A_357, %dma_wait3A_358] : memref<160x128xi32, #tpu.memory_space<vmem>> -> memref<1x128xi32, #tpu.memory_space<vmem>>
        %dma_wait3A_360 = tpu.memref_squeeze %dma_wait3A_359 : memref<1x128xi32, #tpu.memory_space<vmem>> -> memref<128xi32, #tpu.memory_space<vmem>>
        %dma_wait3A_361 = arith.constant 0 : i32
        %dma_wait3A_362 = arith.constant 0 : i32
        %dma_wait3A_363 = tpu.memref_slice %arg17[%dma_wait3A_361, %dma_wait3A_362] : memref<10240x16xf32, #tpu.memory_space<vmem_shared>> -> memref<10240x16xf32, #tpu.memory_space<vmem_shared>>
        tpu.wait_indirect_dma semaphore(%arg33 : memref<!tpu.dma_semaphore, #tpu.memory_space<semaphore_mem>>) src(%arg16 : memref<128x16xf32, #tpu.memory_space<vmem>>) dst(%dma_wait3A_363 : memref<10240x16xf32, #tpu.memory_space<vmem_shared>>)
        %lt3A_364 = arith.constant 160 : i32
        %lt3A_365 = arith.cmpi slt, %add3A_355, %lt3A_364 : i32
        %convert_element_type3A_366 = arith.extui %lt3A_365 : i1 to i32
        %cond3A_367 = arith.constant 0 : i32
        %cond3A_368 = arith.cmpi ne, %convert_element_type3A_366, %cond3A_367 : i32
        scf.if %cond3A_368 {
          %dma_start3A_370 = arith.constant 0 : i32
          %dma_start3A_371 = tpu.memref_slice %arg7[%add3A_355, %dma_start3A_370] : memref<160x128xi32, #tpu.memory_space<vmem>> -> memref<1x128xi32, #tpu.memory_space<vmem>>
          %dma_start3A_372 = tpu.memref_squeeze %dma_start3A_371 : memref<1x128xi32, #tpu.memory_space<vmem>> -> memref<128xi32, #tpu.memory_space<vmem>>
          %dma_start3A_373 = arith.constant 0 : i32
          %dma_start3A_374 = arith.constant 0 : i32
          %dma_start3A_375 = tpu.memref_slice %arg4[%dma_start3A_373, %dma_start3A_374] : memref<10240x16xf32, #tpu.memory_space<hbm>> -> memref<10240x16xf32, #tpu.memory_space<hbm>>
          tpu.enqueue_indirect_dma source(%dma_start3A_375 : memref<10240x16xf32, #tpu.memory_space<hbm>>) target(%arg16 : memref<128x16xf32, #tpu.memory_space<vmem>>) offsets(%dma_start3A_372 : memref<128xi32, #tpu.memory_space<vmem>>) semaphore(%arg25 : memref<!tpu.dma_semaphore, #tpu.memory_space<semaphore_mem>>)
        } else {
        }
        %scan3A_369 = arith.constant 0 : i32
        scf.yield %scan3A_369 : i32
      }
      %scan3A_102 = arith.constant 20 : i32
    } else {
    }
    %eq3A_31 = arith.constant 1 : i32
    %eq3A_32 = arith.cmpi eq, %arg0, %eq3A_31 : i32
    %convert_element_type3A_33 = arith.extui %eq3A_32 : i1 to i32
    %cond3A_34 = arith.constant 0 : i32
    %cond3A_35 = arith.cmpi ne, %convert_element_type3A_33, %cond3A_34 : i32
    scf.if %cond3A_35 {
      %dma_start3A = arith.constant 0 : i32
      %dma_start3A_41 = arith.constant 0 : i32
      %dma_start3A_42 = tpu.memref_slice %arg7[%dma_start3A, %dma_start3A_41] : memref<160x128xi32, #tpu.memory_space<vmem>> -> memref<1x128xi32, #tpu.memory_space<vmem>>
      %dma_start3A_43 = tpu.memref_squeeze %dma_start3A_42 : memref<1x128xi32, #tpu.memory_space<vmem>> -> memref<128xi32, #tpu.memory_space<vmem>>
      %dma_start3A_44 = arith.constant 0 : i32
      %dma_start3A_45 = arith.constant 0 : i32
      %dma_start3A_46 = tpu.memref_slice %arg5[%dma_start3A_44, %dma_start3A_45] : memref<10240x16xf32, #tpu.memory_space<hbm>> -> memref<10240x16xf32, #tpu.memory_space<hbm>>
      tpu.enqueue_indirect_dma source(%dma_start3A_46 : memref<10240x16xf32, #tpu.memory_space<hbm>>) target(%arg9 : memref<128x16xf32, #tpu.memory_space<vmem>>) offsets(%dma_start3A_43 : memref<128xi32, #tpu.memory_space<vmem>>) semaphore(%arg18 : memref<!tpu.dma_semaphore, #tpu.memory_space<semaphore_mem>>)
      %dma_start3A_47 = arith.constant 1 : i32
      %dma_start3A_48 = arith.constant 0 : i32
      %dma_start3A_49 = tpu.memref_slice %arg7[%dma_start3A_47, %dma_start3A_48] : memref<160x128xi32, #tpu.memory_space<vmem>> -> memref<1x128xi32, #tpu.memory_space<vmem>>
      %dma_start3A_50 = tpu.memref_squeeze %dma_start3A_49 : memref<1x128xi32, #tpu.memory_space<vmem>> -> memref<128xi32, #tpu.memory_space<vmem>>
      %dma_start3A_51 = arith.constant 0 : i32
      %dma_start3A_52 = arith.constant 0 : i32
      %dma_start3A_53 = tpu.memref_slice %arg5[%dma_start3A_51, %dma_start3A_52] : memref<10240x16xf32, #tpu.memory_space<hbm>> -> memref<10240x16xf32, #tpu.memory_space<hbm>>
      tpu.enqueue_indirect_dma source(%dma_start3A_53 : memref<10240x16xf32, #tpu.memory_space<hbm>>) target(%arg10 : memref<128x16xf32, #tpu.memory_space<vmem>>) offsets(%dma_start3A_50 : memref<128xi32, #tpu.memory_space<vmem>>) semaphore(%arg19 : memref<!tpu.dma_semaphore, #tpu.memory_space<semaphore_mem>>)
      %dma_start3A_54 = arith.constant 2 : i32
      %dma_start3A_55 = arith.constant 0 : i32
      %dma_start3A_56 = tpu.memref_slice %arg7[%dma_start3A_54, %dma_start3A_55] : memref<160x128xi32, #tpu.memory_space<vmem>> -> memref<1x128xi32, #tpu.memory_space<vmem>>
      %dma_start3A_57 = tpu.memref_squeeze %dma_start3A_56 : memref<1x128xi32, #tpu.memory_space<vmem>> -> memref<128xi32, #tpu.memory_space<vmem>>
      %dma_start3A_58 = arith.constant 0 : i32
      %dma_start3A_59 = arith.constant 0 : i32
      %dma_start3A_60 = tpu.memref_slice %arg5[%dma_start3A_58, %dma_start3A_59] : memref<10240x16xf32, #tpu.memory_space<hbm>> -> memref<10240x16xf32, #tpu.memory_space<hbm>>
      tpu.enqueue_indirect_dma source(%dma_start3A_60 : memref<10240x16xf32, #tpu.memory_space<hbm>>) target(%arg11 : memref<128x16xf32, #tpu.memory_space<vmem>>) offsets(%dma_start3A_57 : memref<128xi32, #tpu.memory_space<vmem>>) semaphore(%arg20 : memref<!tpu.dma_semaphore, #tpu.memory_space<semaphore_mem>>)
      %dma_start3A_61 = arith.constant 3 : i32
      %dma_start3A_62 = arith.constant 0 : i32
      %dma_start3A_63 = tpu.memref_slice %arg7[%dma_start3A_61, %dma_start3A_62] : memref<160x128xi32, #tpu.memory_space<vmem>> -> memref<1x128xi32, #tpu.memory_space<vmem>>
      %dma_start3A_64 = tpu.memref_squeeze %dma_start3A_63 : memref<1x128xi32, #tpu.memory_space<vmem>> -> memref<128xi32, #tpu.memory_space<vmem>>
      %dma_start3A_65 = arith.constant 0 : i32
      %dma_start3A_66 = arith.constant 0 : i32
      %dma_start3A_67 = tpu.memref_slice %arg5[%dma_start3A_65, %dma_start3A_66] : memref<10240x16xf32, #tpu.memory_space<hbm>> -> memref<10240x16xf32, #tpu.memory_space<hbm>>
      tpu.enqueue_indirect_dma source(%dma_start3A_67 : memref<10240x16xf32, #tpu.memory_space<hbm>>) target(%arg12 : memref<128x16xf32, #tpu.memory_space<vmem>>) offsets(%dma_start3A_64 : memref<128xi32, #tpu.memory_space<vmem>>) semaphore(%arg21 : memref<!tpu.dma_semaphore, #tpu.memory_space<semaphore_mem>>)
      %dma_start3A_68 = arith.constant 4 : i32
      %dma_start3A_69 = arith.constant 0 : i32
      %dma_start3A_70 = tpu.memref_slice %arg7[%dma_start3A_68, %dma_start3A_69] : memref<160x128xi32, #tpu.memory_space<vmem>> -> memref<1x128xi32, #tpu.memory_space<vmem>>
      %dma_start3A_71 = tpu.memref_squeeze %dma_start3A_70 : memref<1x128xi32, #tpu.memory_space<vmem>> -> memref<128xi32, #tpu.memory_space<vmem>>
      %dma_start3A_72 = arith.constant 0 : i32
      %dma_start3A_73 = arith.constant 0 : i32
      %dma_start3A_74 = tpu.memref_slice %arg5[%dma_start3A_72, %dma_start3A_73] : memref<10240x16xf32, #tpu.memory_space<hbm>> -> memref<10240x16xf32, #tpu.memory_space<hbm>>
      tpu.enqueue_indirect_dma source(%dma_start3A_74 : memref<10240x16xf32, #tpu.memory_space<hbm>>) target(%arg13 : memref<128x16xf32, #tpu.memory_space<vmem>>) offsets(%dma_start3A_71 : memref<128xi32, #tpu.memory_space<vmem>>) semaphore(%arg22 : memref<!tpu.dma_semaphore, #tpu.memory_space<semaphore_mem>>)
      %dma_start3A_75 = arith.constant 5 : i32
      %dma_start3A_76 = arith.constant 0 : i32
      %dma_start3A_77 = tpu.memref_slice %arg7[%dma_start3A_75, %dma_start3A_76] : memref<160x128xi32, #tpu.memory_space<vmem>> -> memref<1x128xi32, #tpu.memory_space<vmem>>
      %dma_start3A_78 = tpu.memref_squeeze %dma_start3A_77 : memref<1x128xi32, #tpu.memory_space<vmem>> -> memref<128xi32, #tpu.memory_space<vmem>>
      %dma_start3A_79 = arith.constant 0 : i32
      %dma_start3A_80 = arith.constant 0 : i32
      %dma_start3A_81 = tpu.memref_slice %arg5[%dma_start3A_79, %dma_start3A_80] : memref<10240x16xf32, #tpu.memory_space<hbm>> -> memref<10240x16xf32, #tpu.memory_space<hbm>>
      tpu.enqueue_indirect_dma source(%dma_start3A_81 : memref<10240x16xf32, #tpu.memory_space<hbm>>) target(%arg14 : memref<128x16xf32, #tpu.memory_space<vmem>>) offsets(%dma_start3A_78 : memref<128xi32, #tpu.memory_space<vmem>>) semaphore(%arg23 : memref<!tpu.dma_semaphore, #tpu.memory_space<semaphore_mem>>)
      %dma_start3A_82 = arith.constant 6 : i32
      %dma_start3A_83 = arith.constant 0 : i32
      %dma_start3A_84 = tpu.memref_slice %arg7[%dma_start3A_82, %dma_start3A_83] : memref<160x128xi32, #tpu.memory_space<vmem>> -> memref<1x128xi32, #tpu.memory_space<vmem>>
      %dma_start3A_85 = tpu.memref_squeeze %dma_start3A_84 : memref<1x128xi32, #tpu.memory_space<vmem>> -> memref<128xi32, #tpu.memory_space<vmem>>
      %dma_start3A_86 = arith.constant 0 : i32
      %dma_start3A_87 = arith.constant 0 : i32
      %dma_start3A_88 = tpu.memref_slice %arg5[%dma_start3A_86, %dma_start3A_87] : memref<10240x16xf32, #tpu.memory_space<hbm>> -> memref<10240x16xf32, #tpu.memory_space<hbm>>
      tpu.enqueue_indirect_dma source(%dma_start3A_88 : memref<10240x16xf32, #tpu.memory_space<hbm>>) target(%arg15 : memref<128x16xf32, #tpu.memory_space<vmem>>) offsets(%dma_start3A_85 : memref<128xi32, #tpu.memory_space<vmem>>) semaphore(%arg24 : memref<!tpu.dma_semaphore, #tpu.memory_space<semaphore_mem>>)
      %dma_start3A_89 = arith.constant 7 : i32
      %dma_start3A_90 = arith.constant 0 : i32
      %dma_start3A_91 = tpu.memref_slice %arg7[%dma_start3A_89, %dma_start3A_90] : memref<160x128xi32, #tpu.memory_space<vmem>> -> memref<1x128xi32, #tpu.memory_space<vmem>>
      %dma_start3A_92 = tpu.memref_squeeze %dma_start3A_91 : memref<1x128xi32, #tpu.memory_space<vmem>> -> memref<128xi32, #tpu.memory_space<vmem>>
      %dma_start3A_93 = arith.constant 0 : i32
      %dma_start3A_94 = arith.constant 0 : i32
      %dma_start3A_95 = tpu.memref_slice %arg5[%dma_start3A_93, %dma_start3A_94] : memref<10240x16xf32, #tpu.memory_space<hbm>> -> memref<10240x16xf32, #tpu.memory_space<hbm>>
      tpu.enqueue_indirect_dma source(%dma_start3A_95 : memref<10240x16xf32, #tpu.memory_space<hbm>>) target(%arg16 : memref<128x16xf32, #tpu.memory_space<vmem>>) offsets(%dma_start3A_92 : memref<128xi32, #tpu.memory_space<vmem>>) semaphore(%arg25 : memref<!tpu.dma_semaphore, #tpu.memory_space<semaphore_mem>>)
      %scan3A_96 = arith.constant 0 : i32
      %scan3A_97 = arith.constant 0 : i32
      %scan3A_98 = arith.constant 20 : i32
      %scan3A_99 = arith.addi %scan3A_97, %scan3A_98 : i32
      %scan3A_100 = arith.constant 1 : i32
      %scan3A_101 = scf.for %scan3A_103 = %scan3A_97 to %scan3A_99 step %scan3A_100 iter_args(%scan3A_104 = %scan3A_96) -> (i32)  : i32 {
        %mul3A_105 = arith.constant 8 : i32
        %mul3A_106 = arith.muli %mul3A_105, %scan3A_103 : i32
        %add3A_107 = arith.constant 0 : i32
        %add3A_108 = arith.addi %mul3A_106, %add3A_107 : i32
        %dma_wait3A = arith.constant 0 : i32
        %dma_wait3A_109 = tpu.memref_slice %arg7[%add3A_108, %dma_wait3A] : memref<160x128xi32, #tpu.memory_space<vmem>> -> memref<1x128xi32, #tpu.memory_space<vmem>>
        %dma_wait3A_110 = tpu.memref_squeeze %dma_wait3A_109 : memref<1x128xi32, #tpu.memory_space<vmem>> -> memref<128xi32, #tpu.memory_space<vmem>>
        %dma_wait3A_111 = arith.constant 0 : i32
        %dma_wait3A_112 = arith.constant 0 : i32
        %dma_wait3A_113 = tpu.memref_slice %arg5[%dma_wait3A_111, %dma_wait3A_112] : memref<10240x16xf32, #tpu.memory_space<hbm>> -> memref<10240x16xf32, #tpu.memory_space<hbm>>
        tpu.wait_indirect_dma semaphore(%arg18 : memref<!tpu.dma_semaphore, #tpu.memory_space<semaphore_mem>>) src(%dma_wait3A_113 : memref<10240x16xf32, #tpu.memory_space<hbm>>) dst(%arg9 : memref<128x16xf32, #tpu.memory_space<vmem>>)
        %add3A_114 = arith.constant 0 : i32
        %add3A_115 = arith.addi %mul3A_106, %add3A_114 : i32
        %dma_start3A_116 = arith.constant 0 : i32
        %dma_start3A_117 = tpu.memref_slice %arg8[%add3A_115, %dma_start3A_116] : memref<160x128xi32, #tpu.memory_space<vmem>> -> memref<1x128xi32, #tpu.memory_space<vmem>>
        %dma_start3A_118 = tpu.memref_squeeze %dma_start3A_117 : memref<1x128xi32, #tpu.memory_space<vmem>> -> memref<128xi32, #tpu.memory_space<vmem>>
        %dma_start3A_119 = arith.constant 0 : i32
        %dma_start3A_120 = arith.constant 0 : i32
        %dma_start3A_121 = tpu.memref_slice %arg17[%dma_start3A_119, %dma_start3A_120] : memref<10240x16xf32, #tpu.memory_space<vmem_shared>> -> memref<10240x16xf32, #tpu.memory_space<vmem_shared>>
        tpu.enqueue_indirect_dma source(%arg9 : memref<128x16xf32, #tpu.memory_space<vmem>>) target(%dma_start3A_121 : memref<10240x16xf32, #tpu.memory_space<vmem_shared>>) offsets(%dma_start3A_118 : memref<128xi32, #tpu.memory_space<vmem>>) semaphore(%arg26 : memref<!tpu.dma_semaphore, #tpu.memory_space<semaphore_mem>>) {add = true}
        %add3A_122 = arith.constant 1 : i32
        %add3A_123 = arith.addi %mul3A_106, %add3A_122 : i32
        %dma_wait3A_124 = arith.constant 0 : i32
        %dma_wait3A_125 = tpu.memref_slice %arg7[%add3A_123, %dma_wait3A_124] : memref<160x128xi32, #tpu.memory_space<vmem>> -> memref<1x128xi32, #tpu.memory_space<vmem>>
        %dma_wait3A_126 = tpu.memref_squeeze %dma_wait3A_125 : memref<1x128xi32, #tpu.memory_space<vmem>> -> memref<128xi32, #tpu.memory_space<vmem>>
        %dma_wait3A_127 = arith.constant 0 : i32
        %dma_wait3A_128 = arith.constant 0 : i32
        %dma_wait3A_129 = tpu.memref_slice %arg5[%dma_wait3A_127, %dma_wait3A_128] : memref<10240x16xf32, #tpu.memory_space<hbm>> -> memref<10240x16xf32, #tpu.memory_space<hbm>>
        tpu.wait_indirect_dma semaphore(%arg19 : memref<!tpu.dma_semaphore, #tpu.memory_space<semaphore_mem>>) src(%dma_wait3A_129 : memref<10240x16xf32, #tpu.memory_space<hbm>>) dst(%arg10 : memref<128x16xf32, #tpu.memory_space<vmem>>)
        %add3A_130 = arith.constant 1 : i32
        %add3A_131 = arith.addi %mul3A_106, %add3A_130 : i32
        %dma_start3A_132 = arith.constant 0 : i32
        %dma_start3A_133 = tpu.memref_slice %arg8[%add3A_131, %dma_start3A_132] : memref<160x128xi32, #tpu.memory_space<vmem>> -> memref<1x128xi32, #tpu.memory_space<vmem>>
        %dma_start3A_134 = tpu.memref_squeeze %dma_start3A_133 : memref<1x128xi32, #tpu.memory_space<vmem>> -> memref<128xi32, #tpu.memory_space<vmem>>
        %dma_start3A_135 = arith.constant 0 : i32
        %dma_start3A_136 = arith.constant 0 : i32
        %dma_start3A_137 = tpu.memref_slice %arg17[%dma_start3A_135, %dma_start3A_136] : memref<10240x16xf32, #tpu.memory_space<vmem_shared>> -> memref<10240x16xf32, #tpu.memory_space<vmem_shared>>
        tpu.enqueue_indirect_dma source(%arg10 : memref<128x16xf32, #tpu.memory_space<vmem>>) target(%dma_start3A_137 : memref<10240x16xf32, #tpu.memory_space<vmem_shared>>) offsets(%dma_start3A_134 : memref<128xi32, #tpu.memory_space<vmem>>) semaphore(%arg27 : memref<!tpu.dma_semaphore, #tpu.memory_space<semaphore_mem>>) {add = true}
        %add3A_138 = arith.constant 2 : i32
        %add3A_139 = arith.addi %mul3A_106, %add3A_138 : i32
        %dma_wait3A_140 = arith.constant 0 : i32
        %dma_wait3A_141 = tpu.memref_slice %arg7[%add3A_139, %dma_wait3A_140] : memref<160x128xi32, #tpu.memory_space<vmem>> -> memref<1x128xi32, #tpu.memory_space<vmem>>
        %dma_wait3A_142 = tpu.memref_squeeze %dma_wait3A_141 : memref<1x128xi32, #tpu.memory_space<vmem>> -> memref<128xi32, #tpu.memory_space<vmem>>
        %dma_wait3A_143 = arith.constant 0 : i32
        %dma_wait3A_144 = arith.constant 0 : i32
        %dma_wait3A_145 = tpu.memref_slice %arg5[%dma_wait3A_143, %dma_wait3A_144] : memref<10240x16xf32, #tpu.memory_space<hbm>> -> memref<10240x16xf32, #tpu.memory_space<hbm>>
        tpu.wait_indirect_dma semaphore(%arg20 : memref<!tpu.dma_semaphore, #tpu.memory_space<semaphore_mem>>) src(%dma_wait3A_145 : memref<10240x16xf32, #tpu.memory_space<hbm>>) dst(%arg11 : memref<128x16xf32, #tpu.memory_space<vmem>>)
        %add3A_146 = arith.constant 2 : i32
        %add3A_147 = arith.addi %mul3A_106, %add3A_146 : i32
        %dma_start3A_148 = arith.constant 0 : i32
        %dma_start3A_149 = tpu.memref_slice %arg8[%add3A_147, %dma_start3A_148] : memref<160x128xi32, #tpu.memory_space<vmem>> -> memref<1x128xi32, #tpu.memory_space<vmem>>
        %dma_start3A_150 = tpu.memref_squeeze %dma_start3A_149 : memref<1x128xi32, #tpu.memory_space<vmem>> -> memref<128xi32, #tpu.memory_space<vmem>>
        %dma_start3A_151 = arith.constant 0 : i32
        %dma_start3A_152 = arith.constant 0 : i32
        %dma_start3A_153 = tpu.memref_slice %arg17[%dma_start3A_151, %dma_start3A_152] : memref<10240x16xf32, #tpu.memory_space<vmem_shared>> -> memref<10240x16xf32, #tpu.memory_space<vmem_shared>>
        tpu.enqueue_indirect_dma source(%arg11 : memref<128x16xf32, #tpu.memory_space<vmem>>) target(%dma_start3A_153 : memref<10240x16xf32, #tpu.memory_space<vmem_shared>>) offsets(%dma_start3A_150 : memref<128xi32, #tpu.memory_space<vmem>>) semaphore(%arg28 : memref<!tpu.dma_semaphore, #tpu.memory_space<semaphore_mem>>) {add = true}
        %add3A_154 = arith.constant 3 : i32
        %add3A_155 = arith.addi %mul3A_106, %add3A_154 : i32
        %dma_wait3A_156 = arith.constant 0 : i32
        %dma_wait3A_157 = tpu.memref_slice %arg7[%add3A_155, %dma_wait3A_156] : memref<160x128xi32, #tpu.memory_space<vmem>> -> memref<1x128xi32, #tpu.memory_space<vmem>>
        %dma_wait3A_158 = tpu.memref_squeeze %dma_wait3A_157 : memref<1x128xi32, #tpu.memory_space<vmem>> -> memref<128xi32, #tpu.memory_space<vmem>>
        %dma_wait3A_159 = arith.constant 0 : i32
        %dma_wait3A_160 = arith.constant 0 : i32
        %dma_wait3A_161 = tpu.memref_slice %arg5[%dma_wait3A_159, %dma_wait3A_160] : memref<10240x16xf32, #tpu.memory_space<hbm>> -> memref<10240x16xf32, #tpu.memory_space<hbm>>
        tpu.wait_indirect_dma semaphore(%arg21 : memref<!tpu.dma_semaphore, #tpu.memory_space<semaphore_mem>>) src(%dma_wait3A_161 : memref<10240x16xf32, #tpu.memory_space<hbm>>) dst(%arg12 : memref<128x16xf32, #tpu.memory_space<vmem>>)
        %add3A_162 = arith.constant 3 : i32
        %add3A_163 = arith.addi %mul3A_106, %add3A_162 : i32
        %dma_start3A_164 = arith.constant 0 : i32
        %dma_start3A_165 = tpu.memref_slice %arg8[%add3A_163, %dma_start3A_164] : memref<160x128xi32, #tpu.memory_space<vmem>> -> memref<1x128xi32, #tpu.memory_space<vmem>>
        %dma_start3A_166 = tpu.memref_squeeze %dma_start3A_165 : memref<1x128xi32, #tpu.memory_space<vmem>> -> memref<128xi32, #tpu.memory_space<vmem>>
        %dma_start3A_167 = arith.constant 0 : i32
        %dma_start3A_168 = arith.constant 0 : i32
        %dma_start3A_169 = tpu.memref_slice %arg17[%dma_start3A_167, %dma_start3A_168] : memref<10240x16xf32, #tpu.memory_space<vmem_shared>> -> memref<10240x16xf32, #tpu.memory_space<vmem_shared>>
        tpu.enqueue_indirect_dma source(%arg12 : memref<128x16xf32, #tpu.memory_space<vmem>>) target(%dma_start3A_169 : memref<10240x16xf32, #tpu.memory_space<vmem_shared>>) offsets(%dma_start3A_166 : memref<128xi32, #tpu.memory_space<vmem>>) semaphore(%arg29 : memref<!tpu.dma_semaphore, #tpu.memory_space<semaphore_mem>>) {add = true}
        %add3A_170 = arith.constant 4 : i32
        %add3A_171 = arith.addi %mul3A_106, %add3A_170 : i32
        %dma_wait3A_172 = arith.constant 0 : i32
        %dma_wait3A_173 = tpu.memref_slice %arg7[%add3A_171, %dma_wait3A_172] : memref<160x128xi32, #tpu.memory_space<vmem>> -> memref<1x128xi32, #tpu.memory_space<vmem>>
        %dma_wait3A_174 = tpu.memref_squeeze %dma_wait3A_173 : memref<1x128xi32, #tpu.memory_space<vmem>> -> memref<128xi32, #tpu.memory_space<vmem>>
        %dma_wait3A_175 = arith.constant 0 : i32
        %dma_wait3A_176 = arith.constant 0 : i32
        %dma_wait3A_177 = tpu.memref_slice %arg5[%dma_wait3A_175, %dma_wait3A_176] : memref<10240x16xf32, #tpu.memory_space<hbm>> -> memref<10240x16xf32, #tpu.memory_space<hbm>>
        tpu.wait_indirect_dma semaphore(%arg22 : memref<!tpu.dma_semaphore, #tpu.memory_space<semaphore_mem>>) src(%dma_wait3A_177 : memref<10240x16xf32, #tpu.memory_space<hbm>>) dst(%arg13 : memref<128x16xf32, #tpu.memory_space<vmem>>)
        %add3A_178 = arith.constant 4 : i32
        %add3A_179 = arith.addi %mul3A_106, %add3A_178 : i32
        %dma_start3A_180 = arith.constant 0 : i32
        %dma_start3A_181 = tpu.memref_slice %arg8[%add3A_179, %dma_start3A_180] : memref<160x128xi32, #tpu.memory_space<vmem>> -> memref<1x128xi32, #tpu.memory_space<vmem>>
        %dma_start3A_182 = tpu.memref_squeeze %dma_start3A_181 : memref<1x128xi32, #tpu.memory_space<vmem>> -> memref<128xi32, #tpu.memory_space<vmem>>
        %dma_start3A_183 = arith.constant 0 : i32
        %dma_start3A_184 = arith.constant 0 : i32
        %dma_start3A_185 = tpu.memref_slice %arg17[%dma_start3A_183, %dma_start3A_184] : memref<10240x16xf32, #tpu.memory_space<vmem_shared>> -> memref<10240x16xf32, #tpu.memory_space<vmem_shared>>
        tpu.enqueue_indirect_dma source(%arg13 : memref<128x16xf32, #tpu.memory_space<vmem>>) target(%dma_start3A_185 : memref<10240x16xf32, #tpu.memory_space<vmem_shared>>) offsets(%dma_start3A_182 : memref<128xi32, #tpu.memory_space<vmem>>) semaphore(%arg30 : memref<!tpu.dma_semaphore, #tpu.memory_space<semaphore_mem>>) {add = true}
        %add3A_186 = arith.constant 5 : i32
        %add3A_187 = arith.addi %mul3A_106, %add3A_186 : i32
        %dma_wait3A_188 = arith.constant 0 : i32
        %dma_wait3A_189 = tpu.memref_slice %arg7[%add3A_187, %dma_wait3A_188] : memref<160x128xi32, #tpu.memory_space<vmem>> -> memref<1x128xi32, #tpu.memory_space<vmem>>
        %dma_wait3A_190 = tpu.memref_squeeze %dma_wait3A_189 : memref<1x128xi32, #tpu.memory_space<vmem>> -> memref<128xi32, #tpu.memory_space<vmem>>
        %dma_wait3A_191 = arith.constant 0 : i32
        %dma_wait3A_192 = arith.constant 0 : i32
        %dma_wait3A_193 = tpu.memref_slice %arg5[%dma_wait3A_191, %dma_wait3A_192] : memref<10240x16xf32, #tpu.memory_space<hbm>> -> memref<10240x16xf32, #tpu.memory_space<hbm>>
        tpu.wait_indirect_dma semaphore(%arg23 : memref<!tpu.dma_semaphore, #tpu.memory_space<semaphore_mem>>) src(%dma_wait3A_193 : memref<10240x16xf32, #tpu.memory_space<hbm>>) dst(%arg14 : memref<128x16xf32, #tpu.memory_space<vmem>>)
        %add3A_194 = arith.constant 5 : i32
        %add3A_195 = arith.addi %mul3A_106, %add3A_194 : i32
        %dma_start3A_196 = arith.constant 0 : i32
        %dma_start3A_197 = tpu.memref_slice %arg8[%add3A_195, %dma_start3A_196] : memref<160x128xi32, #tpu.memory_space<vmem>> -> memref<1x128xi32, #tpu.memory_space<vmem>>
        %dma_start3A_198 = tpu.memref_squeeze %dma_start3A_197 : memref<1x128xi32, #tpu.memory_space<vmem>> -> memref<128xi32, #tpu.memory_space<vmem>>
        %dma_start3A_199 = arith.constant 0 : i32
        %dma_start3A_200 = arith.constant 0 : i32
        %dma_start3A_201 = tpu.memref_slice %arg17[%dma_start3A_199, %dma_start3A_200] : memref<10240x16xf32, #tpu.memory_space<vmem_shared>> -> memref<10240x16xf32, #tpu.memory_space<vmem_shared>>
        tpu.enqueue_indirect_dma source(%arg14 : memref<128x16xf32, #tpu.memory_space<vmem>>) target(%dma_start3A_201 : memref<10240x16xf32, #tpu.memory_space<vmem_shared>>) offsets(%dma_start3A_198 : memref<128xi32, #tpu.memory_space<vmem>>) semaphore(%arg31 : memref<!tpu.dma_semaphore, #tpu.memory_space<semaphore_mem>>) {add = true}
        %add3A_202 = arith.constant 6 : i32
        %add3A_203 = arith.addi %mul3A_106, %add3A_202 : i32
        %dma_wait3A_204 = arith.constant 0 : i32
        %dma_wait3A_205 = tpu.memref_slice %arg7[%add3A_203, %dma_wait3A_204] : memref<160x128xi32, #tpu.memory_space<vmem>> -> memref<1x128xi32, #tpu.memory_space<vmem>>
        %dma_wait3A_206 = tpu.memref_squeeze %dma_wait3A_205 : memref<1x128xi32, #tpu.memory_space<vmem>> -> memref<128xi32, #tpu.memory_space<vmem>>
        %dma_wait3A_207 = arith.constant 0 : i32
        %dma_wait3A_208 = arith.constant 0 : i32
        %dma_wait3A_209 = tpu.memref_slice %arg5[%dma_wait3A_207, %dma_wait3A_208] : memref<10240x16xf32, #tpu.memory_space<hbm>> -> memref<10240x16xf32, #tpu.memory_space<hbm>>
        tpu.wait_indirect_dma semaphore(%arg24 : memref<!tpu.dma_semaphore, #tpu.memory_space<semaphore_mem>>) src(%dma_wait3A_209 : memref<10240x16xf32, #tpu.memory_space<hbm>>) dst(%arg15 : memref<128x16xf32, #tpu.memory_space<vmem>>)
        %add3A_210 = arith.constant 6 : i32
        %add3A_211 = arith.addi %mul3A_106, %add3A_210 : i32
        %dma_start3A_212 = arith.constant 0 : i32
        %dma_start3A_213 = tpu.memref_slice %arg8[%add3A_211, %dma_start3A_212] : memref<160x128xi32, #tpu.memory_space<vmem>> -> memref<1x128xi32, #tpu.memory_space<vmem>>
        %dma_start3A_214 = tpu.memref_squeeze %dma_start3A_213 : memref<1x128xi32, #tpu.memory_space<vmem>> -> memref<128xi32, #tpu.memory_space<vmem>>
        %dma_start3A_215 = arith.constant 0 : i32
        %dma_start3A_216 = arith.constant 0 : i32
        %dma_start3A_217 = tpu.memref_slice %arg17[%dma_start3A_215, %dma_start3A_216] : memref<10240x16xf32, #tpu.memory_space<vmem_shared>> -> memref<10240x16xf32, #tpu.memory_space<vmem_shared>>
        tpu.enqueue_indirect_dma source(%arg15 : memref<128x16xf32, #tpu.memory_space<vmem>>) target(%dma_start3A_217 : memref<10240x16xf32, #tpu.memory_space<vmem_shared>>) offsets(%dma_start3A_214 : memref<128xi32, #tpu.memory_space<vmem>>) semaphore(%arg32 : memref<!tpu.dma_semaphore, #tpu.memory_space<semaphore_mem>>) {add = true}
        %add3A_218 = arith.constant 7 : i32
        %add3A_219 = arith.addi %mul3A_106, %add3A_218 : i32
        %dma_wait3A_220 = arith.constant 0 : i32
        %dma_wait3A_221 = tpu.memref_slice %arg7[%add3A_219, %dma_wait3A_220] : memref<160x128xi32, #tpu.memory_space<vmem>> -> memref<1x128xi32, #tpu.memory_space<vmem>>
        %dma_wait3A_222 = tpu.memref_squeeze %dma_wait3A_221 : memref<1x128xi32, #tpu.memory_space<vmem>> -> memref<128xi32, #tpu.memory_space<vmem>>
        %dma_wait3A_223 = arith.constant 0 : i32
        %dma_wait3A_224 = arith.constant 0 : i32
        %dma_wait3A_225 = tpu.memref_slice %arg5[%dma_wait3A_223, %dma_wait3A_224] : memref<10240x16xf32, #tpu.memory_space<hbm>> -> memref<10240x16xf32, #tpu.memory_space<hbm>>
        tpu.wait_indirect_dma semaphore(%arg25 : memref<!tpu.dma_semaphore, #tpu.memory_space<semaphore_mem>>) src(%dma_wait3A_225 : memref<10240x16xf32, #tpu.memory_space<hbm>>) dst(%arg16 : memref<128x16xf32, #tpu.memory_space<vmem>>)
        %add3A_226 = arith.constant 7 : i32
        %add3A_227 = arith.addi %mul3A_106, %add3A_226 : i32
        %dma_start3A_228 = arith.constant 0 : i32
        %dma_start3A_229 = tpu.memref_slice %arg8[%add3A_227, %dma_start3A_228] : memref<160x128xi32, #tpu.memory_space<vmem>> -> memref<1x128xi32, #tpu.memory_space<vmem>>
        %dma_start3A_230 = tpu.memref_squeeze %dma_start3A_229 : memref<1x128xi32, #tpu.memory_space<vmem>> -> memref<128xi32, #tpu.memory_space<vmem>>
        %dma_start3A_231 = arith.constant 0 : i32
        %dma_start3A_232 = arith.constant 0 : i32
        %dma_start3A_233 = tpu.memref_slice %arg17[%dma_start3A_231, %dma_start3A_232] : memref<10240x16xf32, #tpu.memory_space<vmem_shared>> -> memref<10240x16xf32, #tpu.memory_space<vmem_shared>>
        tpu.enqueue_indirect_dma source(%arg16 : memref<128x16xf32, #tpu.memory_space<vmem>>) target(%dma_start3A_233 : memref<10240x16xf32, #tpu.memory_space<vmem_shared>>) offsets(%dma_start3A_230 : memref<128xi32, #tpu.memory_space<vmem>>) semaphore(%arg33 : memref<!tpu.dma_semaphore, #tpu.memory_space<semaphore_mem>>) {add = true}
        %add3A_234 = arith.constant 8 : i32
        %add3A_235 = arith.addi %mul3A_106, %add3A_234 : i32
        %add3A_236 = arith.constant 0 : i32
        %add3A_237 = arith.addi %add3A_235, %add3A_236 : i32
        %add3A_238 = arith.constant 0 : i32
        %add3A_239 = arith.addi %mul3A_106, %add3A_238 : i32
        %dma_wait3A_240 = arith.constant 0 : i32
        %dma_wait3A_241 = tpu.memref_slice %arg8[%add3A_239, %dma_wait3A_240] : memref<160x128xi32, #tpu.memory_space<vmem>> -> memref<1x128xi32, #tpu.memory_space<vmem>>
        %dma_wait3A_242 = tpu.memref_squeeze %dma_wait3A_241 : memref<1x128xi32, #tpu.memory_space<vmem>> -> memref<128xi32, #tpu.memory_space<vmem>>
        %dma_wait3A_243 = arith.constant 0 : i32
        %dma_wait3A_244 = arith.constant 0 : i32
        %dma_wait3A_245 = tpu.memref_slice %arg17[%dma_wait3A_243, %dma_wait3A_244] : memref<10240x16xf32, #tpu.memory_space<vmem_shared>> -> memref<10240x16xf32, #tpu.memory_space<vmem_shared>>
        tpu.wait_indirect_dma semaphore(%arg26 : memref<!tpu.dma_semaphore, #tpu.memory_space<semaphore_mem>>) src(%arg9 : memref<128x16xf32, #tpu.memory_space<vmem>>) dst(%dma_wait3A_245 : memref<10240x16xf32, #tpu.memory_space<vmem_shared>>)
        %lt3A = arith.constant 160 : i32
        %lt3A_246 = arith.cmpi slt, %add3A_237, %lt3A : i32
        %convert_element_type3A_247 = arith.extui %lt3A_246 : i1 to i32
        %cond3A_248 = arith.constant 0 : i32
        %cond3A_249 = arith.cmpi ne, %convert_element_type3A_247, %cond3A_248 : i32
        scf.if %cond3A_249 {
          %dma_start3A_370 = arith.constant 0 : i32
          %dma_start3A_371 = tpu.memref_slice %arg7[%add3A_237, %dma_start3A_370] : memref<160x128xi32, #tpu.memory_space<vmem>> -> memref<1x128xi32, #tpu.memory_space<vmem>>
          %dma_start3A_372 = tpu.memref_squeeze %dma_start3A_371 : memref<1x128xi32, #tpu.memory_space<vmem>> -> memref<128xi32, #tpu.memory_space<vmem>>
          %dma_start3A_373 = arith.constant 0 : i32
          %dma_start3A_374 = arith.constant 0 : i32
          %dma_start3A_375 = tpu.memref_slice %arg5[%dma_start3A_373, %dma_start3A_374] : memref<10240x16xf32, #tpu.memory_space<hbm>> -> memref<10240x16xf32, #tpu.memory_space<hbm>>
          tpu.enqueue_indirect_dma source(%dma_start3A_375 : memref<10240x16xf32, #tpu.memory_space<hbm>>) target(%arg9 : memref<128x16xf32, #tpu.memory_space<vmem>>) offsets(%dma_start3A_372 : memref<128xi32, #tpu.memory_space<vmem>>) semaphore(%arg18 : memref<!tpu.dma_semaphore, #tpu.memory_space<semaphore_mem>>)
        } else {
        }
        %add3A_250 = arith.constant 8 : i32
        %add3A_251 = arith.addi %mul3A_106, %add3A_250 : i32
        %add3A_252 = arith.constant 1 : i32
        %add3A_253 = arith.addi %add3A_251, %add3A_252 : i32
        %add3A_254 = arith.constant 1 : i32
        %add3A_255 = arith.addi %mul3A_106, %add3A_254 : i32
        %dma_wait3A_256 = arith.constant 0 : i32
        %dma_wait3A_257 = tpu.memref_slice %arg8[%add3A_255, %dma_wait3A_256] : memref<160x128xi32, #tpu.memory_space<vmem>> -> memref<1x128xi32, #tpu.memory_space<vmem>>
        %dma_wait3A_258 = tpu.memref_squeeze %dma_wait3A_257 : memref<1x128xi32, #tpu.memory_space<vmem>> -> memref<128xi32, #tpu.memory_space<vmem>>
        %dma_wait3A_259 = arith.constant 0 : i32
        %dma_wait3A_260 = arith.constant 0 : i32
        %dma_wait3A_261 = tpu.memref_slice %arg17[%dma_wait3A_259, %dma_wait3A_260] : memref<10240x16xf32, #tpu.memory_space<vmem_shared>> -> memref<10240x16xf32, #tpu.memory_space<vmem_shared>>
        tpu.wait_indirect_dma semaphore(%arg27 : memref<!tpu.dma_semaphore, #tpu.memory_space<semaphore_mem>>) src(%arg10 : memref<128x16xf32, #tpu.memory_space<vmem>>) dst(%dma_wait3A_261 : memref<10240x16xf32, #tpu.memory_space<vmem_shared>>)
        %lt3A_262 = arith.constant 160 : i32
        %lt3A_263 = arith.cmpi slt, %add3A_253, %lt3A_262 : i32
        %convert_element_type3A_264 = arith.extui %lt3A_263 : i1 to i32
        %cond3A_265 = arith.constant 0 : i32
        %cond3A_266 = arith.cmpi ne, %convert_element_type3A_264, %cond3A_265 : i32
        scf.if %cond3A_266 {
          %dma_start3A_370 = arith.constant 0 : i32
          %dma_start3A_371 = tpu.memref_slice %arg7[%add3A_253, %dma_start3A_370] : memref<160x128xi32, #tpu.memory_space<vmem>> -> memref<1x128xi32, #tpu.memory_space<vmem>>
          %dma_start3A_372 = tpu.memref_squeeze %dma_start3A_371 : memref<1x128xi32, #tpu.memory_space<vmem>> -> memref<128xi32, #tpu.memory_space<vmem>>
          %dma_start3A_373 = arith.constant 0 : i32
          %dma_start3A_374 = arith.constant 0 : i32
          %dma_start3A_375 = tpu.memref_slice %arg5[%dma_start3A_373, %dma_start3A_374] : memref<10240x16xf32, #tpu.memory_space<hbm>> -> memref<10240x16xf32, #tpu.memory_space<hbm>>
          tpu.enqueue_indirect_dma source(%dma_start3A_375 : memref<10240x16xf32, #tpu.memory_space<hbm>>) target(%arg10 : memref<128x16xf32, #tpu.memory_space<vmem>>) offsets(%dma_start3A_372 : memref<128xi32, #tpu.memory_space<vmem>>) semaphore(%arg19 : memref<!tpu.dma_semaphore, #tpu.memory_space<semaphore_mem>>)
        } else {
        }
        %add3A_267 = arith.constant 8 : i32
        %add3A_268 = arith.addi %mul3A_106, %add3A_267 : i32
        %add3A_269 = arith.constant 2 : i32
        %add3A_270 = arith.addi %add3A_268, %add3A_269 : i32
        %add3A_271 = arith.constant 2 : i32
        %add3A_272 = arith.addi %mul3A_106, %add3A_271 : i32
        %dma_wait3A_273 = arith.constant 0 : i32
        %dma_wait3A_274 = tpu.memref_slice %arg8[%add3A_272, %dma_wait3A_273] : memref<160x128xi32, #tpu.memory_space<vmem>> -> memref<1x128xi32, #tpu.memory_space<vmem>>
        %dma_wait3A_275 = tpu.memref_squeeze %dma_wait3A_274 : memref<1x128xi32, #tpu.memory_space<vmem>> -> memref<128xi32, #tpu.memory_space<vmem>>
        %dma_wait3A_276 = arith.constant 0 : i32
        %dma_wait3A_277 = arith.constant 0 : i32
        %dma_wait3A_278 = tpu.memref_slice %arg17[%dma_wait3A_276, %dma_wait3A_277] : memref<10240x16xf32, #tpu.memory_space<vmem_shared>> -> memref<10240x16xf32, #tpu.memory_space<vmem_shared>>
        tpu.wait_indirect_dma semaphore(%arg28 : memref<!tpu.dma_semaphore, #tpu.memory_space<semaphore_mem>>) src(%arg11 : memref<128x16xf32, #tpu.memory_space<vmem>>) dst(%dma_wait3A_278 : memref<10240x16xf32, #tpu.memory_space<vmem_shared>>)
        %lt3A_279 = arith.constant 160 : i32
        %lt3A_280 = arith.cmpi slt, %add3A_270, %lt3A_279 : i32
        %convert_element_type3A_281 = arith.extui %lt3A_280 : i1 to i32
        %cond3A_282 = arith.constant 0 : i32
        %cond3A_283 = arith.cmpi ne, %convert_element_type3A_281, %cond3A_282 : i32
        scf.if %cond3A_283 {
          %dma_start3A_370 = arith.constant 0 : i32
          %dma_start3A_371 = tpu.memref_slice %arg7[%add3A_270, %dma_start3A_370] : memref<160x128xi32, #tpu.memory_space<vmem>> -> memref<1x128xi32, #tpu.memory_space<vmem>>
          %dma_start3A_372 = tpu.memref_squeeze %dma_start3A_371 : memref<1x128xi32, #tpu.memory_space<vmem>> -> memref<128xi32, #tpu.memory_space<vmem>>
          %dma_start3A_373 = arith.constant 0 : i32
          %dma_start3A_374 = arith.constant 0 : i32
          %dma_start3A_375 = tpu.memref_slice %arg5[%dma_start3A_373, %dma_start3A_374] : memref<10240x16xf32, #tpu.memory_space<hbm>> -> memref<10240x16xf32, #tpu.memory_space<hbm>>
          tpu.enqueue_indirect_dma source(%dma_start3A_375 : memref<10240x16xf32, #tpu.memory_space<hbm>>) target(%arg11 : memref<128x16xf32, #tpu.memory_space<vmem>>) offsets(%dma_start3A_372 : memref<128xi32, #tpu.memory_space<vmem>>) semaphore(%arg20 : memref<!tpu.dma_semaphore, #tpu.memory_space<semaphore_mem>>)
        } else {
        }
        %add3A_284 = arith.constant 8 : i32
        %add3A_285 = arith.addi %mul3A_106, %add3A_284 : i32
        %add3A_286 = arith.constant 3 : i32
        %add3A_287 = arith.addi %add3A_285, %add3A_286 : i32
        %add3A_288 = arith.constant 3 : i32
        %add3A_289 = arith.addi %mul3A_106, %add3A_288 : i32
        %dma_wait3A_290 = arith.constant 0 : i32
        %dma_wait3A_291 = tpu.memref_slice %arg8[%add3A_289, %dma_wait3A_290] : memref<160x128xi32, #tpu.memory_space<vmem>> -> memref<1x128xi32, #tpu.memory_space<vmem>>
        %dma_wait3A_292 = tpu.memref_squeeze %dma_wait3A_291 : memref<1x128xi32, #tpu.memory_space<vmem>> -> memref<128xi32, #tpu.memory_space<vmem>>
        %dma_wait3A_293 = arith.constant 0 : i32
        %dma_wait3A_294 = arith.constant 0 : i32
        %dma_wait3A_295 = tpu.memref_slice %arg17[%dma_wait3A_293, %dma_wait3A_294] : memref<10240x16xf32, #tpu.memory_space<vmem_shared>> -> memref<10240x16xf32, #tpu.memory_space<vmem_shared>>
        tpu.wait_indirect_dma semaphore(%arg29 : memref<!tpu.dma_semaphore, #tpu.memory_space<semaphore_mem>>) src(%arg12 : memref<128x16xf32, #tpu.memory_space<vmem>>) dst(%dma_wait3A_295 : memref<10240x16xf32, #tpu.memory_space<vmem_shared>>)
        %lt3A_296 = arith.constant 160 : i32
        %lt3A_297 = arith.cmpi slt, %add3A_287, %lt3A_296 : i32
        %convert_element_type3A_298 = arith.extui %lt3A_297 : i1 to i32
        %cond3A_299 = arith.constant 0 : i32
        %cond3A_300 = arith.cmpi ne, %convert_element_type3A_298, %cond3A_299 : i32
        scf.if %cond3A_300 {
          %dma_start3A_370 = arith.constant 0 : i32
          %dma_start3A_371 = tpu.memref_slice %arg7[%add3A_287, %dma_start3A_370] : memref<160x128xi32, #tpu.memory_space<vmem>> -> memref<1x128xi32, #tpu.memory_space<vmem>>
          %dma_start3A_372 = tpu.memref_squeeze %dma_start3A_371 : memref<1x128xi32, #tpu.memory_space<vmem>> -> memref<128xi32, #tpu.memory_space<vmem>>
          %dma_start3A_373 = arith.constant 0 : i32
          %dma_start3A_374 = arith.constant 0 : i32
          %dma_start3A_375 = tpu.memref_slice %arg5[%dma_start3A_373, %dma_start3A_374] : memref<10240x16xf32, #tpu.memory_space<hbm>> -> memref<10240x16xf32, #tpu.memory_space<hbm>>
          tpu.enqueue_indirect_dma source(%dma_start3A_375 : memref<10240x16xf32, #tpu.memory_space<hbm>>) target(%arg12 : memref<128x16xf32, #tpu.memory_space<vmem>>) offsets(%dma_start3A_372 : memref<128xi32, #tpu.memory_space<vmem>>) semaphore(%arg21 : memref<!tpu.dma_semaphore, #tpu.memory_space<semaphore_mem>>)
        } else {
        }
        %add3A_301 = arith.constant 8 : i32
        %add3A_302 = arith.addi %mul3A_106, %add3A_301 : i32
        %add3A_303 = arith.constant 4 : i32
        %add3A_304 = arith.addi %add3A_302, %add3A_303 : i32
        %add3A_305 = arith.constant 4 : i32
        %add3A_306 = arith.addi %mul3A_106, %add3A_305 : i32
        %dma_wait3A_307 = arith.constant 0 : i32
        %dma_wait3A_308 = tpu.memref_slice %arg8[%add3A_306, %dma_wait3A_307] : memref<160x128xi32, #tpu.memory_space<vmem>> -> memref<1x128xi32, #tpu.memory_space<vmem>>
        %dma_wait3A_309 = tpu.memref_squeeze %dma_wait3A_308 : memref<1x128xi32, #tpu.memory_space<vmem>> -> memref<128xi32, #tpu.memory_space<vmem>>
        %dma_wait3A_310 = arith.constant 0 : i32
        %dma_wait3A_311 = arith.constant 0 : i32
        %dma_wait3A_312 = tpu.memref_slice %arg17[%dma_wait3A_310, %dma_wait3A_311] : memref<10240x16xf32, #tpu.memory_space<vmem_shared>> -> memref<10240x16xf32, #tpu.memory_space<vmem_shared>>
        tpu.wait_indirect_dma semaphore(%arg30 : memref<!tpu.dma_semaphore, #tpu.memory_space<semaphore_mem>>) src(%arg13 : memref<128x16xf32, #tpu.memory_space<vmem>>) dst(%dma_wait3A_312 : memref<10240x16xf32, #tpu.memory_space<vmem_shared>>)
        %lt3A_313 = arith.constant 160 : i32
        %lt3A_314 = arith.cmpi slt, %add3A_304, %lt3A_313 : i32
        %convert_element_type3A_315 = arith.extui %lt3A_314 : i1 to i32
        %cond3A_316 = arith.constant 0 : i32
        %cond3A_317 = arith.cmpi ne, %convert_element_type3A_315, %cond3A_316 : i32
        scf.if %cond3A_317 {
          %dma_start3A_370 = arith.constant 0 : i32
          %dma_start3A_371 = tpu.memref_slice %arg7[%add3A_304, %dma_start3A_370] : memref<160x128xi32, #tpu.memory_space<vmem>> -> memref<1x128xi32, #tpu.memory_space<vmem>>
          %dma_start3A_372 = tpu.memref_squeeze %dma_start3A_371 : memref<1x128xi32, #tpu.memory_space<vmem>> -> memref<128xi32, #tpu.memory_space<vmem>>
          %dma_start3A_373 = arith.constant 0 : i32
          %dma_start3A_374 = arith.constant 0 : i32
          %dma_start3A_375 = tpu.memref_slice %arg5[%dma_start3A_373, %dma_start3A_374] : memref<10240x16xf32, #tpu.memory_space<hbm>> -> memref<10240x16xf32, #tpu.memory_space<hbm>>
          tpu.enqueue_indirect_dma source(%dma_start3A_375 : memref<10240x16xf32, #tpu.memory_space<hbm>>) target(%arg13 : memref<128x16xf32, #tpu.memory_space<vmem>>) offsets(%dma_start3A_372 : memref<128xi32, #tpu.memory_space<vmem>>) semaphore(%arg22 : memref<!tpu.dma_semaphore, #tpu.memory_space<semaphore_mem>>)
        } else {
        }
        %add3A_318 = arith.constant 8 : i32
        %add3A_319 = arith.addi %mul3A_106, %add3A_318 : i32
        %add3A_320 = arith.constant 5 : i32
        %add3A_321 = arith.addi %add3A_319, %add3A_320 : i32
        %add3A_322 = arith.constant 5 : i32
        %add3A_323 = arith.addi %mul3A_106, %add3A_322 : i32
        %dma_wait3A_324 = arith.constant 0 : i32
        %dma_wait3A_325 = tpu.memref_slice %arg8[%add3A_323, %dma_wait3A_324] : memref<160x128xi32, #tpu.memory_space<vmem>> -> memref<1x128xi32, #tpu.memory_space<vmem>>
        %dma_wait3A_326 = tpu.memref_squeeze %dma_wait3A_325 : memref<1x128xi32, #tpu.memory_space<vmem>> -> memref<128xi32, #tpu.memory_space<vmem>>
        %dma_wait3A_327 = arith.constant 0 : i32
        %dma_wait3A_328 = arith.constant 0 : i32
        %dma_wait3A_329 = tpu.memref_slice %arg17[%dma_wait3A_327, %dma_wait3A_328] : memref<10240x16xf32, #tpu.memory_space<vmem_shared>> -> memref<10240x16xf32, #tpu.memory_space<vmem_shared>>
        tpu.wait_indirect_dma semaphore(%arg31 : memref<!tpu.dma_semaphore, #tpu.memory_space<semaphore_mem>>) src(%arg14 : memref<128x16xf32, #tpu.memory_space<vmem>>) dst(%dma_wait3A_329 : memref<10240x16xf32, #tpu.memory_space<vmem_shared>>)
        %lt3A_330 = arith.constant 160 : i32
        %lt3A_331 = arith.cmpi slt, %add3A_321, %lt3A_330 : i32
        %convert_element_type3A_332 = arith.extui %lt3A_331 : i1 to i32
        %cond3A_333 = arith.constant 0 : i32
        %cond3A_334 = arith.cmpi ne, %convert_element_type3A_332, %cond3A_333 : i32
        scf.if %cond3A_334 {
          %dma_start3A_370 = arith.constant 0 : i32
          %dma_start3A_371 = tpu.memref_slice %arg7[%add3A_321, %dma_start3A_370] : memref<160x128xi32, #tpu.memory_space<vmem>> -> memref<1x128xi32, #tpu.memory_space<vmem>>
          %dma_start3A_372 = tpu.memref_squeeze %dma_start3A_371 : memref<1x128xi32, #tpu.memory_space<vmem>> -> memref<128xi32, #tpu.memory_space<vmem>>
          %dma_start3A_373 = arith.constant 0 : i32
          %dma_start3A_374 = arith.constant 0 : i32
          %dma_start3A_375 = tpu.memref_slice %arg5[%dma_start3A_373, %dma_start3A_374] : memref<10240x16xf32, #tpu.memory_space<hbm>> -> memref<10240x16xf32, #tpu.memory_space<hbm>>
          tpu.enqueue_indirect_dma source(%dma_start3A_375 : memref<10240x16xf32, #tpu.memory_space<hbm>>) target(%arg14 : memref<128x16xf32, #tpu.memory_space<vmem>>) offsets(%dma_start3A_372 : memref<128xi32, #tpu.memory_space<vmem>>) semaphore(%arg23 : memref<!tpu.dma_semaphore, #tpu.memory_space<semaphore_mem>>)
        } else {
        }
        %add3A_335 = arith.constant 8 : i32
        %add3A_336 = arith.addi %mul3A_106, %add3A_335 : i32
        %add3A_337 = arith.constant 6 : i32
        %add3A_338 = arith.addi %add3A_336, %add3A_337 : i32
        %add3A_339 = arith.constant 6 : i32
        %add3A_340 = arith.addi %mul3A_106, %add3A_339 : i32
        %dma_wait3A_341 = arith.constant 0 : i32
        %dma_wait3A_342 = tpu.memref_slice %arg8[%add3A_340, %dma_wait3A_341] : memref<160x128xi32, #tpu.memory_space<vmem>> -> memref<1x128xi32, #tpu.memory_space<vmem>>
        %dma_wait3A_343 = tpu.memref_squeeze %dma_wait3A_342 : memref<1x128xi32, #tpu.memory_space<vmem>> -> memref<128xi32, #tpu.memory_space<vmem>>
        %dma_wait3A_344 = arith.constant 0 : i32
        %dma_wait3A_345 = arith.constant 0 : i32
        %dma_wait3A_346 = tpu.memref_slice %arg17[%dma_wait3A_344, %dma_wait3A_345] : memref<10240x16xf32, #tpu.memory_space<vmem_shared>> -> memref<10240x16xf32, #tpu.memory_space<vmem_shared>>
        tpu.wait_indirect_dma semaphore(%arg32 : memref<!tpu.dma_semaphore, #tpu.memory_space<semaphore_mem>>) src(%arg15 : memref<128x16xf32, #tpu.memory_space<vmem>>) dst(%dma_wait3A_346 : memref<10240x16xf32, #tpu.memory_space<vmem_shared>>)
        %lt3A_347 = arith.constant 160 : i32
        %lt3A_348 = arith.cmpi slt, %add3A_338, %lt3A_347 : i32
        %convert_element_type3A_349 = arith.extui %lt3A_348 : i1 to i32
        %cond3A_350 = arith.constant 0 : i32
        %cond3A_351 = arith.cmpi ne, %convert_element_type3A_349, %cond3A_350 : i32
        scf.if %cond3A_351 {
          %dma_start3A_370 = arith.constant 0 : i32
          %dma_start3A_371 = tpu.memref_slice %arg7[%add3A_338, %dma_start3A_370] : memref<160x128xi32, #tpu.memory_space<vmem>> -> memref<1x128xi32, #tpu.memory_space<vmem>>
          %dma_start3A_372 = tpu.memref_squeeze %dma_start3A_371 : memref<1x128xi32, #tpu.memory_space<vmem>> -> memref<128xi32, #tpu.memory_space<vmem>>
          %dma_start3A_373 = arith.constant 0 : i32
          %dma_start3A_374 = arith.constant 0 : i32
          %dma_start3A_375 = tpu.memref_slice %arg5[%dma_start3A_373, %dma_start3A_374] : memref<10240x16xf32, #tpu.memory_space<hbm>> -> memref<10240x16xf32, #tpu.memory_space<hbm>>
          tpu.enqueue_indirect_dma source(%dma_start3A_375 : memref<10240x16xf32, #tpu.memory_space<hbm>>) target(%arg15 : memref<128x16xf32, #tpu.memory_space<vmem>>) offsets(%dma_start3A_372 : memref<128xi32, #tpu.memory_space<vmem>>) semaphore(%arg24 : memref<!tpu.dma_semaphore, #tpu.memory_space<semaphore_mem>>)
        } else {
        }
        %add3A_352 = arith.constant 8 : i32
        %add3A_353 = arith.addi %mul3A_106, %add3A_352 : i32
        %add3A_354 = arith.constant 7 : i32
        %add3A_355 = arith.addi %add3A_353, %add3A_354 : i32
        %add3A_356 = arith.constant 7 : i32
        %add3A_357 = arith.addi %mul3A_106, %add3A_356 : i32
        %dma_wait3A_358 = arith.constant 0 : i32
        %dma_wait3A_359 = tpu.memref_slice %arg8[%add3A_357, %dma_wait3A_358] : memref<160x128xi32, #tpu.memory_space<vmem>> -> memref<1x128xi32, #tpu.memory_space<vmem>>
        %dma_wait3A_360 = tpu.memref_squeeze %dma_wait3A_359 : memref<1x128xi32, #tpu.memory_space<vmem>> -> memref<128xi32, #tpu.memory_space<vmem>>
        %dma_wait3A_361 = arith.constant 0 : i32
        %dma_wait3A_362 = arith.constant 0 : i32
        %dma_wait3A_363 = tpu.memref_slice %arg17[%dma_wait3A_361, %dma_wait3A_362] : memref<10240x16xf32, #tpu.memory_space<vmem_shared>> -> memref<10240x16xf32, #tpu.memory_space<vmem_shared>>
        tpu.wait_indirect_dma semaphore(%arg33 : memref<!tpu.dma_semaphore, #tpu.memory_space<semaphore_mem>>) src(%arg16 : memref<128x16xf32, #tpu.memory_space<vmem>>) dst(%dma_wait3A_363 : memref<10240x16xf32, #tpu.memory_space<vmem_shared>>)
        %lt3A_364 = arith.constant 160 : i32
        %lt3A_365 = arith.cmpi slt, %add3A_355, %lt3A_364 : i32
        %convert_element_type3A_366 = arith.extui %lt3A_365 : i1 to i32
        %cond3A_367 = arith.constant 0 : i32
        %cond3A_368 = arith.cmpi ne, %convert_element_type3A_366, %cond3A_367 : i32
        scf.if %cond3A_368 {
          %dma_start3A_370 = arith.constant 0 : i32
          %dma_start3A_371 = tpu.memref_slice %arg7[%add3A_355, %dma_start3A_370] : memref<160x128xi32, #tpu.memory_space<vmem>> -> memref<1x128xi32, #tpu.memory_space<vmem>>
          %dma_start3A_372 = tpu.memref_squeeze %dma_start3A_371 : memref<1x128xi32, #tpu.memory_space<vmem>> -> memref<128xi32, #tpu.memory_space<vmem>>
          %dma_start3A_373 = arith.constant 0 : i32
          %dma_start3A_374 = arith.constant 0 : i32
          %dma_start3A_375 = tpu.memref_slice %arg5[%dma_start3A_373, %dma_start3A_374] : memref<10240x16xf32, #tpu.memory_space<hbm>> -> memref<10240x16xf32, #tpu.memory_space<hbm>>
          tpu.enqueue_indirect_dma source(%dma_start3A_375 : memref<10240x16xf32, #tpu.memory_space<hbm>>) target(%arg16 : memref<128x16xf32, #tpu.memory_space<vmem>>) offsets(%dma_start3A_372 : memref<128xi32, #tpu.memory_space<vmem>>) semaphore(%arg25 : memref<!tpu.dma_semaphore, #tpu.memory_space<semaphore_mem>>)
        } else {
        }
        %scan3A_369 = arith.constant 0 : i32
        scf.yield %scan3A_369 : i32
      }
      %scan3A_102 = arith.constant 20 : i32
    } else {
    }
    %barrier3A_36 = arith.constant 0 : index
    tpu.barrier barrier_id(%barrier3A_36)
    %mul3A_37 = arith.constant 640 : i32
    %mul3A_38 = arith.muli %arg1, %mul3A_37 : i32
    %mul3A_39 = arith.constant 640 : i32
    %mul3A_40 = arith.muli %arg1, %mul3A_39 : i32
    "tpu.region"() ({
      %run_scoped3A = tpu.sem_alloc : memref<!tpu.dma_semaphore, #tpu.memory_space<semaphore_mem>>
      %dma_start3A = arith.constant 0 : i32
      %dma_start3A_41 = tpu.memref_slice %arg6[%arg0, %mul3A_40, %dma_start3A] : memref<2x10240x16xf32, #tpu.memory_space<hbm>> -> memref<1x640x16xf32, #tpu.memory_space<hbm>>
      %dma_start3A_42 = tpu.memref_squeeze %dma_start3A_41 : memref<1x640x16xf32, #tpu.memory_space<hbm>> -> memref<640x16xf32, #tpu.memory_space<hbm>>
      %dma_start3A_43 = arith.constant 0 : i32
      %dma_start3A_44 = tpu.memref_slice %arg17[%mul3A_38, %dma_start3A_43] : memref<10240x16xf32, #tpu.memory_space<vmem_shared>> -> memref<640x16xf32, #tpu.memory_space<vmem_shared>>
      tpu.enqueue_dma source(%dma_start3A_44 : memref<640x16xf32, #tpu.memory_space<vmem_shared>>) target(%dma_start3A_42 : memref<640x16xf32, #tpu.memory_space<hbm>>) target_semaphore(%run_scoped3A : memref<!tpu.dma_semaphore, #tpu.memory_space<semaphore_mem>>)
      %dma_wait3A = arith.constant 0 : i32
      %dma_wait3A_45 = tpu.memref_slice %arg6[%arg0, %mul3A_40, %dma_wait3A] : memref<2x10240x16xf32, #tpu.memory_space<hbm>> -> memref<1x640x16xf32, #tpu.memory_space<hbm>>
      %dma_wait3A_46 = tpu.memref_squeeze %dma_wait3A_45 : memref<1x640x16xf32, #tpu.memory_space<hbm>> -> memref<640x16xf32, #tpu.memory_space<hbm>>
      %dma_wait3A_47 = arith.constant 0 : i32
      %dma_wait3A_48 = tpu.memref_slice %arg17[%mul3A_38, %dma_wait3A_47] : memref<10240x16xf32, #tpu.memory_space<vmem_shared>> -> memref<640x16xf32, #tpu.memory_space<vmem_shared>>
      tpu.wait_dma2 semaphore(%run_scoped3A : memref<!tpu.dma_semaphore, #tpu.memory_space<semaphore_mem>>) src(%dma_wait3A_48 : memref<640x16xf32, #tpu.memory_space<vmem_shared>>) dst(%dma_wait3A_46 : memref<640x16xf32, #tpu.memory_space<hbm>>)
      tpu.yield
    }) : () -> ()
    return
  }
}

#map = affine_map<(d0, d1) -> (0, 0)>
#map1 = affine_map<(d0, d1) -> (0, 0, 0)>
module attributes {stable_mosaic.version = 14 : i64} {
  func.func @_spmm(%arg0: i32, %arg1: i32, %arg2: memref<2560x128xi32, #tpu.memory_space<hbm>>, %arg3: memref<2560x128xi32, #tpu.memory_space<hbm>>, %arg4: memref<10240x32xf32, #tpu.memory_space<hbm>>, %arg5: memref<10240x32xf32, #tpu.memory_space<hbm>>, %arg6: memref<2x10240x32xf32, #tpu.memory_space<hbm>>, %arg7: memref<160x128xi32, #tpu.memory_space<vmem>>, %arg8: memref<160x128xi32, #tpu.memory_space<vmem>>, %arg9: memref<128x32xf32, #tpu.memory_space<vmem>>, %arg10: memref<128x32xf32, #tpu.memory_space<vmem>>, %arg11: memref<128x32xf32, #tpu.memory_space<vmem>>, %arg12: memref<128x32xf32, #tpu.memory_space<vmem>>, %arg13: memref<128x32xf32, #tpu.memory_space<vmem>>, %arg14: memref<128x32xf32, #tpu.memory_space<vmem>>, %arg15: memref<128x32xf32, #tpu.memory_space<vmem>>, %arg16: memref<128x32xf32, #tpu.memory_space<vmem>>, %arg17: memref<10240x32xf32, #tpu.memory_space<vmem_shared>>, %arg18: memref<!tpu.dma_semaphore, #tpu.memory_space<semaphore_mem>>, %arg19: memref<!tpu.dma_semaphore, #tpu.memory_space<semaphore_mem>>, %arg20: memref<!tpu.dma_semaphore, #tpu.memory_space<semaphore_mem>>, %arg21: memref<!tpu.dma_semaphore, #tpu.memory_space<semaphore_mem>>, %arg22: memref<!tpu.dma_semaphore, #tpu.memory_space<semaphore_mem>>, %arg23: memref<!tpu.dma_semaphore, #tpu.memory_space<semaphore_mem>>, %arg24: memref<!tpu.dma_semaphore, #tpu.memory_space<semaphore_mem>>, %arg25: memref<!tpu.dma_semaphore, #tpu.memory_space<semaphore_mem>>, %arg26: memref<!tpu.dma_semaphore, #tpu.memory_space<semaphore_mem>>, %arg27: memref<!tpu.dma_semaphore, #tpu.memory_space<semaphore_mem>>, %arg28: memref<!tpu.dma_semaphore, #tpu.memory_space<semaphore_mem>>, %arg29: memref<!tpu.dma_semaphore, #tpu.memory_space<semaphore_mem>>, %arg30: memref<!tpu.dma_semaphore, #tpu.memory_space<semaphore_mem>>, %arg31: memref<!tpu.dma_semaphore, #tpu.memory_space<semaphore_mem>>, %arg32: memref<!tpu.dma_semaphore, #tpu.memory_space<semaphore_mem>>, %arg33: memref<!tpu.dma_semaphore, #tpu.memory_space<semaphore_mem>>) attributes {dimension_semantics = [#tpu.dimension_semantics<core_parallel>, #tpu.dimension_semantics<subcore_parallel>], iteration_bounds = array<i64: 2, 16>, scalar_prefetch = 0 : i64, scratch_operands = 27 : i64, tpu.core_type = #tpu.core_type<sc_vector_subcore>, window_params = [{transform_indices = #map}, {transform_indices = #map}, {transform_indices = #map}, {transform_indices = #map}, {transform_indices = #map1}]} {
    %broadcast_in_dim3A = arith.constant 0.000000e+00 : f32
    %broadcast_in_dim3A_0 = vector.broadcast %broadcast_in_dim3A : f32 to vector<16xf32>
    %scan3A = arith.constant 0 : i32
    %scan3A_1 = arith.constant 0 : i32
    %scan3A_2 = arith.constant 128 : i32
    %scan3A_3 = arith.addi %scan3A_1, %scan3A_2 : i32
    %scan3A_4 = arith.constant 1 : i32
    %scan3A_5 = scf.for %scan3A_41 = %scan3A_1 to %scan3A_3 step %scan3A_4 iter_args(%scan3A_42 = %scan3A) -> (i32)  : i32 {
      %swap3A = arith.index_cast %scan3A_41 : i32 to index
      %swap3A_43 = arith.constant 0 : index
      %swap3A_44 = tpu.vector_load %arg9[%swap3A, %swap3A_43] {strides = array<i32>} : memref<128x32xf32, #tpu.memory_space<vmem>>, vector<1x16xf32>,
      %swap3A_45 = vector.shape_cast %swap3A_44 : vector<1x16xf32> to vector<16xf32>
      %swap3A_46 = vector.shape_cast %broadcast_in_dim3A_0 : vector<16xf32> to vector<1x16xf32>
      tpu.vector_store %arg9[%swap3A, %swap3A_43], %swap3A_46 {strides = array<i32>} : memref<128x32xf32, #tpu.memory_space<vmem>>, vector<1x16xf32>,
      %swap3A_47 = arith.index_cast %scan3A_41 : i32 to index
      %swap3A_48 = arith.constant 16 : index
      %swap3A_49 = tpu.vector_load %arg9[%swap3A_47, %swap3A_48] {strides = array<i32>} : memref<128x32xf32, #tpu.memory_space<vmem>>, vector<1x16xf32>,
      %swap3A_50 = vector.shape_cast %swap3A_49 : vector<1x16xf32> to vector<16xf32>
      %swap3A_51 = vector.shape_cast %broadcast_in_dim3A_0 : vector<16xf32> to vector<1x16xf32>
      tpu.vector_store %arg9[%swap3A_47, %swap3A_48], %swap3A_51 {strides = array<i32>} : memref<128x32xf32, #tpu.memory_space<vmem>>, vector<1x16xf32>,
      %scan3A_52 = arith.constant 0 : i32
      scf.yield %scan3A_52 : i32
    }
    %scan3A_6 = arith.constant 128 : i32
    %mul3A = arith.constant 640 : i32
    %mul3A_7 = arith.muli %arg1, %mul3A : i32
    %add3A = arith.constant 0 : i32
    %add3A_8 = arith.addi %mul3A_7, %add3A : i32
    "tpu.region"() ({
      %run_scoped3A = tpu.sem_alloc : memref<!tpu.dma_semaphore, #tpu.memory_space<semaphore_mem>>
      %dma_start3A = arith.constant 0 : i32
      %dma_start3A_41 = tpu.memref_slice %arg17[%add3A_8, %dma_start3A] : memref<10240x32xf32, #tpu.memory_space<vmem_shared>> -> memref<128x32xf32, #tpu.memory_space<vmem_shared>>
      %dma_start3A_42 = arith.constant 0 : i32
      %dma_start3A_43 = tpu.memref_slice %arg17[%add3A_8, %dma_start3A_42] : memref<10240x32xf32, #tpu.memory_space<vmem_shared>> -> memref<128x32xf32, #tpu.memory_space<vmem_shared>>
      tpu.enqueue_dma source(%arg9 : memref<128x32xf32, #tpu.memory_space<vmem>>) target(%dma_start3A_43 : memref<128x32xf32, #tpu.memory_space<vmem_shared>>) target_semaphore(%run_scoped3A : memref<!tpu.dma_semaphore, #tpu.memory_space<semaphore_mem>>)
      %dma_wait3A = arith.constant 0 : i32
      %dma_wait3A_44 = tpu.memref_slice %arg17[%add3A_8, %dma_wait3A] : memref<10240x32xf32, #tpu.memory_space<vmem_shared>> -> memref<128x32xf32, #tpu.memory_space<vmem_shared>>
      %dma_wait3A_45 = arith.constant 0 : i32
      %dma_wait3A_46 = tpu.memref_slice %arg17[%add3A_8, %dma_wait3A_45] : memref<10240x32xf32, #tpu.memory_space<vmem_shared>> -> memref<128x32xf32, #tpu.memory_space<vmem_shared>>
      tpu.wait_dma2 semaphore(%run_scoped3A : memref<!tpu.dma_semaphore, #tpu.memory_space<semaphore_mem>>) src(%arg9 : memref<128x32xf32, #tpu.memory_space<vmem>>) dst(%dma_wait3A_46 : memref<128x32xf32, #tpu.memory_space<vmem_shared>>)
      tpu.yield
    }) : () -> ()
    %mul3A_9 = arith.constant 640 : i32
    %mul3A_10 = arith.muli %arg1, %mul3A_9 : i32
    %add3A_11 = arith.constant 128 : i32
    %add3A_12 = arith.addi %mul3A_10, %add3A_11 : i32
    "tpu.region"() ({
      %run_scoped3A = tpu.sem_alloc : memref<!tpu.dma_semaphore, #tpu.memory_space<semaphore_mem>>
      %dma_start3A = arith.constant 0 : i32
      %dma_start3A_41 = tpu.memref_slice %arg17[%add3A_12, %dma_start3A] : memref<10240x32xf32, #tpu.memory_space<vmem_shared>> -> memref<128x32xf32, #tpu.memory_space<vmem_shared>>
      %dma_start3A_42 = arith.constant 0 : i32
      %dma_start3A_43 = tpu.memref_slice %arg17[%add3A_12, %dma_start3A_42] : memref<10240x32xf32, #tpu.memory_space<vmem_shared>> -> memref<128x32xf32, #tpu.memory_space<vmem_shared>>
      tpu.enqueue_dma source(%arg9 : memref<128x32xf32, #tpu.memory_space<vmem>>) target(%dma_start3A_43 : memref<128x32xf32, #tpu.memory_space<vmem_shared>>) target_semaphore(%run_scoped3A : memref<!tpu.dma_semaphore, #tpu.memory_space<semaphore_mem>>)
      %dma_wait3A = arith.constant 0 : i32
      %dma_wait3A_44 = tpu.memref_slice %arg17[%add3A_12, %dma_wait3A] : memref<10240x32xf32, #tpu.memory_space<vmem_shared>> -> memref<128x32xf32, #tpu.memory_space<vmem_shared>>
      %dma_wait3A_45 = arith.constant 0 : i32
      %dma_wait3A_46 = tpu.memref_slice %arg17[%add3A_12, %dma_wait3A_45] : memref<10240x32xf32, #tpu.memory_space<vmem_shared>> -> memref<128x32xf32, #tpu.memory_space<vmem_shared>>
      tpu.wait_dma2 semaphore(%run_scoped3A : memref<!tpu.dma_semaphore, #tpu.memory_space<semaphore_mem>>) src(%arg9 : memref<128x32xf32, #tpu.memory_space<vmem>>) dst(%dma_wait3A_46 : memref<128x32xf32, #tpu.memory_space<vmem_shared>>)
      tpu.yield
    }) : () -> ()
    %mul3A_13 = arith.constant 640 : i32
    %mul3A_14 = arith.muli %arg1, %mul3A_13 : i32
    %add3A_15 = arith.constant 256 : i32
    %add3A_16 = arith.addi %mul3A_14, %add3A_15 : i32
    "tpu.region"() ({
      %run_scoped3A = tpu.sem_alloc : memref<!tpu.dma_semaphore, #tpu.memory_space<semaphore_mem>>
      %dma_start3A = arith.constant 0 : i32
      %dma_start3A_41 = tpu.memref_slice %arg17[%add3A_16, %dma_start3A] : memref<10240x32xf32, #tpu.memory_space<vmem_shared>> -> memref<128x32xf32, #tpu.memory_space<vmem_shared>>
      %dma_start3A_42 = arith.constant 0 : i32
      %dma_start3A_43 = tpu.memref_slice %arg17[%add3A_16, %dma_start3A_42] : memref<10240x32xf32, #tpu.memory_space<vmem_shared>> -> memref<128x32xf32, #tpu.memory_space<vmem_shared>>
      tpu.enqueue_dma source(%arg9 : memref<128x32xf32, #tpu.memory_space<vmem>>) target(%dma_start3A_43 : memref<128x32xf32, #tpu.memory_space<vmem_shared>>) target_semaphore(%run_scoped3A : memref<!tpu.dma_semaphore, #tpu.memory_space<semaphore_mem>>)
      %dma_wait3A = arith.constant 0 : i32
      %dma_wait3A_44 = tpu.memref_slice %arg17[%add3A_16, %dma_wait3A] : memref<10240x32xf32, #tpu.memory_space<vmem_shared>> -> memref<128x32xf32, #tpu.memory_space<vmem_shared>>
      %dma_wait3A_45 = arith.constant 0 : i32
      %dma_wait3A_46 = tpu.memref_slice %arg17[%add3A_16, %dma_wait3A_45] : memref<10240x32xf32, #tpu.memory_space<vmem_shared>> -> memref<128x32xf32, #tpu.memory_space<vmem_shared>>
      tpu.wait_dma2 semaphore(%run_scoped3A : memref<!tpu.dma_semaphore, #tpu.memory_space<semaphore_mem>>) src(%arg9 : memref<128x32xf32, #tpu.memory_space<vmem>>) dst(%dma_wait3A_46 : memref<128x32xf32, #tpu.memory_space<vmem_shared>>)
      tpu.yield
    }) : () -> ()
    %mul3A_17 = arith.constant 640 : i32
    %mul3A_18 = arith.muli %arg1, %mul3A_17 : i32
    %add3A_19 = arith.constant 384 : i32
    %add3A_20 = arith.addi %mul3A_18, %add3A_19 : i32
    "tpu.region"() ({
      %run_scoped3A = tpu.sem_alloc : memref<!tpu.dma_semaphore, #tpu.memory_space<semaphore_mem>>
      %dma_start3A = arith.constant 0 : i32
      %dma_start3A_41 = tpu.memref_slice %arg17[%add3A_20, %dma_start3A] : memref<10240x32xf32, #tpu.memory_space<vmem_shared>> -> memref<128x32xf32, #tpu.memory_space<vmem_shared>>
      %dma_start3A_42 = arith.constant 0 : i32
      %dma_start3A_43 = tpu.memref_slice %arg17[%add3A_20, %dma_start3A_42] : memref<10240x32xf32, #tpu.memory_space<vmem_shared>> -> memref<128x32xf32, #tpu.memory_space<vmem_shared>>
      tpu.enqueue_dma source(%arg9 : memref<128x32xf32, #tpu.memory_space<vmem>>) target(%dma_start3A_43 : memref<128x32xf32, #tpu.memory_space<vmem_shared>>) target_semaphore(%run_scoped3A : memref<!tpu.dma_semaphore, #tpu.memory_space<semaphore_mem>>)
      %dma_wait3A = arith.constant 0 : i32
      %dma_wait3A_44 = tpu.memref_slice %arg17[%add3A_20, %dma_wait3A] : memref<10240x32xf32, #tpu.memory_space<vmem_shared>> -> memref<128x32xf32, #tpu.memory_space<vmem_shared>>
      %dma_wait3A_45 = arith.constant 0 : i32
      %dma_wait3A_46 = tpu.memref_slice %arg17[%add3A_20, %dma_wait3A_45] : memref<10240x32xf32, #tpu.memory_space<vmem_shared>> -> memref<128x32xf32, #tpu.memory_space<vmem_shared>>
      tpu.wait_dma2 semaphore(%run_scoped3A : memref<!tpu.dma_semaphore, #tpu.memory_space<semaphore_mem>>) src(%arg9 : memref<128x32xf32, #tpu.memory_space<vmem>>) dst(%dma_wait3A_46 : memref<128x32xf32, #tpu.memory_space<vmem_shared>>)
      tpu.yield
    }) : () -> ()
    %mul3A_21 = arith.constant 640 : i32
    %mul3A_22 = arith.muli %arg1, %mul3A_21 : i32
    %add3A_23 = arith.constant 512 : i32
    %add3A_24 = arith.addi %mul3A_22, %add3A_23 : i32
    "tpu.region"() ({
      %run_scoped3A = tpu.sem_alloc : memref<!tpu.dma_semaphore, #tpu.memory_space<semaphore_mem>>
      %dma_start3A = arith.constant 0 : i32
      %dma_start3A_41 = tpu.memref_slice %arg17[%add3A_24, %dma_start3A] : memref<10240x32xf32, #tpu.memory_space<vmem_shared>> -> memref<128x32xf32, #tpu.memory_space<vmem_shared>>
      %dma_start3A_42 = arith.constant 0 : i32
      %dma_start3A_43 = tpu.memref_slice %arg17[%add3A_24, %dma_start3A_42] : memref<10240x32xf32, #tpu.memory_space<vmem_shared>> -> memref<128x32xf32, #tpu.memory_space<vmem_shared>>
      tpu.enqueue_dma source(%arg9 : memref<128x32xf32, #tpu.memory_space<vmem>>) target(%dma_start3A_43 : memref<128x32xf32, #tpu.memory_space<vmem_shared>>) target_semaphore(%run_scoped3A : memref<!tpu.dma_semaphore, #tpu.memory_space<semaphore_mem>>)
      %dma_wait3A = arith.constant 0 : i32
      %dma_wait3A_44 = tpu.memref_slice %arg17[%add3A_24, %dma_wait3A] : memref<10240x32xf32, #tpu.memory_space<vmem_shared>> -> memref<128x32xf32, #tpu.memory_space<vmem_shared>>
      %dma_wait3A_45 = arith.constant 0 : i32
      %dma_wait3A_46 = tpu.memref_slice %arg17[%add3A_24, %dma_wait3A_45] : memref<10240x32xf32, #tpu.memory_space<vmem_shared>> -> memref<128x32xf32, #tpu.memory_space<vmem_shared>>
      tpu.wait_dma2 semaphore(%run_scoped3A : memref<!tpu.dma_semaphore, #tpu.memory_space<semaphore_mem>>) src(%arg9 : memref<128x32xf32, #tpu.memory_space<vmem>>) dst(%dma_wait3A_46 : memref<128x32xf32, #tpu.memory_space<vmem_shared>>)
      tpu.yield
    }) : () -> ()
    %mul3A_25 = arith.constant 160 : i32
    %mul3A_26 = arith.muli %arg1, %mul3A_25 : i32
    "tpu.region"() ({
      %run_scoped3A = tpu.sem_alloc : memref<!tpu.dma_semaphore, #tpu.memory_space<semaphore_mem>>
      %dma_start3A = arith.constant 0 : i32
      %dma_start3A_41 = tpu.memref_slice %arg2[%mul3A_26, %dma_start3A] : memref<2560x128xi32, #tpu.memory_space<hbm>> -> memref<160x128xi32, #tpu.memory_space<hbm>>
      %dma_start3A_42 = arith.constant 0 : i32
      %dma_start3A_43 = tpu.memref_slice %arg2[%mul3A_26, %dma_start3A_42] : memref<2560x128xi32, #tpu.memory_space<hbm>> -> memref<160x128xi32, #tpu.memory_space<hbm>>
      tpu.enqueue_dma source(%dma_start3A_43 : memref<160x128xi32, #tpu.memory_space<hbm>>) target(%arg7 : memref<160x128xi32, #tpu.memory_space<vmem>>) target_semaphore(%run_scoped3A : memref<!tpu.dma_semaphore, #tpu.memory_space<semaphore_mem>>)
      %dma_wait3A = arith.constant 0 : i32
      %dma_wait3A_44 = tpu.memref_slice %arg2[%mul3A_26, %dma_wait3A] : memref<2560x128xi32, #tpu.memory_space<hbm>> -> memref<160x128xi32, #tpu.memory_space<hbm>>
      %dma_wait3A_45 = arith.constant 0 : i32
      %dma_wait3A_46 = tpu.memref_slice %arg2[%mul3A_26, %dma_wait3A_45] : memref<2560x128xi32, #tpu.memory_space<hbm>> -> memref<160x128xi32, #tpu.memory_space<hbm>>
      tpu.wait_dma2 semaphore(%run_scoped3A : memref<!tpu.dma_semaphore, #tpu.memory_space<semaphore_mem>>) src(%dma_wait3A_46 : memref<160x128xi32, #tpu.memory_space<hbm>>) dst(%arg7 : memref<160x128xi32, #tpu.memory_space<vmem>>)
      tpu.yield
    }) : () -> ()
    %mul3A_27 = arith.constant 160 : i32
    %mul3A_28 = arith.muli %arg1, %mul3A_27 : i32
    "tpu.region"() ({
      %run_scoped3A = tpu.sem_alloc : memref<!tpu.dma_semaphore, #tpu.memory_space<semaphore_mem>>
      %dma_start3A = arith.constant 0 : i32
      %dma_start3A_41 = tpu.memref_slice %arg3[%mul3A_28, %dma_start3A] : memref<2560x128xi32, #tpu.memory_space<hbm>> -> memref<160x128xi32, #tpu.memory_space<hbm>>
      %dma_start3A_42 = arith.constant 0 : i32
      %dma_start3A_43 = tpu.memref_slice %arg3[%mul3A_28, %dma_start3A_42] : memref<2560x128xi32, #tpu.memory_space<hbm>> -> memref<160x128xi32, #tpu.memory_space<hbm>>
      tpu.enqueue_dma source(%dma_start3A_43 : memref<160x128xi32, #tpu.memory_space<hbm>>) target(%arg8 : memref<160x128xi32, #tpu.memory_space<vmem>>) target_semaphore(%run_scoped3A : memref<!tpu.dma_semaphore, #tpu.memory_space<semaphore_mem>>)
      %dma_wait3A = arith.constant 0 : i32
      %dma_wait3A_44 = tpu.memref_slice %arg3[%mul3A_28, %dma_wait3A] : memref<2560x128xi32, #tpu.memory_space<hbm>> -> memref<160x128xi32, #tpu.memory_space<hbm>>
      %dma_wait3A_45 = arith.constant 0 : i32
      %dma_wait3A_46 = tpu.memref_slice %arg3[%mul3A_28, %dma_wait3A_45] : memref<2560x128xi32, #tpu.memory_space<hbm>> -> memref<160x128xi32, #tpu.memory_space<hbm>>
      tpu.wait_dma2 semaphore(%run_scoped3A : memref<!tpu.dma_semaphore, #tpu.memory_space<semaphore_mem>>) src(%dma_wait3A_46 : memref<160x128xi32, #tpu.memory_space<hbm>>) dst(%arg8 : memref<160x128xi32, #tpu.memory_space<vmem>>)
      tpu.yield
    }) : () -> ()
    %barrier3A = arith.constant 0 : index
    tpu.barrier barrier_id(%barrier3A)
    %eq3A = arith.constant 0 : i32
    %eq3A_29 = arith.cmpi eq, %arg0, %eq3A : i32
    %convert_element_type3A = arith.extui %eq3A_29 : i1 to i32
    %cond3A = arith.constant 0 : i32
    %cond3A_30 = arith.cmpi ne, %convert_element_type3A, %cond3A : i32
    scf.if %cond3A_30 {
      %dma_start3A = arith.constant 0 : i32
      %dma_start3A_41 = arith.constant 0 : i32
      %dma_start3A_42 = tpu.memref_slice %arg7[%dma_start3A, %dma_start3A_41] : memref<160x128xi32, #tpu.memory_space<vmem>> -> memref<1x128xi32, #tpu.memory_space<vmem>>
      %dma_start3A_43 = tpu.memref_squeeze %dma_start3A_42 : memref<1x128xi32, #tpu.memory_space<vmem>> -> memref<128xi32, #tpu.memory_space<vmem>>
      %dma_start3A_44 = arith.constant 0 : i32
      %dma_start3A_45 = arith.constant 0 : i32
      %dma_start3A_46 = tpu.memref_slice %arg4[%dma_start3A_44, %dma_start3A_45] : memref<10240x32xf32, #tpu.memory_space<hbm>> -> memref<10240x32xf32, #tpu.memory_space<hbm>>
      tpu.enqueue_indirect_dma source(%dma_start3A_46 : memref<10240x32xf32, #tpu.memory_space<hbm>>) target(%arg9 : memref<128x32xf32, #tpu.memory_space<vmem>>) offsets(%dma_start3A_43 : memref<128xi32, #tpu.memory_space<vmem>>) semaphore(%arg18 : memref<!tpu.dma_semaphore, #tpu.memory_space<semaphore_mem>>)
      %dma_start3A_47 = arith.constant 1 : i32
      %dma_start3A_48 = arith.constant 0 : i32
      %dma_start3A_49 = tpu.memref_slice %arg7[%dma_start3A_47, %dma_start3A_48] : memref<160x128xi32, #tpu.memory_space<vmem>> -> memref<1x128xi32, #tpu.memory_space<vmem>>
      %dma_start3A_50 = tpu.memref_squeeze %dma_start3A_49 : memref<1x128xi32, #tpu.memory_space<vmem>> -> memref<128xi32, #tpu.memory_space<vmem>>
      %dma_start3A_51 = arith.constant 0 : i32
      %dma_start3A_52 = arith.constant 0 : i32
      %dma_start3A_53 = tpu.memref_slice %arg4[%dma_start3A_51, %dma_start3A_52] : memref<10240x32xf32, #tpu.memory_space<hbm>> -> memref<10240x32xf32, #tpu.memory_space<hbm>>
      tpu.enqueue_indirect_dma source(%dma_start3A_53 : memref<10240x32xf32, #tpu.memory_space<hbm>>) target(%arg10 : memref<128x32xf32, #tpu.memory_space<vmem>>) offsets(%dma_start3A_50 : memref<128xi32, #tpu.memory_space<vmem>>) semaphore(%arg19 : memref<!tpu.dma_semaphore, #tpu.memory_space<semaphore_mem>>)
      %dma_start3A_54 = arith.constant 2 : i32
      %dma_start3A_55 = arith.constant 0 : i32
      %dma_start3A_56 = tpu.memref_slice %arg7[%dma_start3A_54, %dma_start3A_55] : memref<160x128xi32, #tpu.memory_space<vmem>> -> memref<1x128xi32, #tpu.memory_space<vmem>>
      %dma_start3A_57 = tpu.memref_squeeze %dma_start3A_56 : memref<1x128xi32, #tpu.memory_space<vmem>> -> memref<128xi32, #tpu.memory_space<vmem>>
      %dma_start3A_58 = arith.constant 0 : i32
      %dma_start3A_59 = arith.constant 0 : i32
      %dma_start3A_60 = tpu.memref_slice %arg4[%dma_start3A_58, %dma_start3A_59] : memref<10240x32xf32, #tpu.memory_space<hbm>> -> memref<10240x32xf32, #tpu.memory_space<hbm>>
      tpu.enqueue_indirect_dma source(%dma_start3A_60 : memref<10240x32xf32, #tpu.memory_space<hbm>>) target(%arg11 : memref<128x32xf32, #tpu.memory_space<vmem>>) offsets(%dma_start3A_57 : memref<128xi32, #tpu.memory_space<vmem>>) semaphore(%arg20 : memref<!tpu.dma_semaphore, #tpu.memory_space<semaphore_mem>>)
      %dma_start3A_61 = arith.constant 3 : i32
      %dma_start3A_62 = arith.constant 0 : i32
      %dma_start3A_63 = tpu.memref_slice %arg7[%dma_start3A_61, %dma_start3A_62] : memref<160x128xi32, #tpu.memory_space<vmem>> -> memref<1x128xi32, #tpu.memory_space<vmem>>
      %dma_start3A_64 = tpu.memref_squeeze %dma_start3A_63 : memref<1x128xi32, #tpu.memory_space<vmem>> -> memref<128xi32, #tpu.memory_space<vmem>>
      %dma_start3A_65 = arith.constant 0 : i32
      %dma_start3A_66 = arith.constant 0 : i32
      %dma_start3A_67 = tpu.memref_slice %arg4[%dma_start3A_65, %dma_start3A_66] : memref<10240x32xf32, #tpu.memory_space<hbm>> -> memref<10240x32xf32, #tpu.memory_space<hbm>>
      tpu.enqueue_indirect_dma source(%dma_start3A_67 : memref<10240x32xf32, #tpu.memory_space<hbm>>) target(%arg12 : memref<128x32xf32, #tpu.memory_space<vmem>>) offsets(%dma_start3A_64 : memref<128xi32, #tpu.memory_space<vmem>>) semaphore(%arg21 : memref<!tpu.dma_semaphore, #tpu.memory_space<semaphore_mem>>)
      %dma_start3A_68 = arith.constant 4 : i32
      %dma_start3A_69 = arith.constant 0 : i32
      %dma_start3A_70 = tpu.memref_slice %arg7[%dma_start3A_68, %dma_start3A_69] : memref<160x128xi32, #tpu.memory_space<vmem>> -> memref<1x128xi32, #tpu.memory_space<vmem>>
      %dma_start3A_71 = tpu.memref_squeeze %dma_start3A_70 : memref<1x128xi32, #tpu.memory_space<vmem>> -> memref<128xi32, #tpu.memory_space<vmem>>
      %dma_start3A_72 = arith.constant 0 : i32
      %dma_start3A_73 = arith.constant 0 : i32
      %dma_start3A_74 = tpu.memref_slice %arg4[%dma_start3A_72, %dma_start3A_73] : memref<10240x32xf32, #tpu.memory_space<hbm>> -> memref<10240x32xf32, #tpu.memory_space<hbm>>
      tpu.enqueue_indirect_dma source(%dma_start3A_74 : memref<10240x32xf32, #tpu.memory_space<hbm>>) target(%arg13 : memref<128x32xf32, #tpu.memory_space<vmem>>) offsets(%dma_start3A_71 : memref<128xi32, #tpu.memory_space<vmem>>) semaphore(%arg22 : memref<!tpu.dma_semaphore, #tpu.memory_space<semaphore_mem>>)
      %dma_start3A_75 = arith.constant 5 : i32
      %dma_start3A_76 = arith.constant 0 : i32
      %dma_start3A_77 = tpu.memref_slice %arg7[%dma_start3A_75, %dma_start3A_76] : memref<160x128xi32, #tpu.memory_space<vmem>> -> memref<1x128xi32, #tpu.memory_space<vmem>>
      %dma_start3A_78 = tpu.memref_squeeze %dma_start3A_77 : memref<1x128xi32, #tpu.memory_space<vmem>> -> memref<128xi32, #tpu.memory_space<vmem>>
      %dma_start3A_79 = arith.constant 0 : i32
      %dma_start3A_80 = arith.constant 0 : i32
      %dma_start3A_81 = tpu.memref_slice %arg4[%dma_start3A_79, %dma_start3A_80] : memref<10240x32xf32, #tpu.memory_space<hbm>> -> memref<10240x32xf32, #tpu.memory_space<hbm>>
      tpu.enqueue_indirect_dma source(%dma_start3A_81 : memref<10240x32xf32, #tpu.memory_space<hbm>>) target(%arg14 : memref<128x32xf32, #tpu.memory_space<vmem>>) offsets(%dma_start3A_78 : memref<128xi32, #tpu.memory_space<vmem>>) semaphore(%arg23 : memref<!tpu.dma_semaphore, #tpu.memory_space<semaphore_mem>>)
      %dma_start3A_82 = arith.constant 6 : i32
      %dma_start3A_83 = arith.constant 0 : i32
      %dma_start3A_84 = tpu.memref_slice %arg7[%dma_start3A_82, %dma_start3A_83] : memref<160x128xi32, #tpu.memory_space<vmem>> -> memref<1x128xi32, #tpu.memory_space<vmem>>
      %dma_start3A_85 = tpu.memref_squeeze %dma_start3A_84 : memref<1x128xi32, #tpu.memory_space<vmem>> -> memref<128xi32, #tpu.memory_space<vmem>>
      %dma_start3A_86 = arith.constant 0 : i32
      %dma_start3A_87 = arith.constant 0 : i32
      %dma_start3A_88 = tpu.memref_slice %arg4[%dma_start3A_86, %dma_start3A_87] : memref<10240x32xf32, #tpu.memory_space<hbm>> -> memref<10240x32xf32, #tpu.memory_space<hbm>>
      tpu.enqueue_indirect_dma source(%dma_start3A_88 : memref<10240x32xf32, #tpu.memory_space<hbm>>) target(%arg15 : memref<128x32xf32, #tpu.memory_space<vmem>>) offsets(%dma_start3A_85 : memref<128xi32, #tpu.memory_space<vmem>>) semaphore(%arg24 : memref<!tpu.dma_semaphore, #tpu.memory_space<semaphore_mem>>)
      %dma_start3A_89 = arith.constant 7 : i32
      %dma_start3A_90 = arith.constant 0 : i32
      %dma_start3A_91 = tpu.memref_slice %arg7[%dma_start3A_89, %dma_start3A_90] : memref<160x128xi32, #tpu.memory_space<vmem>> -> memref<1x128xi32, #tpu.memory_space<vmem>>
      %dma_start3A_92 = tpu.memref_squeeze %dma_start3A_91 : memref<1x128xi32, #tpu.memory_space<vmem>> -> memref<128xi32, #tpu.memory_space<vmem>>
      %dma_start3A_93 = arith.constant 0 : i32
      %dma_start3A_94 = arith.constant 0 : i32
      %dma_start3A_95 = tpu.memref_slice %arg4[%dma_start3A_93, %dma_start3A_94] : memref<10240x32xf32, #tpu.memory_space<hbm>> -> memref<10240x32xf32, #tpu.memory_space<hbm>>
      tpu.enqueue_indirect_dma source(%dma_start3A_95 : memref<10240x32xf32, #tpu.memory_space<hbm>>) target(%arg16 : memref<128x32xf32, #tpu.memory_space<vmem>>) offsets(%dma_start3A_92 : memref<128xi32, #tpu.memory_space<vmem>>) semaphore(%arg25 : memref<!tpu.dma_semaphore, #tpu.memory_space<semaphore_mem>>)
      %scan3A_96 = arith.constant 0 : i32
      %scan3A_97 = arith.constant 0 : i32
      %scan3A_98 = arith.constant 20 : i32
      %scan3A_99 = arith.addi %scan3A_97, %scan3A_98 : i32
      %scan3A_100 = arith.constant 1 : i32
      %scan3A_101 = scf.for %scan3A_103 = %scan3A_97 to %scan3A_99 step %scan3A_100 iter_args(%scan3A_104 = %scan3A_96) -> (i32)  : i32 {
        %mul3A_105 = arith.constant 8 : i32
        %mul3A_106 = arith.muli %mul3A_105, %scan3A_103 : i32
        %add3A_107 = arith.constant 0 : i32
        %add3A_108 = arith.addi %mul3A_106, %add3A_107 : i32
        %dma_wait3A = arith.constant 0 : i32
        %dma_wait3A_109 = tpu.memref_slice %arg7[%add3A_108, %dma_wait3A] : memref<160x128xi32, #tpu.memory_space<vmem>> -> memref<1x128xi32, #tpu.memory_space<vmem>>
        %dma_wait3A_110 = tpu.memref_squeeze %dma_wait3A_109 : memref<1x128xi32, #tpu.memory_space<vmem>> -> memref<128xi32, #tpu.memory_space<vmem>>
        %dma_wait3A_111 = arith.constant 0 : i32
        %dma_wait3A_112 = arith.constant 0 : i32
        %dma_wait3A_113 = tpu.memref_slice %arg4[%dma_wait3A_111, %dma_wait3A_112] : memref<10240x32xf32, #tpu.memory_space<hbm>> -> memref<10240x32xf32, #tpu.memory_space<hbm>>
        tpu.wait_indirect_dma semaphore(%arg18 : memref<!tpu.dma_semaphore, #tpu.memory_space<semaphore_mem>>) src(%dma_wait3A_113 : memref<10240x32xf32, #tpu.memory_space<hbm>>) dst(%arg9 : memref<128x32xf32, #tpu.memory_space<vmem>>)
        %add3A_114 = arith.constant 0 : i32
        %add3A_115 = arith.addi %mul3A_106, %add3A_114 : i32
        %dma_start3A_116 = arith.constant 0 : i32
        %dma_start3A_117 = tpu.memref_slice %arg8[%add3A_115, %dma_start3A_116] : memref<160x128xi32, #tpu.memory_space<vmem>> -> memref<1x128xi32, #tpu.memory_space<vmem>>
        %dma_start3A_118 = tpu.memref_squeeze %dma_start3A_117 : memref<1x128xi32, #tpu.memory_space<vmem>> -> memref<128xi32, #tpu.memory_space<vmem>>
        %dma_start3A_119 = arith.constant 0 : i32
        %dma_start3A_120 = arith.constant 0 : i32
        %dma_start3A_121 = tpu.memref_slice %arg17[%dma_start3A_119, %dma_start3A_120] : memref<10240x32xf32, #tpu.memory_space<vmem_shared>> -> memref<10240x32xf32, #tpu.memory_space<vmem_shared>>
        tpu.enqueue_indirect_dma source(%arg9 : memref<128x32xf32, #tpu.memory_space<vmem>>) target(%dma_start3A_121 : memref<10240x32xf32, #tpu.memory_space<vmem_shared>>) offsets(%dma_start3A_118 : memref<128xi32, #tpu.memory_space<vmem>>) semaphore(%arg26 : memref<!tpu.dma_semaphore, #tpu.memory_space<semaphore_mem>>) {add = true}
        %add3A_122 = arith.constant 1 : i32
        %add3A_123 = arith.addi %mul3A_106, %add3A_122 : i32
        %dma_wait3A_124 = arith.constant 0 : i32
        %dma_wait3A_125 = tpu.memref_slice %arg7[%add3A_123, %dma_wait3A_124] : memref<160x128xi32, #tpu.memory_space<vmem>> -> memref<1x128xi32, #tpu.memory_space<vmem>>
        %dma_wait3A_126 = tpu.memref_squeeze %dma_wait3A_125 : memref<1x128xi32, #tpu.memory_space<vmem>> -> memref<128xi32, #tpu.memory_space<vmem>>
        %dma_wait3A_127 = arith.constant 0 : i32
        %dma_wait3A_128 = arith.constant 0 : i32
        %dma_wait3A_129 = tpu.memref_slice %arg4[%dma_wait3A_127, %dma_wait3A_128] : memref<10240x32xf32, #tpu.memory_space<hbm>> -> memref<10240x32xf32, #tpu.memory_space<hbm>>
        tpu.wait_indirect_dma semaphore(%arg19 : memref<!tpu.dma_semaphore, #tpu.memory_space<semaphore_mem>>) src(%dma_wait3A_129 : memref<10240x32xf32, #tpu.memory_space<hbm>>) dst(%arg10 : memref<128x32xf32, #tpu.memory_space<vmem>>)
        %add3A_130 = arith.constant 1 : i32
        %add3A_131 = arith.addi %mul3A_106, %add3A_130 : i32
        %dma_start3A_132 = arith.constant 0 : i32
        %dma_start3A_133 = tpu.memref_slice %arg8[%add3A_131, %dma_start3A_132] : memref<160x128xi32, #tpu.memory_space<vmem>> -> memref<1x128xi32, #tpu.memory_space<vmem>>
        %dma_start3A_134 = tpu.memref_squeeze %dma_start3A_133 : memref<1x128xi32, #tpu.memory_space<vmem>> -> memref<128xi32, #tpu.memory_space<vmem>>
        %dma_start3A_135 = arith.constant 0 : i32
        %dma_start3A_136 = arith.constant 0 : i32
        %dma_start3A_137 = tpu.memref_slice %arg17[%dma_start3A_135, %dma_start3A_136] : memref<10240x32xf32, #tpu.memory_space<vmem_shared>> -> memref<10240x32xf32, #tpu.memory_space<vmem_shared>>
        tpu.enqueue_indirect_dma source(%arg10 : memref<128x32xf32, #tpu.memory_space<vmem>>) target(%dma_start3A_137 : memref<10240x32xf32, #tpu.memory_space<vmem_shared>>) offsets(%dma_start3A_134 : memref<128xi32, #tpu.memory_space<vmem>>) semaphore(%arg27 : memref<!tpu.dma_semaphore, #tpu.memory_space<semaphore_mem>>) {add = true}
        %add3A_138 = arith.constant 2 : i32
        %add3A_139 = arith.addi %mul3A_106, %add3A_138 : i32
        %dma_wait3A_140 = arith.constant 0 : i32
        %dma_wait3A_141 = tpu.memref_slice %arg7[%add3A_139, %dma_wait3A_140] : memref<160x128xi32, #tpu.memory_space<vmem>> -> memref<1x128xi32, #tpu.memory_space<vmem>>
        %dma_wait3A_142 = tpu.memref_squeeze %dma_wait3A_141 : memref<1x128xi32, #tpu.memory_space<vmem>> -> memref<128xi32, #tpu.memory_space<vmem>>
        %dma_wait3A_143 = arith.constant 0 : i32
        %dma_wait3A_144 = arith.constant 0 : i32
        %dma_wait3A_145 = tpu.memref_slice %arg4[%dma_wait3A_143, %dma_wait3A_144] : memref<10240x32xf32, #tpu.memory_space<hbm>> -> memref<10240x32xf32, #tpu.memory_space<hbm>>
        tpu.wait_indirect_dma semaphore(%arg20 : memref<!tpu.dma_semaphore, #tpu.memory_space<semaphore_mem>>) src(%dma_wait3A_145 : memref<10240x32xf32, #tpu.memory_space<hbm>>) dst(%arg11 : memref<128x32xf32, #tpu.memory_space<vmem>>)
        %add3A_146 = arith.constant 2 : i32
        %add3A_147 = arith.addi %mul3A_106, %add3A_146 : i32
        %dma_start3A_148 = arith.constant 0 : i32
        %dma_start3A_149 = tpu.memref_slice %arg8[%add3A_147, %dma_start3A_148] : memref<160x128xi32, #tpu.memory_space<vmem>> -> memref<1x128xi32, #tpu.memory_space<vmem>>
        %dma_start3A_150 = tpu.memref_squeeze %dma_start3A_149 : memref<1x128xi32, #tpu.memory_space<vmem>> -> memref<128xi32, #tpu.memory_space<vmem>>
        %dma_start3A_151 = arith.constant 0 : i32
        %dma_start3A_152 = arith.constant 0 : i32
        %dma_start3A_153 = tpu.memref_slice %arg17[%dma_start3A_151, %dma_start3A_152] : memref<10240x32xf32, #tpu.memory_space<vmem_shared>> -> memref<10240x32xf32, #tpu.memory_space<vmem_shared>>
        tpu.enqueue_indirect_dma source(%arg11 : memref<128x32xf32, #tpu.memory_space<vmem>>) target(%dma_start3A_153 : memref<10240x32xf32, #tpu.memory_space<vmem_shared>>) offsets(%dma_start3A_150 : memref<128xi32, #tpu.memory_space<vmem>>) semaphore(%arg28 : memref<!tpu.dma_semaphore, #tpu.memory_space<semaphore_mem>>) {add = true}
        %add3A_154 = arith.constant 3 : i32
        %add3A_155 = arith.addi %mul3A_106, %add3A_154 : i32
        %dma_wait3A_156 = arith.constant 0 : i32
        %dma_wait3A_157 = tpu.memref_slice %arg7[%add3A_155, %dma_wait3A_156] : memref<160x128xi32, #tpu.memory_space<vmem>> -> memref<1x128xi32, #tpu.memory_space<vmem>>
        %dma_wait3A_158 = tpu.memref_squeeze %dma_wait3A_157 : memref<1x128xi32, #tpu.memory_space<vmem>> -> memref<128xi32, #tpu.memory_space<vmem>>
        %dma_wait3A_159 = arith.constant 0 : i32
        %dma_wait3A_160 = arith.constant 0 : i32
        %dma_wait3A_161 = tpu.memref_slice %arg4[%dma_wait3A_159, %dma_wait3A_160] : memref<10240x32xf32, #tpu.memory_space<hbm>> -> memref<10240x32xf32, #tpu.memory_space<hbm>>
        tpu.wait_indirect_dma semaphore(%arg21 : memref<!tpu.dma_semaphore, #tpu.memory_space<semaphore_mem>>) src(%dma_wait3A_161 : memref<10240x32xf32, #tpu.memory_space<hbm>>) dst(%arg12 : memref<128x32xf32, #tpu.memory_space<vmem>>)
        %add3A_162 = arith.constant 3 : i32
        %add3A_163 = arith.addi %mul3A_106, %add3A_162 : i32
        %dma_start3A_164 = arith.constant 0 : i32
        %dma_start3A_165 = tpu.memref_slice %arg8[%add3A_163, %dma_start3A_164] : memref<160x128xi32, #tpu.memory_space<vmem>> -> memref<1x128xi32, #tpu.memory_space<vmem>>
        %dma_start3A_166 = tpu.memref_squeeze %dma_start3A_165 : memref<1x128xi32, #tpu.memory_space<vmem>> -> memref<128xi32, #tpu.memory_space<vmem>>
        %dma_start3A_167 = arith.constant 0 : i32
        %dma_start3A_168 = arith.constant 0 : i32
        %dma_start3A_169 = tpu.memref_slice %arg17[%dma_start3A_167, %dma_start3A_168] : memref<10240x32xf32, #tpu.memory_space<vmem_shared>> -> memref<10240x32xf32, #tpu.memory_space<vmem_shared>>
        tpu.enqueue_indirect_dma source(%arg12 : memref<128x32xf32, #tpu.memory_space<vmem>>) target(%dma_start3A_169 : memref<10240x32xf32, #tpu.memory_space<vmem_shared>>) offsets(%dma_start3A_166 : memref<128xi32, #tpu.memory_space<vmem>>) semaphore(%arg29 : memref<!tpu.dma_semaphore, #tpu.memory_space<semaphore_mem>>) {add = true}
        %add3A_170 = arith.constant 4 : i32
        %add3A_171 = arith.addi %mul3A_106, %add3A_170 : i32
        %dma_wait3A_172 = arith.constant 0 : i32
        %dma_wait3A_173 = tpu.memref_slice %arg7[%add3A_171, %dma_wait3A_172] : memref<160x128xi32, #tpu.memory_space<vmem>> -> memref<1x128xi32, #tpu.memory_space<vmem>>
        %dma_wait3A_174 = tpu.memref_squeeze %dma_wait3A_173 : memref<1x128xi32, #tpu.memory_space<vmem>> -> memref<128xi32, #tpu.memory_space<vmem>>
        %dma_wait3A_175 = arith.constant 0 : i32
        %dma_wait3A_176 = arith.constant 0 : i32
        %dma_wait3A_177 = tpu.memref_slice %arg4[%dma_wait3A_175, %dma_wait3A_176] : memref<10240x32xf32, #tpu.memory_space<hbm>> -> memref<10240x32xf32, #tpu.memory_space<hbm>>
        tpu.wait_indirect_dma semaphore(%arg22 : memref<!tpu.dma_semaphore, #tpu.memory_space<semaphore_mem>>) src(%dma_wait3A_177 : memref<10240x32xf32, #tpu.memory_space<hbm>>) dst(%arg13 : memref<128x32xf32, #tpu.memory_space<vmem>>)
        %add3A_178 = arith.constant 4 : i32
        %add3A_179 = arith.addi %mul3A_106, %add3A_178 : i32
        %dma_start3A_180 = arith.constant 0 : i32
        %dma_start3A_181 = tpu.memref_slice %arg8[%add3A_179, %dma_start3A_180] : memref<160x128xi32, #tpu.memory_space<vmem>> -> memref<1x128xi32, #tpu.memory_space<vmem>>
        %dma_start3A_182 = tpu.memref_squeeze %dma_start3A_181 : memref<1x128xi32, #tpu.memory_space<vmem>> -> memref<128xi32, #tpu.memory_space<vmem>>
        %dma_start3A_183 = arith.constant 0 : i32
        %dma_start3A_184 = arith.constant 0 : i32
        %dma_start3A_185 = tpu.memref_slice %arg17[%dma_start3A_183, %dma_start3A_184] : memref<10240x32xf32, #tpu.memory_space<vmem_shared>> -> memref<10240x32xf32, #tpu.memory_space<vmem_shared>>
        tpu.enqueue_indirect_dma source(%arg13 : memref<128x32xf32, #tpu.memory_space<vmem>>) target(%dma_start3A_185 : memref<10240x32xf32, #tpu.memory_space<vmem_shared>>) offsets(%dma_start3A_182 : memref<128xi32, #tpu.memory_space<vmem>>) semaphore(%arg30 : memref<!tpu.dma_semaphore, #tpu.memory_space<semaphore_mem>>) {add = true}
        %add3A_186 = arith.constant 5 : i32
        %add3A_187 = arith.addi %mul3A_106, %add3A_186 : i32
        %dma_wait3A_188 = arith.constant 0 : i32
        %dma_wait3A_189 = tpu.memref_slice %arg7[%add3A_187, %dma_wait3A_188] : memref<160x128xi32, #tpu.memory_space<vmem>> -> memref<1x128xi32, #tpu.memory_space<vmem>>
        %dma_wait3A_190 = tpu.memref_squeeze %dma_wait3A_189 : memref<1x128xi32, #tpu.memory_space<vmem>> -> memref<128xi32, #tpu.memory_space<vmem>>
        %dma_wait3A_191 = arith.constant 0 : i32
        %dma_wait3A_192 = arith.constant 0 : i32
        %dma_wait3A_193 = tpu.memref_slice %arg4[%dma_wait3A_191, %dma_wait3A_192] : memref<10240x32xf32, #tpu.memory_space<hbm>> -> memref<10240x32xf32, #tpu.memory_space<hbm>>
        tpu.wait_indirect_dma semaphore(%arg23 : memref<!tpu.dma_semaphore, #tpu.memory_space<semaphore_mem>>) src(%dma_wait3A_193 : memref<10240x32xf32, #tpu.memory_space<hbm>>) dst(%arg14 : memref<128x32xf32, #tpu.memory_space<vmem>>)
        %add3A_194 = arith.constant 5 : i32
        %add3A_195 = arith.addi %mul3A_106, %add3A_194 : i32
        %dma_start3A_196 = arith.constant 0 : i32
        %dma_start3A_197 = tpu.memref_slice %arg8[%add3A_195, %dma_start3A_196] : memref<160x128xi32, #tpu.memory_space<vmem>> -> memref<1x128xi32, #tpu.memory_space<vmem>>
        %dma_start3A_198 = tpu.memref_squeeze %dma_start3A_197 : memref<1x128xi32, #tpu.memory_space<vmem>> -> memref<128xi32, #tpu.memory_space<vmem>>
        %dma_start3A_199 = arith.constant 0 : i32
        %dma_start3A_200 = arith.constant 0 : i32
        %dma_start3A_201 = tpu.memref_slice %arg17[%dma_start3A_199, %dma_start3A_200] : memref<10240x32xf32, #tpu.memory_space<vmem_shared>> -> memref<10240x32xf32, #tpu.memory_space<vmem_shared>>
        tpu.enqueue_indirect_dma source(%arg14 : memref<128x32xf32, #tpu.memory_space<vmem>>) target(%dma_start3A_201 : memref<10240x32xf32, #tpu.memory_space<vmem_shared>>) offsets(%dma_start3A_198 : memref<128xi32, #tpu.memory_space<vmem>>) semaphore(%arg31 : memref<!tpu.dma_semaphore, #tpu.memory_space<semaphore_mem>>) {add = true}
        %add3A_202 = arith.constant 6 : i32
        %add3A_203 = arith.addi %mul3A_106, %add3A_202 : i32
        %dma_wait3A_204 = arith.constant 0 : i32
        %dma_wait3A_205 = tpu.memref_slice %arg7[%add3A_203, %dma_wait3A_204] : memref<160x128xi32, #tpu.memory_space<vmem>> -> memref<1x128xi32, #tpu.memory_space<vmem>>
        %dma_wait3A_206 = tpu.memref_squeeze %dma_wait3A_205 : memref<1x128xi32, #tpu.memory_space<vmem>> -> memref<128xi32, #tpu.memory_space<vmem>>
        %dma_wait3A_207 = arith.constant 0 : i32
        %dma_wait3A_208 = arith.constant 0 : i32
        %dma_wait3A_209 = tpu.memref_slice %arg4[%dma_wait3A_207, %dma_wait3A_208] : memref<10240x32xf32, #tpu.memory_space<hbm>> -> memref<10240x32xf32, #tpu.memory_space<hbm>>
        tpu.wait_indirect_dma semaphore(%arg24 : memref<!tpu.dma_semaphore, #tpu.memory_space<semaphore_mem>>) src(%dma_wait3A_209 : memref<10240x32xf32, #tpu.memory_space<hbm>>) dst(%arg15 : memref<128x32xf32, #tpu.memory_space<vmem>>)
        %add3A_210 = arith.constant 6 : i32
        %add3A_211 = arith.addi %mul3A_106, %add3A_210 : i32
        %dma_start3A_212 = arith.constant 0 : i32
        %dma_start3A_213 = tpu.memref_slice %arg8[%add3A_211, %dma_start3A_212] : memref<160x128xi32, #tpu.memory_space<vmem>> -> memref<1x128xi32, #tpu.memory_space<vmem>>
        %dma_start3A_214 = tpu.memref_squeeze %dma_start3A_213 : memref<1x128xi32, #tpu.memory_space<vmem>> -> memref<128xi32, #tpu.memory_space<vmem>>
        %dma_start3A_215 = arith.constant 0 : i32
        %dma_start3A_216 = arith.constant 0 : i32
        %dma_start3A_217 = tpu.memref_slice %arg17[%dma_start3A_215, %dma_start3A_216] : memref<10240x32xf32, #tpu.memory_space<vmem_shared>> -> memref<10240x32xf32, #tpu.memory_space<vmem_shared>>
        tpu.enqueue_indirect_dma source(%arg15 : memref<128x32xf32, #tpu.memory_space<vmem>>) target(%dma_start3A_217 : memref<10240x32xf32, #tpu.memory_space<vmem_shared>>) offsets(%dma_start3A_214 : memref<128xi32, #tpu.memory_space<vmem>>) semaphore(%arg32 : memref<!tpu.dma_semaphore, #tpu.memory_space<semaphore_mem>>) {add = true}
        %add3A_218 = arith.constant 7 : i32
        %add3A_219 = arith.addi %mul3A_106, %add3A_218 : i32
        %dma_wait3A_220 = arith.constant 0 : i32
        %dma_wait3A_221 = tpu.memref_slice %arg7[%add3A_219, %dma_wait3A_220] : memref<160x128xi32, #tpu.memory_space<vmem>> -> memref<1x128xi32, #tpu.memory_space<vmem>>
        %dma_wait3A_222 = tpu.memref_squeeze %dma_wait3A_221 : memref<1x128xi32, #tpu.memory_space<vmem>> -> memref<128xi32, #tpu.memory_space<vmem>>
        %dma_wait3A_223 = arith.constant 0 : i32
        %dma_wait3A_224 = arith.constant 0 : i32
        %dma_wait3A_225 = tpu.memref_slice %arg4[%dma_wait3A_223, %dma_wait3A_224] : memref<10240x32xf32, #tpu.memory_space<hbm>> -> memref<10240x32xf32, #tpu.memory_space<hbm>>
        tpu.wait_indirect_dma semaphore(%arg25 : memref<!tpu.dma_semaphore, #tpu.memory_space<semaphore_mem>>) src(%dma_wait3A_225 : memref<10240x32xf32, #tpu.memory_space<hbm>>) dst(%arg16 : memref<128x32xf32, #tpu.memory_space<vmem>>)
        %add3A_226 = arith.constant 7 : i32
        %add3A_227 = arith.addi %mul3A_106, %add3A_226 : i32
        %dma_start3A_228 = arith.constant 0 : i32
        %dma_start3A_229 = tpu.memref_slice %arg8[%add3A_227, %dma_start3A_228] : memref<160x128xi32, #tpu.memory_space<vmem>> -> memref<1x128xi32, #tpu.memory_space<vmem>>
        %dma_start3A_230 = tpu.memref_squeeze %dma_start3A_229 : memref<1x128xi32, #tpu.memory_space<vmem>> -> memref<128xi32, #tpu.memory_space<vmem>>
        %dma_start3A_231 = arith.constant 0 : i32
        %dma_start3A_232 = arith.constant 0 : i32
        %dma_start3A_233 = tpu.memref_slice %arg17[%dma_start3A_231, %dma_start3A_232] : memref<10240x32xf32, #tpu.memory_space<vmem_shared>> -> memref<10240x32xf32, #tpu.memory_space<vmem_shared>>
        tpu.enqueue_indirect_dma source(%arg16 : memref<128x32xf32, #tpu.memory_space<vmem>>) target(%dma_start3A_233 : memref<10240x32xf32, #tpu.memory_space<vmem_shared>>) offsets(%dma_start3A_230 : memref<128xi32, #tpu.memory_space<vmem>>) semaphore(%arg33 : memref<!tpu.dma_semaphore, #tpu.memory_space<semaphore_mem>>) {add = true}
        %add3A_234 = arith.constant 8 : i32
        %add3A_235 = arith.addi %mul3A_106, %add3A_234 : i32
        %add3A_236 = arith.constant 0 : i32
        %add3A_237 = arith.addi %add3A_235, %add3A_236 : i32
        %add3A_238 = arith.constant 0 : i32
        %add3A_239 = arith.addi %mul3A_106, %add3A_238 : i32
        %dma_wait3A_240 = arith.constant 0 : i32
        %dma_wait3A_241 = tpu.memref_slice %arg8[%add3A_239, %dma_wait3A_240] : memref<160x128xi32, #tpu.memory_space<vmem>> -> memref<1x128xi32, #tpu.memory_space<vmem>>
        %dma_wait3A_242 = tpu.memref_squeeze %dma_wait3A_241 : memref<1x128xi32, #tpu.memory_space<vmem>> -> memref<128xi32, #tpu.memory_space<vmem>>
        %dma_wait3A_243 = arith.constant 0 : i32
        %dma_wait3A_244 = arith.constant 0 : i32
        %dma_wait3A_245 = tpu.memref_slice %arg17[%dma_wait3A_243, %dma_wait3A_244] : memref<10240x32xf32, #tpu.memory_space<vmem_shared>> -> memref<10240x32xf32, #tpu.memory_space<vmem_shared>>
        tpu.wait_indirect_dma semaphore(%arg26 : memref<!tpu.dma_semaphore, #tpu.memory_space<semaphore_mem>>) src(%arg9 : memref<128x32xf32, #tpu.memory_space<vmem>>) dst(%dma_wait3A_245 : memref<10240x32xf32, #tpu.memory_space<vmem_shared>>)
        %lt3A = arith.constant 160 : i32
        %lt3A_246 = arith.cmpi slt, %add3A_237, %lt3A : i32
        %convert_element_type3A_247 = arith.extui %lt3A_246 : i1 to i32
        %cond3A_248 = arith.constant 0 : i32
        %cond3A_249 = arith.cmpi ne, %convert_element_type3A_247, %cond3A_248 : i32
        scf.if %cond3A_249 {
          %dma_start3A_370 = arith.constant 0 : i32
          %dma_start3A_371 = tpu.memref_slice %arg7[%add3A_237, %dma_start3A_370] : memref<160x128xi32, #tpu.memory_space<vmem>> -> memref<1x128xi32, #tpu.memory_space<vmem>>
          %dma_start3A_372 = tpu.memref_squeeze %dma_start3A_371 : memref<1x128xi32, #tpu.memory_space<vmem>> -> memref<128xi32, #tpu.memory_space<vmem>>
          %dma_start3A_373 = arith.constant 0 : i32
          %dma_start3A_374 = arith.constant 0 : i32
          %dma_start3A_375 = tpu.memref_slice %arg4[%dma_start3A_373, %dma_start3A_374] : memref<10240x32xf32, #tpu.memory_space<hbm>> -> memref<10240x32xf32, #tpu.memory_space<hbm>>
          tpu.enqueue_indirect_dma source(%dma_start3A_375 : memref<10240x32xf32, #tpu.memory_space<hbm>>) target(%arg9 : memref<128x32xf32, #tpu.memory_space<vmem>>) offsets(%dma_start3A_372 : memref<128xi32, #tpu.memory_space<vmem>>) semaphore(%arg18 : memref<!tpu.dma_semaphore, #tpu.memory_space<semaphore_mem>>)
        } else {
        }
        %add3A_250 = arith.constant 8 : i32
        %add3A_251 = arith.addi %mul3A_106, %add3A_250 : i32
        %add3A_252 = arith.constant 1 : i32
        %add3A_253 = arith.addi %add3A_251, %add3A_252 : i32
        %add3A_254 = arith.constant 1 : i32
        %add3A_255 = arith.addi %mul3A_106, %add3A_254 : i32
        %dma_wait3A_256 = arith.constant 0 : i32
        %dma_wait3A_257 = tpu.memref_slice %arg8[%add3A_255, %dma_wait3A_256] : memref<160x128xi32, #tpu.memory_space<vmem>> -> memref<1x128xi32, #tpu.memory_space<vmem>>
        %dma_wait3A_258 = tpu.memref_squeeze %dma_wait3A_257 : memref<1x128xi32, #tpu.memory_space<vmem>> -> memref<128xi32, #tpu.memory_space<vmem>>
        %dma_wait3A_259 = arith.constant 0 : i32
        %dma_wait3A_260 = arith.constant 0 : i32
        %dma_wait3A_261 = tpu.memref_slice %arg17[%dma_wait3A_259, %dma_wait3A_260] : memref<10240x32xf32, #tpu.memory_space<vmem_shared>> -> memref<10240x32xf32, #tpu.memory_space<vmem_shared>>
        tpu.wait_indirect_dma semaphore(%arg27 : memref<!tpu.dma_semaphore, #tpu.memory_space<semaphore_mem>>) src(%arg10 : memref<128x32xf32, #tpu.memory_space<vmem>>) dst(%dma_wait3A_261 : memref<10240x32xf32, #tpu.memory_space<vmem_shared>>)
        %lt3A_262 = arith.constant 160 : i32
        %lt3A_263 = arith.cmpi slt, %add3A_253, %lt3A_262 : i32
        %convert_element_type3A_264 = arith.extui %lt3A_263 : i1 to i32
        %cond3A_265 = arith.constant 0 : i32
        %cond3A_266 = arith.cmpi ne, %convert_element_type3A_264, %cond3A_265 : i32
        scf.if %cond3A_266 {
          %dma_start3A_370 = arith.constant 0 : i32
          %dma_start3A_371 = tpu.memref_slice %arg7[%add3A_253, %dma_start3A_370] : memref<160x128xi32, #tpu.memory_space<vmem>> -> memref<1x128xi32, #tpu.memory_space<vmem>>
          %dma_start3A_372 = tpu.memref_squeeze %dma_start3A_371 : memref<1x128xi32, #tpu.memory_space<vmem>> -> memref<128xi32, #tpu.memory_space<vmem>>
          %dma_start3A_373 = arith.constant 0 : i32
          %dma_start3A_374 = arith.constant 0 : i32
          %dma_start3A_375 = tpu.memref_slice %arg4[%dma_start3A_373, %dma_start3A_374] : memref<10240x32xf32, #tpu.memory_space<hbm>> -> memref<10240x32xf32, #tpu.memory_space<hbm>>
          tpu.enqueue_indirect_dma source(%dma_start3A_375 : memref<10240x32xf32, #tpu.memory_space<hbm>>) target(%arg10 : memref<128x32xf32, #tpu.memory_space<vmem>>) offsets(%dma_start3A_372 : memref<128xi32, #tpu.memory_space<vmem>>) semaphore(%arg19 : memref<!tpu.dma_semaphore, #tpu.memory_space<semaphore_mem>>)
        } else {
        }
        %add3A_267 = arith.constant 8 : i32
        %add3A_268 = arith.addi %mul3A_106, %add3A_267 : i32
        %add3A_269 = arith.constant 2 : i32
        %add3A_270 = arith.addi %add3A_268, %add3A_269 : i32
        %add3A_271 = arith.constant 2 : i32
        %add3A_272 = arith.addi %mul3A_106, %add3A_271 : i32
        %dma_wait3A_273 = arith.constant 0 : i32
        %dma_wait3A_274 = tpu.memref_slice %arg8[%add3A_272, %dma_wait3A_273] : memref<160x128xi32, #tpu.memory_space<vmem>> -> memref<1x128xi32, #tpu.memory_space<vmem>>
        %dma_wait3A_275 = tpu.memref_squeeze %dma_wait3A_274 : memref<1x128xi32, #tpu.memory_space<vmem>> -> memref<128xi32, #tpu.memory_space<vmem>>
        %dma_wait3A_276 = arith.constant 0 : i32
        %dma_wait3A_277 = arith.constant 0 : i32
        %dma_wait3A_278 = tpu.memref_slice %arg17[%dma_wait3A_276, %dma_wait3A_277] : memref<10240x32xf32, #tpu.memory_space<vmem_shared>> -> memref<10240x32xf32, #tpu.memory_space<vmem_shared>>
        tpu.wait_indirect_dma semaphore(%arg28 : memref<!tpu.dma_semaphore, #tpu.memory_space<semaphore_mem>>) src(%arg11 : memref<128x32xf32, #tpu.memory_space<vmem>>) dst(%dma_wait3A_278 : memref<10240x32xf32, #tpu.memory_space<vmem_shared>>)
        %lt3A_279 = arith.constant 160 : i32
        %lt3A_280 = arith.cmpi slt, %add3A_270, %lt3A_279 : i32
        %convert_element_type3A_281 = arith.extui %lt3A_280 : i1 to i32
        %cond3A_282 = arith.constant 0 : i32
        %cond3A_283 = arith.cmpi ne, %convert_element_type3A_281, %cond3A_282 : i32
        scf.if %cond3A_283 {
          %dma_start3A_370 = arith.constant 0 : i32
          %dma_start3A_371 = tpu.memref_slice %arg7[%add3A_270, %dma_start3A_370] : memref<160x128xi32, #tpu.memory_space<vmem>> -> memref<1x128xi32, #tpu.memory_space<vmem>>
          %dma_start3A_372 = tpu.memref_squeeze %dma_start3A_371 : memref<1x128xi32, #tpu.memory_space<vmem>> -> memref<128xi32, #tpu.memory_space<vmem>>
          %dma_start3A_373 = arith.constant 0 : i32
          %dma_start3A_374 = arith.constant 0 : i32
          %dma_start3A_375 = tpu.memref_slice %arg4[%dma_start3A_373, %dma_start3A_374] : memref<10240x32xf32, #tpu.memory_space<hbm>> -> memref<10240x32xf32, #tpu.memory_space<hbm>>
          tpu.enqueue_indirect_dma source(%dma_start3A_375 : memref<10240x32xf32, #tpu.memory_space<hbm>>) target(%arg11 : memref<128x32xf32, #tpu.memory_space<vmem>>) offsets(%dma_start3A_372 : memref<128xi32, #tpu.memory_space<vmem>>) semaphore(%arg20 : memref<!tpu.dma_semaphore, #tpu.memory_space<semaphore_mem>>)
        } else {
        }
        %add3A_284 = arith.constant 8 : i32
        %add3A_285 = arith.addi %mul3A_106, %add3A_284 : i32
        %add3A_286 = arith.constant 3 : i32
        %add3A_287 = arith.addi %add3A_285, %add3A_286 : i32
        %add3A_288 = arith.constant 3 : i32
        %add3A_289 = arith.addi %mul3A_106, %add3A_288 : i32
        %dma_wait3A_290 = arith.constant 0 : i32
        %dma_wait3A_291 = tpu.memref_slice %arg8[%add3A_289, %dma_wait3A_290] : memref<160x128xi32, #tpu.memory_space<vmem>> -> memref<1x128xi32, #tpu.memory_space<vmem>>
        %dma_wait3A_292 = tpu.memref_squeeze %dma_wait3A_291 : memref<1x128xi32, #tpu.memory_space<vmem>> -> memref<128xi32, #tpu.memory_space<vmem>>
        %dma_wait3A_293 = arith.constant 0 : i32
        %dma_wait3A_294 = arith.constant 0 : i32
        %dma_wait3A_295 = tpu.memref_slice %arg17[%dma_wait3A_293, %dma_wait3A_294] : memref<10240x32xf32, #tpu.memory_space<vmem_shared>> -> memref<10240x32xf32, #tpu.memory_space<vmem_shared>>
        tpu.wait_indirect_dma semaphore(%arg29 : memref<!tpu.dma_semaphore, #tpu.memory_space<semaphore_mem>>) src(%arg12 : memref<128x32xf32, #tpu.memory_space<vmem>>) dst(%dma_wait3A_295 : memref<10240x32xf32, #tpu.memory_space<vmem_shared>>)
        %lt3A_296 = arith.constant 160 : i32
        %lt3A_297 = arith.cmpi slt, %add3A_287, %lt3A_296 : i32
        %convert_element_type3A_298 = arith.extui %lt3A_297 : i1 to i32
        %cond3A_299 = arith.constant 0 : i32
        %cond3A_300 = arith.cmpi ne, %convert_element_type3A_298, %cond3A_299 : i32
        scf.if %cond3A_300 {
          %dma_start3A_370 = arith.constant 0 : i32
          %dma_start3A_371 = tpu.memref_slice %arg7[%add3A_287, %dma_start3A_370] : memref<160x128xi32, #tpu.memory_space<vmem>> -> memref<1x128xi32, #tpu.memory_space<vmem>>
          %dma_start3A_372 = tpu.memref_squeeze %dma_start3A_371 : memref<1x128xi32, #tpu.memory_space<vmem>> -> memref<128xi32, #tpu.memory_space<vmem>>
          %dma_start3A_373 = arith.constant 0 : i32
          %dma_start3A_374 = arith.constant 0 : i32
          %dma_start3A_375 = tpu.memref_slice %arg4[%dma_start3A_373, %dma_start3A_374] : memref<10240x32xf32, #tpu.memory_space<hbm>> -> memref<10240x32xf32, #tpu.memory_space<hbm>>
          tpu.enqueue_indirect_dma source(%dma_start3A_375 : memref<10240x32xf32, #tpu.memory_space<hbm>>) target(%arg12 : memref<128x32xf32, #tpu.memory_space<vmem>>) offsets(%dma_start3A_372 : memref<128xi32, #tpu.memory_space<vmem>>) semaphore(%arg21 : memref<!tpu.dma_semaphore, #tpu.memory_space<semaphore_mem>>)
        } else {
        }
        %add3A_301 = arith.constant 8 : i32
        %add3A_302 = arith.addi %mul3A_106, %add3A_301 : i32
        %add3A_303 = arith.constant 4 : i32
        %add3A_304 = arith.addi %add3A_302, %add3A_303 : i32
        %add3A_305 = arith.constant 4 : i32
        %add3A_306 = arith.addi %mul3A_106, %add3A_305 : i32
        %dma_wait3A_307 = arith.constant 0 : i32
        %dma_wait3A_308 = tpu.memref_slice %arg8[%add3A_306, %dma_wait3A_307] : memref<160x128xi32, #tpu.memory_space<vmem>> -> memref<1x128xi32, #tpu.memory_space<vmem>>
        %dma_wait3A_309 = tpu.memref_squeeze %dma_wait3A_308 : memref<1x128xi32, #tpu.memory_space<vmem>> -> memref<128xi32, #tpu.memory_space<vmem>>
        %dma_wait3A_310 = arith.constant 0 : i32
        %dma_wait3A_311 = arith.constant 0 : i32
        %dma_wait3A_312 = tpu.memref_slice %arg17[%dma_wait3A_310, %dma_wait3A_311] : memref<10240x32xf32, #tpu.memory_space<vmem_shared>> -> memref<10240x32xf32, #tpu.memory_space<vmem_shared>>
        tpu.wait_indirect_dma semaphore(%arg30 : memref<!tpu.dma_semaphore, #tpu.memory_space<semaphore_mem>>) src(%arg13 : memref<128x32xf32, #tpu.memory_space<vmem>>) dst(%dma_wait3A_312 : memref<10240x32xf32, #tpu.memory_space<vmem_shared>>)
        %lt3A_313 = arith.constant 160 : i32
        %lt3A_314 = arith.cmpi slt, %add3A_304, %lt3A_313 : i32
        %convert_element_type3A_315 = arith.extui %lt3A_314 : i1 to i32
        %cond3A_316 = arith.constant 0 : i32
        %cond3A_317 = arith.cmpi ne, %convert_element_type3A_315, %cond3A_316 : i32
        scf.if %cond3A_317 {
          %dma_start3A_370 = arith.constant 0 : i32
          %dma_start3A_371 = tpu.memref_slice %arg7[%add3A_304, %dma_start3A_370] : memref<160x128xi32, #tpu.memory_space<vmem>> -> memref<1x128xi32, #tpu.memory_space<vmem>>
          %dma_start3A_372 = tpu.memref_squeeze %dma_start3A_371 : memref<1x128xi32, #tpu.memory_space<vmem>> -> memref<128xi32, #tpu.memory_space<vmem>>
          %dma_start3A_373 = arith.constant 0 : i32
          %dma_start3A_374 = arith.constant 0 : i32
          %dma_start3A_375 = tpu.memref_slice %arg4[%dma_start3A_373, %dma_start3A_374] : memref<10240x32xf32, #tpu.memory_space<hbm>> -> memref<10240x32xf32, #tpu.memory_space<hbm>>
          tpu.enqueue_indirect_dma source(%dma_start3A_375 : memref<10240x32xf32, #tpu.memory_space<hbm>>) target(%arg13 : memref<128x32xf32, #tpu.memory_space<vmem>>) offsets(%dma_start3A_372 : memref<128xi32, #tpu.memory_space<vmem>>) semaphore(%arg22 : memref<!tpu.dma_semaphore, #tpu.memory_space<semaphore_mem>>)
        } else {
        }
        %add3A_318 = arith.constant 8 : i32
        %add3A_319 = arith.addi %mul3A_106, %add3A_318 : i32
        %add3A_320 = arith.constant 5 : i32
        %add3A_321 = arith.addi %add3A_319, %add3A_320 : i32
        %add3A_322 = arith.constant 5 : i32
        %add3A_323 = arith.addi %mul3A_106, %add3A_322 : i32
        %dma_wait3A_324 = arith.constant 0 : i32
        %dma_wait3A_325 = tpu.memref_slice %arg8[%add3A_323, %dma_wait3A_324] : memref<160x128xi32, #tpu.memory_space<vmem>> -> memref<1x128xi32, #tpu.memory_space<vmem>>
        %dma_wait3A_326 = tpu.memref_squeeze %dma_wait3A_325 : memref<1x128xi32, #tpu.memory_space<vmem>> -> memref<128xi32, #tpu.memory_space<vmem>>
        %dma_wait3A_327 = arith.constant 0 : i32
        %dma_wait3A_328 = arith.constant 0 : i32
        %dma_wait3A_329 = tpu.memref_slice %arg17[%dma_wait3A_327, %dma_wait3A_328] : memref<10240x32xf32, #tpu.memory_space<vmem_shared>> -> memref<10240x32xf32, #tpu.memory_space<vmem_shared>>
        tpu.wait_indirect_dma semaphore(%arg31 : memref<!tpu.dma_semaphore, #tpu.memory_space<semaphore_mem>>) src(%arg14 : memref<128x32xf32, #tpu.memory_space<vmem>>) dst(%dma_wait3A_329 : memref<10240x32xf32, #tpu.memory_space<vmem_shared>>)
        %lt3A_330 = arith.constant 160 : i32
        %lt3A_331 = arith.cmpi slt, %add3A_321, %lt3A_330 : i32
        %convert_element_type3A_332 = arith.extui %lt3A_331 : i1 to i32
        %cond3A_333 = arith.constant 0 : i32
        %cond3A_334 = arith.cmpi ne, %convert_element_type3A_332, %cond3A_333 : i32
        scf.if %cond3A_334 {
          %dma_start3A_370 = arith.constant 0 : i32
          %dma_start3A_371 = tpu.memref_slice %arg7[%add3A_321, %dma_start3A_370] : memref<160x128xi32, #tpu.memory_space<vmem>> -> memref<1x128xi32, #tpu.memory_space<vmem>>
          %dma_start3A_372 = tpu.memref_squeeze %dma_start3A_371 : memref<1x128xi32, #tpu.memory_space<vmem>> -> memref<128xi32, #tpu.memory_space<vmem>>
          %dma_start3A_373 = arith.constant 0 : i32
          %dma_start3A_374 = arith.constant 0 : i32
          %dma_start3A_375 = tpu.memref_slice %arg4[%dma_start3A_373, %dma_start3A_374] : memref<10240x32xf32, #tpu.memory_space<hbm>> -> memref<10240x32xf32, #tpu.memory_space<hbm>>
          tpu.enqueue_indirect_dma source(%dma_start3A_375 : memref<10240x32xf32, #tpu.memory_space<hbm>>) target(%arg14 : memref<128x32xf32, #tpu.memory_space<vmem>>) offsets(%dma_start3A_372 : memref<128xi32, #tpu.memory_space<vmem>>) semaphore(%arg23 : memref<!tpu.dma_semaphore, #tpu.memory_space<semaphore_mem>>)
        } else {
        }
        %add3A_335 = arith.constant 8 : i32
        %add3A_336 = arith.addi %mul3A_106, %add3A_335 : i32
        %add3A_337 = arith.constant 6 : i32
        %add3A_338 = arith.addi %add3A_336, %add3A_337 : i32
        %add3A_339 = arith.constant 6 : i32
        %add3A_340 = arith.addi %mul3A_106, %add3A_339 : i32
        %dma_wait3A_341 = arith.constant 0 : i32
        %dma_wait3A_342 = tpu.memref_slice %arg8[%add3A_340, %dma_wait3A_341] : memref<160x128xi32, #tpu.memory_space<vmem>> -> memref<1x128xi32, #tpu.memory_space<vmem>>
        %dma_wait3A_343 = tpu.memref_squeeze %dma_wait3A_342 : memref<1x128xi32, #tpu.memory_space<vmem>> -> memref<128xi32, #tpu.memory_space<vmem>>
        %dma_wait3A_344 = arith.constant 0 : i32
        %dma_wait3A_345 = arith.constant 0 : i32
        %dma_wait3A_346 = tpu.memref_slice %arg17[%dma_wait3A_344, %dma_wait3A_345] : memref<10240x32xf32, #tpu.memory_space<vmem_shared>> -> memref<10240x32xf32, #tpu.memory_space<vmem_shared>>
        tpu.wait_indirect_dma semaphore(%arg32 : memref<!tpu.dma_semaphore, #tpu.memory_space<semaphore_mem>>) src(%arg15 : memref<128x32xf32, #tpu.memory_space<vmem>>) dst(%dma_wait3A_346 : memref<10240x32xf32, #tpu.memory_space<vmem_shared>>)
        %lt3A_347 = arith.constant 160 : i32
        %lt3A_348 = arith.cmpi slt, %add3A_338, %lt3A_347 : i32
        %convert_element_type3A_349 = arith.extui %lt3A_348 : i1 to i32
        %cond3A_350 = arith.constant 0 : i32
        %cond3A_351 = arith.cmpi ne, %convert_element_type3A_349, %cond3A_350 : i32
        scf.if %cond3A_351 {
          %dma_start3A_370 = arith.constant 0 : i32
          %dma_start3A_371 = tpu.memref_slice %arg7[%add3A_338, %dma_start3A_370] : memref<160x128xi32, #tpu.memory_space<vmem>> -> memref<1x128xi32, #tpu.memory_space<vmem>>
          %dma_start3A_372 = tpu.memref_squeeze %dma_start3A_371 : memref<1x128xi32, #tpu.memory_space<vmem>> -> memref<128xi32, #tpu.memory_space<vmem>>
          %dma_start3A_373 = arith.constant 0 : i32
          %dma_start3A_374 = arith.constant 0 : i32
          %dma_start3A_375 = tpu.memref_slice %arg4[%dma_start3A_373, %dma_start3A_374] : memref<10240x32xf32, #tpu.memory_space<hbm>> -> memref<10240x32xf32, #tpu.memory_space<hbm>>
          tpu.enqueue_indirect_dma source(%dma_start3A_375 : memref<10240x32xf32, #tpu.memory_space<hbm>>) target(%arg15 : memref<128x32xf32, #tpu.memory_space<vmem>>) offsets(%dma_start3A_372 : memref<128xi32, #tpu.memory_space<vmem>>) semaphore(%arg24 : memref<!tpu.dma_semaphore, #tpu.memory_space<semaphore_mem>>)
        } else {
        }
        %add3A_352 = arith.constant 8 : i32
        %add3A_353 = arith.addi %mul3A_106, %add3A_352 : i32
        %add3A_354 = arith.constant 7 : i32
        %add3A_355 = arith.addi %add3A_353, %add3A_354 : i32
        %add3A_356 = arith.constant 7 : i32
        %add3A_357 = arith.addi %mul3A_106, %add3A_356 : i32
        %dma_wait3A_358 = arith.constant 0 : i32
        %dma_wait3A_359 = tpu.memref_slice %arg8[%add3A_357, %dma_wait3A_358] : memref<160x128xi32, #tpu.memory_space<vmem>> -> memref<1x128xi32, #tpu.memory_space<vmem>>
        %dma_wait3A_360 = tpu.memref_squeeze %dma_wait3A_359 : memref<1x128xi32, #tpu.memory_space<vmem>> -> memref<128xi32, #tpu.memory_space<vmem>>
        %dma_wait3A_361 = arith.constant 0 : i32
        %dma_wait3A_362 = arith.constant 0 : i32
        %dma_wait3A_363 = tpu.memref_slice %arg17[%dma_wait3A_361, %dma_wait3A_362] : memref<10240x32xf32, #tpu.memory_space<vmem_shared>> -> memref<10240x32xf32, #tpu.memory_space<vmem_shared>>
        tpu.wait_indirect_dma semaphore(%arg33 : memref<!tpu.dma_semaphore, #tpu.memory_space<semaphore_mem>>) src(%arg16 : memref<128x32xf32, #tpu.memory_space<vmem>>) dst(%dma_wait3A_363 : memref<10240x32xf32, #tpu.memory_space<vmem_shared>>)
        %lt3A_364 = arith.constant 160 : i32
        %lt3A_365 = arith.cmpi slt, %add3A_355, %lt3A_364 : i32
        %convert_element_type3A_366 = arith.extui %lt3A_365 : i1 to i32
        %cond3A_367 = arith.constant 0 : i32
        %cond3A_368 = arith.cmpi ne, %convert_element_type3A_366, %cond3A_367 : i32
        scf.if %cond3A_368 {
          %dma_start3A_370 = arith.constant 0 : i32
          %dma_start3A_371 = tpu.memref_slice %arg7[%add3A_355, %dma_start3A_370] : memref<160x128xi32, #tpu.memory_space<vmem>> -> memref<1x128xi32, #tpu.memory_space<vmem>>
          %dma_start3A_372 = tpu.memref_squeeze %dma_start3A_371 : memref<1x128xi32, #tpu.memory_space<vmem>> -> memref<128xi32, #tpu.memory_space<vmem>>
          %dma_start3A_373 = arith.constant 0 : i32
          %dma_start3A_374 = arith.constant 0 : i32
          %dma_start3A_375 = tpu.memref_slice %arg4[%dma_start3A_373, %dma_start3A_374] : memref<10240x32xf32, #tpu.memory_space<hbm>> -> memref<10240x32xf32, #tpu.memory_space<hbm>>
          tpu.enqueue_indirect_dma source(%dma_start3A_375 : memref<10240x32xf32, #tpu.memory_space<hbm>>) target(%arg16 : memref<128x32xf32, #tpu.memory_space<vmem>>) offsets(%dma_start3A_372 : memref<128xi32, #tpu.memory_space<vmem>>) semaphore(%arg25 : memref<!tpu.dma_semaphore, #tpu.memory_space<semaphore_mem>>)
        } else {
        }
        %scan3A_369 = arith.constant 0 : i32
        scf.yield %scan3A_369 : i32
      }
      %scan3A_102 = arith.constant 20 : i32
    } else {
    }
    %eq3A_31 = arith.constant 1 : i32
    %eq3A_32 = arith.cmpi eq, %arg0, %eq3A_31 : i32
    %convert_element_type3A_33 = arith.extui %eq3A_32 : i1 to i32
    %cond3A_34 = arith.constant 0 : i32
    %cond3A_35 = arith.cmpi ne, %convert_element_type3A_33, %cond3A_34 : i32
    scf.if %cond3A_35 {
      %dma_start3A = arith.constant 0 : i32
      %dma_start3A_41 = arith.constant 0 : i32
      %dma_start3A_42 = tpu.memref_slice %arg7[%dma_start3A, %dma_start3A_41] : memref<160x128xi32, #tpu.memory_space<vmem>> -> memref<1x128xi32, #tpu.memory_space<vmem>>
      %dma_start3A_43 = tpu.memref_squeeze %dma_start3A_42 : memref<1x128xi32, #tpu.memory_space<vmem>> -> memref<128xi32, #tpu.memory_space<vmem>>
      %dma_start3A_44 = arith.constant 0 : i32
      %dma_start3A_45 = arith.constant 0 : i32
      %dma_start3A_46 = tpu.memref_slice %arg5[%dma_start3A_44, %dma_start3A_45] : memref<10240x32xf32, #tpu.memory_space<hbm>> -> memref<10240x32xf32, #tpu.memory_space<hbm>>
      tpu.enqueue_indirect_dma source(%dma_start3A_46 : memref<10240x32xf32, #tpu.memory_space<hbm>>) target(%arg9 : memref<128x32xf32, #tpu.memory_space<vmem>>) offsets(%dma_start3A_43 : memref<128xi32, #tpu.memory_space<vmem>>) semaphore(%arg18 : memref<!tpu.dma_semaphore, #tpu.memory_space<semaphore_mem>>)
      %dma_start3A_47 = arith.constant 1 : i32
      %dma_start3A_48 = arith.constant 0 : i32
      %dma_start3A_49 = tpu.memref_slice %arg7[%dma_start3A_47, %dma_start3A_48] : memref<160x128xi32, #tpu.memory_space<vmem>> -> memref<1x128xi32, #tpu.memory_space<vmem>>
      %dma_start3A_50 = tpu.memref_squeeze %dma_start3A_49 : memref<1x128xi32, #tpu.memory_space<vmem>> -> memref<128xi32, #tpu.memory_space<vmem>>
      %dma_start3A_51 = arith.constant 0 : i32
      %dma_start3A_52 = arith.constant 0 : i32
      %dma_start3A_53 = tpu.memref_slice %arg5[%dma_start3A_51, %dma_start3A_52] : memref<10240x32xf32, #tpu.memory_space<hbm>> -> memref<10240x32xf32, #tpu.memory_space<hbm>>
      tpu.enqueue_indirect_dma source(%dma_start3A_53 : memref<10240x32xf32, #tpu.memory_space<hbm>>) target(%arg10 : memref<128x32xf32, #tpu.memory_space<vmem>>) offsets(%dma_start3A_50 : memref<128xi32, #tpu.memory_space<vmem>>) semaphore(%arg19 : memref<!tpu.dma_semaphore, #tpu.memory_space<semaphore_mem>>)
      %dma_start3A_54 = arith.constant 2 : i32
      %dma_start3A_55 = arith.constant 0 : i32
      %dma_start3A_56 = tpu.memref_slice %arg7[%dma_start3A_54, %dma_start3A_55] : memref<160x128xi32, #tpu.memory_space<vmem>> -> memref<1x128xi32, #tpu.memory_space<vmem>>
      %dma_start3A_57 = tpu.memref_squeeze %dma_start3A_56 : memref<1x128xi32, #tpu.memory_space<vmem>> -> memref<128xi32, #tpu.memory_space<vmem>>
      %dma_start3A_58 = arith.constant 0 : i32
      %dma_start3A_59 = arith.constant 0 : i32
      %dma_start3A_60 = tpu.memref_slice %arg5[%dma_start3A_58, %dma_start3A_59] : memref<10240x32xf32, #tpu.memory_space<hbm>> -> memref<10240x32xf32, #tpu.memory_space<hbm>>
      tpu.enqueue_indirect_dma source(%dma_start3A_60 : memref<10240x32xf32, #tpu.memory_space<hbm>>) target(%arg11 : memref<128x32xf32, #tpu.memory_space<vmem>>) offsets(%dma_start3A_57 : memref<128xi32, #tpu.memory_space<vmem>>) semaphore(%arg20 : memref<!tpu.dma_semaphore, #tpu.memory_space<semaphore_mem>>)
      %dma_start3A_61 = arith.constant 3 : i32
      %dma_start3A_62 = arith.constant 0 : i32
      %dma_start3A_63 = tpu.memref_slice %arg7[%dma_start3A_61, %dma_start3A_62] : memref<160x128xi32, #tpu.memory_space<vmem>> -> memref<1x128xi32, #tpu.memory_space<vmem>>
      %dma_start3A_64 = tpu.memref_squeeze %dma_start3A_63 : memref<1x128xi32, #tpu.memory_space<vmem>> -> memref<128xi32, #tpu.memory_space<vmem>>
      %dma_start3A_65 = arith.constant 0 : i32
      %dma_start3A_66 = arith.constant 0 : i32
      %dma_start3A_67 = tpu.memref_slice %arg5[%dma_start3A_65, %dma_start3A_66] : memref<10240x32xf32, #tpu.memory_space<hbm>> -> memref<10240x32xf32, #tpu.memory_space<hbm>>
      tpu.enqueue_indirect_dma source(%dma_start3A_67 : memref<10240x32xf32, #tpu.memory_space<hbm>>) target(%arg12 : memref<128x32xf32, #tpu.memory_space<vmem>>) offsets(%dma_start3A_64 : memref<128xi32, #tpu.memory_space<vmem>>) semaphore(%arg21 : memref<!tpu.dma_semaphore, #tpu.memory_space<semaphore_mem>>)
      %dma_start3A_68 = arith.constant 4 : i32
      %dma_start3A_69 = arith.constant 0 : i32
      %dma_start3A_70 = tpu.memref_slice %arg7[%dma_start3A_68, %dma_start3A_69] : memref<160x128xi32, #tpu.memory_space<vmem>> -> memref<1x128xi32, #tpu.memory_space<vmem>>
      %dma_start3A_71 = tpu.memref_squeeze %dma_start3A_70 : memref<1x128xi32, #tpu.memory_space<vmem>> -> memref<128xi32, #tpu.memory_space<vmem>>
      %dma_start3A_72 = arith.constant 0 : i32
      %dma_start3A_73 = arith.constant 0 : i32
      %dma_start3A_74 = tpu.memref_slice %arg5[%dma_start3A_72, %dma_start3A_73] : memref<10240x32xf32, #tpu.memory_space<hbm>> -> memref<10240x32xf32, #tpu.memory_space<hbm>>
      tpu.enqueue_indirect_dma source(%dma_start3A_74 : memref<10240x32xf32, #tpu.memory_space<hbm>>) target(%arg13 : memref<128x32xf32, #tpu.memory_space<vmem>>) offsets(%dma_start3A_71 : memref<128xi32, #tpu.memory_space<vmem>>) semaphore(%arg22 : memref<!tpu.dma_semaphore, #tpu.memory_space<semaphore_mem>>)
      %dma_start3A_75 = arith.constant 5 : i32
      %dma_start3A_76 = arith.constant 0 : i32
      %dma_start3A_77 = tpu.memref_slice %arg7[%dma_start3A_75, %dma_start3A_76] : memref<160x128xi32, #tpu.memory_space<vmem>> -> memref<1x128xi32, #tpu.memory_space<vmem>>
      %dma_start3A_78 = tpu.memref_squeeze %dma_start3A_77 : memref<1x128xi32, #tpu.memory_space<vmem>> -> memref<128xi32, #tpu.memory_space<vmem>>
      %dma_start3A_79 = arith.constant 0 : i32
      %dma_start3A_80 = arith.constant 0 : i32
      %dma_start3A_81 = tpu.memref_slice %arg5[%dma_start3A_79, %dma_start3A_80] : memref<10240x32xf32, #tpu.memory_space<hbm>> -> memref<10240x32xf32, #tpu.memory_space<hbm>>
      tpu.enqueue_indirect_dma source(%dma_start3A_81 : memref<10240x32xf32, #tpu.memory_space<hbm>>) target(%arg14 : memref<128x32xf32, #tpu.memory_space<vmem>>) offsets(%dma_start3A_78 : memref<128xi32, #tpu.memory_space<vmem>>) semaphore(%arg23 : memref<!tpu.dma_semaphore, #tpu.memory_space<semaphore_mem>>)
      %dma_start3A_82 = arith.constant 6 : i32
      %dma_start3A_83 = arith.constant 0 : i32
      %dma_start3A_84 = tpu.memref_slice %arg7[%dma_start3A_82, %dma_start3A_83] : memref<160x128xi32, #tpu.memory_space<vmem>> -> memref<1x128xi32, #tpu.memory_space<vmem>>
      %dma_start3A_85 = tpu.memref_squeeze %dma_start3A_84 : memref<1x128xi32, #tpu.memory_space<vmem>> -> memref<128xi32, #tpu.memory_space<vmem>>
      %dma_start3A_86 = arith.constant 0 : i32
      %dma_start3A_87 = arith.constant 0 : i32
      %dma_start3A_88 = tpu.memref_slice %arg5[%dma_start3A_86, %dma_start3A_87] : memref<10240x32xf32, #tpu.memory_space<hbm>> -> memref<10240x32xf32, #tpu.memory_space<hbm>>
      tpu.enqueue_indirect_dma source(%dma_start3A_88 : memref<10240x32xf32, #tpu.memory_space<hbm>>) target(%arg15 : memref<128x32xf32, #tpu.memory_space<vmem>>) offsets(%dma_start3A_85 : memref<128xi32, #tpu.memory_space<vmem>>) semaphore(%arg24 : memref<!tpu.dma_semaphore, #tpu.memory_space<semaphore_mem>>)
      %dma_start3A_89 = arith.constant 7 : i32
      %dma_start3A_90 = arith.constant 0 : i32
      %dma_start3A_91 = tpu.memref_slice %arg7[%dma_start3A_89, %dma_start3A_90] : memref<160x128xi32, #tpu.memory_space<vmem>> -> memref<1x128xi32, #tpu.memory_space<vmem>>
      %dma_start3A_92 = tpu.memref_squeeze %dma_start3A_91 : memref<1x128xi32, #tpu.memory_space<vmem>> -> memref<128xi32, #tpu.memory_space<vmem>>
      %dma_start3A_93 = arith.constant 0 : i32
      %dma_start3A_94 = arith.constant 0 : i32
      %dma_start3A_95 = tpu.memref_slice %arg5[%dma_start3A_93, %dma_start3A_94] : memref<10240x32xf32, #tpu.memory_space<hbm>> -> memref<10240x32xf32, #tpu.memory_space<hbm>>
      tpu.enqueue_indirect_dma source(%dma_start3A_95 : memref<10240x32xf32, #tpu.memory_space<hbm>>) target(%arg16 : memref<128x32xf32, #tpu.memory_space<vmem>>) offsets(%dma_start3A_92 : memref<128xi32, #tpu.memory_space<vmem>>) semaphore(%arg25 : memref<!tpu.dma_semaphore, #tpu.memory_space<semaphore_mem>>)
      %scan3A_96 = arith.constant 0 : i32
      %scan3A_97 = arith.constant 0 : i32
      %scan3A_98 = arith.constant 20 : i32
      %scan3A_99 = arith.addi %scan3A_97, %scan3A_98 : i32
      %scan3A_100 = arith.constant 1 : i32
      %scan3A_101 = scf.for %scan3A_103 = %scan3A_97 to %scan3A_99 step %scan3A_100 iter_args(%scan3A_104 = %scan3A_96) -> (i32)  : i32 {
        %mul3A_105 = arith.constant 8 : i32
        %mul3A_106 = arith.muli %mul3A_105, %scan3A_103 : i32
        %add3A_107 = arith.constant 0 : i32
        %add3A_108 = arith.addi %mul3A_106, %add3A_107 : i32
        %dma_wait3A = arith.constant 0 : i32
        %dma_wait3A_109 = tpu.memref_slice %arg7[%add3A_108, %dma_wait3A] : memref<160x128xi32, #tpu.memory_space<vmem>> -> memref<1x128xi32, #tpu.memory_space<vmem>>
        %dma_wait3A_110 = tpu.memref_squeeze %dma_wait3A_109 : memref<1x128xi32, #tpu.memory_space<vmem>> -> memref<128xi32, #tpu.memory_space<vmem>>
        %dma_wait3A_111 = arith.constant 0 : i32
        %dma_wait3A_112 = arith.constant 0 : i32
        %dma_wait3A_113 = tpu.memref_slice %arg5[%dma_wait3A_111, %dma_wait3A_112] : memref<10240x32xf32, #tpu.memory_space<hbm>> -> memref<10240x32xf32, #tpu.memory_space<hbm>>
        tpu.wait_indirect_dma semaphore(%arg18 : memref<!tpu.dma_semaphore, #tpu.memory_space<semaphore_mem>>) src(%dma_wait3A_113 : memref<10240x32xf32, #tpu.memory_space<hbm>>) dst(%arg9 : memref<128x32xf32, #tpu.memory_space<vmem>>)
        %add3A_114 = arith.constant 0 : i32
        %add3A_115 = arith.addi %mul3A_106, %add3A_114 : i32
        %dma_start3A_116 = arith.constant 0 : i32
        %dma_start3A_117 = tpu.memref_slice %arg8[%add3A_115, %dma_start3A_116] : memref<160x128xi32, #tpu.memory_space<vmem>> -> memref<1x128xi32, #tpu.memory_space<vmem>>
        %dma_start3A_118 = tpu.memref_squeeze %dma_start3A_117 : memref<1x128xi32, #tpu.memory_space<vmem>> -> memref<128xi32, #tpu.memory_space<vmem>>
        %dma_start3A_119 = arith.constant 0 : i32
        %dma_start3A_120 = arith.constant 0 : i32
        %dma_start3A_121 = tpu.memref_slice %arg17[%dma_start3A_119, %dma_start3A_120] : memref<10240x32xf32, #tpu.memory_space<vmem_shared>> -> memref<10240x32xf32, #tpu.memory_space<vmem_shared>>
        tpu.enqueue_indirect_dma source(%arg9 : memref<128x32xf32, #tpu.memory_space<vmem>>) target(%dma_start3A_121 : memref<10240x32xf32, #tpu.memory_space<vmem_shared>>) offsets(%dma_start3A_118 : memref<128xi32, #tpu.memory_space<vmem>>) semaphore(%arg26 : memref<!tpu.dma_semaphore, #tpu.memory_space<semaphore_mem>>) {add = true}
        %add3A_122 = arith.constant 1 : i32
        %add3A_123 = arith.addi %mul3A_106, %add3A_122 : i32
        %dma_wait3A_124 = arith.constant 0 : i32
        %dma_wait3A_125 = tpu.memref_slice %arg7[%add3A_123, %dma_wait3A_124] : memref<160x128xi32, #tpu.memory_space<vmem>> -> memref<1x128xi32, #tpu.memory_space<vmem>>
        %dma_wait3A_126 = tpu.memref_squeeze %dma_wait3A_125 : memref<1x128xi32, #tpu.memory_space<vmem>> -> memref<128xi32, #tpu.memory_space<vmem>>
        %dma_wait3A_127 = arith.constant 0 : i32
        %dma_wait3A_128 = arith.constant 0 : i32
        %dma_wait3A_129 = tpu.memref_slice %arg5[%dma_wait3A_127, %dma_wait3A_128] : memref<10240x32xf32, #tpu.memory_space<hbm>> -> memref<10240x32xf32, #tpu.memory_space<hbm>>
        tpu.wait_indirect_dma semaphore(%arg19 : memref<!tpu.dma_semaphore, #tpu.memory_space<semaphore_mem>>) src(%dma_wait3A_129 : memref<10240x32xf32, #tpu.memory_space<hbm>>) dst(%arg10 : memref<128x32xf32, #tpu.memory_space<vmem>>)
        %add3A_130 = arith.constant 1 : i32
        %add3A_131 = arith.addi %mul3A_106, %add3A_130 : i32
        %dma_start3A_132 = arith.constant 0 : i32
        %dma_start3A_133 = tpu.memref_slice %arg8[%add3A_131, %dma_start3A_132] : memref<160x128xi32, #tpu.memory_space<vmem>> -> memref<1x128xi32, #tpu.memory_space<vmem>>
        %dma_start3A_134 = tpu.memref_squeeze %dma_start3A_133 : memref<1x128xi32, #tpu.memory_space<vmem>> -> memref<128xi32, #tpu.memory_space<vmem>>
        %dma_start3A_135 = arith.constant 0 : i32
        %dma_start3A_136 = arith.constant 0 : i32
        %dma_start3A_137 = tpu.memref_slice %arg17[%dma_start3A_135, %dma_start3A_136] : memref<10240x32xf32, #tpu.memory_space<vmem_shared>> -> memref<10240x32xf32, #tpu.memory_space<vmem_shared>>
        tpu.enqueue_indirect_dma source(%arg10 : memref<128x32xf32, #tpu.memory_space<vmem>>) target(%dma_start3A_137 : memref<10240x32xf32, #tpu.memory_space<vmem_shared>>) offsets(%dma_start3A_134 : memref<128xi32, #tpu.memory_space<vmem>>) semaphore(%arg27 : memref<!tpu.dma_semaphore, #tpu.memory_space<semaphore_mem>>) {add = true}
        %add3A_138 = arith.constant 2 : i32
        %add3A_139 = arith.addi %mul3A_106, %add3A_138 : i32
        %dma_wait3A_140 = arith.constant 0 : i32
        %dma_wait3A_141 = tpu.memref_slice %arg7[%add3A_139, %dma_wait3A_140] : memref<160x128xi32, #tpu.memory_space<vmem>> -> memref<1x128xi32, #tpu.memory_space<vmem>>
        %dma_wait3A_142 = tpu.memref_squeeze %dma_wait3A_141 : memref<1x128xi32, #tpu.memory_space<vmem>> -> memref<128xi32, #tpu.memory_space<vmem>>
        %dma_wait3A_143 = arith.constant 0 : i32
        %dma_wait3A_144 = arith.constant 0 : i32
        %dma_wait3A_145 = tpu.memref_slice %arg5[%dma_wait3A_143, %dma_wait3A_144] : memref<10240x32xf32, #tpu.memory_space<hbm>> -> memref<10240x32xf32, #tpu.memory_space<hbm>>
        tpu.wait_indirect_dma semaphore(%arg20 : memref<!tpu.dma_semaphore, #tpu.memory_space<semaphore_mem>>) src(%dma_wait3A_145 : memref<10240x32xf32, #tpu.memory_space<hbm>>) dst(%arg11 : memref<128x32xf32, #tpu.memory_space<vmem>>)
        %add3A_146 = arith.constant 2 : i32
        %add3A_147 = arith.addi %mul3A_106, %add3A_146 : i32
        %dma_start3A_148 = arith.constant 0 : i32
        %dma_start3A_149 = tpu.memref_slice %arg8[%add3A_147, %dma_start3A_148] : memref<160x128xi32, #tpu.memory_space<vmem>> -> memref<1x128xi32, #tpu.memory_space<vmem>>
        %dma_start3A_150 = tpu.memref_squeeze %dma_start3A_149 : memref<1x128xi32, #tpu.memory_space<vmem>> -> memref<128xi32, #tpu.memory_space<vmem>>
        %dma_start3A_151 = arith.constant 0 : i32
        %dma_start3A_152 = arith.constant 0 : i32
        %dma_start3A_153 = tpu.memref_slice %arg17[%dma_start3A_151, %dma_start3A_152] : memref<10240x32xf32, #tpu.memory_space<vmem_shared>> -> memref<10240x32xf32, #tpu.memory_space<vmem_shared>>
        tpu.enqueue_indirect_dma source(%arg11 : memref<128x32xf32, #tpu.memory_space<vmem>>) target(%dma_start3A_153 : memref<10240x32xf32, #tpu.memory_space<vmem_shared>>) offsets(%dma_start3A_150 : memref<128xi32, #tpu.memory_space<vmem>>) semaphore(%arg28 : memref<!tpu.dma_semaphore, #tpu.memory_space<semaphore_mem>>) {add = true}
        %add3A_154 = arith.constant 3 : i32
        %add3A_155 = arith.addi %mul3A_106, %add3A_154 : i32
        %dma_wait3A_156 = arith.constant 0 : i32
        %dma_wait3A_157 = tpu.memref_slice %arg7[%add3A_155, %dma_wait3A_156] : memref<160x128xi32, #tpu.memory_space<vmem>> -> memref<1x128xi32, #tpu.memory_space<vmem>>
        %dma_wait3A_158 = tpu.memref_squeeze %dma_wait3A_157 : memref<1x128xi32, #tpu.memory_space<vmem>> -> memref<128xi32, #tpu.memory_space<vmem>>
        %dma_wait3A_159 = arith.constant 0 : i32
        %dma_wait3A_160 = arith.constant 0 : i32
        %dma_wait3A_161 = tpu.memref_slice %arg5[%dma_wait3A_159, %dma_wait3A_160] : memref<10240x32xf32, #tpu.memory_space<hbm>> -> memref<10240x32xf32, #tpu.memory_space<hbm>>
        tpu.wait_indirect_dma semaphore(%arg21 : memref<!tpu.dma_semaphore, #tpu.memory_space<semaphore_mem>>) src(%dma_wait3A_161 : memref<10240x32xf32, #tpu.memory_space<hbm>>) dst(%arg12 : memref<128x32xf32, #tpu.memory_space<vmem>>)
        %add3A_162 = arith.constant 3 : i32
        %add3A_163 = arith.addi %mul3A_106, %add3A_162 : i32
        %dma_start3A_164 = arith.constant 0 : i32
        %dma_start3A_165 = tpu.memref_slice %arg8[%add3A_163, %dma_start3A_164] : memref<160x128xi32, #tpu.memory_space<vmem>> -> memref<1x128xi32, #tpu.memory_space<vmem>>
        %dma_start3A_166 = tpu.memref_squeeze %dma_start3A_165 : memref<1x128xi32, #tpu.memory_space<vmem>> -> memref<128xi32, #tpu.memory_space<vmem>>
        %dma_start3A_167 = arith.constant 0 : i32
        %dma_start3A_168 = arith.constant 0 : i32
        %dma_start3A_169 = tpu.memref_slice %arg17[%dma_start3A_167, %dma_start3A_168] : memref<10240x32xf32, #tpu.memory_space<vmem_shared>> -> memref<10240x32xf32, #tpu.memory_space<vmem_shared>>
        tpu.enqueue_indirect_dma source(%arg12 : memref<128x32xf32, #tpu.memory_space<vmem>>) target(%dma_start3A_169 : memref<10240x32xf32, #tpu.memory_space<vmem_shared>>) offsets(%dma_start3A_166 : memref<128xi32, #tpu.memory_space<vmem>>) semaphore(%arg29 : memref<!tpu.dma_semaphore, #tpu.memory_space<semaphore_mem>>) {add = true}
        %add3A_170 = arith.constant 4 : i32
        %add3A_171 = arith.addi %mul3A_106, %add3A_170 : i32
        %dma_wait3A_172 = arith.constant 0 : i32
        %dma_wait3A_173 = tpu.memref_slice %arg7[%add3A_171, %dma_wait3A_172] : memref<160x128xi32, #tpu.memory_space<vmem>> -> memref<1x128xi32, #tpu.memory_space<vmem>>
        %dma_wait3A_174 = tpu.memref_squeeze %dma_wait3A_173 : memref<1x128xi32, #tpu.memory_space<vmem>> -> memref<128xi32, #tpu.memory_space<vmem>>
        %dma_wait3A_175 = arith.constant 0 : i32
        %dma_wait3A_176 = arith.constant 0 : i32
        %dma_wait3A_177 = tpu.memref_slice %arg5[%dma_wait3A_175, %dma_wait3A_176] : memref<10240x32xf32, #tpu.memory_space<hbm>> -> memref<10240x32xf32, #tpu.memory_space<hbm>>
        tpu.wait_indirect_dma semaphore(%arg22 : memref<!tpu.dma_semaphore, #tpu.memory_space<semaphore_mem>>) src(%dma_wait3A_177 : memref<10240x32xf32, #tpu.memory_space<hbm>>) dst(%arg13 : memref<128x32xf32, #tpu.memory_space<vmem>>)
        %add3A_178 = arith.constant 4 : i32
        %add3A_179 = arith.addi %mul3A_106, %add3A_178 : i32
        %dma_start3A_180 = arith.constant 0 : i32
        %dma_start3A_181 = tpu.memref_slice %arg8[%add3A_179, %dma_start3A_180] : memref<160x128xi32, #tpu.memory_space<vmem>> -> memref<1x128xi32, #tpu.memory_space<vmem>>
        %dma_start3A_182 = tpu.memref_squeeze %dma_start3A_181 : memref<1x128xi32, #tpu.memory_space<vmem>> -> memref<128xi32, #tpu.memory_space<vmem>>
        %dma_start3A_183 = arith.constant 0 : i32
        %dma_start3A_184 = arith.constant 0 : i32
        %dma_start3A_185 = tpu.memref_slice %arg17[%dma_start3A_183, %dma_start3A_184] : memref<10240x32xf32, #tpu.memory_space<vmem_shared>> -> memref<10240x32xf32, #tpu.memory_space<vmem_shared>>
        tpu.enqueue_indirect_dma source(%arg13 : memref<128x32xf32, #tpu.memory_space<vmem>>) target(%dma_start3A_185 : memref<10240x32xf32, #tpu.memory_space<vmem_shared>>) offsets(%dma_start3A_182 : memref<128xi32, #tpu.memory_space<vmem>>) semaphore(%arg30 : memref<!tpu.dma_semaphore, #tpu.memory_space<semaphore_mem>>) {add = true}
        %add3A_186 = arith.constant 5 : i32
        %add3A_187 = arith.addi %mul3A_106, %add3A_186 : i32
        %dma_wait3A_188 = arith.constant 0 : i32
        %dma_wait3A_189 = tpu.memref_slice %arg7[%add3A_187, %dma_wait3A_188] : memref<160x128xi32, #tpu.memory_space<vmem>> -> memref<1x128xi32, #tpu.memory_space<vmem>>
        %dma_wait3A_190 = tpu.memref_squeeze %dma_wait3A_189 : memref<1x128xi32, #tpu.memory_space<vmem>> -> memref<128xi32, #tpu.memory_space<vmem>>
        %dma_wait3A_191 = arith.constant 0 : i32
        %dma_wait3A_192 = arith.constant 0 : i32
        %dma_wait3A_193 = tpu.memref_slice %arg5[%dma_wait3A_191, %dma_wait3A_192] : memref<10240x32xf32, #tpu.memory_space<hbm>> -> memref<10240x32xf32, #tpu.memory_space<hbm>>
        tpu.wait_indirect_dma semaphore(%arg23 : memref<!tpu.dma_semaphore, #tpu.memory_space<semaphore_mem>>) src(%dma_wait3A_193 : memref<10240x32xf32, #tpu.memory_space<hbm>>) dst(%arg14 : memref<128x32xf32, #tpu.memory_space<vmem>>)
        %add3A_194 = arith.constant 5 : i32
        %add3A_195 = arith.addi %mul3A_106, %add3A_194 : i32
        %dma_start3A_196 = arith.constant 0 : i32
        %dma_start3A_197 = tpu.memref_slice %arg8[%add3A_195, %dma_start3A_196] : memref<160x128xi32, #tpu.memory_space<vmem>> -> memref<1x128xi32, #tpu.memory_space<vmem>>
        %dma_start3A_198 = tpu.memref_squeeze %dma_start3A_197 : memref<1x128xi32, #tpu.memory_space<vmem>> -> memref<128xi32, #tpu.memory_space<vmem>>
        %dma_start3A_199 = arith.constant 0 : i32
        %dma_start3A_200 = arith.constant 0 : i32
        %dma_start3A_201 = tpu.memref_slice %arg17[%dma_start3A_199, %dma_start3A_200] : memref<10240x32xf32, #tpu.memory_space<vmem_shared>> -> memref<10240x32xf32, #tpu.memory_space<vmem_shared>>
        tpu.enqueue_indirect_dma source(%arg14 : memref<128x32xf32, #tpu.memory_space<vmem>>) target(%dma_start3A_201 : memref<10240x32xf32, #tpu.memory_space<vmem_shared>>) offsets(%dma_start3A_198 : memref<128xi32, #tpu.memory_space<vmem>>) semaphore(%arg31 : memref<!tpu.dma_semaphore, #tpu.memory_space<semaphore_mem>>) {add = true}
        %add3A_202 = arith.constant 6 : i32
        %add3A_203 = arith.addi %mul3A_106, %add3A_202 : i32
        %dma_wait3A_204 = arith.constant 0 : i32
        %dma_wait3A_205 = tpu.memref_slice %arg7[%add3A_203, %dma_wait3A_204] : memref<160x128xi32, #tpu.memory_space<vmem>> -> memref<1x128xi32, #tpu.memory_space<vmem>>
        %dma_wait3A_206 = tpu.memref_squeeze %dma_wait3A_205 : memref<1x128xi32, #tpu.memory_space<vmem>> -> memref<128xi32, #tpu.memory_space<vmem>>
        %dma_wait3A_207 = arith.constant 0 : i32
        %dma_wait3A_208 = arith.constant 0 : i32
        %dma_wait3A_209 = tpu.memref_slice %arg5[%dma_wait3A_207, %dma_wait3A_208] : memref<10240x32xf32, #tpu.memory_space<hbm>> -> memref<10240x32xf32, #tpu.memory_space<hbm>>
        tpu.wait_indirect_dma semaphore(%arg24 : memref<!tpu.dma_semaphore, #tpu.memory_space<semaphore_mem>>) src(%dma_wait3A_209 : memref<10240x32xf32, #tpu.memory_space<hbm>>) dst(%arg15 : memref<128x32xf32, #tpu.memory_space<vmem>>)
        %add3A_210 = arith.constant 6 : i32
        %add3A_211 = arith.addi %mul3A_106, %add3A_210 : i32
        %dma_start3A_212 = arith.constant 0 : i32
        %dma_start3A_213 = tpu.memref_slice %arg8[%add3A_211, %dma_start3A_212] : memref<160x128xi32, #tpu.memory_space<vmem>> -> memref<1x128xi32, #tpu.memory_space<vmem>>
        %dma_start3A_214 = tpu.memref_squeeze %dma_start3A_213 : memref<1x128xi32, #tpu.memory_space<vmem>> -> memref<128xi32, #tpu.memory_space<vmem>>
        %dma_start3A_215 = arith.constant 0 : i32
        %dma_start3A_216 = arith.constant 0 : i32
        %dma_start3A_217 = tpu.memref_slice %arg17[%dma_start3A_215, %dma_start3A_216] : memref<10240x32xf32, #tpu.memory_space<vmem_shared>> -> memref<10240x32xf32, #tpu.memory_space<vmem_shared>>
        tpu.enqueue_indirect_dma source(%arg15 : memref<128x32xf32, #tpu.memory_space<vmem>>) target(%dma_start3A_217 : memref<10240x32xf32, #tpu.memory_space<vmem_shared>>) offsets(%dma_start3A_214 : memref<128xi32, #tpu.memory_space<vmem>>) semaphore(%arg32 : memref<!tpu.dma_semaphore, #tpu.memory_space<semaphore_mem>>) {add = true}
        %add3A_218 = arith.constant 7 : i32
        %add3A_219 = arith.addi %mul3A_106, %add3A_218 : i32
        %dma_wait3A_220 = arith.constant 0 : i32
        %dma_wait3A_221 = tpu.memref_slice %arg7[%add3A_219, %dma_wait3A_220] : memref<160x128xi32, #tpu.memory_space<vmem>> -> memref<1x128xi32, #tpu.memory_space<vmem>>
        %dma_wait3A_222 = tpu.memref_squeeze %dma_wait3A_221 : memref<1x128xi32, #tpu.memory_space<vmem>> -> memref<128xi32, #tpu.memory_space<vmem>>
        %dma_wait3A_223 = arith.constant 0 : i32
        %dma_wait3A_224 = arith.constant 0 : i32
        %dma_wait3A_225 = tpu.memref_slice %arg5[%dma_wait3A_223, %dma_wait3A_224] : memref<10240x32xf32, #tpu.memory_space<hbm>> -> memref<10240x32xf32, #tpu.memory_space<hbm>>
        tpu.wait_indirect_dma semaphore(%arg25 : memref<!tpu.dma_semaphore, #tpu.memory_space<semaphore_mem>>) src(%dma_wait3A_225 : memref<10240x32xf32, #tpu.memory_space<hbm>>) dst(%arg16 : memref<128x32xf32, #tpu.memory_space<vmem>>)
        %add3A_226 = arith.constant 7 : i32
        %add3A_227 = arith.addi %mul3A_106, %add3A_226 : i32
        %dma_start3A_228 = arith.constant 0 : i32
        %dma_start3A_229 = tpu.memref_slice %arg8[%add3A_227, %dma_start3A_228] : memref<160x128xi32, #tpu.memory_space<vmem>> -> memref<1x128xi32, #tpu.memory_space<vmem>>
        %dma_start3A_230 = tpu.memref_squeeze %dma_start3A_229 : memref<1x128xi32, #tpu.memory_space<vmem>> -> memref<128xi32, #tpu.memory_space<vmem>>
        %dma_start3A_231 = arith.constant 0 : i32
        %dma_start3A_232 = arith.constant 0 : i32
        %dma_start3A_233 = tpu.memref_slice %arg17[%dma_start3A_231, %dma_start3A_232] : memref<10240x32xf32, #tpu.memory_space<vmem_shared>> -> memref<10240x32xf32, #tpu.memory_space<vmem_shared>>
        tpu.enqueue_indirect_dma source(%arg16 : memref<128x32xf32, #tpu.memory_space<vmem>>) target(%dma_start3A_233 : memref<10240x32xf32, #tpu.memory_space<vmem_shared>>) offsets(%dma_start3A_230 : memref<128xi32, #tpu.memory_space<vmem>>) semaphore(%arg33 : memref<!tpu.dma_semaphore, #tpu.memory_space<semaphore_mem>>) {add = true}
        %add3A_234 = arith.constant 8 : i32
        %add3A_235 = arith.addi %mul3A_106, %add3A_234 : i32
        %add3A_236 = arith.constant 0 : i32
        %add3A_237 = arith.addi %add3A_235, %add3A_236 : i32
        %add3A_238 = arith.constant 0 : i32
        %add3A_239 = arith.addi %mul3A_106, %add3A_238 : i32
        %dma_wait3A_240 = arith.constant 0 : i32
        %dma_wait3A_241 = tpu.memref_slice %arg8[%add3A_239, %dma_wait3A_240] : memref<160x128xi32, #tpu.memory_space<vmem>> -> memref<1x128xi32, #tpu.memory_space<vmem>>
        %dma_wait3A_242 = tpu.memref_squeeze %dma_wait3A_241 : memref<1x128xi32, #tpu.memory_space<vmem>> -> memref<128xi32, #tpu.memory_space<vmem>>
        %dma_wait3A_243 = arith.constant 0 : i32
        %dma_wait3A_244 = arith.constant 0 : i32
        %dma_wait3A_245 = tpu.memref_slice %arg17[%dma_wait3A_243, %dma_wait3A_244] : memref<10240x32xf32, #tpu.memory_space<vmem_shared>> -> memref<10240x32xf32, #tpu.memory_space<vmem_shared>>
        tpu.wait_indirect_dma semaphore(%arg26 : memref<!tpu.dma_semaphore, #tpu.memory_space<semaphore_mem>>) src(%arg9 : memref<128x32xf32, #tpu.memory_space<vmem>>) dst(%dma_wait3A_245 : memref<10240x32xf32, #tpu.memory_space<vmem_shared>>)
        %lt3A = arith.constant 160 : i32
        %lt3A_246 = arith.cmpi slt, %add3A_237, %lt3A : i32
        %convert_element_type3A_247 = arith.extui %lt3A_246 : i1 to i32
        %cond3A_248 = arith.constant 0 : i32
        %cond3A_249 = arith.cmpi ne, %convert_element_type3A_247, %cond3A_248 : i32
        scf.if %cond3A_249 {
          %dma_start3A_370 = arith.constant 0 : i32
          %dma_start3A_371 = tpu.memref_slice %arg7[%add3A_237, %dma_start3A_370] : memref<160x128xi32, #tpu.memory_space<vmem>> -> memref<1x128xi32, #tpu.memory_space<vmem>>
          %dma_start3A_372 = tpu.memref_squeeze %dma_start3A_371 : memref<1x128xi32, #tpu.memory_space<vmem>> -> memref<128xi32, #tpu.memory_space<vmem>>
          %dma_start3A_373 = arith.constant 0 : i32
          %dma_start3A_374 = arith.constant 0 : i32
          %dma_start3A_375 = tpu.memref_slice %arg5[%dma_start3A_373, %dma_start3A_374] : memref<10240x32xf32, #tpu.memory_space<hbm>> -> memref<10240x32xf32, #tpu.memory_space<hbm>>
          tpu.enqueue_indirect_dma source(%dma_start3A_375 : memref<10240x32xf32, #tpu.memory_space<hbm>>) target(%arg9 : memref<128x32xf32, #tpu.memory_space<vmem>>) offsets(%dma_start3A_372 : memref<128xi32, #tpu.memory_space<vmem>>) semaphore(%arg18 : memref<!tpu.dma_semaphore, #tpu.memory_space<semaphore_mem>>)
        } else {
        }
        %add3A_250 = arith.constant 8 : i32
        %add3A_251 = arith.addi %mul3A_106, %add3A_250 : i32
        %add3A_252 = arith.constant 1 : i32
        %add3A_253 = arith.addi %add3A_251, %add3A_252 : i32
        %add3A_254 = arith.constant 1 : i32
        %add3A_255 = arith.addi %mul3A_106, %add3A_254 : i32
        %dma_wait3A_256 = arith.constant 0 : i32
        %dma_wait3A_257 = tpu.memref_slice %arg8[%add3A_255, %dma_wait3A_256] : memref<160x128xi32, #tpu.memory_space<vmem>> -> memref<1x128xi32, #tpu.memory_space<vmem>>
        %dma_wait3A_258 = tpu.memref_squeeze %dma_wait3A_257 : memref<1x128xi32, #tpu.memory_space<vmem>> -> memref<128xi32, #tpu.memory_space<vmem>>
        %dma_wait3A_259 = arith.constant 0 : i32
        %dma_wait3A_260 = arith.constant 0 : i32
        %dma_wait3A_261 = tpu.memref_slice %arg17[%dma_wait3A_259, %dma_wait3A_260] : memref<10240x32xf32, #tpu.memory_space<vmem_shared>> -> memref<10240x32xf32, #tpu.memory_space<vmem_shared>>
        tpu.wait_indirect_dma semaphore(%arg27 : memref<!tpu.dma_semaphore, #tpu.memory_space<semaphore_mem>>) src(%arg10 : memref<128x32xf32, #tpu.memory_space<vmem>>) dst(%dma_wait3A_261 : memref<10240x32xf32, #tpu.memory_space<vmem_shared>>)
        %lt3A_262 = arith.constant 160 : i32
        %lt3A_263 = arith.cmpi slt, %add3A_253, %lt3A_262 : i32
        %convert_element_type3A_264 = arith.extui %lt3A_263 : i1 to i32
        %cond3A_265 = arith.constant 0 : i32
        %cond3A_266 = arith.cmpi ne, %convert_element_type3A_264, %cond3A_265 : i32
        scf.if %cond3A_266 {
          %dma_start3A_370 = arith.constant 0 : i32
          %dma_start3A_371 = tpu.memref_slice %arg7[%add3A_253, %dma_start3A_370] : memref<160x128xi32, #tpu.memory_space<vmem>> -> memref<1x128xi32, #tpu.memory_space<vmem>>
          %dma_start3A_372 = tpu.memref_squeeze %dma_start3A_371 : memref<1x128xi32, #tpu.memory_space<vmem>> -> memref<128xi32, #tpu.memory_space<vmem>>
          %dma_start3A_373 = arith.constant 0 : i32
          %dma_start3A_374 = arith.constant 0 : i32
          %dma_start3A_375 = tpu.memref_slice %arg5[%dma_start3A_373, %dma_start3A_374] : memref<10240x32xf32, #tpu.memory_space<hbm>> -> memref<10240x32xf32, #tpu.memory_space<hbm>>
          tpu.enqueue_indirect_dma source(%dma_start3A_375 : memref<10240x32xf32, #tpu.memory_space<hbm>>) target(%arg10 : memref<128x32xf32, #tpu.memory_space<vmem>>) offsets(%dma_start3A_372 : memref<128xi32, #tpu.memory_space<vmem>>) semaphore(%arg19 : memref<!tpu.dma_semaphore, #tpu.memory_space<semaphore_mem>>)
        } else {
        }
        %add3A_267 = arith.constant 8 : i32
        %add3A_268 = arith.addi %mul3A_106, %add3A_267 : i32
        %add3A_269 = arith.constant 2 : i32
        %add3A_270 = arith.addi %add3A_268, %add3A_269 : i32
        %add3A_271 = arith.constant 2 : i32
        %add3A_272 = arith.addi %mul3A_106, %add3A_271 : i32
        %dma_wait3A_273 = arith.constant 0 : i32
        %dma_wait3A_274 = tpu.memref_slice %arg8[%add3A_272, %dma_wait3A_273] : memref<160x128xi32, #tpu.memory_space<vmem>> -> memref<1x128xi32, #tpu.memory_space<vmem>>
        %dma_wait3A_275 = tpu.memref_squeeze %dma_wait3A_274 : memref<1x128xi32, #tpu.memory_space<vmem>> -> memref<128xi32, #tpu.memory_space<vmem>>
        %dma_wait3A_276 = arith.constant 0 : i32
        %dma_wait3A_277 = arith.constant 0 : i32
        %dma_wait3A_278 = tpu.memref_slice %arg17[%dma_wait3A_276, %dma_wait3A_277] : memref<10240x32xf32, #tpu.memory_space<vmem_shared>> -> memref<10240x32xf32, #tpu.memory_space<vmem_shared>>
        tpu.wait_indirect_dma semaphore(%arg28 : memref<!tpu.dma_semaphore, #tpu.memory_space<semaphore_mem>>) src(%arg11 : memref<128x32xf32, #tpu.memory_space<vmem>>) dst(%dma_wait3A_278 : memref<10240x32xf32, #tpu.memory_space<vmem_shared>>)
        %lt3A_279 = arith.constant 160 : i32
        %lt3A_280 = arith.cmpi slt, %add3A_270, %lt3A_279 : i32
        %convert_element_type3A_281 = arith.extui %lt3A_280 : i1 to i32
        %cond3A_282 = arith.constant 0 : i32
        %cond3A_283 = arith.cmpi ne, %convert_element_type3A_281, %cond3A_282 : i32
        scf.if %cond3A_283 {
          %dma_start3A_370 = arith.constant 0 : i32
          %dma_start3A_371 = tpu.memref_slice %arg7[%add3A_270, %dma_start3A_370] : memref<160x128xi32, #tpu.memory_space<vmem>> -> memref<1x128xi32, #tpu.memory_space<vmem>>
          %dma_start3A_372 = tpu.memref_squeeze %dma_start3A_371 : memref<1x128xi32, #tpu.memory_space<vmem>> -> memref<128xi32, #tpu.memory_space<vmem>>
          %dma_start3A_373 = arith.constant 0 : i32
          %dma_start3A_374 = arith.constant 0 : i32
          %dma_start3A_375 = tpu.memref_slice %arg5[%dma_start3A_373, %dma_start3A_374] : memref<10240x32xf32, #tpu.memory_space<hbm>> -> memref<10240x32xf32, #tpu.memory_space<hbm>>
          tpu.enqueue_indirect_dma source(%dma_start3A_375 : memref<10240x32xf32, #tpu.memory_space<hbm>>) target(%arg11 : memref<128x32xf32, #tpu.memory_space<vmem>>) offsets(%dma_start3A_372 : memref<128xi32, #tpu.memory_space<vmem>>) semaphore(%arg20 : memref<!tpu.dma_semaphore, #tpu.memory_space<semaphore_mem>>)
        } else {
        }
        %add3A_284 = arith.constant 8 : i32
        %add3A_285 = arith.addi %mul3A_106, %add3A_284 : i32
        %add3A_286 = arith.constant 3 : i32
        %add3A_287 = arith.addi %add3A_285, %add3A_286 : i32
        %add3A_288 = arith.constant 3 : i32
        %add3A_289 = arith.addi %mul3A_106, %add3A_288 : i32
        %dma_wait3A_290 = arith.constant 0 : i32
        %dma_wait3A_291 = tpu.memref_slice %arg8[%add3A_289, %dma_wait3A_290] : memref<160x128xi32, #tpu.memory_space<vmem>> -> memref<1x128xi32, #tpu.memory_space<vmem>>
        %dma_wait3A_292 = tpu.memref_squeeze %dma_wait3A_291 : memref<1x128xi32, #tpu.memory_space<vmem>> -> memref<128xi32, #tpu.memory_space<vmem>>
        %dma_wait3A_293 = arith.constant 0 : i32
        %dma_wait3A_294 = arith.constant 0 : i32
        %dma_wait3A_295 = tpu.memref_slice %arg17[%dma_wait3A_293, %dma_wait3A_294] : memref<10240x32xf32, #tpu.memory_space<vmem_shared>> -> memref<10240x32xf32, #tpu.memory_space<vmem_shared>>
        tpu.wait_indirect_dma semaphore(%arg29 : memref<!tpu.dma_semaphore, #tpu.memory_space<semaphore_mem>>) src(%arg12 : memref<128x32xf32, #tpu.memory_space<vmem>>) dst(%dma_wait3A_295 : memref<10240x32xf32, #tpu.memory_space<vmem_shared>>)
        %lt3A_296 = arith.constant 160 : i32
        %lt3A_297 = arith.cmpi slt, %add3A_287, %lt3A_296 : i32
        %convert_element_type3A_298 = arith.extui %lt3A_297 : i1 to i32
        %cond3A_299 = arith.constant 0 : i32
        %cond3A_300 = arith.cmpi ne, %convert_element_type3A_298, %cond3A_299 : i32
        scf.if %cond3A_300 {
          %dma_start3A_370 = arith.constant 0 : i32
          %dma_start3A_371 = tpu.memref_slice %arg7[%add3A_287, %dma_start3A_370] : memref<160x128xi32, #tpu.memory_space<vmem>> -> memref<1x128xi32, #tpu.memory_space<vmem>>
          %dma_start3A_372 = tpu.memref_squeeze %dma_start3A_371 : memref<1x128xi32, #tpu.memory_space<vmem>> -> memref<128xi32, #tpu.memory_space<vmem>>
          %dma_start3A_373 = arith.constant 0 : i32
          %dma_start3A_374 = arith.constant 0 : i32
          %dma_start3A_375 = tpu.memref_slice %arg5[%dma_start3A_373, %dma_start3A_374] : memref<10240x32xf32, #tpu.memory_space<hbm>> -> memref<10240x32xf32, #tpu.memory_space<hbm>>
          tpu.enqueue_indirect_dma source(%dma_start3A_375 : memref<10240x32xf32, #tpu.memory_space<hbm>>) target(%arg12 : memref<128x32xf32, #tpu.memory_space<vmem>>) offsets(%dma_start3A_372 : memref<128xi32, #tpu.memory_space<vmem>>) semaphore(%arg21 : memref<!tpu.dma_semaphore, #tpu.memory_space<semaphore_mem>>)
        } else {
        }
        %add3A_301 = arith.constant 8 : i32
        %add3A_302 = arith.addi %mul3A_106, %add3A_301 : i32
        %add3A_303 = arith.constant 4 : i32
        %add3A_304 = arith.addi %add3A_302, %add3A_303 : i32
        %add3A_305 = arith.constant 4 : i32
        %add3A_306 = arith.addi %mul3A_106, %add3A_305 : i32
        %dma_wait3A_307 = arith.constant 0 : i32
        %dma_wait3A_308 = tpu.memref_slice %arg8[%add3A_306, %dma_wait3A_307] : memref<160x128xi32, #tpu.memory_space<vmem>> -> memref<1x128xi32, #tpu.memory_space<vmem>>
        %dma_wait3A_309 = tpu.memref_squeeze %dma_wait3A_308 : memref<1x128xi32, #tpu.memory_space<vmem>> -> memref<128xi32, #tpu.memory_space<vmem>>
        %dma_wait3A_310 = arith.constant 0 : i32
        %dma_wait3A_311 = arith.constant 0 : i32
        %dma_wait3A_312 = tpu.memref_slice %arg17[%dma_wait3A_310, %dma_wait3A_311] : memref<10240x32xf32, #tpu.memory_space<vmem_shared>> -> memref<10240x32xf32, #tpu.memory_space<vmem_shared>>
        tpu.wait_indirect_dma semaphore(%arg30 : memref<!tpu.dma_semaphore, #tpu.memory_space<semaphore_mem>>) src(%arg13 : memref<128x32xf32, #tpu.memory_space<vmem>>) dst(%dma_wait3A_312 : memref<10240x32xf32, #tpu.memory_space<vmem_shared>>)
        %lt3A_313 = arith.constant 160 : i32
        %lt3A_314 = arith.cmpi slt, %add3A_304, %lt3A_313 : i32
        %convert_element_type3A_315 = arith.extui %lt3A_314 : i1 to i32
        %cond3A_316 = arith.constant 0 : i32
        %cond3A_317 = arith.cmpi ne, %convert_element_type3A_315, %cond3A_316 : i32
        scf.if %cond3A_317 {
          %dma_start3A_370 = arith.constant 0 : i32
          %dma_start3A_371 = tpu.memref_slice %arg7[%add3A_304, %dma_start3A_370] : memref<160x128xi32, #tpu.memory_space<vmem>> -> memref<1x128xi32, #tpu.memory_space<vmem>>
          %dma_start3A_372 = tpu.memref_squeeze %dma_start3A_371 : memref<1x128xi32, #tpu.memory_space<vmem>> -> memref<128xi32, #tpu.memory_space<vmem>>
          %dma_start3A_373 = arith.constant 0 : i32
          %dma_start3A_374 = arith.constant 0 : i32
          %dma_start3A_375 = tpu.memref_slice %arg5[%dma_start3A_373, %dma_start3A_374] : memref<10240x32xf32, #tpu.memory_space<hbm>> -> memref<10240x32xf32, #tpu.memory_space<hbm>>
          tpu.enqueue_indirect_dma source(%dma_start3A_375 : memref<10240x32xf32, #tpu.memory_space<hbm>>) target(%arg13 : memref<128x32xf32, #tpu.memory_space<vmem>>) offsets(%dma_start3A_372 : memref<128xi32, #tpu.memory_space<vmem>>) semaphore(%arg22 : memref<!tpu.dma_semaphore, #tpu.memory_space<semaphore_mem>>)
        } else {
        }
        %add3A_318 = arith.constant 8 : i32
        %add3A_319 = arith.addi %mul3A_106, %add3A_318 : i32
        %add3A_320 = arith.constant 5 : i32
        %add3A_321 = arith.addi %add3A_319, %add3A_320 : i32
        %add3A_322 = arith.constant 5 : i32
        %add3A_323 = arith.addi %mul3A_106, %add3A_322 : i32
        %dma_wait3A_324 = arith.constant 0 : i32
        %dma_wait3A_325 = tpu.memref_slice %arg8[%add3A_323, %dma_wait3A_324] : memref<160x128xi32, #tpu.memory_space<vmem>> -> memref<1x128xi32, #tpu.memory_space<vmem>>
        %dma_wait3A_326 = tpu.memref_squeeze %dma_wait3A_325 : memref<1x128xi32, #tpu.memory_space<vmem>> -> memref<128xi32, #tpu.memory_space<vmem>>
        %dma_wait3A_327 = arith.constant 0 : i32
        %dma_wait3A_328 = arith.constant 0 : i32
        %dma_wait3A_329 = tpu.memref_slice %arg17[%dma_wait3A_327, %dma_wait3A_328] : memref<10240x32xf32, #tpu.memory_space<vmem_shared>> -> memref<10240x32xf32, #tpu.memory_space<vmem_shared>>
        tpu.wait_indirect_dma semaphore(%arg31 : memref<!tpu.dma_semaphore, #tpu.memory_space<semaphore_mem>>) src(%arg14 : memref<128x32xf32, #tpu.memory_space<vmem>>) dst(%dma_wait3A_329 : memref<10240x32xf32, #tpu.memory_space<vmem_shared>>)
        %lt3A_330 = arith.constant 160 : i32
        %lt3A_331 = arith.cmpi slt, %add3A_321, %lt3A_330 : i32
        %convert_element_type3A_332 = arith.extui %lt3A_331 : i1 to i32
        %cond3A_333 = arith.constant 0 : i32
        %cond3A_334 = arith.cmpi ne, %convert_element_type3A_332, %cond3A_333 : i32
        scf.if %cond3A_334 {
          %dma_start3A_370 = arith.constant 0 : i32
          %dma_start3A_371 = tpu.memref_slice %arg7[%add3A_321, %dma_start3A_370] : memref<160x128xi32, #tpu.memory_space<vmem>> -> memref<1x128xi32, #tpu.memory_space<vmem>>
          %dma_start3A_372 = tpu.memref_squeeze %dma_start3A_371 : memref<1x128xi32, #tpu.memory_space<vmem>> -> memref<128xi32, #tpu.memory_space<vmem>>
          %dma_start3A_373 = arith.constant 0 : i32
          %dma_start3A_374 = arith.constant 0 : i32
          %dma_start3A_375 = tpu.memref_slice %arg5[%dma_start3A_373, %dma_start3A_374] : memref<10240x32xf32, #tpu.memory_space<hbm>> -> memref<10240x32xf32, #tpu.memory_space<hbm>>
          tpu.enqueue_indirect_dma source(%dma_start3A_375 : memref<10240x32xf32, #tpu.memory_space<hbm>>) target(%arg14 : memref<128x32xf32, #tpu.memory_space<vmem>>) offsets(%dma_start3A_372 : memref<128xi32, #tpu.memory_space<vmem>>) semaphore(%arg23 : memref<!tpu.dma_semaphore, #tpu.memory_space<semaphore_mem>>)
        } else {
        }
        %add3A_335 = arith.constant 8 : i32
        %add3A_336 = arith.addi %mul3A_106, %add3A_335 : i32
        %add3A_337 = arith.constant 6 : i32
        %add3A_338 = arith.addi %add3A_336, %add3A_337 : i32
        %add3A_339 = arith.constant 6 : i32
        %add3A_340 = arith.addi %mul3A_106, %add3A_339 : i32
        %dma_wait3A_341 = arith.constant 0 : i32
        %dma_wait3A_342 = tpu.memref_slice %arg8[%add3A_340, %dma_wait3A_341] : memref<160x128xi32, #tpu.memory_space<vmem>> -> memref<1x128xi32, #tpu.memory_space<vmem>>
        %dma_wait3A_343 = tpu.memref_squeeze %dma_wait3A_342 : memref<1x128xi32, #tpu.memory_space<vmem>> -> memref<128xi32, #tpu.memory_space<vmem>>
        %dma_wait3A_344 = arith.constant 0 : i32
        %dma_wait3A_345 = arith.constant 0 : i32
        %dma_wait3A_346 = tpu.memref_slice %arg17[%dma_wait3A_344, %dma_wait3A_345] : memref<10240x32xf32, #tpu.memory_space<vmem_shared>> -> memref<10240x32xf32, #tpu.memory_space<vmem_shared>>
        tpu.wait_indirect_dma semaphore(%arg32 : memref<!tpu.dma_semaphore, #tpu.memory_space<semaphore_mem>>) src(%arg15 : memref<128x32xf32, #tpu.memory_space<vmem>>) dst(%dma_wait3A_346 : memref<10240x32xf32, #tpu.memory_space<vmem_shared>>)
        %lt3A_347 = arith.constant 160 : i32
        %lt3A_348 = arith.cmpi slt, %add3A_338, %lt3A_347 : i32
        %convert_element_type3A_349 = arith.extui %lt3A_348 : i1 to i32
        %cond3A_350 = arith.constant 0 : i32
        %cond3A_351 = arith.cmpi ne, %convert_element_type3A_349, %cond3A_350 : i32
        scf.if %cond3A_351 {
          %dma_start3A_370 = arith.constant 0 : i32
          %dma_start3A_371 = tpu.memref_slice %arg7[%add3A_338, %dma_start3A_370] : memref<160x128xi32, #tpu.memory_space<vmem>> -> memref<1x128xi32, #tpu.memory_space<vmem>>
          %dma_start3A_372 = tpu.memref_squeeze %dma_start3A_371 : memref<1x128xi32, #tpu.memory_space<vmem>> -> memref<128xi32, #tpu.memory_space<vmem>>
          %dma_start3A_373 = arith.constant 0 : i32
          %dma_start3A_374 = arith.constant 0 : i32
          %dma_start3A_375 = tpu.memref_slice %arg5[%dma_start3A_373, %dma_start3A_374] : memref<10240x32xf32, #tpu.memory_space<hbm>> -> memref<10240x32xf32, #tpu.memory_space<hbm>>
          tpu.enqueue_indirect_dma source(%dma_start3A_375 : memref<10240x32xf32, #tpu.memory_space<hbm>>) target(%arg15 : memref<128x32xf32, #tpu.memory_space<vmem>>) offsets(%dma_start3A_372 : memref<128xi32, #tpu.memory_space<vmem>>) semaphore(%arg24 : memref<!tpu.dma_semaphore, #tpu.memory_space<semaphore_mem>>)
        } else {
        }
        %add3A_352 = arith.constant 8 : i32
        %add3A_353 = arith.addi %mul3A_106, %add3A_352 : i32
        %add3A_354 = arith.constant 7 : i32
        %add3A_355 = arith.addi %add3A_353, %add3A_354 : i32
        %add3A_356 = arith.constant 7 : i32
        %add3A_357 = arith.addi %mul3A_106, %add3A_356 : i32
        %dma_wait3A_358 = arith.constant 0 : i32
        %dma_wait3A_359 = tpu.memref_slice %arg8[%add3A_357, %dma_wait3A_358] : memref<160x128xi32, #tpu.memory_space<vmem>> -> memref<1x128xi32, #tpu.memory_space<vmem>>
        %dma_wait3A_360 = tpu.memref_squeeze %dma_wait3A_359 : memref<1x128xi32, #tpu.memory_space<vmem>> -> memref<128xi32, #tpu.memory_space<vmem>>
        %dma_wait3A_361 = arith.constant 0 : i32
        %dma_wait3A_362 = arith.constant 0 : i32
        %dma_wait3A_363 = tpu.memref_slice %arg17[%dma_wait3A_361, %dma_wait3A_362] : memref<10240x32xf32, #tpu.memory_space<vmem_shared>> -> memref<10240x32xf32, #tpu.memory_space<vmem_shared>>
        tpu.wait_indirect_dma semaphore(%arg33 : memref<!tpu.dma_semaphore, #tpu.memory_space<semaphore_mem>>) src(%arg16 : memref<128x32xf32, #tpu.memory_space<vmem>>) dst(%dma_wait3A_363 : memref<10240x32xf32, #tpu.memory_space<vmem_shared>>)
        %lt3A_364 = arith.constant 160 : i32
        %lt3A_365 = arith.cmpi slt, %add3A_355, %lt3A_364 : i32
        %convert_element_type3A_366 = arith.extui %lt3A_365 : i1 to i32
        %cond3A_367 = arith.constant 0 : i32
        %cond3A_368 = arith.cmpi ne, %convert_element_type3A_366, %cond3A_367 : i32
        scf.if %cond3A_368 {
          %dma_start3A_370 = arith.constant 0 : i32
          %dma_start3A_371 = tpu.memref_slice %arg7[%add3A_355, %dma_start3A_370] : memref<160x128xi32, #tpu.memory_space<vmem>> -> memref<1x128xi32, #tpu.memory_space<vmem>>
          %dma_start3A_372 = tpu.memref_squeeze %dma_start3A_371 : memref<1x128xi32, #tpu.memory_space<vmem>> -> memref<128xi32, #tpu.memory_space<vmem>>
          %dma_start3A_373 = arith.constant 0 : i32
          %dma_start3A_374 = arith.constant 0 : i32
          %dma_start3A_375 = tpu.memref_slice %arg5[%dma_start3A_373, %dma_start3A_374] : memref<10240x32xf32, #tpu.memory_space<hbm>> -> memref<10240x32xf32, #tpu.memory_space<hbm>>
          tpu.enqueue_indirect_dma source(%dma_start3A_375 : memref<10240x32xf32, #tpu.memory_space<hbm>>) target(%arg16 : memref<128x32xf32, #tpu.memory_space<vmem>>) offsets(%dma_start3A_372 : memref<128xi32, #tpu.memory_space<vmem>>) semaphore(%arg25 : memref<!tpu.dma_semaphore, #tpu.memory_space<semaphore_mem>>)
        } else {
        }
        %scan3A_369 = arith.constant 0 : i32
        scf.yield %scan3A_369 : i32
      }
      %scan3A_102 = arith.constant 20 : i32
    } else {
    }
    %barrier3A_36 = arith.constant 0 : index
    tpu.barrier barrier_id(%barrier3A_36)
    %mul3A_37 = arith.constant 640 : i32
    %mul3A_38 = arith.muli %arg1, %mul3A_37 : i32
    %mul3A_39 = arith.constant 640 : i32
    %mul3A_40 = arith.muli %arg1, %mul3A_39 : i32
    "tpu.region"() ({
      %run_scoped3A = tpu.sem_alloc : memref<!tpu.dma_semaphore, #tpu.memory_space<semaphore_mem>>
      %dma_start3A = arith.constant 0 : i32
      %dma_start3A_41 = tpu.memref_slice %arg6[%arg0, %mul3A_40, %dma_start3A] : memref<2x10240x32xf32, #tpu.memory_space<hbm>> -> memref<1x640x32xf32, #tpu.memory_space<hbm>>
      %dma_start3A_42 = tpu.memref_squeeze %dma_start3A_41 : memref<1x640x32xf32, #tpu.memory_space<hbm>> -> memref<640x32xf32, #tpu.memory_space<hbm>>
      %dma_start3A_43 = arith.constant 0 : i32
      %dma_start3A_44 = tpu.memref_slice %arg17[%mul3A_38, %dma_start3A_43] : memref<10240x32xf32, #tpu.memory_space<vmem_shared>> -> memref<640x32xf32, #tpu.memory_space<vmem_shared>>
      tpu.enqueue_dma source(%dma_start3A_44 : memref<640x32xf32, #tpu.memory_space<vmem_shared>>) target(%dma_start3A_42 : memref<640x32xf32, #tpu.memory_space<hbm>>) target_semaphore(%run_scoped3A : memref<!tpu.dma_semaphore, #tpu.memory_space<semaphore_mem>>)
      %dma_wait3A = arith.constant 0 : i32
      %dma_wait3A_45 = tpu.memref_slice %arg6[%arg0, %mul3A_40, %dma_wait3A] : memref<2x10240x32xf32, #tpu.memory_space<hbm>> -> memref<1x640x32xf32, #tpu.memory_space<hbm>>
      %dma_wait3A_46 = tpu.memref_squeeze %dma_wait3A_45 : memref<1x640x32xf32, #tpu.memory_space<hbm>> -> memref<640x32xf32, #tpu.memory_space<hbm>>
      %dma_wait3A_47 = arith.constant 0 : i32
      %dma_wait3A_48 = tpu.memref_slice %arg17[%mul3A_38, %dma_wait3A_47] : memref<10240x32xf32, #tpu.memory_space<vmem_shared>> -> memref<640x32xf32, #tpu.memory_space<vmem_shared>>
      tpu.wait_dma2 semaphore(%run_scoped3A : memref<!tpu.dma_semaphore, #tpu.memory_space<semaphore_mem>>) src(%dma_wait3A_48 : memref<640x32xf32, #tpu.memory_space<vmem_shared>>) dst(%dma_wait3A_46 : memref<640x32xf32, #tpu.memory_space<hbm>>)
      tpu.yield
    }) : () -> ()
    return
  }
}

module attributes {stable_mosaic.version = 14 : i64} {
  func.func @body(%arg0: memref<10240x128xf32, #tpu.memory_space<vmem>>, %arg1: memref<128x32xf32, #tpu.memory_space<vmem>>, %arg2: memref<10240x32xf32, #tpu.memory_space<vmem>>) attributes {dimension_semantics = [], scalar_prefetch = 0 : i64, scratch_operands = 0 : i64, tpu.core_type = #tpu.core_type<tc>} {
    %get3A = arith.constant 0 : index
    %get3A_0 = arith.constant 0 : index
    %get3A_1 = vector.load %arg0[%get3A, %get3A_0] : memref<10240x128xf32, #tpu.memory_space<vmem>>, vector<10240x128xf32>
    %get3A_2 = arith.constant 0 : index
    %get3A_3 = arith.constant 0 : index
    %get3A_4 = vector.load %arg1[%get3A_2, %get3A_3] : memref<128x32xf32, #tpu.memory_space<vmem>>, vector<128x32xf32>
    %dot_general3A = arith.constant dense<0.000000e+00> : vector<10240x32xf32>
    %dot_general3A_5 = tpu.matmul %get3A_1, %get3A_4, %dot_general3A {dimension_numbers = #tpu.dot_dimension_numbers<[1], [0], [0], [1], [0, 0, 1, 1], [], []>, transpose_lhs_hint = false} : vector<10240x128xf32>, vector<128x32xf32>, vector<10240x32xf32> -> vector<10240x32xf32>
    %swap3A = arith.constant 0 : index
    %swap3A_6 = arith.constant 0 : index
    %swap3A_7 = vector.load %arg2[%swap3A, %swap3A_6] : memref<10240x32xf32, #tpu.memory_space<vmem>>, vector<10240x32xf32>
    tpu.vector_store %arg2[%swap3A, %swap3A_6], %dot_general3A_5 {strides = array<i32>} : memref<10240x32xf32, #tpu.memory_space<vmem>>, vector<10240x32xf32>,
    return
  }
}

module attributes {stable_mosaic.version = 14 : i64} {
  func.func @body(%arg0: memref<10240x32xf32, #tpu.memory_space<vmem>>, %arg1: memref<2x10240x1xf32, #tpu.memory_space<vmem>>, %arg2: memref<10240x1xf32, #tpu.memory_space<vmem>>, %arg3: memref<10240x32xf32, #tpu.memory_space<vmem>>) attributes {dimension_semantics = [], scalar_prefetch = 0 : i64, scratch_operands = 0 : i64, tpu.core_type = #tpu.core_type<tc>} {
    %get3A = arith.constant 0 : index
    %get3A_0 = arith.constant 0 : index
    %get3A_1 = arith.constant 0 : index
    %get3A_2 = vector.load %arg1[%get3A, %get3A_0, %get3A_1] : memref<2x10240x1xf32, #tpu.memory_space<vmem>>, vector<1x10240x1xf32>
    %get3A_3 = vector.shape_cast %get3A_2 : vector<1x10240x1xf32> to vector<10240x1xf32>
    %get3A_4 = arith.constant 1 : index
    %get3A_5 = arith.constant 0 : index
    %get3A_6 = arith.constant 0 : index
    %get3A_7 = vector.load %arg1[%get3A_4, %get3A_5, %get3A_6] : memref<2x10240x1xf32, #tpu.memory_space<vmem>>, vector<1x10240x1xf32>
    %get3A_8 = vector.shape_cast %get3A_7 : vector<1x10240x1xf32> to vector<10240x1xf32>
    %add3A = arith.addf %get3A_3, %get3A_8 : vector<10240x1xf32>
    %add3A_9 = arith.constant 1.000000e+00 : f32
    %add3A_10 = vector.broadcast %add3A_9 : f32 to vector<10240x1xf32>
    %add3A_11 = arith.addf %add3A, %add3A_10 : vector<10240x1xf32>
    %rsqrt3A = math.rsqrt %add3A_11 : vector<10240x1xf32>
    %swap3A = arith.constant 0 : index
    %swap3A_12 = arith.constant 0 : index
    %swap3A_13 = vector.load %arg2[%swap3A, %swap3A_12] : memref<10240x1xf32, #tpu.memory_space<vmem>>, vector<10240x1xf32>
    tpu.vector_store %arg2[%swap3A, %swap3A_12], %rsqrt3A {strides = array<i32>} : memref<10240x1xf32, #tpu.memory_space<vmem>>, vector<10240x1xf32>,
    %get3A_14 = arith.constant 0 : index
    %get3A_15 = arith.constant 0 : index
    %get3A_16 = vector.load %arg0[%get3A_14, %get3A_15] : memref<10240x32xf32, #tpu.memory_space<vmem>>, vector<10240x32xf32>
    %mul3A = vector.broadcast %rsqrt3A : vector<10240x1xf32> to vector<10240x32xf32>
    %mul3A_17 = arith.mulf %mul3A, %get3A_16 : vector<10240x32xf32>
    %swap3A_18 = arith.constant 0 : index
    %swap3A_19 = arith.constant 0 : index
    %swap3A_20 = vector.load %arg3[%swap3A_18, %swap3A_19] : memref<10240x32xf32, #tpu.memory_space<vmem>>, vector<10240x32xf32>
    tpu.vector_store %arg3[%swap3A_18, %swap3A_19], %mul3A_17 {strides = array<i32>} : memref<10240x32xf32, #tpu.memory_space<vmem>>, vector<10240x32xf32>,
    return
  }
}

module attributes {stable_mosaic.version = 14 : i64} {
  func.func @body(%arg0: memref<2x10240x16xf32, #tpu.memory_space<vmem>>, %arg1: memref<10240x32xf32, #tpu.memory_space<vmem>>, %arg2: memref<10240x1xf32, #tpu.memory_space<vmem>>, %arg3: memref<1x32xf32, #tpu.memory_space<vmem>>, %arg4: memref<10240x32xf32, #tpu.memory_space<vmem>>) attributes {dimension_semantics = [], scalar_prefetch = 0 : i64, scratch_operands = 0 : i64, tpu.core_type = #tpu.core_type<tc>} {
    %get3A = arith.constant 0 : index
    %get3A_0 = arith.constant 0 : index
    %get3A_1 = arith.constant 0 : index
    %get3A_2 = vector.load %arg0[%get3A, %get3A_0, %get3A_1] : memref<2x10240x16xf32, #tpu.memory_space<vmem>>, vector<1x10240x16xf32>
    %get3A_3 = vector.shape_cast %get3A_2 : vector<1x10240x16xf32> to vector<10240x16xf32>
    %get3A_4 = arith.constant 1 : index
    %get3A_5 = arith.constant 0 : index
    %get3A_6 = arith.constant 0 : index
    %get3A_7 = vector.load %arg0[%get3A_4, %get3A_5, %get3A_6] : memref<2x10240x16xf32, #tpu.memory_space<vmem>>, vector<1x10240x16xf32>
    %get3A_8 = vector.shape_cast %get3A_7 : vector<1x10240x16xf32> to vector<10240x16xf32>
    %concatenate3A = tpu.concatenate %get3A_3, %get3A_8 in 1 : vector<10240x16xf32>, vector<10240x16xf32> -> vector<10240x32xf32>
    %get3A_9 = arith.constant 0 : index
    %get3A_10 = arith.constant 0 : index
    %get3A_11 = vector.load %arg2[%get3A_9, %get3A_10] : memref<10240x1xf32, #tpu.memory_space<vmem>>, vector<10240x1xf32>
    %get3A_12 = arith.constant 0 : index
    %get3A_13 = arith.constant 0 : index
    %get3A_14 = vector.load %arg1[%get3A_12, %get3A_13] : memref<10240x32xf32, #tpu.memory_space<vmem>>, vector<10240x32xf32>
    %add3A = arith.addf %concatenate3A, %get3A_14 : vector<10240x32xf32>
    %mul3A = vector.broadcast %get3A_11 : vector<10240x1xf32> to vector<10240x32xf32>
    %mul3A_15 = arith.mulf %mul3A, %add3A : vector<10240x32xf32>
    %get3A_16 = arith.constant 0 : index
    %get3A_17 = arith.constant 0 : index
    %get3A_18 = vector.load %arg3[%get3A_16, %get3A_17] : memref<1x32xf32, #tpu.memory_space<vmem>>, vector<1x32xf32>
    %add3A_19 = vector.broadcast %get3A_18 : vector<1x32xf32> to vector<10240x32xf32>
    %add3A_20 = arith.addf %mul3A_15, %add3A_19 : vector<10240x32xf32>
    %max3A = arith.constant 0.000000e+00 : f32
    %max3A_21 = vector.broadcast %max3A : f32 to vector<10240x32xf32>
    %max3A_22 = arith.maximumf %add3A_20, %max3A_21 : vector<10240x32xf32>
    %get3A_23 = arith.constant 0 : index
    %get3A_24 = arith.constant 0 : index
    %get3A_25 = vector.load %arg2[%get3A_23, %get3A_24] : memref<10240x1xf32, #tpu.memory_space<vmem>>, vector<10240x1xf32>
    %mul3A_26 = vector.broadcast %get3A_25 : vector<10240x1xf32> to vector<10240x32xf32>
    %mul3A_27 = arith.mulf %mul3A_26, %max3A_22 : vector<10240x32xf32>
    %swap3A = arith.constant 0 : index
    %swap3A_28 = arith.constant 0 : index
    %swap3A_29 = vector.load %arg4[%swap3A, %swap3A_28] : memref<10240x32xf32, #tpu.memory_space<vmem>>, vector<10240x32xf32>
    tpu.vector_store %arg4[%swap3A, %swap3A_28], %mul3A_27 {strides = array<i32>} : memref<10240x32xf32, #tpu.memory_space<vmem>>, vector<10240x32xf32>,
    return
  }
}

module attributes {stable_mosaic.version = 14 : i64} {
  func.func @body(%arg0: memref<2x10240x16xf32, #tpu.memory_space<vmem>>, %arg1: memref<10240x32xf32, #tpu.memory_space<vmem>>, %arg2: memref<10240x1xf32, #tpu.memory_space<vmem>>, %arg3: memref<1x64xf32, #tpu.memory_space<vmem>>, %arg4: memref<32x64xf32, #tpu.memory_space<vmem>>, %arg5: memref<10240x64xf32, #tpu.memory_space<vmem>>) attributes {dimension_semantics = [], scalar_prefetch = 0 : i64, scratch_operands = 0 : i64, tpu.core_type = #tpu.core_type<tc>} {
    %get3A = arith.constant 0 : index
    %get3A_0 = arith.constant 0 : index
    %get3A_1 = arith.constant 0 : index
    %get3A_2 = vector.load %arg0[%get3A, %get3A_0, %get3A_1] : memref<2x10240x16xf32, #tpu.memory_space<vmem>>, vector<1x10240x16xf32>
    %get3A_3 = vector.shape_cast %get3A_2 : vector<1x10240x16xf32> to vector<10240x16xf32>
    %get3A_4 = arith.constant 1 : index
    %get3A_5 = arith.constant 0 : index
    %get3A_6 = arith.constant 0 : index
    %get3A_7 = vector.load %arg0[%get3A_4, %get3A_5, %get3A_6] : memref<2x10240x16xf32, #tpu.memory_space<vmem>>, vector<1x10240x16xf32>
    %get3A_8 = vector.shape_cast %get3A_7 : vector<1x10240x16xf32> to vector<10240x16xf32>
    %concatenate3A = tpu.concatenate %get3A_3, %get3A_8 in 1 : vector<10240x16xf32>, vector<10240x16xf32> -> vector<10240x32xf32>
    %get3A_9 = arith.constant 0 : index
    %get3A_10 = arith.constant 0 : index
    %get3A_11 = vector.load %arg2[%get3A_9, %get3A_10] : memref<10240x1xf32, #tpu.memory_space<vmem>>, vector<10240x1xf32>
    %get3A_12 = arith.constant 0 : index
    %get3A_13 = arith.constant 0 : index
    %get3A_14 = vector.load %arg1[%get3A_12, %get3A_13] : memref<10240x32xf32, #tpu.memory_space<vmem>>, vector<10240x32xf32>
    %add3A = arith.addf %concatenate3A, %get3A_14 : vector<10240x32xf32>
    %mul3A = vector.broadcast %get3A_11 : vector<10240x1xf32> to vector<10240x32xf32>
    %mul3A_15 = arith.mulf %mul3A, %add3A : vector<10240x32xf32>
    %get3A_16 = arith.constant 0 : index
    %get3A_17 = arith.constant 0 : index
    %get3A_18 = vector.load %arg4[%get3A_16, %get3A_17] : memref<32x64xf32, #tpu.memory_space<vmem>>, vector<32x64xf32>
    %dot_general3A = arith.constant dense<0.000000e+00> : vector<10240x64xf32>
    %dot_general3A_19 = tpu.matmul %mul3A_15, %get3A_18, %dot_general3A {dimension_numbers = #tpu.dot_dimension_numbers<[1], [0], [0], [1], [0, 0, 1, 1], [], []>, transpose_lhs_hint = false} : vector<10240x32xf32>, vector<32x64xf32>, vector<10240x64xf32> -> vector<10240x64xf32>
    %get3A_20 = arith.constant 0 : index
    %get3A_21 = arith.constant 0 : index
    %get3A_22 = vector.load %arg3[%get3A_20, %get3A_21] : memref<1x64xf32, #tpu.memory_space<vmem>>, vector<1x64xf32>
    %add3A_23 = vector.broadcast %get3A_22 : vector<1x64xf32> to vector<10240x64xf32>
    %add3A_24 = arith.addf %dot_general3A_19, %add3A_23 : vector<10240x64xf32>
    %max3A = arith.constant 0.000000e+00 : f32
    %max3A_25 = vector.broadcast %max3A : f32 to vector<10240x64xf32>
    %max3A_26 = arith.maximumf %add3A_24, %max3A_25 : vector<10240x64xf32>
    %get3A_27 = arith.constant 0 : index
    %get3A_28 = arith.constant 0 : index
    %get3A_29 = vector.load %arg2[%get3A_27, %get3A_28] : memref<10240x1xf32, #tpu.memory_space<vmem>>, vector<10240x1xf32>
    %mul3A_30 = vector.broadcast %get3A_29 : vector<10240x1xf32> to vector<10240x64xf32>
    %mul3A_31 = arith.mulf %mul3A_30, %max3A_26 : vector<10240x64xf32>
    %swap3A = arith.constant 0 : index
    %swap3A_32 = arith.constant 0 : index
    %swap3A_33 = vector.load %arg5[%swap3A, %swap3A_32] : memref<10240x64xf32, #tpu.memory_space<vmem>>, vector<10240x64xf32>
    tpu.vector_store %arg5[%swap3A, %swap3A_32], %mul3A_31 {strides = array<i32>} : memref<10240x64xf32, #tpu.memory_space<vmem>>, vector<10240x64xf32>,
    return
  }
}

module attributes {stable_mosaic.version = 14 : i64} {
  func.func @body(%arg0: i32, %arg1: memref<2x1024x32xf32, #tpu.memory_space<vmem>>, %arg2: memref<1024x64xf32, #tpu.memory_space<vmem>>, %arg3: memref<1024x1xf32, #tpu.memory_space<vmem>>, %arg4: memref<64x128xf32, #tpu.memory_space<vmem>>, %arg5: memref<1x128xf32, #tpu.memory_space<vmem>>, %arg6: memref<1x1024xi32, #tpu.memory_space<vmem>>, %arg7: memref<128x1024xf32, #tpu.memory_space<vmem>>, %arg8: memref<1x1024xf32, #tpu.memory_space<vmem>>, %arg9: memref<1024x512xf32, #tpu.memory_space<vmem>>, %arg10: memref<1x512xf32, #tpu.memory_space<vmem>>, %arg11: memref<512x4xf32, #tpu.memory_space<vmem>>, %arg12: memref<1x4xf32, #tpu.memory_space<vmem>>, %arg13: memref<64x4xf32, #tpu.memory_space<vmem>>, %arg14: memref<64x512xf32, #tpu.memory_space<vmem>>, %arg15: memref<64x1xf32, #tpu.memory_space<vmem>>) attributes {dimension_semantics = [#tpu.dimension_semantics<arbitrary>], iteration_bounds = array<i64: 10>, scalar_prefetch = 0 : i64, scratch_operands = 2 : i64, tpu.core_type = #tpu.core_type<tc>, window_params = [{transform_indices = @transform_0, window_bounds = array<i64: 2, 1024, 32>}, {transform_indices = @transform_1, window_bounds = array<i64: 1024, 64>}, {transform_indices = @transform_2, window_bounds = array<i64: 1024, 1>}, {pipeline_mode = #tpu.pipeline_mode<synchronous>, transform_indices = @transform_3, window_bounds = array<i64: 64, 128>}, {pipeline_mode = #tpu.pipeline_mode<synchronous>, transform_indices = @transform_4, window_bounds = array<i64: 1, 128>}, {transform_indices = @transform_5, window_bounds = array<i64: 1, 1024>}, {pipeline_mode = #tpu.pipeline_mode<synchronous>, transform_indices = @transform_6, window_bounds = array<i64: 128, 1024>}, {pipeline_mode = #tpu.pipeline_mode<synchronous>, transform_indices = @transform_7, window_bounds = array<i64: 1, 1024>}, {pipeline_mode = #tpu.pipeline_mode<synchronous>, transform_indices = @transform_8, window_bounds = array<i64: 1024, 512>}, {pipeline_mode = #tpu.pipeline_mode<synchronous>, transform_indices = @transform_9, window_bounds = array<i64: 1, 512>}, {pipeline_mode = #tpu.pipeline_mode<synchronous>, transform_indices = @transform_10, window_bounds = array<i64: 512, 4>}, {pipeline_mode = #tpu.pipeline_mode<synchronous>, transform_indices = @transform_11, window_bounds = array<i64: 1, 4>}, {pipeline_mode = #tpu.pipeline_mode<synchronous>, transform_indices = @transform_12, window_bounds = array<i64: 64, 4>}]} {
    %get3A = arith.constant 0 : index
    %get3A_0 = arith.constant 0 : index
    %get3A_1 = arith.constant 0 : index
    %get3A_2 = vector.load %arg1[%get3A, %get3A_0, %get3A_1] : memref<2x1024x32xf32, #tpu.memory_space<vmem>>, vector<1x1024x32xf32>
    %get3A_3 = vector.shape_cast %get3A_2 : vector<1x1024x32xf32> to vector<1024x32xf32>
    %get3A_4 = arith.constant 1 : index
    %get3A_5 = arith.constant 0 : index
    %get3A_6 = arith.constant 0 : index
    %get3A_7 = vector.load %arg1[%get3A_4, %get3A_5, %get3A_6] : memref<2x1024x32xf32, #tpu.memory_space<vmem>>, vector<1x1024x32xf32>
    %get3A_8 = vector.shape_cast %get3A_7 : vector<1x1024x32xf32> to vector<1024x32xf32>
    %concatenate3A = tpu.concatenate %get3A_3, %get3A_8 in 1 : vector<1024x32xf32>, vector<1024x32xf32> -> vector<1024x64xf32>
    %get3A_9 = arith.constant 0 : index
    %get3A_10 = arith.constant 0 : index
    %get3A_11 = vector.load %arg3[%get3A_9, %get3A_10] : memref<1024x1xf32, #tpu.memory_space<vmem>>, vector<1024x1xf32>
    %get3A_12 = arith.constant 0 : index
    %get3A_13 = arith.constant 0 : index
    %get3A_14 = vector.load %arg2[%get3A_12, %get3A_13] : memref<1024x64xf32, #tpu.memory_space<vmem>>, vector<1024x64xf32>
    %add3A = arith.addf %concatenate3A, %get3A_14 : vector<1024x64xf32>
    %mul3A = vector.broadcast %get3A_11 : vector<1024x1xf32> to vector<1024x64xf32>
    %mul3A_15 = arith.mulf %mul3A, %add3A : vector<1024x64xf32>
    %get3A_16 = arith.constant 0 : index
    %get3A_17 = arith.constant 0 : index
    %get3A_18 = vector.load %arg4[%get3A_16, %get3A_17] : memref<64x128xf32, #tpu.memory_space<vmem>>, vector<64x128xf32>
    %dot_general3A = arith.constant dense<0.000000e+00> : vector<1024x128xf32>
    %dot_general3A_19 = tpu.matmul %mul3A_15, %get3A_18, %dot_general3A {dimension_numbers = #tpu.dot_dimension_numbers<[1], [0], [0], [1], [0, 0, 1, 1], [], []>, transpose_lhs_hint = false} : vector<1024x64xf32>, vector<64x128xf32>, vector<1024x128xf32> -> vector<1024x128xf32>
    %get3A_20 = arith.constant 0 : index
    %get3A_21 = arith.constant 0 : index
    %get3A_22 = vector.load %arg5[%get3A_20, %get3A_21] : memref<1x128xf32, #tpu.memory_space<vmem>>, vector<1x128xf32>
    %add3A_23 = vector.broadcast %get3A_22 : vector<1x128xf32> to vector<1024x128xf32>
    %add3A_24 = arith.addf %dot_general3A_19, %add3A_23 : vector<1024x128xf32>
    %convert_element_type3A = arith.truncf %add3A_24 : vector<1024x128xf32> to vector<1024x128xbf16>
    %get3A_25 = arith.constant 0 : index
    %get3A_26 = arith.constant 0 : index
    %get3A_27 = vector.load %arg7[%get3A_25, %get3A_26] : memref<128x1024xf32, #tpu.memory_space<vmem>>, vector<128x1024xf32>
    %convert_element_type3A_28 = arith.truncf %get3A_27 : vector<128x1024xf32> to vector<128x1024xbf16>
    %dot_general3A_29 = arith.constant dense<0.000000e+00> : vector<1024x1024xf32>
    %dot_general3A_30 = tpu.matmul %convert_element_type3A, %convert_element_type3A_28, %dot_general3A_29 {dimension_numbers = #tpu.dot_dimension_numbers<[1], [0], [0], [1], [0, 0, 1, 1], [], []>, transpose_lhs_hint = false} : vector<1024x128xbf16>, vector<128x1024xbf16>, vector<1024x1024xf32> -> vector<1024x1024xf32>
    %get3A_31 = arith.constant 0 : index
    %get3A_32 = arith.constant 0 : index
    %get3A_33 = vector.load %arg8[%get3A_31, %get3A_32] : memref<1x1024xf32, #tpu.memory_space<vmem>>, vector<1x1024xf32>
    %add3A_34 = vector.broadcast %get3A_33 : vector<1x1024xf32> to vector<1024x1024xf32>
    %add3A_35 = arith.addf %dot_general3A_30, %add3A_34 : vector<1024x1024xf32>
    %max3A = arith.constant 0.000000e+00 : f32
    %max3A_36 = vector.broadcast %max3A : f32 to vector<1024x1024xf32>
    %max3A_37 = arith.maximumf %add3A_35, %max3A_36 : vector<1024x1024xf32>
    %convert_element_type3A_38 = arith.truncf %max3A_37 : vector<1024x1024xf32> to vector<1024x1024xbf16>
    %get3A_39 = arith.constant 0 : index
    %get3A_40 = arith.constant 0 : index
    %get3A_41 = vector.load %arg9[%get3A_39, %get3A_40] : memref<1024x512xf32, #tpu.memory_space<vmem>>, vector<1024x512xf32>
    %convert_element_type3A_42 = arith.truncf %get3A_41 : vector<1024x512xf32> to vector<1024x512xbf16>
    %dot_general3A_43 = arith.constant dense<0.000000e+00> : vector<1024x512xf32>
    %dot_general3A_44 = tpu.matmul %convert_element_type3A_38, %convert_element_type3A_42, %dot_general3A_43 {dimension_numbers = #tpu.dot_dimension_numbers<[1], [0], [0], [1], [0, 0, 1, 1], [], []>, transpose_lhs_hint = false} : vector<1024x1024xbf16>, vector<1024x512xbf16>, vector<1024x512xf32> -> vector<1024x512xf32>
    %get3A_45 = arith.constant 0 : index
    %get3A_46 = arith.constant 0 : index
    %get3A_47 = vector.load %arg10[%get3A_45, %get3A_46] : memref<1x512xf32, #tpu.memory_space<vmem>>, vector<1x512xf32>
    %add3A_48 = vector.broadcast %get3A_47 : vector<1x512xf32> to vector<1024x512xf32>
    %add3A_49 = arith.addf %dot_general3A_44, %add3A_48 : vector<1024x512xf32>
    %max3A_50 = arith.constant 0.000000e+00 : f32
    %max3A_51 = vector.broadcast %max3A_50 : f32 to vector<1024x512xf32>
    %max3A_52 = arith.maximumf %add3A_49, %max3A_51 : vector<1024x512xf32>
    %iota3A = tpu.iota {dimensions = array<i32: 0>} : vector<64x1024xi32>
    %get3A_53 = arith.constant 0 : index
    %get3A_54 = arith.constant 0 : index
    %get3A_55 = vector.load %arg6[%get3A_53, %get3A_54] : memref<1x1024xi32, #tpu.memory_space<vmem>>, vector<1x1024xi32>
    %broadcast_in_dim3A = vector.shape_cast %get3A_55 : vector<1x1024xi32> to vector<1x1024xi32>
    %broadcast_in_dim3A_56 = vector.broadcast %broadcast_in_dim3A : vector<1x1024xi32> to vector<64x1024xi32>
    %eq3A = arith.cmpi eq, %iota3A, %broadcast_in_dim3A_56 : vector<64x1024xi32>
    %convert_element_type3A_57 = arith.extui %eq3A : vector<64x1024xi1> to vector<64x1024xi32>
    %convert_element_type3A_58 = arith.sitofp %convert_element_type3A_57 : vector<64x1024xi32> to vector<64x1024xf32>
    %dot_general3A_59 = arith.constant dense<0.000000e+00> : vector<64x512xf32>
    %dot_general3A_60 = tpu.matmul %convert_element_type3A_58, %max3A_52, %dot_general3A_59 {dimension_numbers = #tpu.dot_dimension_numbers<[1], [0], [0], [1], [0, 0, 1, 1], [], []>, transpose_lhs_hint = false} : vector<64x1024xf32>, vector<1024x512xf32>, vector<64x512xf32> -> vector<64x512xf32>
    %reduce_sum3A = arith.constant dense<0.000000e+00> : vector<64xf32>
    %reduce_sum3A_61 = vector.multi_reduction <add>, %convert_element_type3A_58, %reduce_sum3A [1] : vector<64x1024xf32> to vector<64xf32>
    %broadcast_in_dim3A_62 = vector.shape_cast %reduce_sum3A_61 : vector<64xf32> to vector<64x1xf32>
    %eq3A_63 = arith.constant 0 : i32
    %eq3A_64 = arith.cmpi eq, %arg0, %eq3A_63 : i32
    %convert_element_type3A_65 = arith.extui %eq3A_64 : i1 to i32
    %cond3A = arith.constant 0 : i32
    %cond3A_66 = arith.cmpi ne, %convert_element_type3A_65, %cond3A : i32
    scf.if %cond3A_66 {
      %broadcast_in_dim3A_85 = arith.constant 0.000000e+00 : f32
      %broadcast_in_dim3A_86 = vector.broadcast %broadcast_in_dim3A_85 : f32 to vector<64x512xf32>
      %swap3A_87 = arith.constant 0 : index
      %swap3A_88 = arith.constant 0 : index
      %swap3A_89 = vector.load %arg14[%swap3A_87, %swap3A_88] : memref<64x512xf32, #tpu.memory_space<vmem>>, vector<64x512xf32>
      tpu.vector_store %arg14[%swap3A_87, %swap3A_88], %broadcast_in_dim3A_86 {strides = array<i32>} : memref<64x512xf32, #tpu.memory_space<vmem>>, vector<64x512xf32>,
      %broadcast_in_dim3A_90 = arith.constant 0.000000e+00 : f32
      %broadcast_in_dim3A_91 = vector.broadcast %broadcast_in_dim3A_90 : f32 to vector<64x1xf32>
      %swap3A_92 = arith.constant 0 : index
      %swap3A_93 = arith.constant 0 : index
      %swap3A_94 = vector.load %arg15[%swap3A_92, %swap3A_93] : memref<64x1xf32, #tpu.memory_space<vmem>>, vector<64x1xf32>
      tpu.vector_store %arg15[%swap3A_92, %swap3A_93], %broadcast_in_dim3A_91 {strides = array<i32>} : memref<64x1xf32, #tpu.memory_space<vmem>>, vector<64x1xf32>,
    } else {
    }
    %get3A_67 = arith.constant 0 : index
    %get3A_68 = arith.constant 0 : index
    %get3A_69 = vector.load %arg14[%get3A_67, %get3A_68] : memref<64x512xf32, #tpu.memory_space<vmem>>, vector<64x512xf32>
    %add3A_70 = arith.addf %get3A_69, %dot_general3A_60 : vector<64x512xf32>
    %swap3A = arith.constant 0 : index
    %swap3A_71 = arith.constant 0 : index
    %swap3A_72 = vector.load %arg14[%swap3A, %swap3A_71] : memref<64x512xf32, #tpu.memory_space<vmem>>, vector<64x512xf32>
    tpu.vector_store %arg14[%swap3A, %swap3A_71], %add3A_70 {strides = array<i32>} : memref<64x512xf32, #tpu.memory_space<vmem>>, vector<64x512xf32>,
    %get3A_73 = arith.constant 0 : index
    %get3A_74 = arith.constant 0 : index
    %get3A_75 = vector.load %arg15[%get3A_73, %get3A_74] : memref<64x1xf32, #tpu.memory_space<vmem>>, vector<64x1xf32>
    %add3A_76 = arith.addf %get3A_75, %broadcast_in_dim3A_62 : vector<64x1xf32>
    %swap3A_77 = arith.constant 0 : index
    %swap3A_78 = arith.constant 0 : index
    %swap3A_79 = vector.load %arg15[%swap3A_77, %swap3A_78] : memref<64x1xf32, #tpu.memory_space<vmem>>, vector<64x1xf32>
    tpu.vector_store %arg15[%swap3A_77, %swap3A_78], %add3A_76 {strides = array<i32>} : memref<64x1xf32, #tpu.memory_space<vmem>>, vector<64x1xf32>,
    %eq3A_80 = arith.constant 9 : i32
    %eq3A_81 = arith.cmpi eq, %arg0, %eq3A_80 : i32
    %convert_element_type3A_82 = arith.extui %eq3A_81 : i1 to i32
    %cond3A_83 = arith.constant 0 : i32
    %cond3A_84 = arith.cmpi ne, %convert_element_type3A_82, %cond3A_83 : i32
    scf.if %cond3A_84 {
      %get3A_85 = arith.constant 0 : index
      %get3A_86 = arith.constant 0 : index
      %get3A_87 = vector.load %arg14[%get3A_85, %get3A_86] : memref<64x512xf32, #tpu.memory_space<vmem>>, vector<64x512xf32>
      %get3A_88 = arith.constant 0 : index
      %get3A_89 = arith.constant 0 : index
      %get3A_90 = vector.load %arg15[%get3A_88, %get3A_89] : memref<64x1xf32, #tpu.memory_space<vmem>>, vector<64x1xf32>
      %max3A_91 = arith.constant 1.000000e+00 : f32
      %max3A_92 = vector.broadcast %max3A_91 : f32 to vector<64x1xf32>
      %max3A_93 = arith.maximumf %get3A_90, %max3A_92 : vector<64x1xf32>
      %div3A = vector.broadcast %max3A_93 : vector<64x1xf32> to vector<64x512xf32>
      %div3A_94 = arith.divf %get3A_87, %div3A : vector<64x512xf32>
      %get3A_95 = arith.constant 0 : index
      %get3A_96 = arith.constant 0 : index
      %get3A_97 = vector.load %arg11[%get3A_95, %get3A_96] : memref<512x4xf32, #tpu.memory_space<vmem>>, vector<512x4xf32>
      %dot_general3A_98 = arith.constant dense<0.000000e+00> : vector<64x4xf32>
      %dot_general3A_99 = tpu.matmul %div3A_94, %get3A_97, %dot_general3A_98 {dimension_numbers = #tpu.dot_dimension_numbers<[1], [0], [0], [1], [0, 0, 1, 1], [], []>, transpose_lhs_hint = false} : vector<64x512xf32>, vector<512x4xf32>, vector<64x4xf32> -> vector<64x4xf32>
      %get3A_100 = arith.constant 0 : index
      %get3A_101 = arith.constant 0 : index
      %get3A_102 = vector.load %arg12[%get3A_100, %get3A_101] : memref<1x4xf32, #tpu.memory_space<vmem>>, vector<1x4xf32>
      %add3A_103 = vector.broadcast %get3A_102 : vector<1x4xf32> to vector<64x4xf32>
      %add3A_104 = arith.addf %dot_general3A_99, %add3A_103 : vector<64x4xf32>
      %swap3A_105 = arith.constant 0 : index
      %swap3A_106 = arith.constant 0 : index
      %swap3A_107 = vector.load %arg13[%swap3A_105, %swap3A_106] : memref<64x4xf32, #tpu.memory_space<vmem>>, vector<64x4xf32>
      tpu.vector_store %arg13[%swap3A_105, %swap3A_106], %add3A_104 {strides = array<i32>} : memref<64x4xf32, #tpu.memory_space<vmem>>, vector<64x4xf32>,
    } else {
    }
    return
  }
  func.func @transform_0(%arg0: i32) -> (i32, i32, i32) {
    %c0_i32 = arith.constant 0 : i32
    %c0_i32_0 = arith.constant 0 : i32
    %c0_i32_1 = arith.constant 0 : i32
    return %c0_i32, %arg0, %c0_i32_0 : i32, i32, i32
  }
  func.func @transform_1(%arg0: i32) -> (i32, i32) {
    %c0_i32 = arith.constant 0 : i32
    %c0_i32_0 = arith.constant 0 : i32
    return %arg0, %c0_i32 : i32, i32
  }
  func.func @transform_2(%arg0: i32) -> (i32, i32) {
    %c0_i32 = arith.constant 0 : i32
    %c0_i32_0 = arith.constant 0 : i32
    return %arg0, %c0_i32 : i32, i32
  }
  func.func @transform_3(%arg0: i32) -> (i32, i32) {
    %c0_i32 = arith.constant 0 : i32
    %c0_i32_0 = arith.constant 0 : i32
    %c0_i32_1 = arith.constant 0 : i32
    return %c0_i32, %c0_i32_0 : i32, i32
  }
  func.func @transform_4(%arg0: i32) -> (i32, i32) {
    %c0_i32 = arith.constant 0 : i32
    %c0_i32_0 = arith.constant 0 : i32
    %c0_i32_1 = arith.constant 0 : i32
    return %c0_i32, %c0_i32_0 : i32, i32
  }
  func.func @transform_5(%arg0: i32) -> (i32, i32) {
    %c0_i32 = arith.constant 0 : i32
    %c0_i32_0 = arith.constant 0 : i32
    return %c0_i32, %arg0 : i32, i32
  }
  func.func @transform_6(%arg0: i32) -> (i32, i32) {
    %c0_i32 = arith.constant 0 : i32
    %c0_i32_0 = arith.constant 0 : i32
    %c0_i32_1 = arith.constant 0 : i32
    return %c0_i32, %c0_i32_0 : i32, i32
  }
  func.func @transform_7(%arg0: i32) -> (i32, i32) {
    %c0_i32 = arith.constant 0 : i32
    %c0_i32_0 = arith.constant 0 : i32
    %c0_i32_1 = arith.constant 0 : i32
    return %c0_i32, %c0_i32_0 : i32, i32
  }
  func.func @transform_8(%arg0: i32) -> (i32, i32) {
    %c0_i32 = arith.constant 0 : i32
    %c0_i32_0 = arith.constant 0 : i32
    %c0_i32_1 = arith.constant 0 : i32
    return %c0_i32, %c0_i32_0 : i32, i32
  }
  func.func @transform_9(%arg0: i32) -> (i32, i32) {
    %c0_i32 = arith.constant 0 : i32
    %c0_i32_0 = arith.constant 0 : i32
    %c0_i32_1 = arith.constant 0 : i32
    return %c0_i32, %c0_i32_0 : i32, i32
  }
  func.func @transform_10(%arg0: i32) -> (i32, i32) {
    %c0_i32 = arith.constant 0 : i32
    %c0_i32_0 = arith.constant 0 : i32
    %c0_i32_1 = arith.constant 0 : i32
    return %c0_i32, %c0_i32_0 : i32, i32
  }
  func.func @transform_11(%arg0: i32) -> (i32, i32) {
    %c0_i32 = arith.constant 0 : i32
    %c0_i32_0 = arith.constant 0 : i32
    %c0_i32_1 = arith.constant 0 : i32
    return %c0_i32, %c0_i32_0 : i32, i32
  }
  func.func @transform_12(%arg0: i32) -> (i32, i32) {
    %c0_i32 = arith.constant 0 : i32
    %c0_i32_0 = arith.constant 0 : i32
    %c0_i32_1 = arith.constant 0 : i32
    return %c0_i32, %c0_i32_0 : i32, i32
  }
}

</mosaic_0001>

<sc_bundles>
// kernel: kernel.11.cloned.1.call-start
scs
__scs_entry_jumppad:
0x0: {  	(pc) =	sbr.rel $0x88, $3  }
0x1: {  	(tag) =	ssettag $0x0;
	lr =	simm.s32 $0x1  }
0x2: {  	[smem:$0x3F92] =	sst lr;
	_ =	strace $0xD0000000  }
0x3: {  	_ = 	snop  }
0x4: {  	_ = 	snop  }
0x5: {  	_ = 	snop  }
0x6: {  	_ = 	snop  }
0x7: {  	_ = 	snop  }
__scs_overlays_trampoline_lowered:
0x8: {  	[smem:$0x3FA1] =	sst s0  }
0x9: {  	[smem:$0x3FA2] =	sst s1  }
0xa: {  	[smem:$0x3FA3] =	sst s2  }
0xb: {  	[smem:$0x3FA4] =	sst s3  }
0xc: {  	[smem:$0x3FA5] =	sst s4  }
0xd: {  	[smem:$0x3FA6] =	sst s5  }
0xe: {  	[smem:$0x3FA7] =	sst s6  }
0xf: {  	[smem:$0x3FA8] =	sst s7  }
0x10: {  	[smem:$0x3FA9] =	sst s8  }
0x11: {  	[smem:$0x3FAA] =	sst s9;
	s0 =	simm.s32 @!p0 $0x0  }
0x12: {  	s1 =	sld [smem:$0x3F90];
	s0 =	simm.s32 @p0 $0x1  }
0x13: {  	[smem:$0x3FAB] =	sst s0;
	s0 =	simm.s32 @!p1 $0x0  }
0x14: {  	s2 =	sld [smem:$0x3F8F];
	s0 =	simm.s32 @p1 $0x1  }
0x15: {  	[smem:$0x3FAC] =	sst s0;
	s0 =	simm.s32 @!p2 $0x0  }
0x16: {  	s3 =	sld [smem:$0x3FDB];
	s0 =	simm.s32 @p2 $0x1  }
0x17: {  	s4 =	simm.s32 $0x1BF5;
	[smem:$0x3FAE] =	sst s0  }
0x18: {  	s0 =	sld [smem:$0x3F91];
	_ =	swait.ge [sflag:s4], $0x0  }
0x19: {  	s7 =	sld [smem:$0x3F92]  }
0x1a: {  	s8 =	sadd.s32 $0xFFFFE003, lr  }
0x1b: {  	s9 =	sadd.s32 $0xFFFFFEF7, lr;
	s5 =	simm.s32 $0xFFFFFFFF;
	p2 =	slt.u32 s8, $0xFFFFF086  }
0x1c: {  	p1 =	slt.u32 s9, $0xF7A;
	s5 =	simm.s32 @!p2 $0x0  }
0x1d: {  	s5 =	simm.s32 @p1 $0x1;
	p0 =	seq.s32 s7, s2  }
0x1e: {  	s7 =	smul.u32 @!p0 $0xF7A, s2;
	p2 =	seq.s32 @!p0 s5, $0x0  }
0x1f: {  	s9 =	smul.u32 $0xF7A, s1;
	s8 =	simm.s32 @!p0 $0x1BF5;
	p2 =	por !p2, p0  }
0x20: {  	[sflag:s8] =	ssyncset.s32 @!p0 $0xFFFFF086;
	s6 =	sadd.s32 @!p0 s3, s7;
	s7 =	simm.s32 @!p0 $0x108  }
0x21: {  	s3 =	sadd.s32 s3, s9;
	s6 =	sadd.s32 @!p0 $0x88, s6;
	s7 =	simm.s32 @p2 $0x1082  }
0x22: {  	[simem:s7], [sflag:s8] =	dma.local @!p0 [hbm:s6], $0xF7A  }
0x23: {  	s9 =	sor.u32 $0xD0000000, s2;
	s6 =	simm.s32 $0x108;
	_ =	swait.ge @!p0 [sflag:s8], $0x0  }
0x24: {  	s3 =	sadd.s32 $0x88, s3;
	s6 =	simm.s32 @!p1 $0x1082;
	[sflag:s4] =	ssyncset.s32 $0xFFFFF086  }
0x25: {  	[simem:s6], [sflag:s4] =	dma.local [hbm:s3], $0xF7A  }
0x26: {  	[smem:$0x3F92] =	sst s1;
	(tag) =	ssettag s2;
	_ =	strace s9  }
0x27: {  	s1 =	sld [smem:$0x3FA2]  }
0x28: {  	s2 =	sld [smem:$0x3FA3]  }
0x29: {  	s4 =	sld [smem:$0x3FA5]  }
0x2a: {  	p0 =	seq.s32 s5, $0x0;
	s5 =	sld [smem:$0x3FA6]  }
0x2b: {  	s6 =	sld [smem:$0x3FA7]  }
0x2c: {  	s7 =	sld [smem:$0x3FA8]  }
0x2d: {  	s3 =	simm.s32 $0x108;
	s8 =	sld [smem:$0x3FA9]  }
0x2e: {  	s3 =	simm.s32 @!p0 $0x1082;
	s9 =	sld [smem:$0x3FAA]  }
0x2f: {  	lr =	sadd.s32 s0, s3;
	s0 =	sld [smem:$0x3FA1]  }
0x30: {  	s3 =	sld [smem:$0x3FA4]  }
0x31: {  	[smem:$0x3FAD] =	sst s10  }
0x32: {  	s10 =	sld [smem:$0x3FAB];
	_ =	sdelay $0x3  }
0x33: {  	p0 =	seq.s32 s10, $0x1;
	s10 =	sld [smem:$0x3FAD];
	_ =	sdelay $0x3  }
0x34: {  	[smem:$0x3FAD] =	sst s10  }
0x35: {  	s10 =	sld [smem:$0x3FAC];
	_ =	sdelay $0x3  }
0x36: {  	p1 =	seq.s32 s10, $0x1;
	s10 =	sld [smem:$0x3FAD];
	_ =	sdelay $0x3  }
0x37: {  	[smem:$0x3FAD] =	sst s10  }
0x38: {  	s10 =	sld [smem:$0x3FAE]  }
0x39: {  	_ = 	snop;
	(pc) =	sbr.ind lr, $3  }
0x3a: {  	_ = 	snop  }
0x3b: {  	_ = 	snop  }
0x3c: {  	p2 =	seq.s32 s10, $0x1;
	s10 =	sld [smem:$0x3FAD]  }
0x3d: {  	_ =	shalt  }
0x3e: {  	_ =	shalt  }
0x3f: {  	_ =	shalt  }
0x40: {  	_ =	shalt  }
0x41: {  	_ =	shalt  }
0x42: {  	_ =	shalt  }
0x43: {  	_ =	shalt  }
0x44: {  	_ =	shalt  }
0x45: {  	_ =	shalt  }
0x46: {  	_ =	shalt  }
0x47: {  	_ =	shalt  }
0x48: {  	_ =	shalt  }
0x49: {  	_ =	shalt  }
0x4a: {  	_ =	shalt  }
0x4b: {  	_ =	shalt  }
0x4c: {  	_ =	shalt  }
0x4d: {  	_ =	shalt  }
0x4e: {  	_ =	shalt  }
0x4f: {  	_ =	shalt  }
0x50: {  	_ =	shalt  }
0x51: {  	_ =	shalt  }
0x52: {  	_ =	shalt  }
0x53: {  	_ =	shalt  }
0x54: {  	_ =	shalt  }
0x55: {  	_ =	shalt  }
0x56: {  	_ =	shalt  }
0x57: {  	_ =	shalt  }
0x58: {  	_ =	shalt  }
0x59: {  	_ =	shalt  }
0x5a: {  	_ =	shalt  }
0x5b: {  	_ =	shalt  }
0x5c: {  	_ =	shalt  }
0x5d: {  	_ =	shalt  }
0x5e: {  	_ =	shalt  }
0x5f: {  	_ =	shalt  }
0x60: {  	_ =	shalt  }
0x61: {  	_ =	shalt  }
0x62: {  	_ =	shalt  }
0x63: {  	_ =	shalt  }
0x64: {  	_ =	shalt  }
0x65: {  	_ =	shalt  }
0x66: {  	_ =	shalt  }
0x67: {  	_ =	shalt  }
0x68: {  	_ =	shalt  }
0x69: {  	_ =	shalt  }
0x6a: {  	_ =	shalt  }
0x6b: {  	_ =	shalt  }
0x6c: {  	_ =	shalt  }
0x6d: {  	_ =	shalt  }
0x6e: {  	_ =	shalt  }
0x6f: {  	_ =	shalt  }
0x70: {  	_ =	shalt  }
0x71: {  	_ =	shalt  }
0x72: {  	_ =	shalt  }
0x73: {  	_ =	shalt  }
0x74: {  	_ =	shalt  }
0x75: {  	_ =	shalt  }
0x76: {  	_ =	shalt  }
0x77: {  	_ =	shalt  }
0x78: {  	_ =	shalt  }
0x79: {  	_ =	shalt  }
0x7a: {  	_ =	shalt  }
0x7b: {  	_ =	shalt  }
0x7c: {  	_ =	shalt  }
0x7d: {  	_ =	shalt  }
0x7e: {  	_ =	shalt  }
0x7f: {  	_ =	shalt  }
0x80: {  	_ =	shalt  }
0x81: {  	_ =	shalt  }
0x82: {  	_ =	shalt  }
0x83: {  	_ =	shalt  }
0x84: {  	_ =	shalt  }
0x85: {  	_ =	shalt  }
0x86: {  	_ =	shalt  }
0x87: {  	_ =	shalt  }
.Lfunc_end0:
.L_simem_size_0:
called_computation_lowered:
.L_overlay_start_0:
0x88: {  	s2 =	sld [smem:$0x3FD9]  }
0x89: {  	s3 =	sld [smem:$0x3FFE];
	_ =	sdelay $0x1  }
0x8a: {  	s1 =	srdreg.scid  }
0x8b: {  	s0 =	sand.u32 $0x1, s1  }
0x8c: {  	s16 =	sshll.u32 s0, $0xA;
	s2 =	sadd.s32 s3, s2  }
0x8d: {  	s2 =	sadd.s32 s2, s16  }
0x8e: {  	[smem:$0x3FB9] =	sst s2  }
0x8f: {  	_ = 	snop  }
0x90: {  	(tm) =	ssettm $0x1  }
0x91: {  	s17 =	sld [smem:$0x3FFB];
	_ =	sdelay $0x3  }
0x92: {  	_ =	strace s17  }
0x93: {  	s2 =	sld [smem:$0x3FFC];
	_ =	sdelay $0x3  }
0x94: {  	_ =	strace s2  }
0x95: {  	s2 =	sld [smem:$0x3FFD];
	_ =	sdelay $0x3  }
0x96: {  	_ =	strace s2  }
0x97: {  	_ =	strace $0x8FFFFFFF  }
0x98: {  	s18 =	sld [smem:$0x3FDB];
	_ =	sdelay $0x1  }
0x99: {  	s19 =	simm.s32 $_scs_section_size  }
0x9a: {  	s4 =	simm.s32 $_size__tile_overlayer_lowered;
	s5 =	simm.s32 $_tile_overlayer_lowered  }
0x9b: {  	s22 =	simm.s32 $0x1BFF;
	s21 =	sshll.u32 s5, $0x1;
	s2 =	sadd.s32 s19, s18  }
0x9c: {  	s6 =	simm.s32 $0x0;
	s20 =	sshll.u32 s4, $0x1;
	s4 =	sadd.s32 s21, s2  }
0x9d: {  	[timem:s6], [sflag:s22] =	dma.local [hbm:s4], s20  }
0x9e: {  	_ =	swait.ge [sflag:s22], s20  }
0x9f: {  	s3 =	ssub.s32 $0x0, s20;
	[sflag:s22] =	ssyncset.done $0x0  }
0xa0: {  	[sflag:s22] =	ssyncadd.s32 s3;
	_ =	sdelay $0x1  }
0xa1: {  	s23 =	simm.s32 $0x1B8B  }
0xa2: {  	_ =	swait.ge [sflag:s23], $0x1  }
0xa3: {  	[sflag:s23] =	ssyncset.done $0x0  }
0xa4: {  	s25 =	simm.s32 $0x1B8E;
	s24 =	sld [smem:$0x3FFE];
	[sflag:s23] =	ssyncadd.s32 $0xFFFFFFFF  }
0xa5: {  	s26 =	simm.s32 $execute0_lowered;
	[smem:$0x3FD2] =	sst s25  }
0xa6: {  	s4 =	sshll.u32 s26, $0x1;
	_ =	strace $0x80000046;
	[dreg:$0x1] =	wrdreg $0xFFFFFFFF  }
0xa7: {  	s28 =	simm.s32 $_size_execute0_lowered;
	s2 =	sadd.s32 s2, s4;
	[dreg:$0x0] =	wrdreg $0x0  }
0xa8: {  	s4 =	sshll.u32 s28, $0x1;
	[dreg:$0x2] =	wrdreg s2  }
0xa9: {  	[dreg:$0x3] =	wrdreg s4  }
0xaa: {  	[dreg:$0x4] =	wrdreg $0xC0  }
0xab: {  	_ =	task [dreg:s6], $0x5FFFF  }
0xac: {  	[dreg:$0x1] =	wrdreg $0xFFFFFFFF  }
0xad: {  	[dreg:$0x0] =	wrdreg $0x60  }
0xae: {  	[dreg:$0x2] =	wrdreg s24  }
0xaf: {  	[dreg:$0x3] =	wrdreg $0x2B000  }
0xb0: {  	[dreg:$0x4] =	wrdreg $0x9  }
0xb1: {  	_ =	task.clear_ibuf [dreg:s6], $0x5FFFF;
	_ =	strace $0x90000046  }
0xb2: {  	s29 =	simm.s32 $0x9;
	_ =	strace $0x80000048  }
0xb3: {  	_ =	swait.ge [sflag:s29], $0x1  }
0xb4: {  	[sflag:s29] =	ssyncadd.s32 $0xFFFFFFFF  }
0xb5: {  	_ =	strace $0x90000048  }
0xb6: {  	_ =	sfence  }
0xb7: {  	s30 =	sld [smem:$0x0];
	_ =	sdelay $0x2  }
0xb8: {  	s31 =	sshll.u32 s1, $0xD;
	s1 =	sshrl.u32 s1, $0x2  }
0xb9: {  	s3 =	sand.u32 $0x4000, s31;
	s1 =	sadd.s32 s1, s30  }
0xba: {  	s0 =	sor.u32 s3, s0;
	s1 =	sshll.u32 s1, $0x11  }
0xbb: {  	s0 =	sor.u32 s1, s0  }
0xbc: {  	s0 =	sadd.s32 $0x8F2B, s0  }
0xbd: {  	[sflag:s0] =	ssyncadd.remote.s32 $0x1  }
0xbe: {  	_ =	sfence.sel $0xFFFF  }
0xbf: {  	[dreg:$0x0] =	wrdreg $0xFFFFFFFF;
	(pc) =	sbr.abs _section_cstart, $3  }
0xc0: {  	[dreg:$0x1] =	wrdreg $0xFFFFFFFF  }
0xc1: {  	_ =	task.clear_ibuf [dreg:s6], $0x2FFFF;
	_ =	strace $0x9FFFFFFF  }
0xc2: {  	(tm) =	ssettm $0x7FFFFFFF  }
0xc3: {  	_ =	shalt  }
tec
execute0_lowered:
.L_overlay_start_1:
0x0: {  	(tag) =	ssettag $0x1  }
0x1: {  	s4 =	rddreg [dreg:$0x0]  }
0x2: {  	s2 =	rddreg [dreg:$0x1]  }
0x3: {  	s0 =	rddreg [dreg:$0x2];
	s3 =	srdreg.scid  }
0x4: {  	s1 =	stileid.u32;
	s10 =	simm.s32 $0x80;
	s11 =	simm.s32 $0x2800  }
0x5: {  	s12 =	simm.s32 $0x1;
	s15 =	simm.s32 $0x0;
	s5 =	sand.u32 $0x1, s3  }
0x6: {  	s6 =	sshll.u32 s1, $0x1;
	s7 =	smul.u32 $0x280, s1;
	s3 =	simm.s32 $0x0  }
0x7: {  	s13 =	sshll.u32 s1, $0x6;
	s6 =	sor.u32 s5, s6;
	s8 =	smul.u32 $0x2800, s5  }
0x8: {  	[smem:$0x7FF] =	sst s3;
	s5 =	ssub.s32 $0x2, s5;
	s13 =	sor.u32 $0x1C02, s13  }
0x9: {  	s6 =	smul.u32 $0x500, s6;
	s9 =	sshrl.u32 s5, $0x1;
	s8 =	sadd.s32 s7, s8  }
0xa: {  	_ =	strace $0x80000047;
	s9 =	ssub.s32 s5, s9;
	s8 =	sshrl.u32 s8, $0x3  }
0xb: {  	s6 =	sadd.s32 s6, s4;
	s8 =	sadd.s32 s8, s4;
	s4 =	sadd.s32 s7, s2  }
0xc: {  	s5 =	sadd.s32 $0x3C00, s6;
	s7 =	smax.u32 s9, $0x1;
	s9 =	simm.s32 $0x2  }
0xd: {  	v0 =	vimm.f32 $1.000000000e+00;
	v1 =	vimm.f32 $0.0e+00;
	s6 =	sadd.s32 $0x17C00, s8;
	s8 =	simm.s32 $0x2880;
	s14 =	sshrl.u32 s4, $0x3  }
.LBB2_1:
0xe: {  	[tilespmem:$0x2800] =	vst v0  }
0xf: {  	[tilespmem:$0x2810] =	vst v0  }
0x10: {  	[tilespmem:$0x2820] =	vst v0  }
0x11: {  	[tilespmem:$0x2830] =	vst v0  }
0x12: {  	[tilespmem:$0x2840] =	vst v0  }
0x13: {  	[tilespmem:$0x2850] =	vst v0  }
0x14: {  	[tilespmem:$0x2860] =	vst v0  }
0x15: {  	[tilespmem:$0x2870] =	vst v0  }
0x16: {  	[tilespmem:$0x2880] =	vst v1  }
0x17: {  	[tilespmem:$0x2890] =	vst v1  }
0x18: {  	[tilespmem:$0x28A0] =	vst v1  }
0x19: {  	[tilespmem:$0x28B0] =	vst v1  }
0x1a: {  	[tilespmem:$0x28C0] =	vst v1  }
0x1b: {  	[tilespmem:$0x28D0] =	vst v1  }
0x1c: {  	[tilespmem:$0x28E0] =	vst v1  }
0x1d: {  	[tilespmem:$0x28F0] =	vst v1  }
0x1e: {  	[tilespmem:$0x2900] =	vst v1  }
0x1f: {  	[tilespmem:$0x2910] =	vst v1  }
0x20: {  	[tilespmem:$0x2920] =	vst v1  }
0x21: {  	[tilespmem:$0x2930] =	vst v1  }
0x22: {  	[tilespmem:$0x2940] =	vst v1  }
0x23: {  	[tilespmem:$0x2950] =	vst v1  }
0x24: {  	[tilespmem:$0x2960] =	vst v1  }
0x25: {  	[tilespmem:$0x2970] =	vst v1  }
0x26: {  	[tilespmem:$0x2980] =	vst v1  }
0x27: {  	[tilespmem:$0x2990] =	vst v1  }
0x28: {  	[tilespmem:$0x29A0] =	vst v1  }
0x29: {  	[tilespmem:$0x29B0] =	vst v1  }
0x2a: {  	[tilespmem:$0x29C0] =	vst v1  }
0x2b: {  	[tilespmem:$0x29D0] =	vst v1  }
0x2c: {  	[tilespmem:$0x29E0] =	vst v1  }
0x2d: {  	[tilespmem:$0x29F0] =	vst v1  }
0x2e: {  	[tilespmem:$0x2A00] =	vst v1  }
0x2f: {  	[tilespmem:$0x2A10] =	vst v1  }
0x30: {  	[tilespmem:$0x2A20] =	vst v1  }
0x31: {  	[tilespmem:$0x2A30] =	vst v1  }
0x32: {  	[tilespmem:$0x2A40] =	vst v1  }
0x33: {  	[tilespmem:$0x2A50] =	vst v1  }
0x34: {  	[tilespmem:$0x2A60] =	vst v1  }
0x35: {  	[tilespmem:$0x2A70] =	vst v1  }
0x36: {  	[tilespmem:$0x2A80] =	vst v1  }
0x37: {  	[tilespmem:$0x2A90] =	vst v1  }
0x38: {  	[tilespmem:$0x2AA0] =	vst v1  }
0x39: {  	[tilespmem:$0x2AB0] =	vst v1  }
0x3a: {  	[tilespmem:$0x2AC0] =	vst v1  }
0x3b: {  	[tilespmem:$0x2AD0] =	vst v1  }
0x3c: {  	[tilespmem:$0x2AE0] =	vst v1  }
0x3d: {  	[tilespmem:$0x2AF0] =	vst v1  }
0x3e: {  	[spmem:s4] =	stream.linear.scatter [tilespmem:s8], [sflag:$0x2], $0x280, $0x38;
	[tilespmem:$0x2D80] =	vst v63  }
0x3f: {  	_ =	swait.ge [sflag:s9], $0x280  }
0x40: {  	[sflag:s9] =	ssyncset.done $0x0  }
0x41: {  	[sflag:s9] =	ssyncadd.s32 $0xFFFFFD80  }
0x42: {  	[tilespmem:s3], [sflag:$0x2] =	stream.linear.gather [hbm4b:s5+s3], $0x2800, $0x38;
	[tilespmem:$0x2D80] =	vst v63  }
0x43: {  	_ =	swait.ge [sflag:s9], $0x2800  }
0x44: {  	[sflag:s9] =	ssyncset.done $0x0  }
0x45: {  	[sflag:s9] =	ssyncadd.s32 $0xFFFFD800  }
0x46: {  	s16 =	simm.s32 $0x0;
	[bflag:$0x0] =	sbarrier.arrive $0xFFFF  }
0x47: {  	[spmem:s2] =	stream.indirect.scatter.add.f32 [tilespmem:s11], [sflag:$0x1], $0x1, s16, s10, $0xb8;
	[tilespmem:$0x2D80] =	vst v63  }
0x48: {  	s24 =	simm.s32 $0x80  }
0x49: {  	[spmem:s2] =	stream.indirect.scatter.add.f32 [tilespmem:s11], [sflag:$0x1], $0x1, s24, s10, $0xb8;
	[tilespmem:$0x2D80] =	vst v63  }
0x4a: {  	s25 =	simm.s32 $0x100  }
0x4b: {  	[spmem:s2] =	stream.indirect.scatter.add.f32 [tilespmem:s11], [sflag:$0x1], $0x1, s25, s10, $0xb8;
	[tilespmem:$0x2D80] =	vst v63  }
0x4c: {  	s26 =	simm.s32 $0x180  }
0x4d: {  	[spmem:s2] =	stream.indirect.scatter.add.f32 [tilespmem:s11], [sflag:$0x1], $0x1, s26, s10, $0xb8;
	[tilespmem:$0x2D80] =	vst v63  }
0x4e: {  	s28 =	simm.s32 $0x200  }
0x4f: {  	[spmem:s2] =	stream.indirect.scatter.add.f32 [tilespmem:s11], [sflag:$0x1], $0x1, s28, s10, $0xb8;
	[tilespmem:$0x2D80] =	vst v63  }
0x50: {  	s29 =	simm.s32 $0x280  }
0x51: {  	[spmem:s2] =	stream.indirect.scatter.add.f32 [tilespmem:s11], [sflag:$0x1], $0x1, s29, s10, $0xb8;
	[tilespmem:$0x2D80] =	vst v63  }
0x52: {  	s30 =	simm.s32 $0x300  }
0x53: {  	[spmem:s2] =	stream.indirect.scatter.add.f32 [tilespmem:s11], [sflag:$0x1], $0x1, s30, s10, $0xb8;
	[tilespmem:$0x2D80] =	vst v63  }
0x54: {  	s31 =	simm.s32 $0x380  }
0x55: {  	[spmem:s2] =	stream.indirect.scatter.add.f32 [tilespmem:s11], [sflag:$0x1], $0x1, s31, s10, $0xb8;
	[tilespmem:$0x2D80] =	vst v63  }
0x56: {  	_ =	swait.ge [sflag:s12], $0x80  }
0x57: {  	[sflag:s12] =	ssyncset.done $0x0  }
0x58: {  	[sflag:s12] =	ssyncadd.s32 $0xFFFFFF80  }
0x59: {  	_ =	swait.ge [sflag:s12], $0x80  }
0x5a: {  	[sflag:s12] =	ssyncset.done $0x0  }
0x5b: {  	[sflag:s12] =	ssyncadd.s32 $0xFFFFFF80  }
0x5c: {  	_ =	swait.ge [sflag:s12], $0x80  }
0x5d: {  	[sflag:s12] =	ssyncset.done $0x0  }
0x5e: {  	[sflag:s12] =	ssyncadd.s32 $0xFFFFFF80  }
0x5f: {  	_ =	swait.ge [sflag:s12], $0x80  }
0x60: {  	[sflag:s12] =	ssyncset.done $0x0  }
0x61: {  	[sflag:s12] =	ssyncadd.s32 $0xFFFFFF80  }
0x62: {  	_ =	swait.ge [sflag:s12], $0x80  }
0x63: {  	[sflag:s12] =	ssyncset.done $0x0  }
0x64: {  	[sflag:s12] =	ssyncadd.s32 $0xFFFFFF80  }
0x65: {  	_ =	swait.ge [sflag:s12], $0x80  }
0x66: {  	[sflag:s12] =	ssyncset.done $0x0  }
0x67: {  	[sflag:s12] =	ssyncadd.s32 $0xFFFFFF80  }
0x68: {  	_ =	swait.ge [sflag:s12], $0x80  }
0x69: {  	[sflag:s12] =	ssyncset.done $0x0  }
0x6a: {  	[sflag:s12] =	ssyncadd.s32 $0xFFFFFF80  }
0x6b: {  	_ =	swait.ge [sflag:s12], $0x80  }
0x6c: {  	s18 =	simm.s32 $0x2000;
	s16 =	simm.s32 $0x1000;
	[sflag:s12] =	ssyncset.done $0x0  }
.LBB2_2:
0x6d: {  	s19 =	sshra.s32 s16, $0x2  }
0x6e: {  	[sflag:s12] =	ssyncadd.s32 $0xFFFFFF80;
	s16 =	smov.u32 s18;
	s17 =	sadd.s32 $0x1000, s18  }
0x6f: {  	[spmem:s2] =	stream.indirect.scatter.add.f32 [tilespmem:s11], [sflag:$0x1], $0x1, s19, s10, $0xb8;
	[tilespmem:$0x2D80] =	vst v63  }
0x70: {  	p0 =	sne.s32 s18, $0x9000;
	s18 =	sadd.s32 $0x80, s19  }
0x71: {  	[spmem:s2] =	stream.indirect.scatter.add.f32 [tilespmem:s11], [sflag:$0x1], $0x1, s18, s10, $0xb8;
	[tilespmem:$0x2D80] =	vst v63  }
0x72: {  	s18 =	sadd.s32 $0x100, s19  }
0x73: {  	[spmem:s2] =	stream.indirect.scatter.add.f32 [tilespmem:s11], [sflag:$0x1], $0x1, s18, s10, $0xb8;
	[tilespmem:$0x2D80] =	vst v63  }
0x74: {  	s18 =	sadd.s32 $0x180, s19  }
0x75: {  	[spmem:s2] =	stream.indirect.scatter.add.f32 [tilespmem:s11], [sflag:$0x1], $0x1, s18, s10, $0xb8;
	[tilespmem:$0x2D80] =	vst v63  }
0x76: {  	s18 =	sadd.s32 $0x200, s19  }
0x77: {  	[spmem:s2] =	stream.indirect.scatter.add.f32 [tilespmem:s11], [sflag:$0x1], $0x1, s18, s10, $0xb8;
	[tilespmem:$0x2D80] =	vst v63  }
0x78: {  	s18 =	sadd.s32 $0x280, s19  }
0x79: {  	[spmem:s2] =	stream.indirect.scatter.add.f32 [tilespmem:s11], [sflag:$0x1], $0x1, s18, s10, $0xb8;
	[tilespmem:$0x2D80] =	vst v63  }
0x7a: {  	s18 =	sadd.s32 $0x300, s19  }
0x7b: {  	[spmem:s2] =	stream.indirect.scatter.add.f32 [tilespmem:s11], [sflag:$0x1], $0x1, s18, s10, $0xb8;
	[tilespmem:$0x2D80] =	vst v63  }
0x7c: {  	s18 =	sadd.s32 $0x380, s19  }
0x7d: {  	[spmem:s2] =	stream.indirect.scatter.add.f32 [tilespmem:s11], [sflag:$0x1], $0x1, s18, s10, $0xb8;
	[tilespmem:$0x2D80] =	vst v63  }
0x7e: {  	_ =	swait.ge [sflag:s12], $0x80  }
0x7f: {  	[sflag:s12] =	ssyncset.done $0x0  }
0x80: {  	[sflag:s12] =	ssyncadd.s32 $0xFFFFFF80  }
0x81: {  	_ =	swait.ge [sflag:s12], $0x80  }
0x82: {  	[sflag:s12] =	ssyncset.done $0x0  }
0x83: {  	[sflag:s12] =	ssyncadd.s32 $0xFFFFFF80  }
0x84: {  	_ =	swait.ge [sflag:s12], $0x80  }
0x85: {  	[sflag:s12] =	ssyncset.done $0x0  }
0x86: {  	[sflag:s12] =	ssyncadd.s32 $0xFFFFFF80  }
0x87: {  	_ =	swait.ge [sflag:s12], $0x80  }
0x88: {  	[sflag:s12] =	ssyncset.done $0x0  }
0x89: {  	[sflag:s12] =	ssyncadd.s32 $0xFFFFFF80  }
0x8a: {  	_ =	swait.ge [sflag:s12], $0x80  }
0x8b: {  	[sflag:s12] =	ssyncset.done $0x0  }
0x8c: {  	[sflag:s12] =	ssyncadd.s32 $0xFFFFFF80  }
0x8d: {  	_ =	swait.ge [sflag:s12], $0x80  }
0x8e: {  	[sflag:s12] =	ssyncset.done $0x0  }
0x8f: {  	[sflag:s12] =	ssyncadd.s32 $0xFFFFFF80  }
.Ltmp0:
0x90: {  	_ =	swait.ge [sflag:s12], $0x80;
	(pc) =	sbr.rel @p0 .LBB2_2-.Ltmp0, $4  }
0x91: {  	[sflag:s12] =	ssyncset.done $0x0  }
0x92: {  	[sflag:s12] =	ssyncadd.s32 $0xFFFFFF80  }
0x93: {  	_ =	swait.ge [sflag:s12], $0x80  }
0x94: {  	s18 =	smov.u32 s17;
	[sflag:s12] =	ssyncset.done $0x0  }
0x95: {  	s16 =	sshra.s32 s16, $0x2;
	[sflag:s12] =	ssyncadd.s32 $0xFFFFFF80  }
0x96: {  	[spmem:s2] =	stream.indirect.scatter.add.f32 [tilespmem:s11], [sflag:$0x1], $0x1, s16, s10, $0xb8;
	[tilespmem:$0x2D80] =	vst v63  }
0x97: {  	s17 =	sadd.s32 $0x80, s16  }
0x98: {  	[spmem:s2] =	stream.indirect.scatter.add.f32 [tilespmem:s11], [sflag:$0x1], $0x1, s17, s10, $0xb8;
	[tilespmem:$0x2D80] =	vst v63  }
0x99: {  	s26 =	sadd.s32 $0x100, s16  }
0x9a: {  	[spmem:s2] =	stream.indirect.scatter.add.f32 [tilespmem:s11], [sflag:$0x1], $0x1, s26, s10, $0xb8;
	[tilespmem:$0x2D80] =	vst v63  }
0x9b: {  	s28 =	sadd.s32 $0x180, s16  }
0x9c: {  	[spmem:s2] =	stream.indirect.scatter.add.f32 [tilespmem:s11], [sflag:$0x1], $0x1, s28, s10, $0xb8;
	[tilespmem:$0x2D80] =	vst v63  }
0x9d: {  	s29 =	sadd.s32 $0x200, s16  }
0x9e: {  	[spmem:s2] =	stream.indirect.scatter.add.f32 [tilespmem:s11], [sflag:$0x1], $0x1, s29, s10, $0xb8;
	[tilespmem:$0x2D80] =	vst v63  }
0x9f: {  	s30 =	sadd.s32 $0x280, s16  }
0xa0: {  	[spmem:s2] =	stream.indirect.scatter.add.f32 [tilespmem:s11], [sflag:$0x1], $0x1, s30, s10, $0xb8;
	[tilespmem:$0x2D80] =	vst v63  }
0xa1: {  	s31 =	sadd.s32 $0x300, s16  }
0xa2: {  	[spmem:s2] =	stream.indirect.scatter.add.f32 [tilespmem:s11], [sflag:$0x1], $0x1, s31, s10, $0xb8;
	[tilespmem:$0x2D80] =	vst v63  }
0xa3: {  	s16 =	sadd.s32 $0x380, s16  }
0xa4: {  	[spmem:s2] =	stream.indirect.scatter.add.f32 [tilespmem:s11], [sflag:$0x1], $0x1, s16, s10, $0xb8;
	[tilespmem:$0x2D80] =	vst v63  }
0xa5: {  	_ =	swait.ge [sflag:s12], $0x80  }
0xa6: {  	[sflag:s12] =	ssyncset.done $0x0  }
0xa7: {  	[sflag:s12] =	ssyncadd.s32 $0xFFFFFF80  }
0xa8: {  	_ =	swait.ge [sflag:s12], $0x80  }
0xa9: {  	[sflag:s12] =	ssyncset.done $0x0  }
0xaa: {  	[sflag:s12] =	ssyncadd.s32 $0xFFFFFF80  }
0xab: {  	_ =	swait.ge [sflag:s12], $0x80  }
0xac: {  	[sflag:s12] =	ssyncset.done $0x0  }
0xad: {  	[sflag:s12] =	ssyncadd.s32 $0xFFFFFF80  }
0xae: {  	_ =	swait.ge [sflag:s12], $0x80  }
0xaf: {  	[sflag:s12] =	ssyncset.done $0x0  }
0xb0: {  	[sflag:s12] =	ssyncadd.s32 $0xFFFFFF80  }
0xb1: {  	_ =	swait.ge [sflag:s12], $0x80  }
0xb2: {  	[sflag:s12] =	ssyncset.done $0x0  }
0xb3: {  	[sflag:s12] =	ssyncadd.s32 $0xFFFFFF80  }
0xb4: {  	_ =	swait.ge [sflag:s12], $0x80  }
0xb5: {  	[sflag:s12] =	ssyncset.done $0x0  }
0xb6: {  	[sflag:s12] =	ssyncadd.s32 $0xFFFFFF80  }
0xb7: {  	_ =	swait.ge [sflag:s12], $0x80  }
0xb8: {  	[sflag:s12] =	ssyncset.done $0x0  }
0xb9: {  	[sflag:s12] =	ssyncadd.s32 $0xFFFFFF80  }
0xba: {  	_ =	swait.ge [sflag:s12], $0x80  }
0xbb: {  	s15 =	sadd.s32 $0x1, s15;
	[sflag:s12] =	ssyncset.done $0x0  }
0xbc: {  	p0 =	sne.s32 s15, s7;
	[sflag:s12] =	ssyncadd.s32 $0xFFFFFF80  }
.Ltmp1:
0xbd: {  	[bflag:$0x0] =	sbarrier.arrive $0xFFFF;
	(pc) =	sbr.rel @p0 .LBB2_1-.Ltmp1, $4  }
0xbe: {  	[hbm:s6], [sflag:s13] =	dma.local [spmem:s14], $0x50  }
0xbf: {  	_ =	swait.ge [sflag:s9], $0x50  }
0xc0: {  	[sflag:s9] =	ssyncset.done $0x0  }
0xc1: {  	[sflag:s9] =	ssyncadd.s32 $0xFFFFFFB0  }
0xc2: {  	_ =	sfence.sel $0x180000  }
0xc3: {  	[bflag:$0x0] =	sbarrier.arrive $0xFFFF  }
0xc4: {  	p0 =	sne.s32 s1, $0x0;
	_ =	strace $0x90000047  }
0xc5: {  	s0 =	sadd.s32 @!p0 $0x100000, s0;
	[bflag:$0x2] =	sbarrier.arrive $0xFFFF  }
0xc6: {  	[sflag:s0] =	ssyncadd.tile.s32 @!p0 $0x1;
	_ =	shalt  }
.Lfunc_end2:
_tile_overlayer_lowered:
.L_overlay_start_2:
0xc7: {  	(tag) =	ssettag $0x2  }
0xc8: {  	s0 =	rddreg [dreg:$0x0];
	s2 =	stileid.u32  }
0xc9: {  	s1 =	rddreg [dreg:$0x1];
	p0 =	sne.s32 s2, $0x0  }
0xca: {  	s3 =	rddreg [dreg:$0x2];
	[bflag:$0x3] =	sbarrier.arrive $0xFFFF;
	s2 =	simm.s32 @!p0 $0x1C02  }
0xcb: {  	[timem:s3], [sflag:s2] =	dma.local @!p0 [hbm:s0], s1  }
0xcc: {  	s0 =	simm.s32 @!p0 $0x2  }
0xcd: {  	_ =	swait.ge @!p0 [sflag:s0], s1  }
0xce: {  	s1 =	ssub.s32 @!p0 $0x0, s1;
	[sflag:s0] =	ssyncset.done @!p0 $0x0  }
0xcf: {  	[sflag:s0] =	ssyncadd.s32 @!p0 s1  }
0xd0: {  	[bflag:$0x3] =	sbarrier.arrive $0xFFFF  }
0xd1: {  	_ =	shalt  }

// kernel: kernel.14.cloned.1.call-start
scs
__scs_entry_jumppad:
0x0: {  	(pc) =	sbr.rel $0x88, $3  }
0x1: {  	(tag) =	ssettag $0x0;
	lr =	simm.s32 $0x1  }
0x2: {  	[smem:$0x3F92] =	sst lr;
	_ =	strace $0xD0000000  }
0x3: {  	_ = 	snop  }
0x4: {  	_ = 	snop  }
0x5: {  	_ = 	snop  }
0x6: {  	_ = 	snop  }
0x7: {  	_ = 	snop  }
__scs_overlays_trampoline_lowered:
0x8: {  	[smem:$0x3FA1] =	sst s0  }
0x9: {  	[smem:$0x3FA2] =	sst s1  }
0xa: {  	[smem:$0x3FA3] =	sst s2  }
0xb: {  	[smem:$0x3FA4] =	sst s3  }
0xc: {  	[smem:$0x3FA5] =	sst s4  }
0xd: {  	[smem:$0x3FA6] =	sst s5  }
0xe: {  	[smem:$0x3FA7] =	sst s6  }
0xf: {  	[smem:$0x3FA8] =	sst s7  }
0x10: {  	[smem:$0x3FA9] =	sst s8  }
0x11: {  	[smem:$0x3FAA] =	sst s9;
	s0 =	simm.s32 @!p0 $0x0  }
0x12: {  	s1 =	sld [smem:$0x3F90];
	s0 =	simm.s32 @p0 $0x1  }
0x13: {  	[smem:$0x3FAB] =	sst s0;
	s0 =	simm.s32 @!p1 $0x0  }
0x14: {  	s2 =	sld [smem:$0x3F8F];
	s0 =	simm.s32 @p1 $0x1  }
0x15: {  	[smem:$0x3FAC] =	sst s0;
	s0 =	simm.s32 @!p2 $0x0  }
0x16: {  	s3 =	sld [smem:$0x3FDB];
	s0 =	simm.s32 @p2 $0x1  }
0x17: {  	s4 =	simm.s32 $0x1BF5;
	[smem:$0x3FAE] =	sst s0  }
0x18: {  	s0 =	sld [smem:$0x3F91];
	_ =	swait.ge [sflag:s4], $0x0  }
0x19: {  	s7 =	sld [smem:$0x3F92]  }
0x1a: {  	s8 =	sadd.s32 $0xFFFFE003, lr  }
0x1b: {  	s9 =	sadd.s32 $0xFFFFFEF7, lr;
	s5 =	simm.s32 $0xFFFFFFFF;
	p2 =	slt.u32 s8, $0xFFFFF086  }
0x1c: {  	p1 =	slt.u32 s9, $0xF7A;
	s5 =	simm.s32 @!p2 $0x0  }
0x1d: {  	s5 =	simm.s32 @p1 $0x1;
	p0 =	seq.s32 s7, s2  }
0x1e: {  	s7 =	smul.u32 @!p0 $0xF7A, s2;
	p2 =	seq.s32 @!p0 s5, $0x0  }
0x1f: {  	s9 =	smul.u32 $0xF7A, s1;
	s8 =	simm.s32 @!p0 $0x1BF5;
	p2 =	por !p2, p0  }
0x20: {  	[sflag:s8] =	ssyncset.s32 @!p0 $0xFFFFF086;
	s6 =	sadd.s32 @!p0 s3, s7;
	s7 =	simm.s32 @!p0 $0x108  }
0x21: {  	s3 =	sadd.s32 s3, s9;
	s6 =	sadd.s32 @!p0 $0x88, s6;
	s7 =	simm.s32 @p2 $0x1082  }
0x22: {  	[simem:s7], [sflag:s8] =	dma.local @!p0 [hbm:s6], $0xF7A  }
0x23: {  	s9 =	sor.u32 $0xD0000000, s2;
	s6 =	simm.s32 $0x108;
	_ =	swait.ge @!p0 [sflag:s8], $0x0  }
0x24: {  	s3 =	sadd.s32 $0x88, s3;
	s6 =	simm.s32 @!p1 $0x1082;
	[sflag:s4] =	ssyncset.s32 $0xFFFFF086  }
0x25: {  	[simem:s6], [sflag:s4] =	dma.local [hbm:s3], $0xF7A  }
0x26: {  	[smem:$0x3F92] =	sst s1;
	(tag) =	ssettag s2;
	_ =	strace s9  }
0x27: {  	s1 =	sld [smem:$0x3FA2]  }
0x28: {  	s2 =	sld [smem:$0x3FA3]  }
0x29: {  	s4 =	sld [smem:$0x3FA5]  }
0x2a: {  	p0 =	seq.s32 s5, $0x0;
	s5 =	sld [smem:$0x3FA6]  }
0x2b: {  	s6 =	sld [smem:$0x3FA7]  }
0x2c: {  	s7 =	sld [smem:$0x3FA8]  }
0x2d: {  	s3 =	simm.s32 $0x108;
	s8 =	sld [smem:$0x3FA9]  }
0x2e: {  	s3 =	simm.s32 @!p0 $0x1082;
	s9 =	sld [smem:$0x3FAA]  }
0x2f: {  	lr =	sadd.s32 s0, s3;
	s0 =	sld [smem:$0x3FA1]  }
0x30: {  	s3 =	sld [smem:$0x3FA4]  }
0x31: {  	[smem:$0x3FAD] =	sst s10  }
0x32: {  	s10 =	sld [smem:$0x3FAB];
	_ =	sdelay $0x3  }
0x33: {  	p0 =	seq.s32 s10, $0x1;
	s10 =	sld [smem:$0x3FAD];
	_ =	sdelay $0x3  }
0x34: {  	[smem:$0x3FAD] =	sst s10  }
0x35: {  	s10 =	sld [smem:$0x3FAC];
	_ =	sdelay $0x3  }
0x36: {  	p1 =	seq.s32 s10, $0x1;
	s10 =	sld [smem:$0x3FAD];
	_ =	sdelay $0x3  }
0x37: {  	[smem:$0x3FAD] =	sst s10  }
0x38: {  	s10 =	sld [smem:$0x3FAE]  }
0x39: {  	_ = 	snop;
	(pc) =	sbr.ind lr, $3  }
0x3a: {  	_ = 	snop  }
0x3b: {  	_ = 	snop  }
0x3c: {  	p2 =	seq.s32 s10, $0x1;
	s10 =	sld [smem:$0x3FAD]  }
0x3d: {  	_ =	shalt  }
0x3e: {  	_ =	shalt  }
0x3f: {  	_ =	shalt  }
0x40: {  	_ =	shalt  }
0x41: {  	_ =	shalt  }
0x42: {  	_ =	shalt  }
0x43: {  	_ =	shalt  }
0x44: {  	_ =	shalt  }
0x45: {  	_ =	shalt  }
0x46: {  	_ =	shalt  }
0x47: {  	_ =	shalt  }
0x48: {  	_ =	shalt  }
0x49: {  	_ =	shalt  }
0x4a: {  	_ =	shalt  }
0x4b: {  	_ =	shalt  }
0x4c: {  	_ =	shalt  }
0x4d: {  	_ =	shalt  }
0x4e: {  	_ =	shalt  }
0x4f: {  	_ =	shalt  }
0x50: {  	_ =	shalt  }
0x51: {  	_ =	shalt  }
0x52: {  	_ =	shalt  }
0x53: {  	_ =	shalt  }
0x54: {  	_ =	shalt  }
0x55: {  	_ =	shalt  }
0x56: {  	_ =	shalt  }
0x57: {  	_ =	shalt  }
0x58: {  	_ =	shalt  }
0x59: {  	_ =	shalt  }
0x5a: {  	_ =	shalt  }
0x5b: {  	_ =	shalt  }
0x5c: {  	_ =	shalt  }
0x5d: {  	_ =	shalt  }
0x5e: {  	_ =	shalt  }
0x5f: {  	_ =	shalt  }
0x60: {  	_ =	shalt  }
0x61: {  	_ =	shalt  }
0x62: {  	_ =	shalt  }
0x63: {  	_ =	shalt  }
0x64: {  	_ =	shalt  }
0x65: {  	_ =	shalt  }
0x66: {  	_ =	shalt  }
0x67: {  	_ =	shalt  }
0x68: {  	_ =	shalt  }
0x69: {  	_ =	shalt  }
0x6a: {  	_ =	shalt  }
0x6b: {  	_ =	shalt  }
0x6c: {  	_ =	shalt  }
0x6d: {  	_ =	shalt  }
0x6e: {  	_ =	shalt  }
0x6f: {  	_ =	shalt  }
0x70: {  	_ =	shalt  }
0x71: {  	_ =	shalt  }
0x72: {  	_ =	shalt  }
0x73: {  	_ =	shalt  }
0x74: {  	_ =	shalt  }
0x75: {  	_ =	shalt  }
0x76: {  	_ =	shalt  }
0x77: {  	_ =	shalt  }
0x78: {  	_ =	shalt  }
0x79: {  	_ =	shalt  }
0x7a: {  	_ =	shalt  }
0x7b: {  	_ =	shalt  }
0x7c: {  	_ =	shalt  }
0x7d: {  	_ =	shalt  }
0x7e: {  	_ =	shalt  }
0x7f: {  	_ =	shalt  }
0x80: {  	_ =	shalt  }
0x81: {  	_ =	shalt  }
0x82: {  	_ =	shalt  }
0x83: {  	_ =	shalt  }
0x84: {  	_ =	shalt  }
0x85: {  	_ =	shalt  }
0x86: {  	_ =	shalt  }
0x87: {  	_ =	shalt  }
.Lfunc_end0:
.L_simem_size_0:
called_computation.1_lowered:
.L_overlay_start_0:
0x88: {  	s2 =	sld [smem:$0x3FD9]  }
0x89: {  	s3 =	sld [smem:$0x3FFE];
	_ =	sdelay $0x1  }
0x8a: {  	s1 =	srdreg.scid  }
0x8b: {  	s0 =	sand.u32 $0x1, s1  }
0x8c: {  	s16 =	sshll.u32 s0, $0xA;
	s2 =	sadd.s32 s3, s2  }
0x8d: {  	s2 =	sadd.s32 s2, s16  }
0x8e: {  	[smem:$0x3FB9] =	sst s2  }
0x8f: {  	_ = 	snop  }
0x90: {  	(tm) =	ssettm $0x1  }
0x91: {  	s17 =	sld [smem:$0x3FFB];
	_ =	sdelay $0x3  }
0x92: {  	_ =	strace s17  }
0x93: {  	s2 =	sld [smem:$0x3FFC];
	_ =	sdelay $0x3  }
0x94: {  	_ =	strace s2  }
0x95: {  	s2 =	sld [smem:$0x3FFD];
	_ =	sdelay $0x3  }
0x96: {  	_ =	strace s2  }
0x97: {  	_ =	strace $0x8FFFFFFF  }
0x98: {  	s18 =	sld [smem:$0x3FDB];
	_ =	sdelay $0x1  }
0x99: {  	s19 =	simm.s32 $_scs_section_size  }
0x9a: {  	s4 =	simm.s32 $_size__tile_overlayer_lowered;
	s5 =	simm.s32 $_tile_overlayer_lowered  }
0x9b: {  	s22 =	simm.s32 $0x1BFF;
	s21 =	sshll.u32 s5, $0x1;
	s2 =	sadd.s32 s19, s18  }
0x9c: {  	s6 =	simm.s32 $0x0;
	s20 =	sshll.u32 s4, $0x1;
	s4 =	sadd.s32 s21, s2  }
0x9d: {  	[timem:s6], [sflag:s22] =	dma.local [hbm:s4], s20  }
0x9e: {  	_ =	swait.ge [sflag:s22], s20  }
0x9f: {  	s3 =	ssub.s32 $0x0, s20;
	[sflag:s22] =	ssyncset.done $0x0  }
0xa0: {  	[sflag:s22] =	ssyncadd.s32 s3;
	_ =	sdelay $0x1  }
0xa1: {  	s23 =	simm.s32 $0x1B8B  }
0xa2: {  	_ =	swait.ge [sflag:s23], $0x1  }
0xa3: {  	[sflag:s23] =	ssyncset.done $0x0  }
0xa4: {  	s25 =	simm.s32 $0x1B8E;
	s24 =	sld [smem:$0x3FFE];
	[sflag:s23] =	ssyncadd.s32 $0xFFFFFFFF  }
0xa5: {  	s26 =	simm.s32 $execute0_lowered;
	[smem:$0x3FD2] =	sst s25  }
0xa6: {  	s4 =	sshll.u32 s26, $0x1;
	_ =	strace $0x80000049;
	[dreg:$0x1] =	wrdreg $0xFFFFFFFF  }
0xa7: {  	s28 =	simm.s32 $_size_execute0_lowered;
	s2 =	sadd.s32 s2, s4;
	[dreg:$0x0] =	wrdreg $0x0  }
0xa8: {  	s4 =	sshll.u32 s28, $0x1;
	[dreg:$0x2] =	wrdreg s2  }
0xa9: {  	[dreg:$0x3] =	wrdreg s4  }
0xaa: {  	[dreg:$0x4] =	wrdreg $0xC0  }
0xab: {  	_ =	task [dreg:s6], $0x5FFFF  }
0xac: {  	[dreg:$0x1] =	wrdreg $0xFFFFFFFF  }
0xad: {  	[dreg:$0x0] =	wrdreg $0x60  }
0xae: {  	[dreg:$0x2] =	wrdreg s24  }
0xaf: {  	[dreg:$0x3] =	wrdreg $0xE0000  }
0xb0: {  	[dreg:$0x4] =	wrdreg $0x9  }
0xb1: {  	_ =	task.clear_ibuf [dreg:s6], $0x5FFFF;
	_ =	strace $0x90000049  }
0xb2: {  	s29 =	simm.s32 $0x9;
	_ =	strace $0x8000004B  }
0xb3: {  	_ =	swait.ge [sflag:s29], $0x1  }
0xb4: {  	[sflag:s29] =	ssyncadd.s32 $0xFFFFFFFF  }
0xb5: {  	_ =	strace $0x9000004B  }
0xb6: {  	_ =	sfence  }
0xb7: {  	s30 =	sld [smem:$0x0];
	_ =	sdelay $0x2  }
0xb8: {  	s31 =	sshll.u32 s1, $0xD;
	s1 =	sshrl.u32 s1, $0x2  }
0xb9: {  	s3 =	sand.u32 $0x4000, s31;
	s1 =	sadd.s32 s1, s30  }
0xba: {  	s0 =	sor.u32 s3, s0;
	s1 =	sshll.u32 s1, $0x11  }
0xbb: {  	s0 =	sor.u32 s1, s0  }
0xbc: {  	s0 =	sadd.s32 $0x8F2B, s0  }
0xbd: {  	[sflag:s0] =	ssyncadd.remote.s32 $0x1  }
0xbe: {  	_ =	sfence.sel $0xFFFF  }
0xbf: {  	[dreg:$0x0] =	wrdreg $0xFFFFFFFF;
	(pc) =	sbr.abs _section_cstart, $3  }
0xc0: {  	[dreg:$0x1] =	wrdreg $0xFFFFFFFF  }
0xc1: {  	_ =	task.clear_ibuf [dreg:s6], $0x2FFFF;
	_ =	strace $0x9FFFFFFF  }
0xc2: {  	(tm) =	ssettm $0x7FFFFFFF  }
0xc3: {  	_ =	shalt  }
tec
execute0_lowered:
.L_overlay_start_1:
0x0: {  	(tag) =	ssettag $0x1  }
0x1: {  	s0 =	rddreg [dreg:$0x0]  }
0x2: {  	s2 =	rddreg [dreg:$0x1];
	s4 =	stileid.u32  }
0x3: {  	s3 =	srdreg.scid;
	s5 =	simm.s32 $0x0;
	s15 =	simm.s32 $0xA000  }
0x4: {  	s16 =	simm.s32 $0x11;
	s18 =	simm.s32 $0x80;
	s28 =	simm.s32 $0xC800  }
0x5: {  	s30 =	simm.s32 $0xD000;
	s17 =	simm.s32 $0x1;
	s29 =	simm.s32 $0x7  }
0x6: {  	s31 =	simm.s32 $0x8;
	s10 =	simm.s32 $0xD;
	s11 =	simm.s32 $0xE  }
0x7: {  	s12 =	simm.s32 $0xF;
	s13 =	simm.s32 $0x10;
	s1 =	smul.u32 $0xA00, s4  }
0x8: {  	s14 =	simm.s32 $0x0;
	s3 =	sand.u32 $0x1, s3;
	s6 =	smul.u32 $0x2800, s4  }
0x9: {  	[smem:$0x7FF] =	sst s5;
	s8 =	smul.u32 $0xA000, s4;
	s4 =	sadd.s32 $0x17C00, s0  }
0xa: {  	s5 =	sadd.s32 $0x1CC00, s0;
	s7 =	smul.u32 $0x28000, s3;
	_ =	strace $0x8000004A  }
0xb: {  	s9 =	ssub.s32 $0x2, s3;
	p0 =	seq.s32 s3, $0x1;
	s3 =	simm.s32 $0x9  }
0xc: {  	s1 =	sadd.s32 s1, s0;
	s8 =	sshrl.u32 s8, $0x2;
	s20 =	sshrl.u32 s9, $0x1  }
0xd: {  	s7 =	sadd.s32 s6, s7;
	s8 =	sadd.s32 s8, s2;
	s6 =	sadd.s32 s6, s2  }
0xe: {  	s25 =	sadd.s32 $0xDC00, s1;
	s1 =	sadd.s32 $0x3C00, s1;
	[dreg:$0x3] =	wrdreg s6  }
0xf: {  	s7 =	sshrl.u32 s7, $0x3;
	s21 =	sadd.s32 $0x800, s8;
	[dreg:$0x8] =	wrdreg s25  }
0x10: {  	s22 =	sadd.s32 $0x1000, s8;
	s23 =	sadd.s32 $0x1800, s8;
	[dreg:$0x9] =	wrdreg s1  }
0x11: {  	s24 =	sadd.s32 $0x2000, s8;
	s25 =	simm.s32 $0xC000;
	[dreg:$0x4] =	wrdreg s21  }
0x12: {  	s1 =	simm.s32 $0x3;
	s8 =	simm.s32 $0xB;
	[dreg:$0x5] =	wrdreg s22  }
0x13: {  	s0 =	sadd.s32 s7, s0;
	s7 =	ssub.s32 s9, s20;
	[dreg:$0x6] =	wrdreg s23  }
.Ltmp0:
0x14: {  	[dreg:$0x7] =	wrdreg s24;
	s21 =	simm.s32 $0xB000;
	(pc) =	sbr.rel .LBB2_1-.Ltmp0, $4  }
0x15: {  	s23 =	simm.s32 $0xB800;
	s20 =	simm.s32 $0x2;
	s22 =	simm.s32 $0x4  }
0x16: {  	s24 =	simm.s32 $0x5;
	s9 =	simm.s32 $0xC;
	s0 =	sadd.s32 $0x21C00, s0  }
0x17: {  	s26 =	smax.u32 s7, $0x1;
	s7 =	simm.s32 $0xA;
	[dreg:$0xa] =	wrdreg s0  }
0x18: {  	v0 =	vimm.f32 $0.0e+00;
	[dreg:$0xb] =	wrdreg s26;
	s0 =	simm.s32 $0xD800;
	s26 =	simm.s32 $0x6  }
.LBB2_10:
0x19: {  	_ =	swait.ge [sflag:s7], $0x800  }
0x1a: {  	[sflag:s7] =	ssyncset.done $0x0  }
0x1b: {  	[sflag:s7] =	ssyncadd.s32 $0xFFFFF800  }
0x1c: {  	_ =	swait.ge [sflag:s8], $0x800  }
0x1d: {  	[sflag:s8] =	ssyncset.done $0x0  }
0x1e: {  	[sflag:s8] =	ssyncadd.s32 $0xFFFFF800  }
0x1f: {  	_ =	swait.ge [sflag:s9], $0x800  }
0x20: {  	[sflag:s9] =	ssyncset.done $0x0  }
0x21: {  	[sflag:s9] =	ssyncadd.s32 $0xFFFFF800  }
0x22: {  	_ =	swait.ge [sflag:s10], $0x800  }
0x23: {  	[sflag:s10] =	ssyncset.done $0x0  }
0x24: {  	[sflag:s10] =	ssyncadd.s32 $0xFFFFF800  }
0x25: {  	_ =	swait.ge [sflag:s11], $0x800  }
0x26: {  	[sflag:s11] =	ssyncset.done $0x0  }
0x27: {  	[sflag:s11] =	ssyncadd.s32 $0xFFFFF800  }
0x28: {  	_ =	swait.ge [sflag:s12], $0x800  }
0x29: {  	[sflag:s12] =	ssyncset.done $0x0  }
0x2a: {  	[sflag:s12] =	ssyncadd.s32 $0xFFFFF800  }
0x2b: {  	_ =	swait.ge [sflag:s13], $0x800  }
0x2c: {  	[sflag:s13] =	ssyncset.done $0x0  }
0x2d: {  	[sflag:s13] =	ssyncadd.s32 $0xFFFFF800  }
0x2e: {  	s6 =	stileid.u32;
	[bflag:$0x0] =	sbarrier.arrive $0xFFFF  }
0x2f: {  	s6 =	sshll.u32 s6, $0x6;
	s14 =	rddreg [dreg:$0x3]  }
0x30: {  	s6 =	sor.u32 $0x1C11, s6;
	s16 =	rddreg [dreg:$0xa];
	s14 =	sshrl.u32 s14, $0x3  }
0x31: {  	[hbm:s16], [sflag:s6] =	dma.local [spmem:s14], $0x500  }
0x32: {  	s16 =	simm.s32 $0x11  }
0x33: {  	_ =	swait.ge [sflag:s16], $0x500  }
0x34: {  	s6 =	rddreg [dreg:$0xc]  }
0x35: {  	s19 =	rddreg [dreg:$0xb];
	s14 =	sadd.s32 $0x1, s6  }
0x36: {  	p1 =	sne.s32 s14, s19  }
.Ltmp1:
0x37: {  	_ = 	snop;
	(pc) =	sbr.rel @!p1 .LBB2_11-.Ltmp1, $3  }
0x38: {  	_ =	sdelay $0x1  }
0x39: {  	[sflag:s16] =	ssyncset.done $0x0  }
0x3a: {  	[sflag:s16] =	ssyncadd.s32 $0xFFFFFB00  }
.LBB2_1:
0x3b: {  	[dreg:$0xc] =	wrdreg s14;
	s6 =	simm.s32 $0x40;
	s14 =	simm.s32 $0x0  }
.LBB2_2:
0x3c: {  	p1 =	sne.s32 s6, $0x1FC0;
	[tilespmem:s14+$0xA000] =	vst v0;
	s14 =	smov.u32 s6;
	s6 =	sadd.s32 $0x40, s6  }
.Ltmp2:
0x3d: {  	(pc) =	sbr.rel @p1 .LBB2_2-.Ltmp2, $2  }
0x3e: {  	_ =	sdelay $0x2  }
0x3f: {  	s14 =	sshra.s32 s14, $0x2  }
0x40: {  	[tilespmem:s14+$0xA000] =	vst v0;
	s6 =	rddreg [dreg:$0x3]  }
0x41: {  	[spmem:s6] =	stream.linear.scatter [tilespmem:s15], [sflag:$0x11], $0x800, $0x38;
	[tilespmem:$0x10800] =	vst v63  }
0x42: {  	_ =	swait.ge [sflag:s16], $0x800  }
0x43: {  	[sflag:s16] =	ssyncset.done $0x0  }
0x44: {  	s14 =	rddreg [dreg:$0x4];
	[sflag:s16] =	ssyncadd.s32 $0xFFFFF800  }
0x45: {  	[spmem:s14] =	stream.linear.scatter [tilespmem:s15], [sflag:$0x11], $0x800, $0x38;
	[tilespmem:$0x10800] =	vst v63  }
0x46: {  	_ =	swait.ge [sflag:s16], $0x800  }
0x47: {  	[sflag:s16] =	ssyncset.done $0x0  }
0x48: {  	s19 =	rddreg [dreg:$0x5];
	[sflag:s16] =	ssyncadd.s32 $0xFFFFF800  }
0x49: {  	[spmem:s19] =	stream.linear.scatter [tilespmem:s15], [sflag:$0x11], $0x800, $0x38;
	[tilespmem:$0x10800] =	vst v63  }
0x4a: {  	_ =	swait.ge [sflag:s16], $0x800  }
0x4b: {  	[sflag:s16] =	ssyncset.done $0x0  }
0x4c: {  	s14 =	rddreg [dreg:$0x6];
	[sflag:s16] =	ssyncadd.s32 $0xFFFFF800  }
0x4d: {  	[spmem:s14] =	stream.linear.scatter [tilespmem:s15], [sflag:$0x11], $0x800, $0x38;
	[tilespmem:$0x10800] =	vst v63  }
0x4e: {  	_ =	swait.ge [sflag:s16], $0x800  }
0x4f: {  	[sflag:s16] =	ssyncset.done $0x0  }
0x50: {  	s19 =	rddreg [dreg:$0x7];
	[sflag:s16] =	ssyncadd.s32 $0xFFFFF800  }
0x51: {  	[spmem:s19] =	stream.linear.scatter [tilespmem:s15], [sflag:$0x11], $0x800, $0x38;
	[tilespmem:$0x10800] =	vst v63  }
0x52: {  	_ =	swait.ge [sflag:s16], $0x800  }
0x53: {  	[sflag:s16] =	ssyncset.done $0x0  }
0x54: {  	s14 =	simm.s32 $0x0;
	s19 =	rddreg [dreg:$0x8];
	[sflag:s16] =	ssyncadd.s32 $0xFFFFF800  }
0x55: {  	[tilespmem:s14], [sflag:$0x11] =	stream.linear.gather [hbm4b:s19+s14], $0x5000, $0x38;
	[tilespmem:$0x10800] =	vst v63  }
0x56: {  	_ =	swait.ge [sflag:s16], $0x5000  }
0x57: {  	s6 =	simm.s32 $0x5000;
	[sflag:s16] =	ssyncset.done $0x0  }
0x58: {  	s19 =	simm.s32 $0x0;
	s14 =	rddreg [dreg:$0x9];
	[sflag:s16] =	ssyncadd.s32 $0xFFFFB000  }
0x59: {  	[tilespmem:s6], [sflag:$0x11] =	stream.linear.gather [hbm4b:s14+s19], $0x5000, $0x38;
	[tilespmem:$0x10800] =	vst v63  }
.Ltmp3:
0x5a: {  	_ =	swait.ge [sflag:s16], $0x5000;
	(pc) =	sbr.rel @!p0 .LBB2_4-.Ltmp3, $4  }
0x5b: {  	[sflag:s16] =	ssyncset.done $0x0  }
0x5c: {  	[sflag:s16] =	ssyncadd.s32 $0xFFFFB000  }
0x5d: {  	[bflag:$0x0] =	sbarrier.arrive $0xFFFF  }
0x5e: {  	s6 =	simm.s32 $0x0  }
0x5f: {  	[tilespmem:s15], [sflag:$0x1] =	stream.indirect.gather [hbm4b:s5+s18], $0x10, s6, s18, $0xb8;
	[tilespmem:$0x10800] =	vst v63  }
0x60: {  	s19 =	simm.s32 $0xA800  }
0x61: {  	[tilespmem:s19], [sflag:$0x2] =	stream.indirect.gather [hbm4b:s5+s18], $0x10, s18, s18, $0xb8;
	[tilespmem:$0x10800] =	vst v63  }
0x62: {  	s14 =	simm.s32 $0x100  }
0x63: {  	[tilespmem:s21], [sflag:$0x3] =	stream.indirect.gather [hbm4b:s5+s18], $0x10, s14, s18, $0xb8;
	[tilespmem:$0x10800] =	vst v63  }
0x64: {  	s16 =	simm.s32 $0x180  }
0x65: {  	[tilespmem:s23], [sflag:$0x4] =	stream.indirect.gather [hbm4b:s5+s18], $0x10, s16, s18, $0xb8;
	[tilespmem:$0x10800] =	vst v63  }
0x66: {  	s16 =	simm.s32 $0x200  }
0x67: {  	[tilespmem:s25], [sflag:$0x5] =	stream.indirect.gather [hbm4b:s5+s18], $0x10, s16, s18, $0xb8;
	[tilespmem:$0x10800] =	vst v63  }
0x68: {  	s16 =	simm.s32 $0x280  }
0x69: {  	[tilespmem:s28], [sflag:$0x6] =	stream.indirect.gather [hbm4b:s5+s18], $0x10, s16, s18, $0xb8;
	[tilespmem:$0x10800] =	vst v63  }
0x6a: {  	s16 =	simm.s32 $0x300  }
0x6b: {  	[tilespmem:s30], [sflag:$0x7] =	stream.indirect.gather [hbm4b:s5+s18], $0x10, s16, s18, $0xb8;
	[tilespmem:$0x10800] =	vst v63  }
0x6c: {  	s16 =	simm.s32 $0x380  }
0x6d: {  	[tilespmem:s0], [sflag:$0x8] =	stream.indirect.gather [hbm4b:s5+s18], $0x10, s16, s18, $0xb8;
	[tilespmem:$0x10800] =	vst v63  }
.LBB2_8:
0x6e: {  	_ =	swait.ge [sflag:s17], $0x800  }
0x6f: {  	s14 =	sshra.s32 s6, $0x2;
	[sflag:s17] =	ssyncset.done $0x0  }
0x70: {  	s16 =	sadd.s32 $0x5000, s14;
	[sflag:s17] =	ssyncadd.s32 $0xFFFFF800  }
0x71: {  	[spmem:s2] =	stream.indirect.scatter.add.f32 [tilespmem:s15], [sflag:$0x9], $0x10, s16, s18, $0xb8;
	[tilespmem:$0x10800] =	vst v63  }
0x72: {  	_ =	swait.ge [sflag:s20], $0x800  }
0x73: {  	[sflag:s20] =	ssyncset.done $0x0  }
0x74: {  	s16 =	sadd.s32 $0x5080, s14;
	[sflag:s20] =	ssyncadd.s32 $0xFFFFF800  }
0x75: {  	[spmem:s2] =	stream.indirect.scatter.add.f32 [tilespmem:s19], [sflag:$0xA], $0x10, s16, s18, $0xb8;
	[tilespmem:$0x10800] =	vst v63  }
0x76: {  	_ =	swait.ge [sflag:s1], $0x800  }
0x77: {  	[sflag:s1] =	ssyncset.done $0x0  }
0x78: {  	s16 =	sadd.s32 $0x5100, s14;
	[sflag:s1] =	ssyncadd.s32 $0xFFFFF800  }
0x79: {  	[spmem:s2] =	stream.indirect.scatter.add.f32 [tilespmem:s21], [sflag:$0xB], $0x10, s16, s18, $0xb8;
	[tilespmem:$0x10800] =	vst v63  }
0x7a: {  	_ =	swait.ge [sflag:s22], $0x800  }
0x7b: {  	[sflag:s22] =	ssyncset.done $0x0  }
0x7c: {  	s16 =	sadd.s32 $0x5180, s14;
	[sflag:s22] =	ssyncadd.s32 $0xFFFFF800  }
0x7d: {  	[spmem:s2] =	stream.indirect.scatter.add.f32 [tilespmem:s23], [sflag:$0xC], $0x10, s16, s18, $0xb8;
	[tilespmem:$0x10800] =	vst v63  }
0x7e: {  	_ =	swait.ge [sflag:s24], $0x800  }
0x7f: {  	[sflag:s24] =	ssyncset.done $0x0  }
0x80: {  	s16 =	sadd.s32 $0x5200, s14;
	[sflag:s24] =	ssyncadd.s32 $0xFFFFF800  }
0x81: {  	[spmem:s2] =	stream.indirect.scatter.add.f32 [tilespmem:s25], [sflag:$0xD], $0x10, s16, s18, $0xb8;
	[tilespmem:$0x10800] =	vst v63  }
0x82: {  	_ =	swait.ge [sflag:s26], $0x800  }
0x83: {  	[sflag:s26] =	ssyncset.done $0x0  }
0x84: {  	s16 =	sadd.s32 $0x5280, s14;
	[sflag:s26] =	ssyncadd.s32 $0xFFFFF800  }
0x85: {  	[spmem:s2] =	stream.indirect.scatter.add.f32 [tilespmem:s28], [sflag:$0xE], $0x10, s16, s18, $0xb8;
	[tilespmem:$0x10800] =	vst v63  }
0x86: {  	_ =	swait.ge [sflag:s29], $0x800  }
0x87: {  	[sflag:s29] =	ssyncset.done $0x0  }
0x88: {  	s16 =	sadd.s32 $0x5300, s14;
	[sflag:s29] =	ssyncadd.s32 $0xFFFFF800  }
0x89: {  	[spmem:s2] =	stream.indirect.scatter.add.f32 [tilespmem:s30], [sflag:$0xF], $0x10, s16, s18, $0xb8;
	[tilespmem:$0x10800] =	vst v63  }
0x8a: {  	_ =	swait.ge [sflag:s31], $0x800  }
0x8b: {  	p1 =	seq.s32 s6, $0x13000;
	[sflag:s31] =	ssyncset.done $0x0  }
.Ltmp4:
0x8c: {  	s16 =	sadd.s32 $0x5380, s14;
	[sflag:s31] =	ssyncadd.s32 $0xFFFFF800;
	(pc) =	sbr.rel @p1 .LBB2_10-.Ltmp4, $4  }
0x8d: {  	[spmem:s2] =	stream.indirect.scatter.add.f32 [tilespmem:s0], [sflag:$0x10], $0x10, s16, s18, $0xb8;
	[tilespmem:$0x10800] =	vst v63  }
0x8e: {  	_ =	swait.ge [sflag:s3], $0x800  }
0x8f: {  	[sflag:s3] =	ssyncset.done $0x0  }
0x90: {  	[sflag:s3] =	ssyncadd.s32 $0xFFFFF800  }
0x91: {  	s16 =	sadd.s32 $0x400, s14  }
0x92: {  	[tilespmem:s15], [sflag:$0x1] =	stream.indirect.gather [hbm4b:s5+s18], $0x10, s16, s18, $0xb8;
	[tilespmem:$0x10800] =	vst v63  }
0x93: {  	_ =	swait.ge [sflag:s7], $0x800  }
0x94: {  	[sflag:s7] =	ssyncset.done $0x0  }
0x95: {  	s16 =	sadd.s32 $0x480, s14;
	[sflag:s7] =	ssyncadd.s32 $0xFFFFF800  }
0x96: {  	[tilespmem:s19], [sflag:$0x2] =	stream.indirect.gather [hbm4b:s5+s18], $0x10, s16, s18, $0xb8;
	[tilespmem:$0x10800] =	vst v63  }
0x97: {  	_ =	swait.ge [sflag:s8], $0x800  }
0x98: {  	[sflag:s8] =	ssyncset.done $0x0  }
0x99: {  	s16 =	sadd.s32 $0x500, s14;
	[sflag:s8] =	ssyncadd.s32 $0xFFFFF800  }
0x9a: {  	[tilespmem:s21], [sflag:$0x3] =	stream.indirect.gather [hbm4b:s5+s18], $0x10, s16, s18, $0xb8;
	[tilespmem:$0x10800] =	vst v63  }
0x9b: {  	_ =	swait.ge [sflag:s9], $0x800  }
0x9c: {  	[sflag:s9] =	ssyncset.done $0x0  }
0x9d: {  	s16 =	sadd.s32 $0x580, s14;
	[sflag:s9] =	ssyncadd.s32 $0xFFFFF800  }
0x9e: {  	[tilespmem:s23], [sflag:$0x4] =	stream.indirect.gather [hbm4b:s5+s18], $0x10, s16, s18, $0xb8;
	[tilespmem:$0x10800] =	vst v63  }
0x9f: {  	_ =	swait.ge [sflag:s10], $0x800  }
0xa0: {  	[sflag:s10] =	ssyncset.done $0x0  }
0xa1: {  	s16 =	sadd.s32 $0x600, s14;
	[sflag:s10] =	ssyncadd.s32 $0xFFFFF800  }
0xa2: {  	[tilespmem:s25], [sflag:$0x5] =	stream.indirect.gather [hbm4b:s5+s18], $0x10, s16, s18, $0xb8;
	[tilespmem:$0x10800] =	vst v63  }
0xa3: {  	_ =	swait.ge [sflag:s11], $0x800  }
0xa4: {  	[sflag:s11] =	ssyncset.done $0x0  }
0xa5: {  	s16 =	sadd.s32 $0x680, s14;
	[sflag:s11] =	ssyncadd.s32 $0xFFFFF800  }
0xa6: {  	[tilespmem:s28], [sflag:$0x6] =	stream.indirect.gather [hbm4b:s5+s18], $0x10, s16, s18, $0xb8;
	[tilespmem:$0x10800] =	vst v63  }
0xa7: {  	_ =	swait.ge [sflag:s12], $0x800  }
0xa8: {  	[sflag:s12] =	ssyncset.done $0x0  }
0xa9: {  	s16 =	sadd.s32 $0x700, s14;
	[sflag:s12] =	ssyncadd.s32 $0xFFFFF800  }
0xaa: {  	[tilespmem:s30], [sflag:$0x7] =	stream.indirect.gather [hbm4b:s5+s18], $0x10, s16, s18, $0xb8;
	[tilespmem:$0x10800] =	vst v63  }
.Ltmp5:
0xab: {  	_ = 	snop;
	(pc) =	sbr.rel .LBB2_8-.Ltmp5, $4  }
0xac: {  	_ =	swait.ge [sflag:s13], $0x800  }
0xad: {  	[sflag:s13] =	ssyncset.done $0x0  }
0xae: {  	s6 =	sadd.s32 $0x1000, s6;
	s16 =	sadd.s32 $0x780, s14;
	[sflag:s13] =	ssyncadd.s32 $0xFFFFF800  }
0xaf: {  	[tilespmem:s0], [sflag:$0x8] =	stream.indirect.gather [hbm4b:s5+s18], $0x10, s16, s18, $0xb8;
	[tilespmem:$0x10800] =	vst v63  }
.LBB2_4:
0xb0: {  	[tilespmem:s15], [sflag:$0x1] =	stream.indirect.gather [hbm4b:s4+s18], $0x10, s6, s18, $0xb8;
	[tilespmem:$0x10800] =	vst v63  }
0xb1: {  	s19 =	simm.s32 $0xA800  }
0xb2: {  	[tilespmem:s19], [sflag:$0x2] =	stream.indirect.gather [hbm4b:s4+s18], $0x10, s18, s18, $0xb8;
	[tilespmem:$0x10800] =	vst v63  }
0xb3: {  	s14 =	simm.s32 $0x100  }
0xb4: {  	[tilespmem:s21], [sflag:$0x3] =	stream.indirect.gather [hbm4b:s4+s18], $0x10, s14, s18, $0xb8;
	[tilespmem:$0x10800] =	vst v63  }
0xb5: {  	s16 =	simm.s32 $0x180  }
0xb6: {  	[tilespmem:s23], [sflag:$0x4] =	stream.indirect.gather [hbm4b:s4+s18], $0x10, s16, s18, $0xb8;
	[tilespmem:$0x10800] =	vst v63  }
0xb7: {  	s16 =	simm.s32 $0x200  }
0xb8: {  	[tilespmem:s25], [sflag:$0x5] =	stream.indirect.gather [hbm4b:s4+s18], $0x10, s16, s18, $0xb8;
	[tilespmem:$0x10800] =	vst v63  }
0xb9: {  	s16 =	simm.s32 $0x280  }
0xba: {  	[tilespmem:s28], [sflag:$0x6] =	stream.indirect.gather [hbm4b:s4+s18], $0x10, s16, s18, $0xb8;
	[tilespmem:$0x10800] =	vst v63  }
0xbb: {  	s16 =	simm.s32 $0x300  }
0xbc: {  	[tilespmem:s30], [sflag:$0x7] =	stream.indirect.gather [hbm4b:s4+s18], $0x10, s16, s18, $0xb8;
	[tilespmem:$0x10800] =	vst v63  }
0xbd: {  	s16 =	simm.s32 $0x380  }
0xbe: {  	[tilespmem:s0], [sflag:$0x8] =	stream.indirect.gather [hbm4b:s4+s18], $0x10, s16, s18, $0xb8;
	[tilespmem:$0x10800] =	vst v63  }
.LBB2_5:
0xbf: {  	_ =	swait.ge [sflag:s17], $0x800  }
0xc0: {  	s14 =	sshra.s32 s6, $0x2;
	[sflag:s17] =	ssyncset.done $0x0  }
0xc1: {  	s16 =	sadd.s32 $0x5000, s14;
	[sflag:s17] =	ssyncadd.s32 $0xFFFFF800  }
0xc2: {  	[spmem:s2] =	stream.indirect.scatter.add.f32 [tilespmem:s15], [sflag:$0x9], $0x10, s16, s18, $0xb8;
	[tilespmem:$0x10800] =	vst v63  }
0xc3: {  	_ =	swait.ge [sflag:s20], $0x800  }
0xc4: {  	[sflag:s20] =	ssyncset.done $0x0  }
0xc5: {  	s16 =	sadd.s32 $0x5080, s14;
	[sflag:s20] =	ssyncadd.s32 $0xFFFFF800  }
0xc6: {  	[spmem:s2] =	stream.indirect.scatter.add.f32 [tilespmem:s19], [sflag:$0xA], $0x10, s16, s18, $0xb8;
	[tilespmem:$0x10800] =	vst v63  }
0xc7: {  	_ =	swait.ge [sflag:s1], $0x800  }
0xc8: {  	[sflag:s1] =	ssyncset.done $0x0  }
0xc9: {  	s16 =	sadd.s32 $0x5100, s14;
	[sflag:s1] =	ssyncadd.s32 $0xFFFFF800  }
0xca: {  	[spmem:s2] =	stream.indirect.scatter.add.f32 [tilespmem:s21], [sflag:$0xB], $0x10, s16, s18, $0xb8;
	[tilespmem:$0x10800] =	vst v63  }
0xcb: {  	_ =	swait.ge [sflag:s22], $0x800  }
0xcc: {  	[sflag:s22] =	ssyncset.done $0x0  }
0xcd: {  	s16 =	sadd.s32 $0x5180, s14;
	[sflag:s22] =	ssyncadd.s32 $0xFFFFF800  }
0xce: {  	[spmem:s2] =	stream.indirect.scatter.add.f32 [tilespmem:s23], [sflag:$0xC], $0x10, s16, s18, $0xb8;
	[tilespmem:$0x10800] =	vst v63  }
0xcf: {  	_ =	swait.ge [sflag:s24], $0x800  }
0xd0: {  	[sflag:s24] =	ssyncset.done $0x0  }
0xd1: {  	s16 =	sadd.s32 $0x5200, s14;
	[sflag:s24] =	ssyncadd.s32 $0xFFFFF800  }
0xd2: {  	[spmem:s2] =	stream.indirect.scatter.add.f32 [tilespmem:s25], [sflag:$0xD], $0x10, s16, s18, $0xb8;
	[tilespmem:$0x10800] =	vst v63  }
0xd3: {  	_ =	swait.ge [sflag:s26], $0x800  }
0xd4: {  	[sflag:s26] =	ssyncset.done $0x0  }
0xd5: {  	s16 =	sadd.s32 $0x5280, s14;
	[sflag:s26] =	ssyncadd.s32 $0xFFFFF800  }
0xd6: {  	[spmem:s2] =	stream.indirect.scatter.add.f32 [tilespmem:s28], [sflag:$0xE], $0x10, s16, s18, $0xb8;
	[tilespmem:$0x10800] =	vst v63  }
0xd7: {  	_ =	swait.ge [sflag:s29], $0x800  }
0xd8: {  	[sflag:s29] =	ssyncset.done $0x0  }
0xd9: {  	s16 =	sadd.s32 $0x5300, s14;
	[sflag:s29] =	ssyncadd.s32 $0xFFFFF800  }
0xda: {  	[spmem:s2] =	stream.indirect.scatter.add.f32 [tilespmem:s30], [sflag:$0xF], $0x10, s16, s18, $0xb8;
	[tilespmem:$0x10800] =	vst v63  }
0xdb: {  	_ =	swait.ge [sflag:s31], $0x800  }
0xdc: {  	p1 =	seq.s32 s6, $0x13000;
	[sflag:s31] =	ssyncset.done $0x0  }
.Ltmp6:
0xdd: {  	s16 =	sadd.s32 $0x5380, s14;
	[sflag:s31] =	ssyncadd.s32 $0xFFFFF800;
	(pc) =	sbr.rel @p1 .LBB2_10-.Ltmp6, $4  }
0xde: {  	[spmem:s2] =	stream.indirect.scatter.add.f32 [tilespmem:s0], [sflag:$0x10], $0x10, s16, s18, $0xb8;
	[tilespmem:$0x10800] =	vst v63  }
0xdf: {  	_ =	swait.ge [sflag:s3], $0x800  }
0xe0: {  	[sflag:s3] =	ssyncset.done $0x0  }
0xe1: {  	[sflag:s3] =	ssyncadd.s32 $0xFFFFF800  }
0xe2: {  	s16 =	sadd.s32 $0x400, s14  }
0xe3: {  	[tilespmem:s15], [sflag:$0x1] =	stream.indirect.gather [hbm4b:s4+s18], $0x10, s16, s18, $0xb8;
	[tilespmem:$0x10800] =	vst v63  }
0xe4: {  	_ =	swait.ge [sflag:s7], $0x800  }
0xe5: {  	[sflag:s7] =	ssyncset.done $0x0  }
0xe6: {  	s16 =	sadd.s32 $0x480, s14;
	[sflag:s7] =	ssyncadd.s32 $0xFFFFF800  }
0xe7: {  	[tilespmem:s19], [sflag:$0x2] =	stream.indirect.gather [hbm4b:s4+s18], $0x10, s16, s18, $0xb8;
	[tilespmem:$0x10800] =	vst v63  }
0xe8: {  	_ =	swait.ge [sflag:s8], $0x800  }
0xe9: {  	[sflag:s8] =	ssyncset.done $0x0  }
0xea: {  	s16 =	sadd.s32 $0x500, s14;
	[sflag:s8] =	ssyncadd.s32 $0xFFFFF800  }
0xeb: {  	[tilespmem:s21], [sflag:$0x3] =	stream.indirect.gather [hbm4b:s4+s18], $0x10, s16, s18, $0xb8;
	[tilespmem:$0x10800] =	vst v63  }
0xec: {  	_ =	swait.ge [sflag:s9], $0x800  }
0xed: {  	[sflag:s9] =	ssyncset.done $0x0  }
0xee: {  	s16 =	sadd.s32 $0x580, s14;
	[sflag:s9] =	ssyncadd.s32 $0xFFFFF800  }
0xef: {  	[tilespmem:s23], [sflag:$0x4] =	stream.indirect.gather [hbm4b:s4+s18], $0x10, s16, s18, $0xb8;
	[tilespmem:$0x10800] =	vst v63  }
0xf0: {  	_ =	swait.ge [sflag:s10], $0x800  }
0xf1: {  	[sflag:s10] =	ssyncset.done $0x0  }
0xf2: {  	s16 =	sadd.s32 $0x600, s14;
	[sflag:s10] =	ssyncadd.s32 $0xFFFFF800  }
0xf3: {  	[tilespmem:s25], [sflag:$0x5] =	stream.indirect.gather [hbm4b:s4+s18], $0x10, s16, s18, $0xb8;
	[tilespmem:$0x10800] =	vst v63  }
0xf4: {  	_ =	swait.ge [sflag:s11], $0x800  }
0xf5: {  	[sflag:s11] =	ssyncset.done $0x0  }
0xf6: {  	s16 =	sadd.s32 $0x680, s14;
	[sflag:s11] =	ssyncadd.s32 $0xFFFFF800  }
0xf7: {  	[tilespmem:s28], [sflag:$0x6] =	stream.indirect.gather [hbm4b:s4+s18], $0x10, s16, s18, $0xb8;
	[tilespmem:$0x10800] =	vst v63  }
0xf8: {  	_ =	swait.ge [sflag:s12], $0x800  }
0xf9: {  	[sflag:s12] =	ssyncset.done $0x0  }
0xfa: {  	s16 =	sadd.s32 $0x700, s14;
	[sflag:s12] =	ssyncadd.s32 $0xFFFFF800  }
0xfb: {  	[tilespmem:s30], [sflag:$0x7] =	stream.indirect.gather [hbm4b:s4+s18], $0x10, s16, s18, $0xb8;
	[tilespmem:$0x10800] =	vst v63  }
.Ltmp7:
0xfc: {  	_ = 	snop;
	(pc) =	sbr.rel .LBB2_5-.Ltmp7, $4  }
0xfd: {  	_ =	swait.ge [sflag:s13], $0x800  }
0xfe: {  	[sflag:s13] =	ssyncset.done $0x0  }
0xff: {  	s6 =	sadd.s32 $0x1000, s6;
	s16 =	sadd.s32 $0x780, s14;
	[sflag:s13] =	ssyncadd.s32 $0xFFFFF800  }
0x100: {  	[tilespmem:s0], [sflag:$0x8] =	stream.indirect.gather [hbm4b:s4+s18], $0x10, s16, s18, $0xb8;
	[tilespmem:$0x10800] =	vst v63  }
.LBB2_11:
0x101: {  	_ =	sfence.sel $0x180000  }
0x102: {  	[bflag:$0x0] =	sbarrier.arrive $0xFFFF  }
0x103: {  	_ =	strace $0x9000004A  }
0x104: {  	s0 =	stileid.u32;
	[bflag:$0x2] =	sbarrier.arrive $0xFFFF  }
0x105: {  	p0 =	sne.s32 s0, $0x0;
	s0 =	rddreg [dreg:$0x2]  }
0x106: {  	s0 =	sadd.s32 @!p0 $0x100000, s0  }
0x107: {  	[sflag:s0] =	ssyncadd.tile.s32 @!p0 $0x1;
	_ =	shalt  }
.Lfunc_end2:
_tile_overlayer_lowered:
.L_overlay_start_2:
0x108: {  	(tag) =	ssettag $0x2  }
0x109: {  	s0 =	rddreg [dreg:$0x0];
	s2 =	stileid.u32  }
0x10a: {  	s1 =	rddreg [dreg:$0x1];
	p0 =	sne.s32 s2, $0x0  }
0x10b: {  	s3 =	rddreg [dreg:$0x2];
	[bflag:$0x3] =	sbarrier.arrive $0xFFFF;
	s2 =	simm.s32 @!p0 $0x1C11  }
0x10c: {  	[timem:s3], [sflag:s2] =	dma.local @!p0 [hbm:s0], s1  }
0x10d: {  	s0 =	simm.s32 @!p0 $0x11  }
0x10e: {  	_ =	swait.ge @!p0 [sflag:s0], s1  }
0x10f: {  	s1 =	ssub.s32 @!p0 $0x0, s1;
	[sflag:s0] =	ssyncset.done @!p0 $0x0  }
0x110: {  	[sflag:s0] =	ssyncadd.s32 @!p0 s1  }
0x111: {  	[bflag:$0x3] =	sbarrier.arrive $0xFFFF  }
0x112: {  	_ =	shalt  }

// kernel: kernel.17.cloned.1.call-start
scs
__scs_entry_jumppad:
0x0: {  	(pc) =	sbr.rel $0x88, $3  }
0x1: {  	(tag) =	ssettag $0x0;
	lr =	simm.s32 $0x1  }
0x2: {  	[smem:$0x3F92] =	sst lr;
	_ =	strace $0xD0000000  }
0x3: {  	_ = 	snop  }
0x4: {  	_ = 	snop  }
0x5: {  	_ = 	snop  }
0x6: {  	_ = 	snop  }
0x7: {  	_ = 	snop  }
__scs_overlays_trampoline_lowered:
0x8: {  	[smem:$0x3FA1] =	sst s0  }
0x9: {  	[smem:$0x3FA2] =	sst s1  }
0xa: {  	[smem:$0x3FA3] =	sst s2  }
0xb: {  	[smem:$0x3FA4] =	sst s3  }
0xc: {  	[smem:$0x3FA5] =	sst s4  }
0xd: {  	[smem:$0x3FA6] =	sst s5  }
0xe: {  	[smem:$0x3FA7] =	sst s6  }
0xf: {  	[smem:$0x3FA8] =	sst s7  }
0x10: {  	[smem:$0x3FA9] =	sst s8  }
0x11: {  	[smem:$0x3FAA] =	sst s9;
	s0 =	simm.s32 @!p0 $0x0  }
0x12: {  	s1 =	sld [smem:$0x3F90];
	s0 =	simm.s32 @p0 $0x1  }
0x13: {  	[smem:$0x3FAB] =	sst s0;
	s0 =	simm.s32 @!p1 $0x0  }
0x14: {  	s2 =	sld [smem:$0x3F8F];
	s0 =	simm.s32 @p1 $0x1  }
0x15: {  	[smem:$0x3FAC] =	sst s0;
	s0 =	simm.s32 @!p2 $0x0  }
0x16: {  	s3 =	sld [smem:$0x3FDB];
	s0 =	simm.s32 @p2 $0x1  }
0x17: {  	s4 =	simm.s32 $0x1BF5;
	[smem:$0x3FAE] =	sst s0  }
0x18: {  	s0 =	sld [smem:$0x3F91];
	_ =	swait.ge [sflag:s4], $0x0  }
0x19: {  	s7 =	sld [smem:$0x3F92]  }
0x1a: {  	s8 =	sadd.s32 $0xFFFFE003, lr  }
0x1b: {  	s9 =	sadd.s32 $0xFFFFFEF7, lr;
	s5 =	simm.s32 $0xFFFFFFFF;
	p2 =	slt.u32 s8, $0xFFFFF086  }
0x1c: {  	p1 =	slt.u32 s9, $0xF7A;
	s5 =	simm.s32 @!p2 $0x0  }
0x1d: {  	s5 =	simm.s32 @p1 $0x1;
	p0 =	seq.s32 s7, s2  }
0x1e: {  	s7 =	smul.u32 @!p0 $0xF7A, s2;
	p2 =	seq.s32 @!p0 s5, $0x0  }
0x1f: {  	s9 =	smul.u32 $0xF7A, s1;
	s8 =	simm.s32 @!p0 $0x1BF5;
	p2 =	por !p2, p0  }
0x20: {  	[sflag:s8] =	ssyncset.s32 @!p0 $0xFFFFF086;
	s6 =	sadd.s32 @!p0 s3, s7;
	s7 =	simm.s32 @!p0 $0x108  }
0x21: {  	s3 =	sadd.s32 s3, s9;
	s6 =	sadd.s32 @!p0 $0x88, s6;
	s7 =	simm.s32 @p2 $0x1082  }
0x22: {  	[simem:s7], [sflag:s8] =	dma.local @!p0 [hbm:s6], $0xF7A  }
0x23: {  	s9 =	sor.u32 $0xD0000000, s2;
	s6 =	simm.s32 $0x108;
	_ =	swait.ge @!p0 [sflag:s8], $0x0  }
0x24: {  	s3 =	sadd.s32 $0x88, s3;
	s6 =	simm.s32 @!p1 $0x1082;
	[sflag:s4] =	ssyncset.s32 $0xFFFFF086  }
0x25: {  	[simem:s6], [sflag:s4] =	dma.local [hbm:s3], $0xF7A  }
0x26: {  	[smem:$0x3F92] =	sst s1;
	(tag) =	ssettag s2;
	_ =	strace s9  }
0x27: {  	s1 =	sld [smem:$0x3FA2]  }
0x28: {  	s2 =	sld [smem:$0x3FA3]  }
0x29: {  	s4 =	sld [smem:$0x3FA5]  }
0x2a: {  	p0 =	seq.s32 s5, $0x0;
	s5 =	sld [smem:$0x3FA6]  }
0x2b: {  	s6 =	sld [smem:$0x3FA7]  }
0x2c: {  	s7 =	sld [smem:$0x3FA8]  }
0x2d: {  	s3 =	simm.s32 $0x108;
	s8 =	sld [smem:$0x3FA9]  }
0x2e: {  	s3 =	simm.s32 @!p0 $0x1082;
	s9 =	sld [smem:$0x3FAA]  }
0x2f: {  	lr =	sadd.s32 s0, s3;
	s0 =	sld [smem:$0x3FA1]  }
0x30: {  	s3 =	sld [smem:$0x3FA4]  }
0x31: {  	[smem:$0x3FAD] =	sst s10  }
0x32: {  	s10 =	sld [smem:$0x3FAB];
	_ =	sdelay $0x3  }
0x33: {  	p0 =	seq.s32 s10, $0x1;
	s10 =	sld [smem:$0x3FAD];
	_ =	sdelay $0x3  }
0x34: {  	[smem:$0x3FAD] =	sst s10  }
0x35: {  	s10 =	sld [smem:$0x3FAC];
	_ =	sdelay $0x3  }
0x36: {  	p1 =	seq.s32 s10, $0x1;
	s10 =	sld [smem:$0x3FAD];
	_ =	sdelay $0x3  }
0x37: {  	[smem:$0x3FAD] =	sst s10  }
0x38: {  	s10 =	sld [smem:$0x3FAE]  }
0x39: {  	_ = 	snop;
	(pc) =	sbr.ind lr, $3  }
0x3a: {  	_ = 	snop  }
0x3b: {  	_ = 	snop  }
0x3c: {  	p2 =	seq.s32 s10, $0x1;
	s10 =	sld [smem:$0x3FAD]  }
0x3d: {  	_ =	shalt  }
0x3e: {  	_ =	shalt  }
0x3f: {  	_ =	shalt  }
0x40: {  	_ =	shalt  }
0x41: {  	_ =	shalt  }
0x42: {  	_ =	shalt  }
0x43: {  	_ =	shalt  }
0x44: {  	_ =	shalt  }
0x45: {  	_ =	shalt  }
0x46: {  	_ =	shalt  }
0x47: {  	_ =	shalt  }
0x48: {  	_ =	shalt  }
0x49: {  	_ =	shalt  }
0x4a: {  	_ =	shalt  }
0x4b: {  	_ =	shalt  }
0x4c: {  	_ =	shalt  }
0x4d: {  	_ =	shalt  }
0x4e: {  	_ =	shalt  }
0x4f: {  	_ =	shalt  }
0x50: {  	_ =	shalt  }
0x51: {  	_ =	shalt  }
0x52: {  	_ =	shalt  }
0x53: {  	_ =	shalt  }
0x54: {  	_ =	shalt  }
0x55: {  	_ =	shalt  }
0x56: {  	_ =	shalt  }
0x57: {  	_ =	shalt  }
0x58: {  	_ =	shalt  }
0x59: {  	_ =	shalt  }
0x5a: {  	_ =	shalt  }
0x5b: {  	_ =	shalt  }
0x5c: {  	_ =	shalt  }
0x5d: {  	_ =	shalt  }
0x5e: {  	_ =	shalt  }
0x5f: {  	_ =	shalt  }
0x60: {  	_ =	shalt  }
0x61: {  	_ =	shalt  }
0x62: {  	_ =	shalt  }
0x63: {  	_ =	shalt  }
0x64: {  	_ =	shalt  }
0x65: {  	_ =	shalt  }
0x66: {  	_ =	shalt  }
0x67: {  	_ =	shalt  }
0x68: {  	_ =	shalt  }
0x69: {  	_ =	shalt  }
0x6a: {  	_ =	shalt  }
0x6b: {  	_ =	shalt  }
0x6c: {  	_ =	shalt  }
0x6d: {  	_ =	shalt  }
0x6e: {  	_ =	shalt  }
0x6f: {  	_ =	shalt  }
0x70: {  	_ =	shalt  }
0x71: {  	_ =	shalt  }
0x72: {  	_ =	shalt  }
0x73: {  	_ =	shalt  }
0x74: {  	_ =	shalt  }
0x75: {  	_ =	shalt  }
0x76: {  	_ =	shalt  }
0x77: {  	_ =	shalt  }
0x78: {  	_ =	shalt  }
0x79: {  	_ =	shalt  }
0x7a: {  	_ =	shalt  }
0x7b: {  	_ =	shalt  }
0x7c: {  	_ =	shalt  }
0x7d: {  	_ =	shalt  }
0x7e: {  	_ =	shalt  }
0x7f: {  	_ =	shalt  }
0x80: {  	_ =	shalt  }
0x81: {  	_ =	shalt  }
0x82: {  	_ =	shalt  }
0x83: {  	_ =	shalt  }
0x84: {  	_ =	shalt  }
0x85: {  	_ =	shalt  }
0x86: {  	_ =	shalt  }
0x87: {  	_ =	shalt  }
.Lfunc_end0:
.L_simem_size_0:
called_computation.2_lowered:
.L_overlay_start_0:
0x88: {  	s2 =	sld [smem:$0x3FD9]  }
0x89: {  	s3 =	sld [smem:$0x3FFE];
	_ =	sdelay $0x1  }
0x8a: {  	s1 =	srdreg.scid  }
0x8b: {  	s0 =	sand.u32 $0x1, s1  }
0x8c: {  	s16 =	sshll.u32 s0, $0xA;
	s2 =	sadd.s32 s3, s2  }
0x8d: {  	s2 =	sadd.s32 s2, s16  }
0x8e: {  	[smem:$0x3FB9] =	sst s2  }
0x8f: {  	_ = 	snop  }
0x90: {  	(tm) =	ssettm $0x1  }
0x91: {  	s17 =	sld [smem:$0x3FFB];
	_ =	sdelay $0x3  }
0x92: {  	_ =	strace s17  }
0x93: {  	s2 =	sld [smem:$0x3FFC];
	_ =	sdelay $0x3  }
0x94: {  	_ =	strace s2  }
0x95: {  	s2 =	sld [smem:$0x3FFD];
	_ =	sdelay $0x3  }
0x96: {  	_ =	strace s2  }
0x97: {  	_ =	strace $0x8FFFFFFF  }
0x98: {  	s18 =	sld [smem:$0x3FDB];
	_ =	sdelay $0x1  }
0x99: {  	s19 =	simm.s32 $_scs_section_size  }
0x9a: {  	s4 =	simm.s32 $_size__tile_overlayer_lowered;
	s5 =	simm.s32 $_tile_overlayer_lowered  }
0x9b: {  	s22 =	simm.s32 $0x1BFF;
	s21 =	sshll.u32 s5, $0x1;
	s2 =	sadd.s32 s19, s18  }
0x9c: {  	s6 =	simm.s32 $0x0;
	s20 =	sshll.u32 s4, $0x1;
	s4 =	sadd.s32 s21, s2  }
0x9d: {  	[timem:s6], [sflag:s22] =	dma.local [hbm:s4], s20  }
0x9e: {  	_ =	swait.ge [sflag:s22], s20  }
0x9f: {  	s3 =	ssub.s32 $0x0, s20;
	[sflag:s22] =	ssyncset.done $0x0  }
0xa0: {  	[sflag:s22] =	ssyncadd.s32 s3;
	_ =	sdelay $0x1  }
0xa1: {  	s23 =	simm.s32 $0x1B8B  }
0xa2: {  	_ =	swait.ge [sflag:s23], $0x1  }
0xa3: {  	[sflag:s23] =	ssyncset.done $0x0  }
0xa4: {  	s25 =	simm.s32 $0x1B8E;
	s24 =	sld [smem:$0x3FFE];
	[sflag:s23] =	ssyncadd.s32 $0xFFFFFFFF  }
0xa5: {  	s26 =	simm.s32 $execute0_lowered;
	[smem:$0x3FD2] =	sst s25  }
0xa6: {  	s4 =	sshll.u32 s26, $0x1;
	_ =	strace $0x8000004C;
	[dreg:$0x1] =	wrdreg $0xFFFFFFFF  }
0xa7: {  	s28 =	simm.s32 $_size_execute0_lowered;
	s2 =	sadd.s32 s2, s4;
	[dreg:$0x0] =	wrdreg $0x0  }
0xa8: {  	s4 =	sshll.u32 s28, $0x1;
	[dreg:$0x2] =	wrdreg s2  }
0xa9: {  	[dreg:$0x3] =	wrdreg s4  }
0xaa: {  	[dreg:$0x4] =	wrdreg $0xC0  }
0xab: {  	_ =	task [dreg:s6], $0x5FFFF  }
0xac: {  	[dreg:$0x1] =	wrdreg $0xFFFFFFFF  }
0xad: {  	[dreg:$0x0] =	wrdreg $0x60  }
0xae: {  	[dreg:$0x2] =	wrdreg s24  }
0xaf: {  	[dreg:$0x3] =	wrdreg $0xE0000  }
0xb0: {  	[dreg:$0x4] =	wrdreg $0x9  }
0xb1: {  	_ =	task.clear_ibuf [dreg:s6], $0x5FFFF;
	_ =	strace $0x9000004C  }
0xb2: {  	s29 =	simm.s32 $0x9;
	_ =	strace $0x8000004E  }
0xb3: {  	_ =	swait.ge [sflag:s29], $0x1  }
0xb4: {  	[sflag:s29] =	ssyncadd.s32 $0xFFFFFFFF  }
0xb5: {  	_ =	strace $0x9000004E  }
0xb6: {  	_ =	sfence  }
0xb7: {  	s30 =	sld [smem:$0x0];
	_ =	sdelay $0x2  }
0xb8: {  	s31 =	sshll.u32 s1, $0xD;
	s1 =	sshrl.u32 s1, $0x2  }
0xb9: {  	s3 =	sand.u32 $0x4000, s31;
	s1 =	sadd.s32 s1, s30  }
0xba: {  	s0 =	sor.u32 s3, s0;
	s1 =	sshll.u32 s1, $0x11  }
0xbb: {  	s0 =	sor.u32 s1, s0  }
0xbc: {  	s0 =	sadd.s32 $0x8F2B, s0  }
0xbd: {  	[sflag:s0] =	ssyncadd.remote.s32 $0x1  }
0xbe: {  	_ =	sfence.sel $0xFFFF  }
0xbf: {  	[dreg:$0x0] =	wrdreg $0xFFFFFFFF;
	(pc) =	sbr.abs _section_cstart, $3  }
0xc0: {  	[dreg:$0x1] =	wrdreg $0xFFFFFFFF  }
0xc1: {  	_ =	task.clear_ibuf [dreg:s6], $0x2FFFF;
	_ =	strace $0x9FFFFFFF  }
0xc2: {  	(tm) =	ssettm $0x7FFFFFFF  }
0xc3: {  	_ =	shalt  }
tec
execute0_lowered:
.L_overlay_start_1:
0x0: {  	(tag) =	ssettag $0x1  }
0x1: {  	s0 =	rddreg [dreg:$0x0]  }
0x2: {  	s2 =	rddreg [dreg:$0x1];
	s4 =	stileid.u32  }
0x3: {  	s3 =	srdreg.scid;
	s5 =	simm.s32 $0x0;
	s15 =	simm.s32 $0xA000  }
0x4: {  	s16 =	simm.s32 $0x11;
	s18 =	simm.s32 $0x80;
	s28 =	simm.s32 $0xC800  }
0x5: {  	s30 =	simm.s32 $0xD000;
	s17 =	simm.s32 $0x1;
	s29 =	simm.s32 $0x7  }
0x6: {  	s31 =	simm.s32 $0x8;
	s10 =	simm.s32 $0xD;
	s11 =	simm.s32 $0xE  }
0x7: {  	s12 =	simm.s32 $0xF;
	s13 =	simm.s32 $0x10;
	s1 =	smul.u32 $0xA00, s4  }
0x8: {  	s14 =	simm.s32 $0x0;
	s3 =	sand.u32 $0x1, s3;
	s6 =	smul.u32 $0x2800, s4  }
0x9: {  	[smem:$0x7FF] =	sst s5;
	s8 =	smul.u32 $0xA000, s4;
	s4 =	sadd.s32 $0x17C00, s0  }
0xa: {  	s5 =	sadd.s32 $0x1CC00, s0;
	s7 =	smul.u32 $0x28000, s3;
	_ =	strace $0x8000004D  }
0xb: {  	s9 =	ssub.s32 $0x2, s3;
	p0 =	seq.s32 s3, $0x1;
	s3 =	simm.s32 $0x9  }
0xc: {  	s1 =	sadd.s32 s1, s0;
	s8 =	sshrl.u32 s8, $0x2;
	s20 =	sshrl.u32 s9, $0x1  }
0xd: {  	s7 =	sadd.s32 s6, s7;
	s8 =	sadd.s32 s8, s2;
	s6 =	sadd.s32 s6, s2  }
0xe: {  	s25 =	sadd.s32 $0xDC00, s1;
	s1 =	sadd.s32 $0x3C00, s1;
	[dreg:$0x3] =	wrdreg s6  }
0xf: {  	s7 =	sshrl.u32 s7, $0x3;
	s21 =	sadd.s32 $0x800, s8;
	[dreg:$0x8] =	wrdreg s25  }
0x10: {  	s22 =	sadd.s32 $0x1000, s8;
	s23 =	sadd.s32 $0x1800, s8;
	[dreg:$0x9] =	wrdreg s1  }
0x11: {  	s24 =	sadd.s32 $0x2000, s8;
	s25 =	simm.s32 $0xC000;
	[dreg:$0x4] =	wrdreg s21  }
0x12: {  	s1 =	simm.s32 $0x3;
	s8 =	simm.s32 $0xB;
	[dreg:$0x5] =	wrdreg s22  }
0x13: {  	s0 =	sadd.s32 s7, s0;
	s7 =	ssub.s32 s9, s20;
	[dreg:$0x6] =	wrdreg s23  }
.Ltmp0:
0x14: {  	[dreg:$0x7] =	wrdreg s24;
	s21 =	simm.s32 $0xB000;
	(pc) =	sbr.rel .LBB2_1-.Ltmp0, $4  }
0x15: {  	s23 =	simm.s32 $0xB800;
	s20 =	simm.s32 $0x2;
	s22 =	simm.s32 $0x4  }
0x16: {  	s24 =	simm.s32 $0x5;
	s9 =	simm.s32 $0xC;
	s0 =	sadd.s32 $0x21C00, s0  }
0x17: {  	s26 =	smax.u32 s7, $0x1;
	s7 =	simm.s32 $0xA;
	[dreg:$0xa] =	wrdreg s0  }
0x18: {  	v0 =	vimm.f32 $0.0e+00;
	[dreg:$0xb] =	wrdreg s26;
	s0 =	simm.s32 $0xD800;
	s26 =	simm.s32 $0x6  }
.LBB2_10:
0x19: {  	_ =	swait.ge [sflag:s7], $0x800  }
0x1a: {  	[sflag:s7] =	ssyncset.done $0x0  }
0x1b: {  	[sflag:s7] =	ssyncadd.s32 $0xFFFFF800  }
0x1c: {  	_ =	swait.ge [sflag:s8], $0x800  }
0x1d: {  	[sflag:s8] =	ssyncset.done $0x0  }
0x1e: {  	[sflag:s8] =	ssyncadd.s32 $0xFFFFF800  }
0x1f: {  	_ =	swait.ge [sflag:s9], $0x800  }
0x20: {  	[sflag:s9] =	ssyncset.done $0x0  }
0x21: {  	[sflag:s9] =	ssyncadd.s32 $0xFFFFF800  }
0x22: {  	_ =	swait.ge [sflag:s10], $0x800  }
0x23: {  	[sflag:s10] =	ssyncset.done $0x0  }
0x24: {  	[sflag:s10] =	ssyncadd.s32 $0xFFFFF800  }
0x25: {  	_ =	swait.ge [sflag:s11], $0x800  }
0x26: {  	[sflag:s11] =	ssyncset.done $0x0  }
0x27: {  	[sflag:s11] =	ssyncadd.s32 $0xFFFFF800  }
0x28: {  	_ =	swait.ge [sflag:s12], $0x800  }
0x29: {  	[sflag:s12] =	ssyncset.done $0x0  }
0x2a: {  	[sflag:s12] =	ssyncadd.s32 $0xFFFFF800  }
0x2b: {  	_ =	swait.ge [sflag:s13], $0x800  }
0x2c: {  	[sflag:s13] =	ssyncset.done $0x0  }
0x2d: {  	[sflag:s13] =	ssyncadd.s32 $0xFFFFF800  }
0x2e: {  	s6 =	stileid.u32;
	[bflag:$0x0] =	sbarrier.arrive $0xFFFF  }
0x2f: {  	s6 =	sshll.u32 s6, $0x6;
	s14 =	rddreg [dreg:$0x3]  }
0x30: {  	s6 =	sor.u32 $0x1C11, s6;
	s16 =	rddreg [dreg:$0xa];
	s14 =	sshrl.u32 s14, $0x3  }
0x31: {  	[hbm:s16], [sflag:s6] =	dma.local [spmem:s14], $0x500  }
0x32: {  	s16 =	simm.s32 $0x11  }
0x33: {  	_ =	swait.ge [sflag:s16], $0x500  }
0x34: {  	s6 =	rddreg [dreg:$0xc]  }
0x35: {  	s19 =	rddreg [dreg:$0xb];
	s14 =	sadd.s32 $0x1, s6  }
0x36: {  	p1 =	sne.s32 s14, s19  }
.Ltmp1:
0x37: {  	_ = 	snop;
	(pc) =	sbr.rel @!p1 .LBB2_11-.Ltmp1, $3  }
0x38: {  	_ =	sdelay $0x1  }
0x39: {  	[sflag:s16] =	ssyncset.done $0x0  }
0x3a: {  	[sflag:s16] =	ssyncadd.s32 $0xFFFFFB00  }
.LBB2_1:
0x3b: {  	[dreg:$0xc] =	wrdreg s14;
	s6 =	simm.s32 $0x40;
	s14 =	simm.s32 $0x0  }
.LBB2_2:
0x3c: {  	p1 =	sne.s32 s6, $0x1FC0;
	[tilespmem:s14+$0xA000] =	vst v0;
	s14 =	smov.u32 s6;
	s6 =	sadd.s32 $0x40, s6  }
.Ltmp2:
0x3d: {  	(pc) =	sbr.rel @p1 .LBB2_2-.Ltmp2, $2  }
0x3e: {  	_ =	sdelay $0x2  }
0x3f: {  	s14 =	sshra.s32 s14, $0x2  }
0x40: {  	[tilespmem:s14+$0xA000] =	vst v0;
	s6 =	rddreg [dreg:$0x3]  }
0x41: {  	[spmem:s6] =	stream.linear.scatter [tilespmem:s15], [sflag:$0x11], $0x800, $0x38;
	[tilespmem:$0x10800] =	vst v63  }
0x42: {  	_ =	swait.ge [sflag:s16], $0x800  }
0x43: {  	[sflag:s16] =	ssyncset.done $0x0  }
0x44: {  	s14 =	rddreg [dreg:$0x4];
	[sflag:s16] =	ssyncadd.s32 $0xFFFFF800  }
0x45: {  	[spmem:s14] =	stream.linear.scatter [tilespmem:s15], [sflag:$0x11], $0x800, $0x38;
	[tilespmem:$0x10800] =	vst v63  }
0x46: {  	_ =	swait.ge [sflag:s16], $0x800  }
0x47: {  	[sflag:s16] =	ssyncset.done $0x0  }
0x48: {  	s19 =	rddreg [dreg:$0x5];
	[sflag:s16] =	ssyncadd.s32 $0xFFFFF800  }
0x49: {  	[spmem:s19] =	stream.linear.scatter [tilespmem:s15], [sflag:$0x11], $0x800, $0x38;
	[tilespmem:$0x10800] =	vst v63  }
0x4a: {  	_ =	swait.ge [sflag:s16], $0x800  }
0x4b: {  	[sflag:s16] =	ssyncset.done $0x0  }
0x4c: {  	s14 =	rddreg [dreg:$0x6];
	[sflag:s16] =	ssyncadd.s32 $0xFFFFF800  }
0x4d: {  	[spmem:s14] =	stream.linear.scatter [tilespmem:s15], [sflag:$0x11], $0x800, $0x38;
	[tilespmem:$0x10800] =	vst v63  }
0x4e: {  	_ =	swait.ge [sflag:s16], $0x800  }
0x4f: {  	[sflag:s16] =	ssyncset.done $0x0  }
0x50: {  	s19 =	rddreg [dreg:$0x7];
	[sflag:s16] =	ssyncadd.s32 $0xFFFFF800  }
0x51: {  	[spmem:s19] =	stream.linear.scatter [tilespmem:s15], [sflag:$0x11], $0x800, $0x38;
	[tilespmem:$0x10800] =	vst v63  }
0x52: {  	_ =	swait.ge [sflag:s16], $0x800  }
0x53: {  	[sflag:s16] =	ssyncset.done $0x0  }
0x54: {  	s14 =	simm.s32 $0x0;
	s19 =	rddreg [dreg:$0x8];
	[sflag:s16] =	ssyncadd.s32 $0xFFFFF800  }
0x55: {  	[tilespmem:s14], [sflag:$0x11] =	stream.linear.gather [hbm4b:s19+s14], $0x5000, $0x38;
	[tilespmem:$0x10800] =	vst v63  }
0x56: {  	_ =	swait.ge [sflag:s16], $0x5000  }
0x57: {  	s6 =	simm.s32 $0x5000;
	[sflag:s16] =	ssyncset.done $0x0  }
0x58: {  	s19 =	simm.s32 $0x0;
	s14 =	rddreg [dreg:$0x9];
	[sflag:s16] =	ssyncadd.s32 $0xFFFFB000  }
0x59: {  	[tilespmem:s6], [sflag:$0x11] =	stream.linear.gather [hbm4b:s14+s19], $0x5000, $0x38;
	[tilespmem:$0x10800] =	vst v63  }
.Ltmp3:
0x5a: {  	_ =	swait.ge [sflag:s16], $0x5000;
	(pc) =	sbr.rel @!p0 .LBB2_4-.Ltmp3, $4  }
0x5b: {  	[sflag:s16] =	ssyncset.done $0x0  }
0x5c: {  	[sflag:s16] =	ssyncadd.s32 $0xFFFFB000  }
0x5d: {  	[bflag:$0x0] =	sbarrier.arrive $0xFFFF  }
0x5e: {  	s6 =	simm.s32 $0x0  }
0x5f: {  	[tilespmem:s15], [sflag:$0x1] =	stream.indirect.gather [hbm4b:s5+s18], $0x10, s6, s18, $0xb8;
	[tilespmem:$0x10800] =	vst v63  }
0x60: {  	s19 =	simm.s32 $0xA800  }
0x61: {  	[tilespmem:s19], [sflag:$0x2] =	stream.indirect.gather [hbm4b:s5+s18], $0x10, s18, s18, $0xb8;
	[tilespmem:$0x10800] =	vst v63  }
0x62: {  	s14 =	simm.s32 $0x100  }
0x63: {  	[tilespmem:s21], [sflag:$0x3] =	stream.indirect.gather [hbm4b:s5+s18], $0x10, s14, s18, $0xb8;
	[tilespmem:$0x10800] =	vst v63  }
0x64: {  	s16 =	simm.s32 $0x180  }
0x65: {  	[tilespmem:s23], [sflag:$0x4] =	stream.indirect.gather [hbm4b:s5+s18], $0x10, s16, s18, $0xb8;
	[tilespmem:$0x10800] =	vst v63  }
0x66: {  	s16 =	simm.s32 $0x200  }
0x67: {  	[tilespmem:s25], [sflag:$0x5] =	stream.indirect.gather [hbm4b:s5+s18], $0x10, s16, s18, $0xb8;
	[tilespmem:$0x10800] =	vst v63  }
0x68: {  	s16 =	simm.s32 $0x280  }
0x69: {  	[tilespmem:s28], [sflag:$0x6] =	stream.indirect.gather [hbm4b:s5+s18], $0x10, s16, s18, $0xb8;
	[tilespmem:$0x10800] =	vst v63  }
0x6a: {  	s16 =	simm.s32 $0x300  }
0x6b: {  	[tilespmem:s30], [sflag:$0x7] =	stream.indirect.gather [hbm4b:s5+s18], $0x10, s16, s18, $0xb8;
	[tilespmem:$0x10800] =	vst v63  }
0x6c: {  	s16 =	simm.s32 $0x380  }
0x6d: {  	[tilespmem:s0], [sflag:$0x8] =	stream.indirect.gather [hbm4b:s5+s18], $0x10, s16, s18, $0xb8;
	[tilespmem:$0x10800] =	vst v63  }
.LBB2_8:
0x6e: {  	_ =	swait.ge [sflag:s17], $0x800  }
0x6f: {  	s14 =	sshra.s32 s6, $0x2;
	[sflag:s17] =	ssyncset.done $0x0  }
0x70: {  	s16 =	sadd.s32 $0x5000, s14;
	[sflag:s17] =	ssyncadd.s32 $0xFFFFF800  }
0x71: {  	[spmem:s2] =	stream.indirect.scatter.add.f32 [tilespmem:s15], [sflag:$0x9], $0x10, s16, s18, $0xb8;
	[tilespmem:$0x10800] =	vst v63  }
0x72: {  	_ =	swait.ge [sflag:s20], $0x800  }
0x73: {  	[sflag:s20] =	ssyncset.done $0x0  }
0x74: {  	s16 =	sadd.s32 $0x5080, s14;
	[sflag:s20] =	ssyncadd.s32 $0xFFFFF800  }
0x75: {  	[spmem:s2] =	stream.indirect.scatter.add.f32 [tilespmem:s19], [sflag:$0xA], $0x10, s16, s18, $0xb8;
	[tilespmem:$0x10800] =	vst v63  }
0x76: {  	_ =	swait.ge [sflag:s1], $0x800  }
0x77: {  	[sflag:s1] =	ssyncset.done $0x0  }
0x78: {  	s16 =	sadd.s32 $0x5100, s14;
	[sflag:s1] =	ssyncadd.s32 $0xFFFFF800  }
0x79: {  	[spmem:s2] =	stream.indirect.scatter.add.f32 [tilespmem:s21], [sflag:$0xB], $0x10, s16, s18, $0xb8;
	[tilespmem:$0x10800] =	vst v63  }
0x7a: {  	_ =	swait.ge [sflag:s22], $0x800  }
0x7b: {  	[sflag:s22] =	ssyncset.done $0x0  }
0x7c: {  	s16 =	sadd.s32 $0x5180, s14;
	[sflag:s22] =	ssyncadd.s32 $0xFFFFF800  }
0x7d: {  	[spmem:s2] =	stream.indirect.scatter.add.f32 [tilespmem:s23], [sflag:$0xC], $0x10, s16, s18, $0xb8;
	[tilespmem:$0x10800] =	vst v63  }
0x7e: {  	_ =	swait.ge [sflag:s24], $0x800  }
0x7f: {  	[sflag:s24] =	ssyncset.done $0x0  }
0x80: {  	s16 =	sadd.s32 $0x5200, s14;
	[sflag:s24] =	ssyncadd.s32 $0xFFFFF800  }
0x81: {  	[spmem:s2] =	stream.indirect.scatter.add.f32 [tilespmem:s25], [sflag:$0xD], $0x10, s16, s18, $0xb8;
	[tilespmem:$0x10800] =	vst v63  }
0x82: {  	_ =	swait.ge [sflag:s26], $0x800  }
0x83: {  	[sflag:s26] =	ssyncset.done $0x0  }
0x84: {  	s16 =	sadd.s32 $0x5280, s14;
	[sflag:s26] =	ssyncadd.s32 $0xFFFFF800  }
0x85: {  	[spmem:s2] =	stream.indirect.scatter.add.f32 [tilespmem:s28], [sflag:$0xE], $0x10, s16, s18, $0xb8;
	[tilespmem:$0x10800] =	vst v63  }
0x86: {  	_ =	swait.ge [sflag:s29], $0x800  }
0x87: {  	[sflag:s29] =	ssyncset.done $0x0  }
0x88: {  	s16 =	sadd.s32 $0x5300, s14;
	[sflag:s29] =	ssyncadd.s32 $0xFFFFF800  }
0x89: {  	[spmem:s2] =	stream.indirect.scatter.add.f32 [tilespmem:s30], [sflag:$0xF], $0x10, s16, s18, $0xb8;
	[tilespmem:$0x10800] =	vst v63  }
0x8a: {  	_ =	swait.ge [sflag:s31], $0x800  }
0x8b: {  	p1 =	seq.s32 s6, $0x13000;
	[sflag:s31] =	ssyncset.done $0x0  }
.Ltmp4:
0x8c: {  	s16 =	sadd.s32 $0x5380, s14;
	[sflag:s31] =	ssyncadd.s32 $0xFFFFF800;
	(pc) =	sbr.rel @p1 .LBB2_10-.Ltmp4, $4  }
0x8d: {  	[spmem:s2] =	stream.indirect.scatter.add.f32 [tilespmem:s0], [sflag:$0x10], $0x10, s16, s18, $0xb8;
	[tilespmem:$0x10800] =	vst v63  }
0x8e: {  	_ =	swait.ge [sflag:s3], $0x800  }
0x8f: {  	[sflag:s3] =	ssyncset.done $0x0  }
0x90: {  	[sflag:s3] =	ssyncadd.s32 $0xFFFFF800  }
0x91: {  	s16 =	sadd.s32 $0x400, s14  }
0x92: {  	[tilespmem:s15], [sflag:$0x1] =	stream.indirect.gather [hbm4b:s5+s18], $0x10, s16, s18, $0xb8;
	[tilespmem:$0x10800] =	vst v63  }
0x93: {  	_ =	swait.ge [sflag:s7], $0x800  }
0x94: {  	[sflag:s7] =	ssyncset.done $0x0  }
0x95: {  	s16 =	sadd.s32 $0x480, s14;
	[sflag:s7] =	ssyncadd.s32 $0xFFFFF800  }
0x96: {  	[tilespmem:s19], [sflag:$0x2] =	stream.indirect.gather [hbm4b:s5+s18], $0x10, s16, s18, $0xb8;
	[tilespmem:$0x10800] =	vst v63  }
0x97: {  	_ =	swait.ge [sflag:s8], $0x800  }
0x98: {  	[sflag:s8] =	ssyncset.done $0x0  }
0x99: {  	s16 =	sadd.s32 $0x500, s14;
	[sflag:s8] =	ssyncadd.s32 $0xFFFFF800  }
0x9a: {  	[tilespmem:s21], [sflag:$0x3] =	stream.indirect.gather [hbm4b:s5+s18], $0x10, s16, s18, $0xb8;
	[tilespmem:$0x10800] =	vst v63  }
0x9b: {  	_ =	swait.ge [sflag:s9], $0x800  }
0x9c: {  	[sflag:s9] =	ssyncset.done $0x0  }
0x9d: {  	s16 =	sadd.s32 $0x580, s14;
	[sflag:s9] =	ssyncadd.s32 $0xFFFFF800  }
0x9e: {  	[tilespmem:s23], [sflag:$0x4] =	stream.indirect.gather [hbm4b:s5+s18], $0x10, s16, s18, $0xb8;
	[tilespmem:$0x10800] =	vst v63  }
0x9f: {  	_ =	swait.ge [sflag:s10], $0x800  }
0xa0: {  	[sflag:s10] =	ssyncset.done $0x0  }
0xa1: {  	s16 =	sadd.s32 $0x600, s14;
	[sflag:s10] =	ssyncadd.s32 $0xFFFFF800  }
0xa2: {  	[tilespmem:s25], [sflag:$0x5] =	stream.indirect.gather [hbm4b:s5+s18], $0x10, s16, s18, $0xb8;
	[tilespmem:$0x10800] =	vst v63  }
0xa3: {  	_ =	swait.ge [sflag:s11], $0x800  }
0xa4: {  	[sflag:s11] =	ssyncset.done $0x0  }
0xa5: {  	s16 =	sadd.s32 $0x680, s14;
	[sflag:s11] =	ssyncadd.s32 $0xFFFFF800  }
0xa6: {  	[tilespmem:s28], [sflag:$0x6] =	stream.indirect.gather [hbm4b:s5+s18], $0x10, s16, s18, $0xb8;
	[tilespmem:$0x10800] =	vst v63  }
0xa7: {  	_ =	swait.ge [sflag:s12], $0x800  }
0xa8: {  	[sflag:s12] =	ssyncset.done $0x0  }
0xa9: {  	s16 =	sadd.s32 $0x700, s14;
	[sflag:s12] =	ssyncadd.s32 $0xFFFFF800  }
0xaa: {  	[tilespmem:s30], [sflag:$0x7] =	stream.indirect.gather [hbm4b:s5+s18], $0x10, s16, s18, $0xb8;
	[tilespmem:$0x10800] =	vst v63  }
.Ltmp5:
0xab: {  	_ = 	snop;
	(pc) =	sbr.rel .LBB2_8-.Ltmp5, $4  }
0xac: {  	_ =	swait.ge [sflag:s13], $0x800  }
0xad: {  	[sflag:s13] =	ssyncset.done $0x0  }
0xae: {  	s6 =	sadd.s32 $0x1000, s6;
	s16 =	sadd.s32 $0x780, s14;
	[sflag:s13] =	ssyncadd.s32 $0xFFFFF800  }
0xaf: {  	[tilespmem:s0], [sflag:$0x8] =	stream.indirect.gather [hbm4b:s5+s18], $0x10, s16, s18, $0xb8;
	[tilespmem:$0x10800] =	vst v63  }
.LBB2_4:
0xb0: {  	[tilespmem:s15], [sflag:$0x1] =	stream.indirect.gather [hbm4b:s4+s18], $0x10, s6, s18, $0xb8;
	[tilespmem:$0x10800] =	vst v63  }
0xb1: {  	s19 =	simm.s32 $0xA800  }
0xb2: {  	[tilespmem:s19], [sflag:$0x2] =	stream.indirect.gather [hbm4b:s4+s18], $0x10, s18, s18, $0xb8;
	[tilespmem:$0x10800] =	vst v63  }
0xb3: {  	s14 =	simm.s32 $0x100  }
0xb4: {  	[tilespmem:s21], [sflag:$0x3] =	stream.indirect.gather [hbm4b:s4+s18], $0x10, s14, s18, $0xb8;
	[tilespmem:$0x10800] =	vst v63  }
0xb5: {  	s16 =	simm.s32 $0x180  }
0xb6: {  	[tilespmem:s23], [sflag:$0x4] =	stream.indirect.gather [hbm4b:s4+s18], $0x10, s16, s18, $0xb8;
	[tilespmem:$0x10800] =	vst v63  }
0xb7: {  	s16 =	simm.s32 $0x200  }
0xb8: {  	[tilespmem:s25], [sflag:$0x5] =	stream.indirect.gather [hbm4b:s4+s18], $0x10, s16, s18, $0xb8;
	[tilespmem:$0x10800] =	vst v63  }
0xb9: {  	s16 =	simm.s32 $0x280  }
0xba: {  	[tilespmem:s28], [sflag:$0x6] =	stream.indirect.gather [hbm4b:s4+s18], $0x10, s16, s18, $0xb8;
	[tilespmem:$0x10800] =	vst v63  }
0xbb: {  	s16 =	simm.s32 $0x300  }
0xbc: {  	[tilespmem:s30], [sflag:$0x7] =	stream.indirect.gather [hbm4b:s4+s18], $0x10, s16, s18, $0xb8;
	[tilespmem:$0x10800] =	vst v63  }
0xbd: {  	s16 =	simm.s32 $0x380  }
0xbe: {  	[tilespmem:s0], [sflag:$0x8] =	stream.indirect.gather [hbm4b:s4+s18], $0x10, s16, s18, $0xb8;
	[tilespmem:$0x10800] =	vst v63  }
.LBB2_5:
0xbf: {  	_ =	swait.ge [sflag:s17], $0x800  }
0xc0: {  	s14 =	sshra.s32 s6, $0x2;
	[sflag:s17] =	ssyncset.done $0x0  }
0xc1: {  	s16 =	sadd.s32 $0x5000, s14;
	[sflag:s17] =	ssyncadd.s32 $0xFFFFF800  }
0xc2: {  	[spmem:s2] =	stream.indirect.scatter.add.f32 [tilespmem:s15], [sflag:$0x9], $0x10, s16, s18, $0xb8;
	[tilespmem:$0x10800] =	vst v63  }
0xc3: {  	_ =	swait.ge [sflag:s20], $0x800  }
0xc4: {  	[sflag:s20] =	ssyncset.done $0x0  }
0xc5: {  	s16 =	sadd.s32 $0x5080, s14;
	[sflag:s20] =	ssyncadd.s32 $0xFFFFF800  }
0xc6: {  	[spmem:s2] =	stream.indirect.scatter.add.f32 [tilespmem:s19], [sflag:$0xA], $0x10, s16, s18, $0xb8;
	[tilespmem:$0x10800] =	vst v63  }
0xc7: {  	_ =	swait.ge [sflag:s1], $0x800  }
0xc8: {  	[sflag:s1] =	ssyncset.done $0x0  }
0xc9: {  	s16 =	sadd.s32 $0x5100, s14;
	[sflag:s1] =	ssyncadd.s32 $0xFFFFF800  }
0xca: {  	[spmem:s2] =	stream.indirect.scatter.add.f32 [tilespmem:s21], [sflag:$0xB], $0x10, s16, s18, $0xb8;
	[tilespmem:$0x10800] =	vst v63  }
0xcb: {  	_ =	swait.ge [sflag:s22], $0x800  }
0xcc: {  	[sflag:s22] =	ssyncset.done $0x0  }
0xcd: {  	s16 =	sadd.s32 $0x5180, s14;
	[sflag:s22] =	ssyncadd.s32 $0xFFFFF800  }
0xce: {  	[spmem:s2] =	stream.indirect.scatter.add.f32 [tilespmem:s23], [sflag:$0xC], $0x10, s16, s18, $0xb8;
	[tilespmem:$0x10800] =	vst v63  }
0xcf: {  	_ =	swait.ge [sflag:s24], $0x800  }
0xd0: {  	[sflag:s24] =	ssyncset.done $0x0  }
0xd1: {  	s16 =	sadd.s32 $0x5200, s14;
	[sflag:s24] =	ssyncadd.s32 $0xFFFFF800  }
0xd2: {  	[spmem:s2] =	stream.indirect.scatter.add.f32 [tilespmem:s25], [sflag:$0xD], $0x10, s16, s18, $0xb8;
	[tilespmem:$0x10800] =	vst v63  }
0xd3: {  	_ =	swait.ge [sflag:s26], $0x800  }
0xd4: {  	[sflag:s26] =	ssyncset.done $0x0  }
0xd5: {  	s16 =	sadd.s32 $0x5280, s14;
	[sflag:s26] =	ssyncadd.s32 $0xFFFFF800  }
0xd6: {  	[spmem:s2] =	stream.indirect.scatter.add.f32 [tilespmem:s28], [sflag:$0xE], $0x10, s16, s18, $0xb8;
	[tilespmem:$0x10800] =	vst v63  }
0xd7: {  	_ =	swait.ge [sflag:s29], $0x800  }
0xd8: {  	[sflag:s29] =	ssyncset.done $0x0  }
0xd9: {  	s16 =	sadd.s32 $0x5300, s14;
	[sflag:s29] =	ssyncadd.s32 $0xFFFFF800  }
0xda: {  	[spmem:s2] =	stream.indirect.scatter.add.f32 [tilespmem:s30], [sflag:$0xF], $0x10, s16, s18, $0xb8;
	[tilespmem:$0x10800] =	vst v63  }
0xdb: {  	_ =	swait.ge [sflag:s31], $0x800  }
0xdc: {  	p1 =	seq.s32 s6, $0x13000;
	[sflag:s31] =	ssyncset.done $0x0  }
.Ltmp6:
0xdd: {  	s16 =	sadd.s32 $0x5380, s14;
	[sflag:s31] =	ssyncadd.s32 $0xFFFFF800;
	(pc) =	sbr.rel @p1 .LBB2_10-.Ltmp6, $4  }
0xde: {  	[spmem:s2] =	stream.indirect.scatter.add.f32 [tilespmem:s0], [sflag:$0x10], $0x10, s16, s18, $0xb8;
	[tilespmem:$0x10800] =	vst v63  }
0xdf: {  	_ =	swait.ge [sflag:s3], $0x800  }
0xe0: {  	[sflag:s3] =	ssyncset.done $0x0  }
0xe1: {  	[sflag:s3] =	ssyncadd.s32 $0xFFFFF800  }
0xe2: {  	s16 =	sadd.s32 $0x400, s14  }
0xe3: {  	[tilespmem:s15], [sflag:$0x1] =	stream.indirect.gather [hbm4b:s4+s18], $0x10, s16, s18, $0xb8;
	[tilespmem:$0x10800] =	vst v63  }
0xe4: {  	_ =	swait.ge [sflag:s7], $0x800  }
0xe5: {  	[sflag:s7] =	ssyncset.done $0x0  }
0xe6: {  	s16 =	sadd.s32 $0x480, s14;
	[sflag:s7] =	ssyncadd.s32 $0xFFFFF800  }
0xe7: {  	[tilespmem:s19], [sflag:$0x2] =	stream.indirect.gather [hbm4b:s4+s18], $0x10, s16, s18, $0xb8;
	[tilespmem:$0x10800] =	vst v63  }
0xe8: {  	_ =	swait.ge [sflag:s8], $0x800  }
0xe9: {  	[sflag:s8] =	ssyncset.done $0x0  }
0xea: {  	s16 =	sadd.s32 $0x500, s14;
	[sflag:s8] =	ssyncadd.s32 $0xFFFFF800  }
0xeb: {  	[tilespmem:s21], [sflag:$0x3] =	stream.indirect.gather [hbm4b:s4+s18], $0x10, s16, s18, $0xb8;
	[tilespmem:$0x10800] =	vst v63  }
0xec: {  	_ =	swait.ge [sflag:s9], $0x800  }
0xed: {  	[sflag:s9] =	ssyncset.done $0x0  }
0xee: {  	s16 =	sadd.s32 $0x580, s14;
	[sflag:s9] =	ssyncadd.s32 $0xFFFFF800  }
0xef: {  	[tilespmem:s23], [sflag:$0x4] =	stream.indirect.gather [hbm4b:s4+s18], $0x10, s16, s18, $0xb8;
	[tilespmem:$0x10800] =	vst v63  }
0xf0: {  	_ =	swait.ge [sflag:s10], $0x800  }
0xf1: {  	[sflag:s10] =	ssyncset.done $0x0  }
0xf2: {  	s16 =	sadd.s32 $0x600, s14;
	[sflag:s10] =	ssyncadd.s32 $0xFFFFF800  }
0xf3: {  	[tilespmem:s25], [sflag:$0x5] =	stream.indirect.gather [hbm4b:s4+s18], $0x10, s16, s18, $0xb8;
	[tilespmem:$0x10800] =	vst v63  }
0xf4: {  	_ =	swait.ge [sflag:s11], $0x800  }
0xf5: {  	[sflag:s11] =	ssyncset.done $0x0  }
0xf6: {  	s16 =	sadd.s32 $0x680, s14;
	[sflag:s11] =	ssyncadd.s32 $0xFFFFF800  }
0xf7: {  	[tilespmem:s28], [sflag:$0x6] =	stream.indirect.gather [hbm4b:s4+s18], $0x10, s16, s18, $0xb8;
	[tilespmem:$0x10800] =	vst v63  }
0xf8: {  	_ =	swait.ge [sflag:s12], $0x800  }
0xf9: {  	[sflag:s12] =	ssyncset.done $0x0  }
0xfa: {  	s16 =	sadd.s32 $0x700, s14;
	[sflag:s12] =	ssyncadd.s32 $0xFFFFF800  }
0xfb: {  	[tilespmem:s30], [sflag:$0x7] =	stream.indirect.gather [hbm4b:s4+s18], $0x10, s16, s18, $0xb8;
	[tilespmem:$0x10800] =	vst v63  }
.Ltmp7:
0xfc: {  	_ = 	snop;
	(pc) =	sbr.rel .LBB2_5-.Ltmp7, $4  }
0xfd: {  	_ =	swait.ge [sflag:s13], $0x800  }
0xfe: {  	[sflag:s13] =	ssyncset.done $0x0  }
0xff: {  	s6 =	sadd.s32 $0x1000, s6;
	s16 =	sadd.s32 $0x780, s14;
	[sflag:s13] =	ssyncadd.s32 $0xFFFFF800  }
0x100: {  	[tilespmem:s0], [sflag:$0x8] =	stream.indirect.gather [hbm4b:s4+s18], $0x10, s16, s18, $0xb8;
	[tilespmem:$0x10800] =	vst v63  }
.LBB2_11:
0x101: {  	_ =	sfence.sel $0x180000  }
0x102: {  	[bflag:$0x0] =	sbarrier.arrive $0xFFFF  }
0x103: {  	_ =	strace $0x9000004D  }
0x104: {  	s0 =	stileid.u32;
	[bflag:$0x2] =	sbarrier.arrive $0xFFFF  }
0x105: {  	p0 =	sne.s32 s0, $0x0;
	s0 =	rddreg [dreg:$0x2]  }
0x106: {  	s0 =	sadd.s32 @!p0 $0x100000, s0  }
0x107: {  	[sflag:s0] =	ssyncadd.tile.s32 @!p0 $0x1;
	_ =	shalt  }
.Lfunc_end2:
_tile_overlayer_lowered:
.L_overlay_start_2:
0x108: {  	(tag) =	ssettag $0x2  }
0x109: {  	s0 =	rddreg [dreg:$0x0];
	s2 =	stileid.u32  }
0x10a: {  	s1 =	rddreg [dreg:$0x1];
	p0 =	sne.s32 s2, $0x0  }
0x10b: {  	s3 =	rddreg [dreg:$0x2];
	[bflag:$0x3] =	sbarrier.arrive $0xFFFF;
	s2 =	simm.s32 @!p0 $0x1C11  }
0x10c: {  	[timem:s3], [sflag:s2] =	dma.local @!p0 [hbm:s0], s1  }
0x10d: {  	s0 =	simm.s32 @!p0 $0x11  }
0x10e: {  	_ =	swait.ge @!p0 [sflag:s0], s1  }
0x10f: {  	s1 =	ssub.s32 @!p0 $0x0, s1;
	[sflag:s0] =	ssyncset.done @!p0 $0x0  }
0x110: {  	[sflag:s0] =	ssyncadd.s32 @!p0 s1  }
0x111: {  	[bflag:$0x3] =	sbarrier.arrive $0xFFFF  }
0x112: {  	_ =	shalt  }

// kernel: kernel.20.cloned.1.call-start
scs
__scs_entry_jumppad:
0x0: {  	(pc) =	sbr.rel $0x88, $3  }
0x1: {  	(tag) =	ssettag $0x0;
	lr =	simm.s32 $0x1  }
0x2: {  	[smem:$0x3F92] =	sst lr;
	_ =	strace $0xD0000000  }
0x3: {  	_ = 	snop  }
0x4: {  	_ = 	snop  }
0x5: {  	_ = 	snop  }
0x6: {  	_ = 	snop  }
0x7: {  	_ = 	snop  }
__scs_overlays_trampoline_lowered:
0x8: {  	[smem:$0x3FA1] =	sst s0  }
0x9: {  	[smem:$0x3FA2] =	sst s1  }
0xa: {  	[smem:$0x3FA3] =	sst s2  }
0xb: {  	[smem:$0x3FA4] =	sst s3  }
0xc: {  	[smem:$0x3FA5] =	sst s4  }
0xd: {  	[smem:$0x3FA6] =	sst s5  }
0xe: {  	[smem:$0x3FA7] =	sst s6  }
0xf: {  	[smem:$0x3FA8] =	sst s7  }
0x10: {  	[smem:$0x3FA9] =	sst s8  }
0x11: {  	[smem:$0x3FAA] =	sst s9;
	s0 =	simm.s32 @!p0 $0x0  }
0x12: {  	s1 =	sld [smem:$0x3F90];
	s0 =	simm.s32 @p0 $0x1  }
0x13: {  	[smem:$0x3FAB] =	sst s0;
	s0 =	simm.s32 @!p1 $0x0  }
0x14: {  	s2 =	sld [smem:$0x3F8F];
	s0 =	simm.s32 @p1 $0x1  }
0x15: {  	[smem:$0x3FAC] =	sst s0;
	s0 =	simm.s32 @!p2 $0x0  }
0x16: {  	s3 =	sld [smem:$0x3FDB];
	s0 =	simm.s32 @p2 $0x1  }
0x17: {  	s4 =	simm.s32 $0x1BF5;
	[smem:$0x3FAE] =	sst s0  }
0x18: {  	s0 =	sld [smem:$0x3F91];
	_ =	swait.ge [sflag:s4], $0x0  }
0x19: {  	s7 =	sld [smem:$0x3F92]  }
0x1a: {  	s8 =	sadd.s32 $0xFFFFE003, lr  }
0x1b: {  	s9 =	sadd.s32 $0xFFFFFEF7, lr;
	s5 =	simm.s32 $0xFFFFFFFF;
	p2 =	slt.u32 s8, $0xFFFFF086  }
0x1c: {  	p1 =	slt.u32 s9, $0xF7A;
	s5 =	simm.s32 @!p2 $0x0  }
0x1d: {  	s5 =	simm.s32 @p1 $0x1;
	p0 =	seq.s32 s7, s2  }
0x1e: {  	s7 =	smul.u32 @!p0 $0xF7A, s2;
	p2 =	seq.s32 @!p0 s5, $0x0  }
0x1f: {  	s9 =	smul.u32 $0xF7A, s1;
	s8 =	simm.s32 @!p0 $0x1BF5;
	p2 =	por !p2, p0  }
0x20: {  	[sflag:s8] =	ssyncset.s32 @!p0 $0xFFFFF086;
	s6 =	sadd.s32 @!p0 s3, s7;
	s7 =	simm.s32 @!p0 $0x108  }
0x21: {  	s3 =	sadd.s32 s3, s9;
	s6 =	sadd.s32 @!p0 $0x88, s6;
	s7 =	simm.s32 @p2 $0x1082  }
0x22: {  	[simem:s7], [sflag:s8] =	dma.local @!p0 [hbm:s6], $0xF7A  }
0x23: {  	s9 =	sor.u32 $0xD0000000, s2;
	s6 =	simm.s32 $0x108;
	_ =	swait.ge @!p0 [sflag:s8], $0x0  }
0x24: {  	s3 =	sadd.s32 $0x88, s3;
	s6 =	simm.s32 @!p1 $0x1082;
	[sflag:s4] =	ssyncset.s32 $0xFFFFF086  }
0x25: {  	[simem:s6], [sflag:s4] =	dma.local [hbm:s3], $0xF7A  }
0x26: {  	[smem:$0x3F92] =	sst s1;
	(tag) =	ssettag s2;
	_ =	strace s9  }
0x27: {  	s1 =	sld [smem:$0x3FA2]  }
0x28: {  	s2 =	sld [smem:$0x3FA3]  }
0x29: {  	s4 =	sld [smem:$0x3FA5]  }
0x2a: {  	p0 =	seq.s32 s5, $0x0;
	s5 =	sld [smem:$0x3FA6]  }
0x2b: {  	s6 =	sld [smem:$0x3FA7]  }
0x2c: {  	s7 =	sld [smem:$0x3FA8]  }
0x2d: {  	s3 =	simm.s32 $0x108;
	s8 =	sld [smem:$0x3FA9]  }
0x2e: {  	s3 =	simm.s32 @!p0 $0x1082;
	s9 =	sld [smem:$0x3FAA]  }
0x2f: {  	lr =	sadd.s32 s0, s3;
	s0 =	sld [smem:$0x3FA1]  }
0x30: {  	s3 =	sld [smem:$0x3FA4]  }
0x31: {  	[smem:$0x3FAD] =	sst s10  }
0x32: {  	s10 =	sld [smem:$0x3FAB];
	_ =	sdelay $0x3  }
0x33: {  	p0 =	seq.s32 s10, $0x1;
	s10 =	sld [smem:$0x3FAD];
	_ =	sdelay $0x3  }
0x34: {  	[smem:$0x3FAD] =	sst s10  }
0x35: {  	s10 =	sld [smem:$0x3FAC];
	_ =	sdelay $0x3  }
0x36: {  	p1 =	seq.s32 s10, $0x1;
	s10 =	sld [smem:$0x3FAD];
	_ =	sdelay $0x3  }
0x37: {  	[smem:$0x3FAD] =	sst s10  }
0x38: {  	s10 =	sld [smem:$0x3FAE]  }
0x39: {  	_ = 	snop;
	(pc) =	sbr.ind lr, $3  }
0x3a: {  	_ = 	snop  }
0x3b: {  	_ = 	snop  }
0x3c: {  	p2 =	seq.s32 s10, $0x1;
	s10 =	sld [smem:$0x3FAD]  }
0x3d: {  	_ =	shalt  }
0x3e: {  	_ =	shalt  }
0x3f: {  	_ =	shalt  }
0x40: {  	_ =	shalt  }
0x41: {  	_ =	shalt  }
0x42: {  	_ =	shalt  }
0x43: {  	_ =	shalt  }
0x44: {  	_ =	shalt  }
0x45: {  	_ =	shalt  }
0x46: {  	_ =	shalt  }
0x47: {  	_ =	shalt  }
0x48: {  	_ =	shalt  }
0x49: {  	_ =	shalt  }
0x4a: {  	_ =	shalt  }
0x4b: {  	_ =	shalt  }
0x4c: {  	_ =	shalt  }
0x4d: {  	_ =	shalt  }
0x4e: {  	_ =	shalt  }
0x4f: {  	_ =	shalt  }
0x50: {  	_ =	shalt  }
0x51: {  	_ =	shalt  }
0x52: {  	_ =	shalt  }
0x53: {  	_ =	shalt  }
0x54: {  	_ =	shalt  }
0x55: {  	_ =	shalt  }
0x56: {  	_ =	shalt  }
0x57: {  	_ =	shalt  }
0x58: {  	_ =	shalt  }
0x59: {  	_ =	shalt  }
0x5a: {  	_ =	shalt  }
0x5b: {  	_ =	shalt  }
0x5c: {  	_ =	shalt  }
0x5d: {  	_ =	shalt  }
0x5e: {  	_ =	shalt  }
0x5f: {  	_ =	shalt  }
0x60: {  	_ =	shalt  }
0x61: {  	_ =	shalt  }
0x62: {  	_ =	shalt  }
0x63: {  	_ =	shalt  }
0x64: {  	_ =	shalt  }
0x65: {  	_ =	shalt  }
0x66: {  	_ =	shalt  }
0x67: {  	_ =	shalt  }
0x68: {  	_ =	shalt  }
0x69: {  	_ =	shalt  }
0x6a: {  	_ =	shalt  }
0x6b: {  	_ =	shalt  }
0x6c: {  	_ =	shalt  }
0x6d: {  	_ =	shalt  }
0x6e: {  	_ =	shalt  }
0x6f: {  	_ =	shalt  }
0x70: {  	_ =	shalt  }
0x71: {  	_ =	shalt  }
0x72: {  	_ =	shalt  }
0x73: {  	_ =	shalt  }
0x74: {  	_ =	shalt  }
0x75: {  	_ =	shalt  }
0x76: {  	_ =	shalt  }
0x77: {  	_ =	shalt  }
0x78: {  	_ =	shalt  }
0x79: {  	_ =	shalt  }
0x7a: {  	_ =	shalt  }
0x7b: {  	_ =	shalt  }
0x7c: {  	_ =	shalt  }
0x7d: {  	_ =	shalt  }
0x7e: {  	_ =	shalt  }
0x7f: {  	_ =	shalt  }
0x80: {  	_ =	shalt  }
0x81: {  	_ =	shalt  }
0x82: {  	_ =	shalt  }
0x83: {  	_ =	shalt  }
0x84: {  	_ =	shalt  }
0x85: {  	_ =	shalt  }
0x86: {  	_ =	shalt  }
0x87: {  	_ =	shalt  }
.Lfunc_end0:
.L_simem_size_0:
called_computation.3_lowered:
.L_overlay_start_0:
0x88: {  	s2 =	sld [smem:$0x3FD9]  }
0x89: {  	s3 =	sld [smem:$0x3FFE];
	_ =	sdelay $0x1  }
0x8a: {  	s1 =	srdreg.scid  }
0x8b: {  	s0 =	sand.u32 $0x1, s1  }
0x8c: {  	s16 =	sshll.u32 s0, $0xA;
	s2 =	sadd.s32 s3, s2  }
0x8d: {  	s2 =	sadd.s32 s2, s16  }
0x8e: {  	[smem:$0x3FB9] =	sst s2  }
0x8f: {  	_ = 	snop  }
0x90: {  	(tm) =	ssettm $0x1  }
0x91: {  	s17 =	sld [smem:$0x3FFB];
	_ =	sdelay $0x3  }
0x92: {  	_ =	strace s17  }
0x93: {  	s2 =	sld [smem:$0x3FFC];
	_ =	sdelay $0x3  }
0x94: {  	_ =	strace s2  }
0x95: {  	s2 =	sld [smem:$0x3FFD];
	_ =	sdelay $0x3  }
0x96: {  	_ =	strace s2  }
0x97: {  	_ =	strace $0x8FFFFFFF  }
0x98: {  	s18 =	sld [smem:$0x3FDB];
	_ =	sdelay $0x1  }
0x99: {  	s19 =	simm.s32 $_scs_section_size  }
0x9a: {  	s4 =	simm.s32 $_size__tile_overlayer_lowered;
	s5 =	simm.s32 $_tile_overlayer_lowered  }
0x9b: {  	s22 =	simm.s32 $0x1BFF;
	s21 =	sshll.u32 s5, $0x1;
	s2 =	sadd.s32 s19, s18  }
0x9c: {  	s6 =	simm.s32 $0x0;
	s20 =	sshll.u32 s4, $0x1;
	s4 =	sadd.s32 s21, s2  }
0x9d: {  	[timem:s6], [sflag:s22] =	dma.local [hbm:s4], s20  }
0x9e: {  	_ =	swait.ge [sflag:s22], s20  }
0x9f: {  	s3 =	ssub.s32 $0x0, s20;
	[sflag:s22] =	ssyncset.done $0x0  }
0xa0: {  	[sflag:s22] =	ssyncadd.s32 s3;
	_ =	sdelay $0x1  }
0xa1: {  	s23 =	simm.s32 $0x1B8B  }
0xa2: {  	_ =	swait.ge [sflag:s23], $0x1  }
0xa3: {  	[sflag:s23] =	ssyncset.done $0x0  }
0xa4: {  	s25 =	simm.s32 $0x1B8E;
	s24 =	sld [smem:$0x3FFE];
	[sflag:s23] =	ssyncadd.s32 $0xFFFFFFFF  }
0xa5: {  	s26 =	simm.s32 $execute0_lowered;
	[smem:$0x3FD2] =	sst s25  }
0xa6: {  	s4 =	sshll.u32 s26, $0x1;
	_ =	strace $0x8000004F;
	[dreg:$0x1] =	wrdreg $0xFFFFFFFF  }
0xa7: {  	s28 =	simm.s32 $_size_execute0_lowered;
	s2 =	sadd.s32 s2, s4;
	[dreg:$0x0] =	wrdreg $0x0  }
0xa8: {  	s4 =	sshll.u32 s28, $0x1;
	[dreg:$0x2] =	wrdreg s2  }
0xa9: {  	[dreg:$0x3] =	wrdreg s4  }
0xaa: {  	[dreg:$0x4] =	wrdreg $0xC0  }
0xab: {  	_ =	task [dreg:s6], $0x5FFFF  }
0xac: {  	[dreg:$0x1] =	wrdreg $0xFFFFFFFF  }
0xad: {  	[dreg:$0x0] =	wrdreg $0x60  }
0xae: {  	[dreg:$0x2] =	wrdreg s24  }
0xaf: {  	[dreg:$0x3] =	wrdreg $0x120000  }
0xb0: {  	[dreg:$0x4] =	wrdreg $0x9  }
0xb1: {  	_ =	task.clear_ibuf [dreg:s6], $0x5FFFF;
	_ =	strace $0x9000004F  }
0xb2: {  	s29 =	simm.s32 $0x9;
	_ =	strace $0x80000051  }
0xb3: {  	_ =	swait.ge [sflag:s29], $0x1  }
0xb4: {  	[sflag:s29] =	ssyncadd.s32 $0xFFFFFFFF  }
0xb5: {  	_ =	strace $0x90000051  }
0xb6: {  	_ =	sfence  }
0xb7: {  	s30 =	sld [smem:$0x0];
	_ =	sdelay $0x2  }
0xb8: {  	s31 =	sshll.u32 s1, $0xD;
	s1 =	sshrl.u32 s1, $0x2  }
0xb9: {  	s3 =	sand.u32 $0x4000, s31;
	s1 =	sadd.s32 s1, s30  }
0xba: {  	s0 =	sor.u32 s3, s0;
	s1 =	sshll.u32 s1, $0x11  }
0xbb: {  	s0 =	sor.u32 s1, s0  }
0xbc: {  	s0 =	sadd.s32 $0x8F2B, s0  }
0xbd: {  	[sflag:s0] =	ssyncadd.remote.s32 $0x1  }
0xbe: {  	_ =	sfence.sel $0xFFFF  }
0xbf: {  	[dreg:$0x0] =	wrdreg $0xFFFFFFFF;
	(pc) =	sbr.abs _section_cstart, $3  }
0xc0: {  	[dreg:$0x1] =	wrdreg $0xFFFFFFFF  }
0xc1: {  	_ =	task.clear_ibuf [dreg:s6], $0x2FFFF;
	_ =	strace $0x9FFFFFFF  }
0xc2: {  	(tm) =	ssettm $0x7FFFFFFF  }
0xc3: {  	_ =	shalt  }
tec
execute0_lowered:
.L_overlay_start_1:
0x0: {  	(tag) =	ssettag $0x1  }
0x1: {  	s0 =	rddreg [dreg:$0x0]  }
0x2: {  	s2 =	rddreg [dreg:$0x1]  }
0x3: {  	s4 =	stileid.u32;
	s3 =	srdreg.scid;
	s5 =	simm.s32 $0x0  }
0x4: {  	s15 =	simm.s32 $0xA000;
	s18 =	simm.s32 $0x80;
	s28 =	simm.s32 $0xF000  }
0x5: {  	s30 =	simm.s32 $0x10000;
	s17 =	simm.s32 $0x1;
	s29 =	simm.s32 $0x7  }
0x6: {  	s31 =	simm.s32 $0x8;
	s10 =	simm.s32 $0xD;
	s11 =	simm.s32 $0xE  }
0x7: {  	s12 =	simm.s32 $0xF;
	s13 =	simm.s32 $0x10;
	s1 =	smul.u32 $0xA00, s4  }
0x8: {  	s16 =	simm.s32 $0x0;
	s3 =	sand.u32 $0x1, s3;
	s6 =	smul.u32 $0x5000, s4  }
0x9: {  	[smem:$0x7FF] =	sst s5;
	s8 =	smul.u32 $0x14000, s4;
	s4 =	sadd.s32 $0x17C00, s0  }
0xa: {  	s5 =	sadd.s32 $0x21C00, s0;
	s7 =	smul.u32 $0x50000, s3;
	_ =	strace $0x80000050  }
0xb: {  	s9 =	ssub.s32 $0x2, s3;
	p0 =	seq.s32 s3, $0x1;
	s3 =	simm.s32 $0x9  }
0xc: {  	s1 =	sadd.s32 s1, s0;
	s8 =	sshrl.u32 s8, $0x2;
	s20 =	sshrl.u32 s9, $0x1  }
0xd: {  	s7 =	sadd.s32 s6, s7;
	s8 =	sadd.s32 s8, s2;
	s6 =	sadd.s32 s6, s2  }
0xe: {  	s25 =	sadd.s32 $0xDC00, s1;
	s1 =	sadd.s32 $0x3C00, s1;
	[dreg:$0x3] =	wrdreg s6  }
0xf: {  	s7 =	sshrl.u32 s7, $0x3;
	s21 =	sadd.s32 $0x1000, s8;
	[dreg:$0x8] =	wrdreg s25  }
0x10: {  	s22 =	sadd.s32 $0x2000, s8;
	s23 =	sadd.s32 $0x3000, s8;
	[dreg:$0x9] =	wrdreg s1  }
0x11: {  	s24 =	sadd.s32 $0x4000, s8;
	s25 =	simm.s32 $0xE000;
	[dreg:$0x4] =	wrdreg s21  }
0x12: {  	s1 =	simm.s32 $0x3;
	s8 =	simm.s32 $0xB;
	[dreg:$0x5] =	wrdreg s22  }
0x13: {  	s0 =	sadd.s32 s7, s0;
	s7 =	ssub.s32 s9, s20;
	[dreg:$0x6] =	wrdreg s23  }
.Ltmp0:
0x14: {  	[dreg:$0x7] =	wrdreg s24;
	s21 =	simm.s32 $0xC000;
	(pc) =	sbr.rel .LBB2_1-.Ltmp0, $4  }
0x15: {  	s23 =	simm.s32 $0xD000;
	s20 =	simm.s32 $0x2;
	s22 =	simm.s32 $0x4  }
0x16: {  	s24 =	simm.s32 $0x5;
	s9 =	simm.s32 $0xC;
	s0 =	sadd.s32 $0x2BC00, s0  }
0x17: {  	s26 =	smax.u32 s7, $0x1;
	s7 =	simm.s32 $0xA;
	[dreg:$0xa] =	wrdreg s0  }
0x18: {  	v0 =	vimm.f32 $0.0e+00;
	[dreg:$0xb] =	wrdreg s26;
	s0 =	simm.s32 $0x11000;
	s26 =	simm.s32 $0x6  }
.LBB2_10:
0x19: {  	_ =	swait.ge [sflag:s7], $0x1000  }
0x1a: {  	[sflag:s7] =	ssyncset.done $0x0  }
0x1b: {  	[sflag:s7] =	ssyncadd.s32 $0xFFFFF000  }
0x1c: {  	_ =	swait.ge [sflag:s8], $0x1000  }
0x1d: {  	[sflag:s8] =	ssyncset.done $0x0  }
0x1e: {  	[sflag:s8] =	ssyncadd.s32 $0xFFFFF000  }
0x1f: {  	_ =	swait.ge [sflag:s9], $0x1000  }
0x20: {  	[sflag:s9] =	ssyncset.done $0x0  }
0x21: {  	[sflag:s9] =	ssyncadd.s32 $0xFFFFF000  }
0x22: {  	_ =	swait.ge [sflag:s10], $0x1000  }
0x23: {  	[sflag:s10] =	ssyncset.done $0x0  }
0x24: {  	[sflag:s10] =	ssyncadd.s32 $0xFFFFF000  }
0x25: {  	_ =	swait.ge [sflag:s11], $0x1000  }
0x26: {  	[sflag:s11] =	ssyncset.done $0x0  }
0x27: {  	[sflag:s11] =	ssyncadd.s32 $0xFFFFF000  }
0x28: {  	_ =	swait.ge [sflag:s12], $0x1000  }
0x29: {  	[sflag:s12] =	ssyncset.done $0x0  }
0x2a: {  	[sflag:s12] =	ssyncadd.s32 $0xFFFFF000  }
0x2b: {  	_ =	swait.ge [sflag:s13], $0x1000  }
0x2c: {  	[sflag:s13] =	ssyncset.done $0x0  }
0x2d: {  	[sflag:s13] =	ssyncadd.s32 $0xFFFFF000  }
0x2e: {  	s6 =	stileid.u32;
	[bflag:$0x0] =	sbarrier.arrive $0xFFFF  }
0x2f: {  	s6 =	sshll.u32 s6, $0x6;
	s14 =	rddreg [dreg:$0x3]  }
0x30: {  	s6 =	sor.u32 $0x1C11, s6;
	s16 =	rddreg [dreg:$0xa];
	s14 =	sshrl.u32 s14, $0x3  }
0x31: {  	[hbm:s16], [sflag:s6] =	dma.local [spmem:s14], $0xA00  }
0x32: {  	s14 =	simm.s32 $0x11  }
0x33: {  	_ =	swait.ge [sflag:s14], $0xA00  }
0x34: {  	s6 =	rddreg [dreg:$0xc]  }
0x35: {  	s19 =	rddreg [dreg:$0xb];
	s16 =	sadd.s32 $0x1, s6  }
0x36: {  	p1 =	sne.s32 s16, s19  }
.Ltmp1:
0x37: {  	_ = 	snop;
	(pc) =	sbr.rel @!p1 .LBB2_11-.Ltmp1, $3  }
0x38: {  	_ =	sdelay $0x1  }
0x39: {  	[sflag:s14] =	ssyncset.done $0x0  }
0x3a: {  	[sflag:s14] =	ssyncadd.s32 $0xFFFFF600  }
.LBB2_1:
0x3b: {  	[dreg:$0xc] =	wrdreg s16;
	s6 =	simm.s32 $0x80;
	s14 =	simm.s32 $0x0  }
.LBB2_2:
0x3c: {  	p1 =	sne.s32 s6, $0x3F80;
	[tilespmem:s14+$0xA000] =	vst v0;
	s16 =	smov.u32 s6;
	s6 =	sadd.s32 $0x80, s6  }
.Ltmp2:
0x3d: {  	[tilespmem:s14+$0xA010] =	vst v0;
	(pc) =	sbr.rel @p1 .LBB2_2-.Ltmp2, $2  }
0x3e: {  	_ =	sdelay $0x2  }
0x3f: {  	s14 =	sshra.s32 s16, $0x2  }
0x40: {  	[tilespmem:s14+$0xA000] =	vst v0  }
0x41: {  	[tilespmem:s14+$0xA010] =	vst v0;
	s6 =	rddreg [dreg:$0x3];
	s16 =	simm.s32 $0x11  }
0x42: {  	[spmem:s6] =	stream.linear.scatter [tilespmem:s15], [sflag:$0x11], $0x1000, $0x38;
	[tilespmem:$0x17000] =	vst v63  }
0x43: {  	_ =	swait.ge [sflag:s16], $0x1000  }
0x44: {  	[sflag:s16] =	ssyncset.done $0x0  }
0x45: {  	s14 =	rddreg [dreg:$0x4];
	[sflag:s16] =	ssyncadd.s32 $0xFFFFF000  }
0x46: {  	[spmem:s14] =	stream.linear.scatter [tilespmem:s15], [sflag:$0x11], $0x1000, $0x38;
	[tilespmem:$0x17000] =	vst v63  }
0x47: {  	_ =	swait.ge [sflag:s16], $0x1000  }
0x48: {  	[sflag:s16] =	ssyncset.done $0x0  }
0x49: {  	s19 =	rddreg [dreg:$0x5];
	[sflag:s16] =	ssyncadd.s32 $0xFFFFF000  }
0x4a: {  	[spmem:s19] =	stream.linear.scatter [tilespmem:s15], [sflag:$0x11], $0x1000, $0x38;
	[tilespmem:$0x17000] =	vst v63  }
0x4b: {  	_ =	swait.ge [sflag:s16], $0x1000  }
0x4c: {  	[sflag:s16] =	ssyncset.done $0x0  }
0x4d: {  	s14 =	rddreg [dreg:$0x6];
	[sflag:s16] =	ssyncadd.s32 $0xFFFFF000  }
0x4e: {  	[spmem:s14] =	stream.linear.scatter [tilespmem:s15], [sflag:$0x11], $0x1000, $0x38;
	[tilespmem:$0x17000] =	vst v63  }
0x4f: {  	_ =	swait.ge [sflag:s16], $0x1000  }
0x50: {  	[sflag:s16] =	ssyncset.done $0x0  }
0x51: {  	s19 =	rddreg [dreg:$0x7];
	[sflag:s16] =	ssyncadd.s32 $0xFFFFF000  }
0x52: {  	[spmem:s19] =	stream.linear.scatter [tilespmem:s15], [sflag:$0x11], $0x1000, $0x38;
	[tilespmem:$0x17000] =	vst v63  }
0x53: {  	_ =	swait.ge [sflag:s16], $0x1000  }
0x54: {  	[sflag:s16] =	ssyncset.done $0x0  }
0x55: {  	s14 =	simm.s32 $0x0;
	s19 =	rddreg [dreg:$0x8];
	[sflag:s16] =	ssyncadd.s32 $0xFFFFF000  }
0x56: {  	[tilespmem:s14], [sflag:$0x11] =	stream.linear.gather [hbm4b:s19+s14], $0x5000, $0x38;
	[tilespmem:$0x17000] =	vst v63  }
0x57: {  	_ =	swait.ge [sflag:s16], $0x5000  }
0x58: {  	s6 =	simm.s32 $0x5000;
	[sflag:s16] =	ssyncset.done $0x0  }
0x59: {  	s19 =	simm.s32 $0x0;
	s14 =	rddreg [dreg:$0x9];
	[sflag:s16] =	ssyncadd.s32 $0xFFFFB000  }
0x5a: {  	[tilespmem:s6], [sflag:$0x11] =	stream.linear.gather [hbm4b:s14+s19], $0x5000, $0x38;
	[tilespmem:$0x17000] =	vst v63  }
.Ltmp3:
0x5b: {  	_ =	swait.ge [sflag:s16], $0x5000;
	(pc) =	sbr.rel @!p0 .LBB2_4-.Ltmp3, $4  }
0x5c: {  	[sflag:s16] =	ssyncset.done $0x0  }
0x5d: {  	[sflag:s16] =	ssyncadd.s32 $0xFFFFB000  }
0x5e: {  	[bflag:$0x0] =	sbarrier.arrive $0xFFFF  }
0x5f: {  	s6 =	simm.s32 $0x0  }
0x60: {  	[tilespmem:s15], [sflag:$0x1] =	stream.indirect.gather [hbm4b:s5+s18], $0x20, s6, s18, $0xb8;
	[tilespmem:$0x17000] =	vst v63  }
0x61: {  	s19 =	simm.s32 $0xB000  }
0x62: {  	[tilespmem:s19], [sflag:$0x2] =	stream.indirect.gather [hbm4b:s5+s18], $0x20, s18, s18, $0xb8;
	[tilespmem:$0x17000] =	vst v63  }
0x63: {  	s14 =	simm.s32 $0x100  }
0x64: {  	[tilespmem:s21], [sflag:$0x3] =	stream.indirect.gather [hbm4b:s5+s18], $0x20, s14, s18, $0xb8;
	[tilespmem:$0x17000] =	vst v63  }
0x65: {  	s16 =	simm.s32 $0x180  }
0x66: {  	[tilespmem:s23], [sflag:$0x4] =	stream.indirect.gather [hbm4b:s5+s18], $0x20, s16, s18, $0xb8;
	[tilespmem:$0x17000] =	vst v63  }
0x67: {  	s16 =	simm.s32 $0x200  }
0x68: {  	[tilespmem:s25], [sflag:$0x5] =	stream.indirect.gather [hbm4b:s5+s18], $0x20, s16, s18, $0xb8;
	[tilespmem:$0x17000] =	vst v63  }
0x69: {  	s16 =	simm.s32 $0x280  }
0x6a: {  	[tilespmem:s28], [sflag:$0x6] =	stream.indirect.gather [hbm4b:s5+s18], $0x20, s16, s18, $0xb8;
	[tilespmem:$0x17000] =	vst v63  }
0x6b: {  	s16 =	simm.s32 $0x300  }
0x6c: {  	[tilespmem:s30], [sflag:$0x7] =	stream.indirect.gather [hbm4b:s5+s18], $0x20, s16, s18, $0xb8;
	[tilespmem:$0x17000] =	vst v63  }
0x6d: {  	s16 =	simm.s32 $0x380  }
0x6e: {  	[tilespmem:s0], [sflag:$0x8] =	stream.indirect.gather [hbm4b:s5+s18], $0x20, s16, s18, $0xb8;
	[tilespmem:$0x17000] =	vst v63  }
.LBB2_8:
0x6f: {  	_ =	swait.ge [sflag:s17], $0x1000  }
0x70: {  	s14 =	sshra.s32 s6, $0x2;
	[sflag:s17] =	ssyncset.done $0x0  }
0x71: {  	s16 =	sadd.s32 $0x5000, s14;
	[sflag:s17] =	ssyncadd.s32 $0xFFFFF000  }
0x72: {  	[spmem:s2] =	stream.indirect.scatter.add.f32 [tilespmem:s15], [sflag:$0x9], $0x20, s16, s18, $0xb8;
	[tilespmem:$0x17000] =	vst v63  }
0x73: {  	_ =	swait.ge [sflag:s20], $0x1000  }
0x74: {  	[sflag:s20] =	ssyncset.done $0x0  }
0x75: {  	s16 =	sadd.s32 $0x5080, s14;
	[sflag:s20] =	ssyncadd.s32 $0xFFFFF000  }
0x76: {  	[spmem:s2] =	stream.indirect.scatter.add.f32 [tilespmem:s19], [sflag:$0xA], $0x20, s16, s18, $0xb8;
	[tilespmem:$0x17000] =	vst v63  }
0x77: {  	_ =	swait.ge [sflag:s1], $0x1000  }
0x78: {  	[sflag:s1] =	ssyncset.done $0x0  }
0x79: {  	s16 =	sadd.s32 $0x5100, s14;
	[sflag:s1] =	ssyncadd.s32 $0xFFFFF000  }
0x7a: {  	[spmem:s2] =	stream.indirect.scatter.add.f32 [tilespmem:s21], [sflag:$0xB], $0x20, s16, s18, $0xb8;
	[tilespmem:$0x17000] =	vst v63  }
0x7b: {  	_ =	swait.ge [sflag:s22], $0x1000  }
0x7c: {  	[sflag:s22] =	ssyncset.done $0x0  }
0x7d: {  	s16 =	sadd.s32 $0x5180, s14;
	[sflag:s22] =	ssyncadd.s32 $0xFFFFF000  }
0x7e: {  	[spmem:s2] =	stream.indirect.scatter.add.f32 [tilespmem:s23], [sflag:$0xC], $0x20, s16, s18, $0xb8;
	[tilespmem:$0x17000] =	vst v63  }
0x7f: {  	_ =	swait.ge [sflag:s24], $0x1000  }
0x80: {  	[sflag:s24] =	ssyncset.done $0x0  }
0x81: {  	s16 =	sadd.s32 $0x5200, s14;
	[sflag:s24] =	ssyncadd.s32 $0xFFFFF000  }
0x82: {  	[spmem:s2] =	stream.indirect.scatter.add.f32 [tilespmem:s25], [sflag:$0xD], $0x20, s16, s18, $0xb8;
	[tilespmem:$0x17000] =	vst v63  }
0x83: {  	_ =	swait.ge [sflag:s26], $0x1000  }
0x84: {  	[sflag:s26] =	ssyncset.done $0x0  }
0x85: {  	s16 =	sadd.s32 $0x5280, s14;
	[sflag:s26] =	ssyncadd.s32 $0xFFFFF000  }
0x86: {  	[spmem:s2] =	stream.indirect.scatter.add.f32 [tilespmem:s28], [sflag:$0xE], $0x20, s16, s18, $0xb8;
	[tilespmem:$0x17000] =	vst v63  }
0x87: {  	_ =	swait.ge [sflag:s29], $0x1000  }
0x88: {  	[sflag:s29] =	ssyncset.done $0x0  }
0x89: {  	s16 =	sadd.s32 $0x5300, s14;
	[sflag:s29] =	ssyncadd.s32 $0xFFFFF000  }
0x8a: {  	[spmem:s2] =	stream.indirect.scatter.add.f32 [tilespmem:s30], [sflag:$0xF], $0x20, s16, s18, $0xb8;
	[tilespmem:$0x17000] =	vst v63  }
0x8b: {  	_ =	swait.ge [sflag:s31], $0x1000  }
0x8c: {  	p1 =	seq.s32 s6, $0x13000;
	[sflag:s31] =	ssyncset.done $0x0  }
.Ltmp4:
0x8d: {  	s16 =	sadd.s32 $0x5380, s14;
	[sflag:s31] =	ssyncadd.s32 $0xFFFFF000;
	(pc) =	sbr.rel @p1 .LBB2_10-.Ltmp4, $4  }
0x8e: {  	[spmem:s2] =	stream.indirect.scatter.add.f32 [tilespmem:s0], [sflag:$0x10], $0x20, s16, s18, $0xb8;
	[tilespmem:$0x17000] =	vst v63  }
0x8f: {  	_ =	swait.ge [sflag:s3], $0x1000  }
0x90: {  	[sflag:s3] =	ssyncset.done $0x0  }
0x91: {  	[sflag:s3] =	ssyncadd.s32 $0xFFFFF000  }
0x92: {  	s16 =	sadd.s32 $0x400, s14  }
0x93: {  	[tilespmem:s15], [sflag:$0x1] =	stream.indirect.gather [hbm4b:s5+s18], $0x20, s16, s18, $0xb8;
	[tilespmem:$0x17000] =	vst v63  }
0x94: {  	_ =	swait.ge [sflag:s7], $0x1000  }
0x95: {  	[sflag:s7] =	ssyncset.done $0x0  }
0x96: {  	s16 =	sadd.s32 $0x480, s14;
	[sflag:s7] =	ssyncadd.s32 $0xFFFFF000  }
0x97: {  	[tilespmem:s19], [sflag:$0x2] =	stream.indirect.gather [hbm4b:s5+s18], $0x20, s16, s18, $0xb8;
	[tilespmem:$0x17000] =	vst v63  }
0x98: {  	_ =	swait.ge [sflag:s8], $0x1000  }
0x99: {  	[sflag:s8] =	ssyncset.done $0x0  }
0x9a: {  	s16 =	sadd.s32 $0x500, s14;
	[sflag:s8] =	ssyncadd.s32 $0xFFFFF000  }
0x9b: {  	[tilespmem:s21], [sflag:$0x3] =	stream.indirect.gather [hbm4b:s5+s18], $0x20, s16, s18, $0xb8;
	[tilespmem:$0x17000] =	vst v63  }
0x9c: {  	_ =	swait.ge [sflag:s9], $0x1000  }
0x9d: {  	[sflag:s9] =	ssyncset.done $0x0  }
0x9e: {  	s16 =	sadd.s32 $0x580, s14;
	[sflag:s9] =	ssyncadd.s32 $0xFFFFF000  }
0x9f: {  	[tilespmem:s23], [sflag:$0x4] =	stream.indirect.gather [hbm4b:s5+s18], $0x20, s16, s18, $0xb8;
	[tilespmem:$0x17000] =	vst v63  }
0xa0: {  	_ =	swait.ge [sflag:s10], $0x1000  }
0xa1: {  	[sflag:s10] =	ssyncset.done $0x0  }
0xa2: {  	s16 =	sadd.s32 $0x600, s14;
	[sflag:s10] =	ssyncadd.s32 $0xFFFFF000  }
0xa3: {  	[tilespmem:s25], [sflag:$0x5] =	stream.indirect.gather [hbm4b:s5+s18], $0x20, s16, s18, $0xb8;
	[tilespmem:$0x17000] =	vst v63  }
0xa4: {  	_ =	swait.ge [sflag:s11], $0x1000  }
0xa5: {  	[sflag:s11] =	ssyncset.done $0x0  }
0xa6: {  	s16 =	sadd.s32 $0x680, s14;
	[sflag:s11] =	ssyncadd.s32 $0xFFFFF000  }
0xa7: {  	[tilespmem:s28], [sflag:$0x6] =	stream.indirect.gather [hbm4b:s5+s18], $0x20, s16, s18, $0xb8;
	[tilespmem:$0x17000] =	vst v63  }
0xa8: {  	_ =	swait.ge [sflag:s12], $0x1000  }
0xa9: {  	[sflag:s12] =	ssyncset.done $0x0  }
0xaa: {  	s16 =	sadd.s32 $0x700, s14;
	[sflag:s12] =	ssyncadd.s32 $0xFFFFF000  }
0xab: {  	[tilespmem:s30], [sflag:$0x7] =	stream.indirect.gather [hbm4b:s5+s18], $0x20, s16, s18, $0xb8;
	[tilespmem:$0x17000] =	vst v63  }
.Ltmp5:
0xac: {  	_ = 	snop;
	(pc) =	sbr.rel .LBB2_8-.Ltmp5, $4  }
0xad: {  	_ =	swait.ge [sflag:s13], $0x1000  }
0xae: {  	[sflag:s13] =	ssyncset.done $0x0  }
0xaf: {  	s6 =	sadd.s32 $0x1000, s6;
	s16 =	sadd.s32 $0x780, s14;
	[sflag:s13] =	ssyncadd.s32 $0xFFFFF000  }
0xb0: {  	[tilespmem:s0], [sflag:$0x8] =	stream.indirect.gather [hbm4b:s5+s18], $0x20, s16, s18, $0xb8;
	[tilespmem:$0x17000] =	vst v63  }
.LBB2_4:
0xb1: {  	[tilespmem:s15], [sflag:$0x1] =	stream.indirect.gather [hbm4b:s4+s18], $0x20, s6, s18, $0xb8;
	[tilespmem:$0x17000] =	vst v63  }
0xb2: {  	s19 =	simm.s32 $0xB000  }
0xb3: {  	[tilespmem:s19], [sflag:$0x2] =	stream.indirect.gather [hbm4b:s4+s18], $0x20, s18, s18, $0xb8;
	[tilespmem:$0x17000] =	vst v63  }
0xb4: {  	s14 =	simm.s32 $0x100  }
0xb5: {  	[tilespmem:s21], [sflag:$0x3] =	stream.indirect.gather [hbm4b:s4+s18], $0x20, s14, s18, $0xb8;
	[tilespmem:$0x17000] =	vst v63  }
0xb6: {  	s16 =	simm.s32 $0x180  }
0xb7: {  	[tilespmem:s23], [sflag:$0x4] =	stream.indirect.gather [hbm4b:s4+s18], $0x20, s16, s18, $0xb8;
	[tilespmem:$0x17000] =	vst v63  }
0xb8: {  	s16 =	simm.s32 $0x200  }
0xb9: {  	[tilespmem:s25], [sflag:$0x5] =	stream.indirect.gather [hbm4b:s4+s18], $0x20, s16, s18, $0xb8;
	[tilespmem:$0x17000] =	vst v63  }
0xba: {  	s16 =	simm.s32 $0x280  }
0xbb: {  	[tilespmem:s28], [sflag:$0x6] =	stream.indirect.gather [hbm4b:s4+s18], $0x20, s16, s18, $0xb8;
	[tilespmem:$0x17000] =	vst v63  }
0xbc: {  	s16 =	simm.s32 $0x300  }
0xbd: {  	[tilespmem:s30], [sflag:$0x7] =	stream.indirect.gather [hbm4b:s4+s18], $0x20, s16, s18, $0xb8;
	[tilespmem:$0x17000] =	vst v63  }
0xbe: {  	s16 =	simm.s32 $0x380  }
0xbf: {  	[tilespmem:s0], [sflag:$0x8] =	stream.indirect.gather [hbm4b:s4+s18], $0x20, s16, s18, $0xb8;
	[tilespmem:$0x17000] =	vst v63  }
.LBB2_5:
0xc0: {  	_ =	swait.ge [sflag:s17], $0x1000  }
0xc1: {  	s14 =	sshra.s32 s6, $0x2;
	[sflag:s17] =	ssyncset.done $0x0  }
0xc2: {  	s16 =	sadd.s32 $0x5000, s14;
	[sflag:s17] =	ssyncadd.s32 $0xFFFFF000  }
0xc3: {  	[spmem:s2] =	stream.indirect.scatter.add.f32 [tilespmem:s15], [sflag:$0x9], $0x20, s16, s18, $0xb8;
	[tilespmem:$0x17000] =	vst v63  }
0xc4: {  	_ =	swait.ge [sflag:s20], $0x1000  }
0xc5: {  	[sflag:s20] =	ssyncset.done $0x0  }
0xc6: {  	s16 =	sadd.s32 $0x5080, s14;
	[sflag:s20] =	ssyncadd.s32 $0xFFFFF000  }
0xc7: {  	[spmem:s2] =	stream.indirect.scatter.add.f32 [tilespmem:s19], [sflag:$0xA], $0x20, s16, s18, $0xb8;
	[tilespmem:$0x17000] =	vst v63  }
0xc8: {  	_ =	swait.ge [sflag:s1], $0x1000  }
0xc9: {  	[sflag:s1] =	ssyncset.done $0x0  }
0xca: {  	s16 =	sadd.s32 $0x5100, s14;
	[sflag:s1] =	ssyncadd.s32 $0xFFFFF000  }
0xcb: {  	[spmem:s2] =	stream.indirect.scatter.add.f32 [tilespmem:s21], [sflag:$0xB], $0x20, s16, s18, $0xb8;
	[tilespmem:$0x17000] =	vst v63  }
0xcc: {  	_ =	swait.ge [sflag:s22], $0x1000  }
0xcd: {  	[sflag:s22] =	ssyncset.done $0x0  }
0xce: {  	s16 =	sadd.s32 $0x5180, s14;
	[sflag:s22] =	ssyncadd.s32 $0xFFFFF000  }
0xcf: {  	[spmem:s2] =	stream.indirect.scatter.add.f32 [tilespmem:s23], [sflag:$0xC], $0x20, s16, s18, $0xb8;
	[tilespmem:$0x17000] =	vst v63  }
0xd0: {  	_ =	swait.ge [sflag:s24], $0x1000  }
0xd1: {  	[sflag:s24] =	ssyncset.done $0x0  }
0xd2: {  	s16 =	sadd.s32 $0x5200, s14;
	[sflag:s24] =	ssyncadd.s32 $0xFFFFF000  }
0xd3: {  	[spmem:s2] =	stream.indirect.scatter.add.f32 [tilespmem:s25], [sflag:$0xD], $0x20, s16, s18, $0xb8;
	[tilespmem:$0x17000] =	vst v63  }
0xd4: {  	_ =	swait.ge [sflag:s26], $0x1000  }
0xd5: {  	[sflag:s26] =	ssyncset.done $0x0  }
0xd6: {  	s16 =	sadd.s32 $0x5280, s14;
	[sflag:s26] =	ssyncadd.s32 $0xFFFFF000  }
0xd7: {  	[spmem:s2] =	stream.indirect.scatter.add.f32 [tilespmem:s28], [sflag:$0xE], $0x20, s16, s18, $0xb8;
	[tilespmem:$0x17000] =	vst v63  }
0xd8: {  	_ =	swait.ge [sflag:s29], $0x1000  }
0xd9: {  	[sflag:s29] =	ssyncset.done $0x0  }
0xda: {  	s16 =	sadd.s32 $0x5300, s14;
	[sflag:s29] =	ssyncadd.s32 $0xFFFFF000  }
0xdb: {  	[spmem:s2] =	stream.indirect.scatter.add.f32 [tilespmem:s30], [sflag:$0xF], $0x20, s16, s18, $0xb8;
	[tilespmem:$0x17000] =	vst v63  }
0xdc: {  	_ =	swait.ge [sflag:s31], $0x1000  }
0xdd: {  	p1 =	seq.s32 s6, $0x13000;
	[sflag:s31] =	ssyncset.done $0x0  }
.Ltmp6:
0xde: {  	s16 =	sadd.s32 $0x5380, s14;
	[sflag:s31] =	ssyncadd.s32 $0xFFFFF000;
	(pc) =	sbr.rel @p1 .LBB2_10-.Ltmp6, $4  }
0xdf: {  	[spmem:s2] =	stream.indirect.scatter.add.f32 [tilespmem:s0], [sflag:$0x10], $0x20, s16, s18, $0xb8;
	[tilespmem:$0x17000] =	vst v63  }
0xe0: {  	_ =	swait.ge [sflag:s3], $0x1000  }
0xe1: {  	[sflag:s3] =	ssyncset.done $0x0  }
0xe2: {  	[sflag:s3] =	ssyncadd.s32 $0xFFFFF000  }
0xe3: {  	s16 =	sadd.s32 $0x400, s14  }
0xe4: {  	[tilespmem:s15], [sflag:$0x1] =	stream.indirect.gather [hbm4b:s4+s18], $0x20, s16, s18, $0xb8;
	[tilespmem:$0x17000] =	vst v63  }
0xe5: {  	_ =	swait.ge [sflag:s7], $0x1000  }
0xe6: {  	[sflag:s7] =	ssyncset.done $0x0  }
0xe7: {  	s16 =	sadd.s32 $0x480, s14;
	[sflag:s7] =	ssyncadd.s32 $0xFFFFF000  }
0xe8: {  	[tilespmem:s19], [sflag:$0x2] =	stream.indirect.gather [hbm4b:s4+s18], $0x20, s16, s18, $0xb8;
	[tilespmem:$0x17000] =	vst v63  }
0xe9: {  	_ =	swait.ge [sflag:s8], $0x1000  }
0xea: {  	[sflag:s8] =	ssyncset.done $0x0  }
0xeb: {  	s16 =	sadd.s32 $0x500, s14;
	[sflag:s8] =	ssyncadd.s32 $0xFFFFF000  }
0xec: {  	[tilespmem:s21], [sflag:$0x3] =	stream.indirect.gather [hbm4b:s4+s18], $0x20, s16, s18, $0xb8;
	[tilespmem:$0x17000] =	vst v63  }
0xed: {  	_ =	swait.ge [sflag:s9], $0x1000  }
0xee: {  	[sflag:s9] =	ssyncset.done $0x0  }
0xef: {  	s16 =	sadd.s32 $0x580, s14;
	[sflag:s9] =	ssyncadd.s32 $0xFFFFF000  }
0xf0: {  	[tilespmem:s23], [sflag:$0x4] =	stream.indirect.gather [hbm4b:s4+s18], $0x20, s16, s18, $0xb8;
	[tilespmem:$0x17000] =	vst v63  }
0xf1: {  	_ =	swait.ge [sflag:s10], $0x1000  }
0xf2: {  	[sflag:s10] =	ssyncset.done $0x0  }
0xf3: {  	s16 =	sadd.s32 $0x600, s14;
	[sflag:s10] =	ssyncadd.s32 $0xFFFFF000  }
0xf4: {  	[tilespmem:s25], [sflag:$0x5] =	stream.indirect.gather [hbm4b:s4+s18], $0x20, s16, s18, $0xb8;
	[tilespmem:$0x17000] =	vst v63  }
0xf5: {  	_ =	swait.ge [sflag:s11], $0x1000  }
0xf6: {  	[sflag:s11] =	ssyncset.done $0x0  }
0xf7: {  	s16 =	sadd.s32 $0x680, s14;
	[sflag:s11] =	ssyncadd.s32 $0xFFFFF000  }
0xf8: {  	[tilespmem:s28], [sflag:$0x6] =	stream.indirect.gather [hbm4b:s4+s18], $0x20, s16, s18, $0xb8;
	[tilespmem:$0x17000] =	vst v63  }
0xf9: {  	_ =	swait.ge [sflag:s12], $0x1000  }
0xfa: {  	[sflag:s12] =	ssyncset.done $0x0  }
0xfb: {  	s16 =	sadd.s32 $0x700, s14;
	[sflag:s12] =	ssyncadd.s32 $0xFFFFF000  }
0xfc: {  	[tilespmem:s30], [sflag:$0x7] =	stream.indirect.gather [hbm4b:s4+s18], $0x20, s16, s18, $0xb8;
	[tilespmem:$0x17000] =	vst v63  }
.Ltmp7:
0xfd: {  	_ = 	snop;
	(pc) =	sbr.rel .LBB2_5-.Ltmp7, $4  }
0xfe: {  	_ =	swait.ge [sflag:s13], $0x1000  }
0xff: {  	[sflag:s13] =	ssyncset.done $0x0  }
0x100: {  	s6 =	sadd.s32 $0x1000, s6;
	s16 =	sadd.s32 $0x780, s14;
	[sflag:s13] =	ssyncadd.s32 $0xFFFFF000  }
0x101: {  	[tilespmem:s0], [sflag:$0x8] =	stream.indirect.gather [hbm4b:s4+s18], $0x20, s16, s18, $0xb8;
	[tilespmem:$0x17000] =	vst v63  }
.LBB2_11:
0x102: {  	_ =	sfence.sel $0x180000  }
0x103: {  	[bflag:$0x0] =	sbarrier.arrive $0xFFFF  }
0x104: {  	_ =	strace $0x90000050  }
0x105: {  	s0 =	stileid.u32;
	[bflag:$0x2] =	sbarrier.arrive $0xFFFF  }
0x106: {  	p0 =	sne.s32 s0, $0x0;
	s0 =	rddreg [dreg:$0x2]  }
0x107: {  	s0 =	sadd.s32 @!p0 $0x100000, s0  }
0x108: {  	[sflag:s0] =	ssyncadd.tile.s32 @!p0 $0x1;
	_ =	shalt  }
.Lfunc_end2:
_tile_overlayer_lowered:
.L_overlay_start_2:
0x109: {  	(tag) =	ssettag $0x2  }
0x10a: {  	s0 =	rddreg [dreg:$0x0];
	s2 =	stileid.u32  }
0x10b: {  	s1 =	rddreg [dreg:$0x1];
	p0 =	sne.s32 s2, $0x0  }
0x10c: {  	s3 =	rddreg [dreg:$0x2];
	[bflag:$0x3] =	sbarrier.arrive $0xFFFF;
	s2 =	simm.s32 @!p0 $0x1C11  }
0x10d: {  	[timem:s3], [sflag:s2] =	dma.local @!p0 [hbm:s0], s1  }
0x10e: {  	s0 =	simm.s32 @!p0 $0x11  }
0x10f: {  	_ =	swait.ge @!p0 [sflag:s0], s1  }
0x110: {  	s1 =	ssub.s32 @!p0 $0x0, s1;
	[sflag:s0] =	ssyncset.done @!p0 $0x0  }
0x111: {  	[sflag:s0] =	ssyncadd.s32 @!p0 s1  }
0x112: {  	[bflag:$0x3] =	sbarrier.arrive $0xFFFF  }
0x113: {  	_ =	shalt  }

</sc_bundles>
